<compile_context>
chip_gen: v7x
topology: tpu7x:2x2x1
jax: 0.10.2.dev20260603
libtpu: 0.0.44.dev20260713+nightly
codegen_flags: <defaults>
</compile_context>

<pallas_src>
import functools

import jax
import jax.numpy as jnp
from jax import lax
from jax.experimental import pallas as pl
from jax.experimental.pallas import tpu as pltpu
from jax.experimental.pallas import tpu_sc as plsc

D_MODEL = 64
SCALE = 8.0
NUM_WORKERS = 32
CHUNK = 256
N_SEQ = 200
N_BATCH = 4096
ROW_UNROLL = 4


def _emb_body(idx_hbm, table_hbm, out_hbm, idx0, idx1, dbl0, dbl1, src0, src1,
              tb0, tb1, isem0, isem1, gsem0, gsem1, osem0, osem1, *, n_chunks):
    wid = lax.axis_index("s") * 2 + lax.axis_index("c")
    c0 = wid * n_chunks
    idxb = (idx0, idx1)
    dblb = (dbl0, dbl1)
    srcb = (src0, src1)
    tbb = (tb0, tb1)
    isem = (isem0, isem1)
    gsem = (gsem0, gsem1)
    osem = (osem0, osem1)
    chunks_per_s = N_BATCH // CHUNK
    bt_per_chunk = CHUNK // 128

    def start_idx(j, b):
        c = c0 + j
        pltpu.async_copy(
            idx_hbm.at[c // chunks_per_s,
                       pl.ds((c % chunks_per_s) * CHUNK, CHUNK)],
            idxb[b], isem[b],
        )

    def make_doubled(b):
        for i in range(CHUNK // 16):
            sl = pl.ds(i * 16, 16)
            dblb[b][sl] = lax.shift_left(idxb[b][sl], 1)

    def start_gather(b):
        pltpu.async_copy(table_hbm.at[dblb[b]], srcb[b], gsem[b])

    pltpu.sync_copy(
        idx_hbm.at[c0 // chunks_per_s, pl.ds((c0 % chunks_per_s) * CHUNK, CHUNK)],
        idx0,
    )
    make_doubled(0)
    start_gather(0)
    start_idx(1, 1)

    def chunk_body(j, carry):
        b = lax.rem(j, 2)
        c = c0 + j
        s = c // chunks_per_s
        bt0 = (c % chunks_per_s) * bt_per_chunk

        def on_buf(bb):
            pltpu.make_async_copy(
                table_hbm.at[dblb[bb]], srcb[bb], gsem[bb]
            ).wait()

            @pl.when(j + 1 < n_chunks)
            def _():
                pltpu.make_async_copy(
                    idx_hbm.at[0, pl.ds(0, CHUNK)], idxb[1 - bb], isem[1 - bb]
                ).wait()
                make_doubled(1 - bb)
                pltpu.async_copy(
                    table_hbm.at[dblb[1 - bb]], srcb[1 - bb], gsem[1 - bb]
                )

            @pl.when(j + 2 < n_chunks)
            def _():
                start_idx(j + 2, bb)

            @pl.when(j >= 2)
            def _():
                for bts in range(bt_per_chunk):
                    pltpu.make_async_copy(
                        tbb[bb].at[bts, :, :, pl.ds(0, 128)],
                        out_hbm.at[0, :, 0],
                        osem[bb],
                    ).wait()

            lanes = lax.iota(jnp.int32, 16)
            dtvecs = [(lanes // 8) + 2 * jj for jj in range(D_MODEL // 16)]
            drvec = lanes % 8

            def row_body(g, gc):
                r0 = g * 16
                btsv = jnp.full((16,), g // 8, jnp.int32)
                bc0 = (g % 8) * 16
                for l in range(16):
                    r = r0 + l
                    bcv = jnp.full((16,), bc0 + l, jnp.int32)
                    for jj in range(D_MODEL // 16):
                        v = srcb[bb][r, pl.ds(jj * 16, 16)] * SCALE
                        plsc.store_scatter(
                            tbb[bb], [btsv, dtvecs[jj], drvec, bcv], v
                        )
                return gc

            lax.fori_loop(0, CHUNK // 16, row_body, 0)
            for bts in range(bt_per_chunk):
                pltpu.async_copy(
                    tbb[bb].at[bts, :, :, pl.ds(0, 128)],
                    out_hbm.at[s, :, bt0 + bts],
                    osem[bb],
                )

        @pl.when(b == 0)
        def _():
            on_buf(0)

        @pl.when(b == 1)
        def _():
            on_buf(1)

        return carry

    lax.fori_loop(0, n_chunks, chunk_body, 0)
    for b in range(2):
        for bts in range(bt_per_chunk):
            pltpu.make_async_copy(
                tbb[b].at[bts, :, :, pl.ds(0, 128)], out_hbm.at[0, :, 0], osem[b]
            ).wait()


def kernel(x, emb_weight):
    k_total = x.size
    n_chunks = k_total // (NUM_WORKERS * CHUNK)
    xt = x.T.astype(jnp.int32)
    wt = jnp.pad(emb_weight, ((0, 0), (0, D_MODEL))).reshape(-1, D_MODEL)

    mesh = plsc.VectorSubcoreMesh(core_axis_name="c", subcore_axis_name="s")

    emb = functools.partial(
        pl.kernel,
        mesh=mesh,
        out_type=jax.ShapeDtypeStruct(
            (N_SEQ, D_MODEL // 8, N_BATCH // 128, 8, 128), jnp.float32
        ),
        scratch_types=[
            pltpu.VMEM((CHUNK,), jnp.int32),
            pltpu.VMEM((CHUNK,), jnp.int32),
            pltpu.VMEM((CHUNK,), jnp.int32),
            pltpu.VMEM((CHUNK,), jnp.int32),
            pltpu.VMEM((CHUNK, D_MODEL), jnp.float32),
            pltpu.VMEM((CHUNK, D_MODEL), jnp.float32),
            pltpu.VMEM((CHUNK // 128, D_MODEL // 8, 8, 129), jnp.float32),
            pltpu.VMEM((CHUNK // 128, D_MODEL // 8, 8, 129), jnp.float32),
            pltpu.SemaphoreType.DMA,
            pltpu.SemaphoreType.DMA,
            pltpu.SemaphoreType.DMA,
            pltpu.SemaphoreType.DMA,
            pltpu.SemaphoreType.DMA,
            pltpu.SemaphoreType.DMA,
        ],
        compiler_params=pltpu.CompilerParams(
            use_tc_tiling_on_sc=False, needs_layout_passes=False
        ),
    )(functools.partial(_emb_body, n_chunks=n_chunks))

    out5 = emb(xt, wt)
    return out5.transpose(2, 4, 0, 1, 3).reshape(N_BATCH, N_SEQ, D_MODEL)

# --- scband reference (transcript-rebuilt; emitter-appended) ---
"""Pipeline reference for scband-input-embedding-33466385170821 (READ-ONLY COPY).

The authoritative reference and input builder live on the scoring server;
editing this copy changes nothing except your own understanding.
"""

import jax, jax.numpy as jnp
import numpy as np
import math

WORD_NUM = 1000000
D_MODEL = 64

def setup_inputs(seed: int = 0) -> dict:
    key = jax.random.key(seed)
    k1, k2 = jax.random.split(key)
    x = jax.random.randint(k1, (4096, 200), 0, WORD_NUM, dtype=jnp.int64 if jax.config.jax_enable_x64 else jnp.int32)
    emb_weight = jax.random.normal(k2, (WORD_NUM, D_MODEL), dtype=jnp.float32)
    return {"x": x, "emb_weight": emb_weight}

def reference(x, emb_weight):
    # InputEmbedding.forward: emb(x) * sqrt(d_model)
    out = jnp.take(emb_weight, x, axis=0) * math.sqrt(D_MODEL)
    return out

if __name__ == "__main__":
    import jax
    _d = setup_inputs()
    print(jax.jit(kernel)(*tuple(_d.values())))

</pallas_src>

<mosaic_0001>
#map = affine_map<(d0, d1) -> (0, 0)>
#map1 = affine_map<(d0, d1) -> (0, 0, 0, 0, 0)>
module attributes {stable_mosaic.version = 14 : i64} {
  func.func @_emb_body(%arg0: i32, %arg1: i32, %arg2: memref<200x4096xi32, #tpu.memory_space<hbm>>, %arg3: memref<2000000x64xf32, #tpu.memory_space<hbm>>, %arg4: memref<200x8x32x8x128xf32, #tpu.memory_space<hbm>>, %arg5: memref<256xi32, #tpu.memory_space<vmem>>, %arg6: memref<256xi32, #tpu.memory_space<vmem>>, %arg7: memref<256xi32, #tpu.memory_space<vmem>>, %arg8: memref<256xi32, #tpu.memory_space<vmem>>, %arg9: memref<256x64xf32, #tpu.memory_space<vmem>>, %arg10: memref<256x64xf32, #tpu.memory_space<vmem>>, %arg11: memref<2x8x8x129xf32, #tpu.memory_space<vmem>>, %arg12: memref<2x8x8x129xf32, #tpu.memory_space<vmem>>, %arg13: memref<!tpu.dma_semaphore, #tpu.memory_space<semaphore_mem>>, %arg14: memref<!tpu.dma_semaphore, #tpu.memory_space<semaphore_mem>>, %arg15: memref<!tpu.dma_semaphore, #tpu.memory_space<semaphore_mem>>, %arg16: memref<!tpu.dma_semaphore, #tpu.memory_space<semaphore_mem>>, %arg17: memref<!tpu.dma_semaphore, #tpu.memory_space<semaphore_mem>>, %arg18: memref<!tpu.dma_semaphore, #tpu.memory_space<semaphore_mem>>) attributes {dimension_semantics = [#tpu.dimension_semantics<core_parallel>, #tpu.dimension_semantics<subcore_parallel>], iteration_bounds = array<i64: 2, 16>, scalar_prefetch = 0 : i64, scratch_operands = 14 : i64, tpu.core_type = #tpu.core_type<sc_vector_subcore>, window_params = [{transform_indices = #map}, {transform_indices = #map}, {transform_indices = #map1}]} {
    %mul3A = arith.constant 2 : i32
    %mul3A_0 = arith.muli %arg1, %mul3A : i32
    %add3A = arith.addi %mul3A_0, %arg0 : i32
    %mul3A_1 = arith.constant 100 : i32
    %mul3A_2 = arith.muli %add3A, %mul3A_1 : i32
    %jit3A = arith.constant 16 : i32
    %div3A = arith.divsi %mul3A_2, %jit3A : i32
    %sign3A = arith.constant 0 : i32
    %sign3A_3 = arith.cmpi sgt, %mul3A_2, %sign3A : i32
    %sign3A_4 = arith.extui %sign3A_3 : i1 to i32
    %sign3A_5 = arith.constant 0 : i32
    %sign3A_6 = arith.cmpi slt, %mul3A_2, %sign3A_5 : i32
    %sign3A_7 = arith.extui %sign3A_6 : i1 to i32
    %sign3A_8 = arith.subi %sign3A_4, %sign3A_7 : i32
    %sign3A_9 = arith.constant 0 : i32
    %sign3A_10 = arith.cmpi sgt, %jit3A, %sign3A_9 : i32
    %sign3A_11 = arith.extui %sign3A_10 : i1 to i32
    %sign3A_12 = arith.constant 0 : i32
    %sign3A_13 = arith.cmpi slt, %jit3A, %sign3A_12 : i32
    %sign3A_14 = arith.extui %sign3A_13 : i1 to i32
    %sign3A_15 = arith.subi %sign3A_11, %sign3A_14 : i32
    %ne3A = arith.cmpi ne, %sign3A_8, %sign3A_15 : i32
    %rem3A = arith.remsi %mul3A_2, %jit3A : i32
    %ne3A_16 = arith.constant 0 : i32
    %ne3A_17 = arith.cmpi ne, %rem3A, %ne3A_16 : i32
    %and3A = arith.andi %ne3A, %ne3A_17 : i1
    %sub3A = arith.constant 1 : i32
    %sub3A_18 = arith.subi %div3A, %sub3A : i32
    %select_n3A = arith.select %and3A, %sub3A_18, %div3A : i32
    %jit3A_19 = arith.constant 16 : i32
    %eq3A = arith.constant 0 : i32
    %eq3A_20 = arith.cmpi eq, %jit3A_19, %eq3A : i32
    %jit3A_21 = arith.constant 1 : i32
    %select_n3A_22 = arith.select %eq3A_20, %jit3A_21, %jit3A_19 : i32
    %rem3A_23 = arith.remsi %mul3A_2, %select_n3A_22 : i32
    %ne3A_24 = arith.constant 0 : i32
    %ne3A_25 = arith.cmpi ne, %rem3A_23, %ne3A_24 : i32
    %lt3A = arith.constant 0 : i32
    %lt3A_26 = arith.cmpi slt, %rem3A_23, %lt3A : i32
    %lt3A_27 = arith.constant 0 : i32
    %lt3A_28 = arith.cmpi slt, %select_n3A_22, %lt3A_27 : i32
    %ne3A_29 = arith.xori %lt3A_26, %lt3A_28 : i1
    %and3A_30 = arith.andi %ne3A_29, %ne3A_25 : i1
    %add3A_31 = arith.addi %rem3A_23, %select_n3A_22 : i32
    %select_n3A_32 = arith.select %and3A_30, %add3A_31, %rem3A_23 : i32
    %mul3A_33 = arith.constant 256 : i32
    %mul3A_34 = arith.muli %select_n3A_32, %mul3A_33 : i32
    "tpu.region"() ({
      %run_scoped3A = tpu.sem_alloc : memref<!tpu.dma_semaphore, #tpu.memory_space<semaphore_mem>>
      %dma_start3A_290 = tpu.memref_slice %arg2[%select_n3A, %mul3A_34] : memref<200x4096xi32, #tpu.memory_space<hbm>> -> memref<1x256xi32, #tpu.memory_space<hbm>>
      %dma_start3A_291 = tpu.memref_squeeze %dma_start3A_290 : memref<1x256xi32, #tpu.memory_space<hbm>> -> memref<256xi32, #tpu.memory_space<hbm>>
      %dma_start3A_292 = tpu.memref_slice %arg2[%select_n3A, %mul3A_34] : memref<200x4096xi32, #tpu.memory_space<hbm>> -> memref<1x256xi32, #tpu.memory_space<hbm>>
      %dma_start3A_293 = tpu.memref_squeeze %dma_start3A_292 : memref<1x256xi32, #tpu.memory_space<hbm>> -> memref<256xi32, #tpu.memory_space<hbm>>
      tpu.enqueue_dma source(%dma_start3A_293 : memref<256xi32, #tpu.memory_space<hbm>>) target(%arg5 : memref<256xi32, #tpu.memory_space<vmem>>) target_semaphore(%run_scoped3A : memref<!tpu.dma_semaphore, #tpu.memory_space<semaphore_mem>>)
      %dma_wait3A_294 = tpu.memref_slice %arg2[%select_n3A, %mul3A_34] : memref<200x4096xi32, #tpu.memory_space<hbm>> -> memref<1x256xi32, #tpu.memory_space<hbm>>
      %dma_wait3A_295 = tpu.memref_squeeze %dma_wait3A_294 : memref<1x256xi32, #tpu.memory_space<hbm>> -> memref<256xi32, #tpu.memory_space<hbm>>
      %dma_wait3A_296 = tpu.memref_slice %arg2[%select_n3A, %mul3A_34] : memref<200x4096xi32, #tpu.memory_space<hbm>> -> memref<1x256xi32, #tpu.memory_space<hbm>>
      %dma_wait3A_297 = tpu.memref_squeeze %dma_wait3A_296 : memref<1x256xi32, #tpu.memory_space<hbm>> -> memref<256xi32, #tpu.memory_space<hbm>>
      tpu.wait_dma2 semaphore(%run_scoped3A : memref<!tpu.dma_semaphore, #tpu.memory_space<semaphore_mem>>) src(%dma_wait3A_297 : memref<256xi32, #tpu.memory_space<hbm>>) dst(%arg5 : memref<256xi32, #tpu.memory_space<vmem>>)
      tpu.yield
    }) : () -> ()
    %get3A = arith.constant 0 : index
    %get3A_35 = tpu.vector_load %arg5[%get3A] {strides = array<i32>} : memref<256xi32, #tpu.memory_space<vmem>>, vector<16xi32>,
    %shift_left3A = arith.constant 1 : i32
    %shift_left3A_36 = vector.broadcast %shift_left3A : i32 to vector<16xi32>
    %shift_left3A_37 = arith.shli %get3A_35, %shift_left3A_36 : vector<16xi32>
    %swap3A = arith.constant 0 : index
    %swap3A_38 = tpu.vector_load %arg7[%swap3A] {strides = array<i32>} : memref<256xi32, #tpu.memory_space<vmem>>, vector<16xi32>,
    tpu.vector_store %arg7[%swap3A], %shift_left3A_37 {strides = array<i32>} : memref<256xi32, #tpu.memory_space<vmem>>, vector<16xi32>,
    %get3A_39 = arith.constant 16 : index
    %get3A_40 = tpu.vector_load %arg5[%get3A_39] {strides = array<i32>} : memref<256xi32, #tpu.memory_space<vmem>>, vector<16xi32>,
    %shift_left3A_41 = arith.constant 1 : i32
    %shift_left3A_42 = vector.broadcast %shift_left3A_41 : i32 to vector<16xi32>
    %shift_left3A_43 = arith.shli %get3A_40, %shift_left3A_42 : vector<16xi32>
    %swap3A_44 = arith.constant 16 : index
    %swap3A_45 = tpu.vector_load %arg7[%swap3A_44] {strides = array<i32>} : memref<256xi32, #tpu.memory_space<vmem>>, vector<16xi32>,
    tpu.vector_store %arg7[%swap3A_44], %shift_left3A_43 {strides = array<i32>} : memref<256xi32, #tpu.memory_space<vmem>>, vector<16xi32>,
    %get3A_46 = arith.constant 32 : index
    %get3A_47 = tpu.vector_load %arg5[%get3A_46] {strides = array<i32>} : memref<256xi32, #tpu.memory_space<vmem>>, vector<16xi32>,
    %shift_left3A_48 = arith.constant 1 : i32
    %shift_left3A_49 = vector.broadcast %shift_left3A_48 : i32 to vector<16xi32>
    %shift_left3A_50 = arith.shli %get3A_47, %shift_left3A_49 : vector<16xi32>
    %swap3A_51 = arith.constant 32 : index
    %swap3A_52 = tpu.vector_load %arg7[%swap3A_51] {strides = array<i32>} : memref<256xi32, #tpu.memory_space<vmem>>, vector<16xi32>,
    tpu.vector_store %arg7[%swap3A_51], %shift_left3A_50 {strides = array<i32>} : memref<256xi32, #tpu.memory_space<vmem>>, vector<16xi32>,
    %get3A_53 = arith.constant 48 : index
    %get3A_54 = tpu.vector_load %arg5[%get3A_53] {strides = array<i32>} : memref<256xi32, #tpu.memory_space<vmem>>, vector<16xi32>,
    %shift_left3A_55 = arith.constant 1 : i32
    %shift_left3A_56 = vector.broadcast %shift_left3A_55 : i32 to vector<16xi32>
    %shift_left3A_57 = arith.shli %get3A_54, %shift_left3A_56 : vector<16xi32>
    %swap3A_58 = arith.constant 48 : index
    %swap3A_59 = tpu.vector_load %arg7[%swap3A_58] {strides = array<i32>} : memref<256xi32, #tpu.memory_space<vmem>>, vector<16xi32>,
    tpu.vector_store %arg7[%swap3A_58], %shift_left3A_57 {strides = array<i32>} : memref<256xi32, #tpu.memory_space<vmem>>, vector<16xi32>,
    %get3A_60 = arith.constant 64 : index
    %get3A_61 = tpu.vector_load %arg5[%get3A_60] {strides = array<i32>} : memref<256xi32, #tpu.memory_space<vmem>>, vector<16xi32>,
    %shift_left3A_62 = arith.constant 1 : i32
    %shift_left3A_63 = vector.broadcast %shift_left3A_62 : i32 to vector<16xi32>
    %shift_left3A_64 = arith.shli %get3A_61, %shift_left3A_63 : vector<16xi32>
    %swap3A_65 = arith.constant 64 : index
    %swap3A_66 = tpu.vector_load %arg7[%swap3A_65] {strides = array<i32>} : memref<256xi32, #tpu.memory_space<vmem>>, vector<16xi32>,
    tpu.vector_store %arg7[%swap3A_65], %shift_left3A_64 {strides = array<i32>} : memref<256xi32, #tpu.memory_space<vmem>>, vector<16xi32>,
    %get3A_67 = arith.constant 80 : index
    %get3A_68 = tpu.vector_load %arg5[%get3A_67] {strides = array<i32>} : memref<256xi32, #tpu.memory_space<vmem>>, vector<16xi32>,
    %shift_left3A_69 = arith.constant 1 : i32
    %shift_left3A_70 = vector.broadcast %shift_left3A_69 : i32 to vector<16xi32>
    %shift_left3A_71 = arith.shli %get3A_68, %shift_left3A_70 : vector<16xi32>
    %swap3A_72 = arith.constant 80 : index
    %swap3A_73 = tpu.vector_load %arg7[%swap3A_72] {strides = array<i32>} : memref<256xi32, #tpu.memory_space<vmem>>, vector<16xi32>,
    tpu.vector_store %arg7[%swap3A_72], %shift_left3A_71 {strides = array<i32>} : memref<256xi32, #tpu.memory_space<vmem>>, vector<16xi32>,
    %get3A_74 = arith.constant 96 : index
    %get3A_75 = tpu.vector_load %arg5[%get3A_74] {strides = array<i32>} : memref<256xi32, #tpu.memory_space<vmem>>, vector<16xi32>,
    %shift_left3A_76 = arith.constant 1 : i32
    %shift_left3A_77 = vector.broadcast %shift_left3A_76 : i32 to vector<16xi32>
    %shift_left3A_78 = arith.shli %get3A_75, %shift_left3A_77 : vector<16xi32>
    %swap3A_79 = arith.constant 96 : index
    %swap3A_80 = tpu.vector_load %arg7[%swap3A_79] {strides = array<i32>} : memref<256xi32, #tpu.memory_space<vmem>>, vector<16xi32>,
    tpu.vector_store %arg7[%swap3A_79], %shift_left3A_78 {strides = array<i32>} : memref<256xi32, #tpu.memory_space<vmem>>, vector<16xi32>,
    %get3A_81 = arith.constant 112 : index
    %get3A_82 = tpu.vector_load %arg5[%get3A_81] {strides = array<i32>} : memref<256xi32, #tpu.memory_space<vmem>>, vector<16xi32>,
    %shift_left3A_83 = arith.constant 1 : i32
    %shift_left3A_84 = vector.broadcast %shift_left3A_83 : i32 to vector<16xi32>
    %shift_left3A_85 = arith.shli %get3A_82, %shift_left3A_84 : vector<16xi32>
    %swap3A_86 = arith.constant 112 : index
    %swap3A_87 = tpu.vector_load %arg7[%swap3A_86] {strides = array<i32>} : memref<256xi32, #tpu.memory_space<vmem>>, vector<16xi32>,
    tpu.vector_store %arg7[%swap3A_86], %shift_left3A_85 {strides = array<i32>} : memref<256xi32, #tpu.memory_space<vmem>>, vector<16xi32>,
    %get3A_88 = arith.constant 128 : index
    %get3A_89 = tpu.vector_load %arg5[%get3A_88] {strides = array<i32>} : memref<256xi32, #tpu.memory_space<vmem>>, vector<16xi32>,
    %shift_left3A_90 = arith.constant 1 : i32
    %shift_left3A_91 = vector.broadcast %shift_left3A_90 : i32 to vector<16xi32>
    %shift_left3A_92 = arith.shli %get3A_89, %shift_left3A_91 : vector<16xi32>
    %swap3A_93 = arith.constant 128 : index
    %swap3A_94 = tpu.vector_load %arg7[%swap3A_93] {strides = array<i32>} : memref<256xi32, #tpu.memory_space<vmem>>, vector<16xi32>,
    tpu.vector_store %arg7[%swap3A_93], %shift_left3A_92 {strides = array<i32>} : memref<256xi32, #tpu.memory_space<vmem>>, vector<16xi32>,
    %get3A_95 = arith.constant 144 : index
    %get3A_96 = tpu.vector_load %arg5[%get3A_95] {strides = array<i32>} : memref<256xi32, #tpu.memory_space<vmem>>, vector<16xi32>,
    %shift_left3A_97 = arith.constant 1 : i32
    %shift_left3A_98 = vector.broadcast %shift_left3A_97 : i32 to vector<16xi32>
    %shift_left3A_99 = arith.shli %get3A_96, %shift_left3A_98 : vector<16xi32>
    %swap3A_100 = arith.constant 144 : index
    %swap3A_101 = tpu.vector_load %arg7[%swap3A_100] {strides = array<i32>} : memref<256xi32, #tpu.memory_space<vmem>>, vector<16xi32>,
    tpu.vector_store %arg7[%swap3A_100], %shift_left3A_99 {strides = array<i32>} : memref<256xi32, #tpu.memory_space<vmem>>, vector<16xi32>,
    %get3A_102 = arith.constant 160 : index
    %get3A_103 = tpu.vector_load %arg5[%get3A_102] {strides = array<i32>} : memref<256xi32, #tpu.memory_space<vmem>>, vector<16xi32>,
    %shift_left3A_104 = arith.constant 1 : i32
    %shift_left3A_105 = vector.broadcast %shift_left3A_104 : i32 to vector<16xi32>
    %shift_left3A_106 = arith.shli %get3A_103, %shift_left3A_105 : vector<16xi32>
    %swap3A_107 = arith.constant 160 : index
    %swap3A_108 = tpu.vector_load %arg7[%swap3A_107] {strides = array<i32>} : memref<256xi32, #tpu.memory_space<vmem>>, vector<16xi32>,
    tpu.vector_store %arg7[%swap3A_107], %shift_left3A_106 {strides = array<i32>} : memref<256xi32, #tpu.memory_space<vmem>>, vector<16xi32>,
    %get3A_109 = arith.constant 176 : index
    %get3A_110 = tpu.vector_load %arg5[%get3A_109] {strides = array<i32>} : memref<256xi32, #tpu.memory_space<vmem>>, vector<16xi32>,
    %shift_left3A_111 = arith.constant 1 : i32
    %shift_left3A_112 = vector.broadcast %shift_left3A_111 : i32 to vector<16xi32>
    %shift_left3A_113 = arith.shli %get3A_110, %shift_left3A_112 : vector<16xi32>
    %swap3A_114 = arith.constant 176 : index
    %swap3A_115 = tpu.vector_load %arg7[%swap3A_114] {strides = array<i32>} : memref<256xi32, #tpu.memory_space<vmem>>, vector<16xi32>,
    tpu.vector_store %arg7[%swap3A_114], %shift_left3A_113 {strides = array<i32>} : memref<256xi32, #tpu.memory_space<vmem>>, vector<16xi32>,
    %get3A_116 = arith.constant 192 : index
    %get3A_117 = tpu.vector_load %arg5[%get3A_116] {strides = array<i32>} : memref<256xi32, #tpu.memory_space<vmem>>, vector<16xi32>,
    %shift_left3A_118 = arith.constant 1 : i32
    %shift_left3A_119 = vector.broadcast %shift_left3A_118 : i32 to vector<16xi32>
    %shift_left3A_120 = arith.shli %get3A_117, %shift_left3A_119 : vector<16xi32>
    %swap3A_121 = arith.constant 192 : index
    %swap3A_122 = tpu.vector_load %arg7[%swap3A_121] {strides = array<i32>} : memref<256xi32, #tpu.memory_space<vmem>>, vector<16xi32>,
    tpu.vector_store %arg7[%swap3A_121], %shift_left3A_120 {strides = array<i32>} : memref<256xi32, #tpu.memory_space<vmem>>, vector<16xi32>,
    %get3A_123 = arith.constant 208 : index
    %get3A_124 = tpu.vector_load %arg5[%get3A_123] {strides = array<i32>} : memref<256xi32, #tpu.memory_space<vmem>>, vector<16xi32>,
    %shift_left3A_125 = arith.constant 1 : i32
    %shift_left3A_126 = vector.broadcast %shift_left3A_125 : i32 to vector<16xi32>
    %shift_left3A_127 = arith.shli %get3A_124, %shift_left3A_126 : vector<16xi32>
    %swap3A_128 = arith.constant 208 : index
    %swap3A_129 = tpu.vector_load %arg7[%swap3A_128] {strides = array<i32>} : memref<256xi32, #tpu.memory_space<vmem>>, vector<16xi32>,
    tpu.vector_store %arg7[%swap3A_128], %shift_left3A_127 {strides = array<i32>} : memref<256xi32, #tpu.memory_space<vmem>>, vector<16xi32>,
    %get3A_130 = arith.constant 224 : index
    %get3A_131 = tpu.vector_load %arg5[%get3A_130] {strides = array<i32>} : memref<256xi32, #tpu.memory_space<vmem>>, vector<16xi32>,
    %shift_left3A_132 = arith.constant 1 : i32
    %shift_left3A_133 = vector.broadcast %shift_left3A_132 : i32 to vector<16xi32>
    %shift_left3A_134 = arith.shli %get3A_131, %shift_left3A_133 : vector<16xi32>
    %swap3A_135 = arith.constant 224 : index
    %swap3A_136 = tpu.vector_load %arg7[%swap3A_135] {strides = array<i32>} : memref<256xi32, #tpu.memory_space<vmem>>, vector<16xi32>,
    tpu.vector_store %arg7[%swap3A_135], %shift_left3A_134 {strides = array<i32>} : memref<256xi32, #tpu.memory_space<vmem>>, vector<16xi32>,
    %get3A_137 = arith.constant 240 : index
    %get3A_138 = tpu.vector_load %arg5[%get3A_137] {strides = array<i32>} : memref<256xi32, #tpu.memory_space<vmem>>, vector<16xi32>,
    %shift_left3A_139 = arith.constant 1 : i32
    %shift_left3A_140 = vector.broadcast %shift_left3A_139 : i32 to vector<16xi32>
    %shift_left3A_141 = arith.shli %get3A_138, %shift_left3A_140 : vector<16xi32>
    %swap3A_142 = arith.constant 240 : index
    %swap3A_143 = tpu.vector_load %arg7[%swap3A_142] {strides = array<i32>} : memref<256xi32, #tpu.memory_space<vmem>>, vector<16xi32>,
    tpu.vector_store %arg7[%swap3A_142], %shift_left3A_141 {strides = array<i32>} : memref<256xi32, #tpu.memory_space<vmem>>, vector<16xi32>,
    %dma_start3A = arith.constant 0 : i32
    %dma_start3A_144 = arith.constant 0 : i32
    %dma_start3A_145 = tpu.memref_slice %arg3[%dma_start3A, %dma_start3A_144] : memref<2000000x64xf32, #tpu.memory_space<hbm>> -> memref<2000000x64xf32, #tpu.memory_space<hbm>>
    tpu.enqueue_indirect_dma source(%dma_start3A_145 : memref<2000000x64xf32, #tpu.memory_space<hbm>>) target(%arg9 : memref<256x64xf32, #tpu.memory_space<vmem>>) offsets(%arg7 : memref<256xi32, #tpu.memory_space<vmem>>) semaphore(%arg15 : memref<!tpu.dma_semaphore, #tpu.memory_space<semaphore_mem>>)
    %add3A_146 = arith.constant 1 : i32
    %add3A_147 = arith.addi %mul3A_2, %add3A_146 : i32
    %jit3A_148 = arith.constant 16 : i32
    %div3A_149 = arith.divsi %add3A_147, %jit3A_148 : i32
    %sign3A_150 = arith.constant 0 : i32
    %sign3A_151 = arith.cmpi sgt, %add3A_147, %sign3A_150 : i32
    %sign3A_152 = arith.extui %sign3A_151 : i1 to i32
    %sign3A_153 = arith.constant 0 : i32
    %sign3A_154 = arith.cmpi slt, %add3A_147, %sign3A_153 : i32
    %sign3A_155 = arith.extui %sign3A_154 : i1 to i32
    %sign3A_156 = arith.subi %sign3A_152, %sign3A_155 : i32
    %sign3A_157 = arith.constant 0 : i32
    %sign3A_158 = arith.cmpi sgt, %jit3A_148, %sign3A_157 : i32
    %sign3A_159 = arith.extui %sign3A_158 : i1 to i32
    %sign3A_160 = arith.constant 0 : i32
    %sign3A_161 = arith.cmpi slt, %jit3A_148, %sign3A_160 : i32
    %sign3A_162 = arith.extui %sign3A_161 : i1 to i32
    %sign3A_163 = arith.subi %sign3A_159, %sign3A_162 : i32
    %ne3A_164 = arith.cmpi ne, %sign3A_156, %sign3A_163 : i32
    %rem3A_165 = arith.remsi %add3A_147, %jit3A_148 : i32
    %ne3A_166 = arith.constant 0 : i32
    %ne3A_167 = arith.cmpi ne, %rem3A_165, %ne3A_166 : i32
    %and3A_168 = arith.andi %ne3A_164, %ne3A_167 : i1
    %sub3A_169 = arith.constant 1 : i32
    %sub3A_170 = arith.subi %div3A_149, %sub3A_169 : i32
    %select_n3A_171 = arith.select %and3A_168, %sub3A_170, %div3A_149 : i32
    %jit3A_172 = arith.constant 16 : i32
    %eq3A_173 = arith.constant 0 : i32
    %eq3A_174 = arith.cmpi eq, %jit3A_172, %eq3A_173 : i32
    %jit3A_175 = arith.constant 1 : i32
    %select_n3A_176 = arith.select %eq3A_174, %jit3A_175, %jit3A_172 : i32
    %rem3A_177 = arith.remsi %add3A_147, %select_n3A_176 : i32
    %ne3A_178 = arith.constant 0 : i32
    %ne3A_179 = arith.cmpi ne, %rem3A_177, %ne3A_178 : i32
    %lt3A_180 = arith.constant 0 : i32
    %lt3A_181 = arith.cmpi slt, %rem3A_177, %lt3A_180 : i32
    %lt3A_182 = arith.constant 0 : i32
    %lt3A_183 = arith.cmpi slt, %select_n3A_176, %lt3A_182 : i32
    %ne3A_184 = arith.xori %lt3A_181, %lt3A_183 : i1
    %and3A_185 = arith.andi %ne3A_184, %ne3A_179 : i1
    %add3A_186 = arith.addi %rem3A_177, %select_n3A_176 : i32
    %select_n3A_187 = arith.select %and3A_185, %add3A_186, %rem3A_177 : i32
    %mul3A_188 = arith.constant 256 : i32
    %mul3A_189 = arith.muli %select_n3A_187, %mul3A_188 : i32
    %dma_start3A_190 = tpu.memref_slice %arg2[%select_n3A_171, %mul3A_189] : memref<200x4096xi32, #tpu.memory_space<hbm>> -> memref<1x256xi32, #tpu.memory_space<hbm>>
    %dma_start3A_191 = tpu.memref_squeeze %dma_start3A_190 : memref<1x256xi32, #tpu.memory_space<hbm>> -> memref<256xi32, #tpu.memory_space<hbm>>
    %dma_start3A_192 = tpu.memref_slice %arg2[%select_n3A_171, %mul3A_189] : memref<200x4096xi32, #tpu.memory_space<hbm>> -> memref<1x256xi32, #tpu.memory_space<hbm>>
    %dma_start3A_193 = tpu.memref_squeeze %dma_start3A_192 : memref<1x256xi32, #tpu.memory_space<hbm>> -> memref<256xi32, #tpu.memory_space<hbm>>
    tpu.enqueue_dma source(%dma_start3A_193 : memref<256xi32, #tpu.memory_space<hbm>>) target(%arg6 : memref<256xi32, #tpu.memory_space<vmem>>) target_semaphore(%arg14 : memref<!tpu.dma_semaphore, #tpu.memory_space<semaphore_mem>>)
    %scan3A = arith.constant 0 : i32
    %scan3A_194 = arith.constant 0 : i32
    %scan3A_195 = arith.constant 100 : i32
    %scan3A_196 = arith.addi %scan3A_194, %scan3A_195 : i32
    %scan3A_197 = arith.constant 1 : i32
    scf.for %scan3A_290 = %scan3A_194 to %scan3A_196 step %scan3A_197  : i32 {
      %rem3A_291 = arith.constant 2 : i32
      %rem3A_292 = arith.remsi %scan3A_290, %rem3A_291 : i32
      %add3A_293 = arith.addi %mul3A_2, %scan3A_290 : i32
      %jit3A_294 = arith.constant 16 : i32
      %div3A_295 = arith.divsi %add3A_293, %jit3A_294 : i32
      %sign3A_296 = arith.constant 0 : i32
      %sign3A_297 = arith.cmpi sgt, %add3A_293, %sign3A_296 : i32
      %sign3A_298 = arith.extui %sign3A_297 : i1 to i32
      %sign3A_299 = arith.constant 0 : i32
      %sign3A_300 = arith.cmpi slt, %add3A_293, %sign3A_299 : i32
      %sign3A_301 = arith.extui %sign3A_300 : i1 to i32
      %sign3A_302 = arith.subi %sign3A_298, %sign3A_301 : i32
      %sign3A_303 = arith.constant 0 : i32
      %sign3A_304 = arith.cmpi sgt, %jit3A_294, %sign3A_303 : i32
      %sign3A_305 = arith.extui %sign3A_304 : i1 to i32
      %sign3A_306 = arith.constant 0 : i32
      %sign3A_307 = arith.cmpi slt, %jit3A_294, %sign3A_306 : i32
      %sign3A_308 = arith.extui %sign3A_307 : i1 to i32
      %sign3A_309 = arith.subi %sign3A_305, %sign3A_308 : i32
      %ne3A_310 = arith.cmpi ne, %sign3A_302, %sign3A_309 : i32
      %rem3A_311 = arith.remsi %add3A_293, %jit3A_294 : i32
      %ne3A_312 = arith.constant 0 : i32
      %ne3A_313 = arith.cmpi ne, %rem3A_311, %ne3A_312 : i32
      %and3A_314 = arith.andi %ne3A_310, %ne3A_313 : i1
      %sub3A_315 = arith.constant 1 : i32
      %sub3A_316 = arith.subi %div3A_295, %sub3A_315 : i32
      %select_n3A_317 = arith.select %and3A_314, %sub3A_316, %div3A_295 : i32
      %jit3A_318 = arith.constant 16 : i32
      %eq3A_319 = arith.constant 0 : i32
      %eq3A_320 = arith.cmpi eq, %jit3A_318, %eq3A_319 : i32
      %jit3A_321 = arith.constant 1 : i32
      %select_n3A_322 = arith.select %eq3A_320, %jit3A_321, %jit3A_318 : i32
      %rem3A_323 = arith.remsi %add3A_293, %select_n3A_322 : i32
      %ne3A_324 = arith.constant 0 : i32
      %ne3A_325 = arith.cmpi ne, %rem3A_323, %ne3A_324 : i32
      %lt3A_326 = arith.constant 0 : i32
      %lt3A_327 = arith.cmpi slt, %rem3A_323, %lt3A_326 : i32
      %lt3A_328 = arith.constant 0 : i32
      %lt3A_329 = arith.cmpi slt, %select_n3A_322, %lt3A_328 : i32
      %ne3A_330 = arith.xori %lt3A_327, %lt3A_329 : i1
      %and3A_331 = arith.andi %ne3A_330, %ne3A_325 : i1
      %add3A_332 = arith.addi %rem3A_323, %select_n3A_322 : i32
      %select_n3A_333 = arith.select %and3A_331, %add3A_332, %rem3A_323 : i32
      %mul3A_334 = arith.constant 2 : i32
      %mul3A_335 = arith.muli %select_n3A_333, %mul3A_334 : i32
      %eq3A_336 = arith.constant 0 : i32
      %eq3A_337 = arith.cmpi eq, %rem3A_292, %eq3A_336 : i32
      %convert_element_type3A = arith.extui %eq3A_337 : i1 to i32
      %cond3A = arith.constant 0 : i32
      %cond3A_338 = arith.cmpi ne, %convert_element_type3A, %cond3A : i32
      scf.if %cond3A_338 {
        %dma_wait3A_344 = arith.constant 0 : i32
        %dma_wait3A_345 = arith.constant 0 : i32
        %dma_wait3A_346 = tpu.memref_slice %arg3[%dma_wait3A_344, %dma_wait3A_345] : memref<2000000x64xf32, #tpu.memory_space<hbm>> -> memref<2000000x64xf32, #tpu.memory_space<hbm>>
        tpu.wait_indirect_dma semaphore(%arg15 : memref<!tpu.dma_semaphore, #tpu.memory_space<semaphore_mem>>) src(%dma_wait3A_346 : memref<2000000x64xf32, #tpu.memory_space<hbm>>) dst(%arg9 : memref<256x64xf32, #tpu.memory_space<vmem>>)
        %add3A_347 = arith.constant 1 : i32
        %add3A_348 = arith.addi %scan3A_290, %add3A_347 : i32
        %lt3A_349 = arith.constant 100 : i32
        %lt3A_350 = arith.cmpi slt, %add3A_348, %lt3A_349 : i32
        %convert_element_type3A_351 = arith.extui %lt3A_350 : i1 to i32
        %cond3A_352 = arith.constant 0 : i32
        %cond3A_353 = arith.cmpi ne, %convert_element_type3A_351, %cond3A_352 : i32
        scf.if %cond3A_353 {
          %dma_wait3A_575 = arith.constant 0 : i32
          %dma_wait3A_576 = arith.constant 0 : i32
          %dma_wait3A_577 = tpu.memref_slice %arg2[%dma_wait3A_575, %dma_wait3A_576] : memref<200x4096xi32, #tpu.memory_space<hbm>> -> memref<1x256xi32, #tpu.memory_space<hbm>>
          %dma_wait3A_578 = tpu.memref_squeeze %dma_wait3A_577 : memref<1x256xi32, #tpu.memory_space<hbm>> -> memref<256xi32, #tpu.memory_space<hbm>>
          %dma_wait3A_579 = arith.constant 0 : i32
          %dma_wait3A_580 = tpu.memref_slice %arg2[%dma_wait3A_575, %dma_wait3A_579] : memref<200x4096xi32, #tpu.memory_space<hbm>> -> memref<1x256xi32, #tpu.memory_space<hbm>>
          %dma_wait3A_581 = tpu.memref_squeeze %dma_wait3A_580 : memref<1x256xi32, #tpu.memory_space<hbm>> -> memref<256xi32, #tpu.memory_space<hbm>>
          tpu.wait_dma2 semaphore(%arg14 : memref<!tpu.dma_semaphore, #tpu.memory_space<semaphore_mem>>) src(%dma_wait3A_581 : memref<256xi32, #tpu.memory_space<hbm>>) dst(%arg6 : memref<256xi32, #tpu.memory_space<vmem>>)
          %get3A_582 = arith.constant 0 : index
          %get3A_583 = tpu.vector_load %arg6[%get3A_582] {strides = array<i32>} : memref<256xi32, #tpu.memory_space<vmem>>, vector<16xi32>,
          %shift_left3A_584 = arith.constant 1 : i32
          %shift_left3A_585 = vector.broadcast %shift_left3A_584 : i32 to vector<16xi32>
          %shift_left3A_586 = arith.shli %get3A_583, %shift_left3A_585 : vector<16xi32>
          %swap3A_587 = arith.constant 0 : index
          %swap3A_588 = tpu.vector_load %arg8[%swap3A_587] {strides = array<i32>} : memref<256xi32, #tpu.memory_space<vmem>>, vector<16xi32>,
          tpu.vector_store %arg8[%swap3A_587], %shift_left3A_586 {strides = array<i32>} : memref<256xi32, #tpu.memory_space<vmem>>, vector<16xi32>,
          %get3A_589 = arith.constant 16 : index
          %get3A_590 = tpu.vector_load %arg6[%get3A_589] {strides = array<i32>} : memref<256xi32, #tpu.memory_space<vmem>>, vector<16xi32>,
          %shift_left3A_591 = arith.constant 1 : i32
          %shift_left3A_592 = vector.broadcast %shift_left3A_591 : i32 to vector<16xi32>
          %shift_left3A_593 = arith.shli %get3A_590, %shift_left3A_592 : vector<16xi32>
          %swap3A_594 = arith.constant 16 : index
          %swap3A_595 = tpu.vector_load %arg8[%swap3A_594] {strides = array<i32>} : memref<256xi32, #tpu.memory_space<vmem>>, vector<16xi32>,
          tpu.vector_store %arg8[%swap3A_594], %shift_left3A_593 {strides = array<i32>} : memref<256xi32, #tpu.memory_space<vmem>>, vector<16xi32>,
          %get3A_596 = arith.constant 32 : index
          %get3A_597 = tpu.vector_load %arg6[%get3A_596] {strides = array<i32>} : memref<256xi32, #tpu.memory_space<vmem>>, vector<16xi32>,
          %shift_left3A_598 = arith.constant 1 : i32
          %shift_left3A_599 = vector.broadcast %shift_left3A_598 : i32 to vector<16xi32>
          %shift_left3A_600 = arith.shli %get3A_597, %shift_left3A_599 : vector<16xi32>
          %swap3A_601 = arith.constant 32 : index
          %swap3A_602 = tpu.vector_load %arg8[%swap3A_601] {strides = array<i32>} : memref<256xi32, #tpu.memory_space<vmem>>, vector<16xi32>,
          tpu.vector_store %arg8[%swap3A_601], %shift_left3A_600 {strides = array<i32>} : memref<256xi32, #tpu.memory_space<vmem>>, vector<16xi32>,
          %get3A_603 = arith.constant 48 : index
          %get3A_604 = tpu.vector_load %arg6[%get3A_603] {strides = array<i32>} : memref<256xi32, #tpu.memory_space<vmem>>, vector<16xi32>,
          %shift_left3A_605 = arith.constant 1 : i32
          %shift_left3A_606 = vector.broadcast %shift_left3A_605 : i32 to vector<16xi32>
          %shift_left3A_607 = arith.shli %get3A_604, %shift_left3A_606 : vector<16xi32>
          %swap3A_608 = arith.constant 48 : index
          %swap3A_609 = tpu.vector_load %arg8[%swap3A_608] {strides = array<i32>} : memref<256xi32, #tpu.memory_space<vmem>>, vector<16xi32>,
          tpu.vector_store %arg8[%swap3A_608], %shift_left3A_607 {strides = array<i32>} : memref<256xi32, #tpu.memory_space<vmem>>, vector<16xi32>,
          %get3A_610 = arith.constant 64 : index
          %get3A_611 = tpu.vector_load %arg6[%get3A_610] {strides = array<i32>} : memref<256xi32, #tpu.memory_space<vmem>>, vector<16xi32>,
          %shift_left3A_612 = arith.constant 1 : i32
          %shift_left3A_613 = vector.broadcast %shift_left3A_612 : i32 to vector<16xi32>
          %shift_left3A_614 = arith.shli %get3A_611, %shift_left3A_613 : vector<16xi32>
          %swap3A_615 = arith.constant 64 : index
          %swap3A_616 = tpu.vector_load %arg8[%swap3A_615] {strides = array<i32>} : memref<256xi32, #tpu.memory_space<vmem>>, vector<16xi32>,
          tpu.vector_store %arg8[%swap3A_615], %shift_left3A_614 {strides = array<i32>} : memref<256xi32, #tpu.memory_space<vmem>>, vector<16xi32>,
          %get3A_617 = arith.constant 80 : index
          %get3A_618 = tpu.vector_load %arg6[%get3A_617] {strides = array<i32>} : memref<256xi32, #tpu.memory_space<vmem>>, vector<16xi32>,
          %shift_left3A_619 = arith.constant 1 : i32
          %shift_left3A_620 = vector.broadcast %shift_left3A_619 : i32 to vector<16xi32>
          %shift_left3A_621 = arith.shli %get3A_618, %shift_left3A_620 : vector<16xi32>
          %swap3A_622 = arith.constant 80 : index
          %swap3A_623 = tpu.vector_load %arg8[%swap3A_622] {strides = array<i32>} : memref<256xi32, #tpu.memory_space<vmem>>, vector<16xi32>,
          tpu.vector_store %arg8[%swap3A_622], %shift_left3A_621 {strides = array<i32>} : memref<256xi32, #tpu.memory_space<vmem>>, vector<16xi32>,
          %get3A_624 = arith.constant 96 : index
          %get3A_625 = tpu.vector_load %arg6[%get3A_624] {strides = array<i32>} : memref<256xi32, #tpu.memory_space<vmem>>, vector<16xi32>,
          %shift_left3A_626 = arith.constant 1 : i32
          %shift_left3A_627 = vector.broadcast %shift_left3A_626 : i32 to vector<16xi32>
          %shift_left3A_628 = arith.shli %get3A_625, %shift_left3A_627 : vector<16xi32>
          %swap3A_629 = arith.constant 96 : index
          %swap3A_630 = tpu.vector_load %arg8[%swap3A_629] {strides = array<i32>} : memref<256xi32, #tpu.memory_space<vmem>>, vector<16xi32>,
          tpu.vector_store %arg8[%swap3A_629], %shift_left3A_628 {strides = array<i32>} : memref<256xi32, #tpu.memory_space<vmem>>, vector<16xi32>,
          %get3A_631 = arith.constant 112 : index
          %get3A_632 = tpu.vector_load %arg6[%get3A_631] {strides = array<i32>} : memref<256xi32, #tpu.memory_space<vmem>>, vector<16xi32>,
          %shift_left3A_633 = arith.constant 1 : i32
          %shift_left3A_634 = vector.broadcast %shift_left3A_633 : i32 to vector<16xi32>
          %shift_left3A_635 = arith.shli %get3A_632, %shift_left3A_634 : vector<16xi32>
          %swap3A_636 = arith.constant 112 : index
          %swap3A_637 = tpu.vector_load %arg8[%swap3A_636] {strides = array<i32>} : memref<256xi32, #tpu.memory_space<vmem>>, vector<16xi32>,
          tpu.vector_store %arg8[%swap3A_636], %shift_left3A_635 {strides = array<i32>} : memref<256xi32, #tpu.memory_space<vmem>>, vector<16xi32>,
          %get3A_638 = arith.constant 128 : index
          %get3A_639 = tpu.vector_load %arg6[%get3A_638] {strides = array<i32>} : memref<256xi32, #tpu.memory_space<vmem>>, vector<16xi32>,
          %shift_left3A_640 = arith.constant 1 : i32
          %shift_left3A_641 = vector.broadcast %shift_left3A_640 : i32 to vector<16xi32>
          %shift_left3A_642 = arith.shli %get3A_639, %shift_left3A_641 : vector<16xi32>
          %swap3A_643 = arith.constant 128 : index
          %swap3A_644 = tpu.vector_load %arg8[%swap3A_643] {strides = array<i32>} : memref<256xi32, #tpu.memory_space<vmem>>, vector<16xi32>,
          tpu.vector_store %arg8[%swap3A_643], %shift_left3A_642 {strides = array<i32>} : memref<256xi32, #tpu.memory_space<vmem>>, vector<16xi32>,
          %get3A_645 = arith.constant 144 : index
          %get3A_646 = tpu.vector_load %arg6[%get3A_645] {strides = array<i32>} : memref<256xi32, #tpu.memory_space<vmem>>, vector<16xi32>,
          %shift_left3A_647 = arith.constant 1 : i32
          %shift_left3A_648 = vector.broadcast %shift_left3A_647 : i32 to vector<16xi32>
          %shift_left3A_649 = arith.shli %get3A_646, %shift_left3A_648 : vector<16xi32>
          %swap3A_650 = arith.constant 144 : index
          %swap3A_651 = tpu.vector_load %arg8[%swap3A_650] {strides = array<i32>} : memref<256xi32, #tpu.memory_space<vmem>>, vector<16xi32>,
          tpu.vector_store %arg8[%swap3A_650], %shift_left3A_649 {strides = array<i32>} : memref<256xi32, #tpu.memory_space<vmem>>, vector<16xi32>,
          %get3A_652 = arith.constant 160 : index
          %get3A_653 = tpu.vector_load %arg6[%get3A_652] {strides = array<i32>} : memref<256xi32, #tpu.memory_space<vmem>>, vector<16xi32>,
          %shift_left3A_654 = arith.constant 1 : i32
          %shift_left3A_655 = vector.broadcast %shift_left3A_654 : i32 to vector<16xi32>
          %shift_left3A_656 = arith.shli %get3A_653, %shift_left3A_655 : vector<16xi32>
          %swap3A_657 = arith.constant 160 : index
          %swap3A_658 = tpu.vector_load %arg8[%swap3A_657] {strides = array<i32>} : memref<256xi32, #tpu.memory_space<vmem>>, vector<16xi32>,
          tpu.vector_store %arg8[%swap3A_657], %shift_left3A_656 {strides = array<i32>} : memref<256xi32, #tpu.memory_space<vmem>>, vector<16xi32>,
          %get3A_659 = arith.constant 176 : index
          %get3A_660 = tpu.vector_load %arg6[%get3A_659] {strides = array<i32>} : memref<256xi32, #tpu.memory_space<vmem>>, vector<16xi32>,
          %shift_left3A_661 = arith.constant 1 : i32
          %shift_left3A_662 = vector.broadcast %shift_left3A_661 : i32 to vector<16xi32>
          %shift_left3A_663 = arith.shli %get3A_660, %shift_left3A_662 : vector<16xi32>
          %swap3A_664 = arith.constant 176 : index
          %swap3A_665 = tpu.vector_load %arg8[%swap3A_664] {strides = array<i32>} : memref<256xi32, #tpu.memory_space<vmem>>, vector<16xi32>,
          tpu.vector_store %arg8[%swap3A_664], %shift_left3A_663 {strides = array<i32>} : memref<256xi32, #tpu.memory_space<vmem>>, vector<16xi32>,
          %get3A_666 = arith.constant 192 : index
          %get3A_667 = tpu.vector_load %arg6[%get3A_666] {strides = array<i32>} : memref<256xi32, #tpu.memory_space<vmem>>, vector<16xi32>,
          %shift_left3A_668 = arith.constant 1 : i32
          %shift_left3A_669 = vector.broadcast %shift_left3A_668 : i32 to vector<16xi32>
          %shift_left3A_670 = arith.shli %get3A_667, %shift_left3A_669 : vector<16xi32>
          %swap3A_671 = arith.constant 192 : index
          %swap3A_672 = tpu.vector_load %arg8[%swap3A_671] {strides = array<i32>} : memref<256xi32, #tpu.memory_space<vmem>>, vector<16xi32>,
          tpu.vector_store %arg8[%swap3A_671], %shift_left3A_670 {strides = array<i32>} : memref<256xi32, #tpu.memory_space<vmem>>, vector<16xi32>,
          %get3A_673 = arith.constant 208 : index
          %get3A_674 = tpu.vector_load %arg6[%get3A_673] {strides = array<i32>} : memref<256xi32, #tpu.memory_space<vmem>>, vector<16xi32>,
          %shift_left3A_675 = arith.constant 1 : i32
          %shift_left3A_676 = vector.broadcast %shift_left3A_675 : i32 to vector<16xi32>
          %shift_left3A_677 = arith.shli %get3A_674, %shift_left3A_676 : vector<16xi32>
          %swap3A_678 = arith.constant 208 : index
          %swap3A_679 = tpu.vector_load %arg8[%swap3A_678] {strides = array<i32>} : memref<256xi32, #tpu.memory_space<vmem>>, vector<16xi32>,
          tpu.vector_store %arg8[%swap3A_678], %shift_left3A_677 {strides = array<i32>} : memref<256xi32, #tpu.memory_space<vmem>>, vector<16xi32>,
          %get3A_680 = arith.constant 224 : index
          %get3A_681 = tpu.vector_load %arg6[%get3A_680] {strides = array<i32>} : memref<256xi32, #tpu.memory_space<vmem>>, vector<16xi32>,
          %shift_left3A_682 = arith.constant 1 : i32
          %shift_left3A_683 = vector.broadcast %shift_left3A_682 : i32 to vector<16xi32>
          %shift_left3A_684 = arith.shli %get3A_681, %shift_left3A_683 : vector<16xi32>
          %swap3A_685 = arith.constant 224 : index
          %swap3A_686 = tpu.vector_load %arg8[%swap3A_685] {strides = array<i32>} : memref<256xi32, #tpu.memory_space<vmem>>, vector<16xi32>,
          tpu.vector_store %arg8[%swap3A_685], %shift_left3A_684 {strides = array<i32>} : memref<256xi32, #tpu.memory_space<vmem>>, vector<16xi32>,
          %get3A_687 = arith.constant 240 : index
          %get3A_688 = tpu.vector_load %arg6[%get3A_687] {strides = array<i32>} : memref<256xi32, #tpu.memory_space<vmem>>, vector<16xi32>,
          %shift_left3A_689 = arith.constant 1 : i32
          %shift_left3A_690 = vector.broadcast %shift_left3A_689 : i32 to vector<16xi32>
          %shift_left3A_691 = arith.shli %get3A_688, %shift_left3A_690 : vector<16xi32>
          %swap3A_692 = arith.constant 240 : index
          %swap3A_693 = tpu.vector_load %arg8[%swap3A_692] {strides = array<i32>} : memref<256xi32, #tpu.memory_space<vmem>>, vector<16xi32>,
          tpu.vector_store %arg8[%swap3A_692], %shift_left3A_691 {strides = array<i32>} : memref<256xi32, #tpu.memory_space<vmem>>, vector<16xi32>,
          %dma_start3A_694 = arith.constant 0 : i32
          %dma_start3A_695 = arith.constant 0 : i32
          %dma_start3A_696 = tpu.memref_slice %arg3[%dma_start3A_694, %dma_start3A_695] : memref<2000000x64xf32, #tpu.memory_space<hbm>> -> memref<2000000x64xf32, #tpu.memory_space<hbm>>
          tpu.enqueue_indirect_dma source(%dma_start3A_696 : memref<2000000x64xf32, #tpu.memory_space<hbm>>) target(%arg10 : memref<256x64xf32, #tpu.memory_space<vmem>>) offsets(%arg8 : memref<256xi32, #tpu.memory_space<vmem>>) semaphore(%arg16 : memref<!tpu.dma_semaphore, #tpu.memory_space<semaphore_mem>>)
        } else {
        }
        %add3A_354 = arith.constant 2 : i32
        %add3A_355 = arith.addi %scan3A_290, %add3A_354 : i32
        %lt3A_356 = arith.constant 100 : i32
        %lt3A_357 = arith.cmpi slt, %add3A_355, %lt3A_356 : i32
        %convert_element_type3A_358 = arith.extui %lt3A_357 : i1 to i32
        %cond3A_359 = arith.constant 0 : i32
        %cond3A_360 = arith.cmpi ne, %convert_element_type3A_358, %cond3A_359 : i32
        scf.if %cond3A_360 {
          %add3A_575 = arith.constant 2 : i32
          %add3A_576 = arith.addi %scan3A_290, %add3A_575 : i32
          %add3A_577 = arith.addi %mul3A_2, %add3A_576 : i32
          %jit3A_578 = arith.constant 16 : i32
          %div3A_579 = arith.divsi %add3A_577, %jit3A_578 : i32
          %sign3A_580 = arith.constant 0 : i32
          %sign3A_581 = arith.cmpi sgt, %add3A_577, %sign3A_580 : i32
          %sign3A_582 = arith.extui %sign3A_581 : i1 to i32
          %sign3A_583 = arith.constant 0 : i32
          %sign3A_584 = arith.cmpi slt, %add3A_577, %sign3A_583 : i32
          %sign3A_585 = arith.extui %sign3A_584 : i1 to i32
          %sign3A_586 = arith.subi %sign3A_582, %sign3A_585 : i32
          %sign3A_587 = arith.constant 0 : i32
          %sign3A_588 = arith.cmpi sgt, %jit3A_578, %sign3A_587 : i32
          %sign3A_589 = arith.extui %sign3A_588 : i1 to i32
          %sign3A_590 = arith.constant 0 : i32
          %sign3A_591 = arith.cmpi slt, %jit3A_578, %sign3A_590 : i32
          %sign3A_592 = arith.extui %sign3A_591 : i1 to i32
          %sign3A_593 = arith.subi %sign3A_589, %sign3A_592 : i32
          %ne3A_594 = arith.cmpi ne, %sign3A_586, %sign3A_593 : i32
          %rem3A_595 = arith.remsi %add3A_577, %jit3A_578 : i32
          %ne3A_596 = arith.constant 0 : i32
          %ne3A_597 = arith.cmpi ne, %rem3A_595, %ne3A_596 : i32
          %and3A_598 = arith.andi %ne3A_594, %ne3A_597 : i1
          %sub3A_599 = arith.constant 1 : i32
          %sub3A_600 = arith.subi %div3A_579, %sub3A_599 : i32
          %select_n3A_601 = arith.select %and3A_598, %sub3A_600, %div3A_579 : i32
          %jit3A_602 = arith.constant 16 : i32
          %eq3A_603 = arith.constant 0 : i32
          %eq3A_604 = arith.cmpi eq, %jit3A_602, %eq3A_603 : i32
          %jit3A_605 = arith.constant 1 : i32
          %select_n3A_606 = arith.select %eq3A_604, %jit3A_605, %jit3A_602 : i32
          %rem3A_607 = arith.remsi %add3A_577, %select_n3A_606 : i32
          %ne3A_608 = arith.constant 0 : i32
          %ne3A_609 = arith.cmpi ne, %rem3A_607, %ne3A_608 : i32
          %lt3A_610 = arith.constant 0 : i32
          %lt3A_611 = arith.cmpi slt, %rem3A_607, %lt3A_610 : i32
          %lt3A_612 = arith.constant 0 : i32
          %lt3A_613 = arith.cmpi slt, %select_n3A_606, %lt3A_612 : i32
          %ne3A_614 = arith.xori %lt3A_611, %lt3A_613 : i1
          %and3A_615 = arith.andi %ne3A_614, %ne3A_609 : i1
          %add3A_616 = arith.addi %rem3A_607, %select_n3A_606 : i32
          %select_n3A_617 = arith.select %and3A_615, %add3A_616, %rem3A_607 : i32
          %mul3A_618 = arith.constant 256 : i32
          %mul3A_619 = arith.muli %select_n3A_617, %mul3A_618 : i32
          %dma_start3A_620 = tpu.memref_slice %arg2[%select_n3A_601, %mul3A_619] : memref<200x4096xi32, #tpu.memory_space<hbm>> -> memref<1x256xi32, #tpu.memory_space<hbm>>
          %dma_start3A_621 = tpu.memref_squeeze %dma_start3A_620 : memref<1x256xi32, #tpu.memory_space<hbm>> -> memref<256xi32, #tpu.memory_space<hbm>>
          %dma_start3A_622 = tpu.memref_slice %arg2[%select_n3A_601, %mul3A_619] : memref<200x4096xi32, #tpu.memory_space<hbm>> -> memref<1x256xi32, #tpu.memory_space<hbm>>
          %dma_start3A_623 = tpu.memref_squeeze %dma_start3A_622 : memref<1x256xi32, #tpu.memory_space<hbm>> -> memref<256xi32, #tpu.memory_space<hbm>>
          tpu.enqueue_dma source(%dma_start3A_623 : memref<256xi32, #tpu.memory_space<hbm>>) target(%arg5 : memref<256xi32, #tpu.memory_space<vmem>>) target_semaphore(%arg13 : memref<!tpu.dma_semaphore, #tpu.memory_space<semaphore_mem>>)
        } else {
        }
        %ge3A = arith.constant 2 : i32
        %ge3A_361 = arith.cmpi sge, %scan3A_290, %ge3A : i32
        %convert_element_type3A_362 = arith.extui %ge3A_361 : i1 to i32
        %cond3A_363 = arith.constant 0 : i32
        %cond3A_364 = arith.cmpi ne, %convert_element_type3A_362, %cond3A_363 : i32
        scf.if %cond3A_364 {
          %dma_wait3A_575 = arith.constant 0 : i32
          %dma_wait3A_576 = arith.constant 0 : i32
          %dma_wait3A_577 = arith.constant 0 : i32
          %dma_wait3A_578 = arith.constant 0 : i32
          %dma_wait3A_579 = arith.constant 0 : i32
          %dma_wait3A_580 = arith.constant 0 : i32
          %dma_wait3A_581 = tpu.memref_slice %arg11[%dma_wait3A_575, %dma_wait3A_578, %dma_wait3A_579, %dma_wait3A_580] : memref<2x8x8x129xf32, #tpu.memory_space<vmem>> -> memref<1x8x8x128xf32, #tpu.memory_space<vmem>>
          %dma_wait3A_582 = tpu.memref_squeeze %dma_wait3A_581 : memref<1x8x8x128xf32, #tpu.memory_space<vmem>> -> memref<8x8x128xf32, #tpu.memory_space<vmem>>
          %dma_wait3A_583 = arith.constant 0 : i32
          %dma_wait3A_584 = arith.constant 0 : i32
          %dma_wait3A_585 = arith.constant 0 : i32
          %dma_wait3A_586 = tpu.memref_slice %arg4[%dma_wait3A_576, %dma_wait3A_583, %dma_wait3A_577, %dma_wait3A_584, %dma_wait3A_585] : memref<200x8x32x8x128xf32, #tpu.memory_space<hbm>> -> memref<1x8x1x8x128xf32, #tpu.memory_space<hbm>>
          %dma_wait3A_587 = tpu.memref_squeeze %dma_wait3A_586 : memref<1x8x1x8x128xf32, #tpu.memory_space<hbm>> -> memref<8x8x128xf32, #tpu.memory_space<hbm>>
          %dma_wait3A_588 = arith.constant 0 : i32
          %dma_wait3A_589 = arith.constant 0 : i32
          %dma_wait3A_590 = arith.constant 0 : i32
          %dma_wait3A_591 = tpu.memref_slice %arg4[%dma_wait3A_576, %dma_wait3A_588, %dma_wait3A_577, %dma_wait3A_589, %dma_wait3A_590] : memref<200x8x32x8x128xf32, #tpu.memory_space<hbm>> -> memref<1x8x1x8x128xf32, #tpu.memory_space<hbm>>
          %dma_wait3A_592 = tpu.memref_squeeze %dma_wait3A_591 : memref<1x8x1x8x128xf32, #tpu.memory_space<hbm>> -> memref<8x8x128xf32, #tpu.memory_space<hbm>>
          %dma_wait3A_593 = arith.constant 0 : i32
          %dma_wait3A_594 = arith.constant 0 : i32
          %dma_wait3A_595 = arith.constant 0 : i32
          %dma_wait3A_596 = tpu.memref_slice %arg11[%dma_wait3A_575, %dma_wait3A_593, %dma_wait3A_594, %dma_wait3A_595] : memref<2x8x8x129xf32, #tpu.memory_space<vmem>> -> memref<1x8x8x128xf32, #tpu.memory_space<vmem>>
          %dma_wait3A_597 = tpu.memref_squeeze %dma_wait3A_596 : memref<1x8x8x128xf32, #tpu.memory_space<vmem>> -> memref<8x8x128xf32, #tpu.memory_space<vmem>>
          tpu.wait_dma2 semaphore(%arg17 : memref<!tpu.dma_semaphore, #tpu.memory_space<semaphore_mem>>) src(%dma_wait3A_597 : memref<8x8x128xf32, #tpu.memory_space<vmem>>) dst(%dma_wait3A_592 : memref<8x8x128xf32, #tpu.memory_space<hbm>>)
          %dma_wait3A_598 = arith.constant 1 : i32
          %dma_wait3A_599 = arith.constant 0 : i32
          %dma_wait3A_600 = arith.constant 0 : i32
          %dma_wait3A_601 = arith.constant 0 : i32
          %dma_wait3A_602 = arith.constant 0 : i32
          %dma_wait3A_603 = arith.constant 0 : i32
          %dma_wait3A_604 = tpu.memref_slice %arg11[%dma_wait3A_598, %dma_wait3A_601, %dma_wait3A_602, %dma_wait3A_603] : memref<2x8x8x129xf32, #tpu.memory_space<vmem>> -> memref<1x8x8x128xf32, #tpu.memory_space<vmem>>
          %dma_wait3A_605 = tpu.memref_squeeze %dma_wait3A_604 : memref<1x8x8x128xf32, #tpu.memory_space<vmem>> -> memref<8x8x128xf32, #tpu.memory_space<vmem>>
          %dma_wait3A_606 = arith.constant 0 : i32
          %dma_wait3A_607 = arith.constant 0 : i32
          %dma_wait3A_608 = arith.constant 0 : i32
          %dma_wait3A_609 = tpu.memref_slice %arg4[%dma_wait3A_599, %dma_wait3A_606, %dma_wait3A_600, %dma_wait3A_607, %dma_wait3A_608] : memref<200x8x32x8x128xf32, #tpu.memory_space<hbm>> -> memref<1x8x1x8x128xf32, #tpu.memory_space<hbm>>
          %dma_wait3A_610 = tpu.memref_squeeze %dma_wait3A_609 : memref<1x8x1x8x128xf32, #tpu.memory_space<hbm>> -> memref<8x8x128xf32, #tpu.memory_space<hbm>>
          %dma_wait3A_611 = arith.constant 0 : i32
          %dma_wait3A_612 = arith.constant 0 : i32
          %dma_wait3A_613 = arith.constant 0 : i32
          %dma_wait3A_614 = tpu.memref_slice %arg4[%dma_wait3A_599, %dma_wait3A_611, %dma_wait3A_600, %dma_wait3A_612, %dma_wait3A_613] : memref<200x8x32x8x128xf32, #tpu.memory_space<hbm>> -> memref<1x8x1x8x128xf32, #tpu.memory_space<hbm>>
          %dma_wait3A_615 = tpu.memref_squeeze %dma_wait3A_614 : memref<1x8x1x8x128xf32, #tpu.memory_space<hbm>> -> memref<8x8x128xf32, #tpu.memory_space<hbm>>
          %dma_wait3A_616 = arith.constant 0 : i32
          %dma_wait3A_617 = arith.constant 0 : i32
          %dma_wait3A_618 = arith.constant 0 : i32
          %dma_wait3A_619 = tpu.memref_slice %arg11[%dma_wait3A_598, %dma_wait3A_616, %dma_wait3A_617, %dma_wait3A_618] : memref<2x8x8x129xf32, #tpu.memory_space<vmem>> -> memref<1x8x8x128xf32, #tpu.memory_space<vmem>>
          %dma_wait3A_620 = tpu.memref_squeeze %dma_wait3A_619 : memref<1x8x8x128xf32, #tpu.memory_space<vmem>> -> memref<8x8x128xf32, #tpu.memory_space<vmem>>
          tpu.wait_dma2 semaphore(%arg17 : memref<!tpu.dma_semaphore, #tpu.memory_space<semaphore_mem>>) src(%dma_wait3A_620 : memref<8x8x128xf32, #tpu.memory_space<vmem>>) dst(%dma_wait3A_615 : memref<8x8x128xf32, #tpu.memory_space<hbm>>)
        } else {
        }
        %iota3A = tpu.iota {dimensions = array<i32: 0>} : vector<16xi32>
        %jit3A_365 = arith.constant 8 : i32
        %div3A_366 = vector.broadcast %jit3A_365 : i32 to vector<16xi32>
        %div3A_367 = arith.divsi %iota3A, %div3A_366 : vector<16xi32>
        %sign3A_368 = arith.constant 0 : i32
        %sign3A_369 = vector.broadcast %sign3A_368 : i32 to vector<16xi32>
        %sign3A_370 = arith.cmpi sgt, %iota3A, %sign3A_369 : vector<16xi32>
        %sign3A_371 = arith.extui %sign3A_370 : vector<16xi1> to vector<16xi32>
        %sign3A_372 = arith.constant 0 : i32
        %sign3A_373 = vector.broadcast %sign3A_372 : i32 to vector<16xi32>
        %sign3A_374 = arith.cmpi slt, %iota3A, %sign3A_373 : vector<16xi32>
        %sign3A_375 = arith.extui %sign3A_374 : vector<16xi1> to vector<16xi32>
        %sign3A_376 = arith.subi %sign3A_371, %sign3A_375 : vector<16xi32>
        %sign3A_377 = arith.constant 0 : i32
        %sign3A_378 = arith.cmpi sgt, %jit3A_365, %sign3A_377 : i32
        %sign3A_379 = arith.extui %sign3A_378 : i1 to i32
        %sign3A_380 = arith.constant 0 : i32
        %sign3A_381 = arith.cmpi slt, %jit3A_365, %sign3A_380 : i32
        %sign3A_382 = arith.extui %sign3A_381 : i1 to i32
        %sign3A_383 = arith.subi %sign3A_379, %sign3A_382 : i32
        %ne3A_384 = vector.broadcast %sign3A_383 : i32 to vector<16xi32>
        %ne3A_385 = arith.cmpi ne, %sign3A_376, %ne3A_384 : vector<16xi32>
        %rem3A_386 = vector.broadcast %jit3A_365 : i32 to vector<16xi32>
        %rem3A_387 = arith.remsi %iota3A, %rem3A_386 : vector<16xi32>
        %ne3A_388 = arith.constant 0 : i32
        %ne3A_389 = vector.broadcast %ne3A_388 : i32 to vector<16xi32>
        %ne3A_390 = arith.cmpi ne, %rem3A_387, %ne3A_389 : vector<16xi32>
        %and3A_391 = arith.andi %ne3A_385, %ne3A_390 : vector<16xi1>
        %sub3A_392 = arith.constant 1 : i32
        %sub3A_393 = vector.broadcast %sub3A_392 : i32 to vector<16xi32>
        %sub3A_394 = arith.subi %div3A_367, %sub3A_393 : vector<16xi32>
        %select_n3A_395 = arith.select %and3A_391, %sub3A_394, %div3A_367 : vector<16xi1>, vector<16xi32>
        %add3A_396 = arith.constant 0 : i32
        %add3A_397 = vector.broadcast %add3A_396 : i32 to vector<16xi32>
        %add3A_398 = arith.addi %select_n3A_395, %add3A_397 : vector<16xi32>
        %jit3A_399 = arith.constant 8 : i32
        %div3A_400 = vector.broadcast %jit3A_399 : i32 to vector<16xi32>
        %div3A_401 = arith.divsi %iota3A, %div3A_400 : vector<16xi32>
        %sign3A_402 = arith.constant 0 : i32
        %sign3A_403 = vector.broadcast %sign3A_402 : i32 to vector<16xi32>
        %sign3A_404 = arith.cmpi sgt, %iota3A, %sign3A_403 : vector<16xi32>
        %sign3A_405 = arith.extui %sign3A_404 : vector<16xi1> to vector<16xi32>
        %sign3A_406 = arith.constant 0 : i32
        %sign3A_407 = vector.broadcast %sign3A_406 : i32 to vector<16xi32>
        %sign3A_408 = arith.cmpi slt, %iota3A, %sign3A_407 : vector<16xi32>
        %sign3A_409 = arith.extui %sign3A_408 : vector<16xi1> to vector<16xi32>
        %sign3A_410 = arith.subi %sign3A_405, %sign3A_409 : vector<16xi32>
        %sign3A_411 = arith.constant 0 : i32
        %sign3A_412 = arith.cmpi sgt, %jit3A_399, %sign3A_411 : i32
        %sign3A_413 = arith.extui %sign3A_412 : i1 to i32
        %sign3A_414 = arith.constant 0 : i32
        %sign3A_415 = arith.cmpi slt, %jit3A_399, %sign3A_414 : i32
        %sign3A_416 = arith.extui %sign3A_415 : i1 to i32
        %sign3A_417 = arith.subi %sign3A_413, %sign3A_416 : i32
        %ne3A_418 = vector.broadcast %sign3A_417 : i32 to vector<16xi32>
        %ne3A_419 = arith.cmpi ne, %sign3A_410, %ne3A_418 : vector<16xi32>
        %rem3A_420 = vector.broadcast %jit3A_399 : i32 to vector<16xi32>
        %rem3A_421 = arith.remsi %iota3A, %rem3A_420 : vector<16xi32>
        %ne3A_422 = arith.constant 0 : i32
        %ne3A_423 = vector.broadcast %ne3A_422 : i32 to vector<16xi32>
        %ne3A_424 = arith.cmpi ne, %rem3A_421, %ne3A_423 : vector<16xi32>
        %and3A_425 = arith.andi %ne3A_419, %ne3A_424 : vector<16xi1>
        %sub3A_426 = arith.constant 1 : i32
        %sub3A_427 = vector.broadcast %sub3A_426 : i32 to vector<16xi32>
        %sub3A_428 = arith.subi %div3A_401, %sub3A_427 : vector<16xi32>
        %select_n3A_429 = arith.select %and3A_425, %sub3A_428, %div3A_401 : vector<16xi1>, vector<16xi32>
        %add3A_430 = arith.constant 2 : i32
        %add3A_431 = vector.broadcast %add3A_430 : i32 to vector<16xi32>
        %add3A_432 = arith.addi %select_n3A_429, %add3A_431 : vector<16xi32>
        %jit3A_433 = arith.constant 8 : i32
        %div3A_434 = vector.broadcast %jit3A_433 : i32 to vector<16xi32>
        %div3A_435 = arith.divsi %iota3A, %div3A_434 : vector<16xi32>
        %sign3A_436 = arith.constant 0 : i32
        %sign3A_437 = vector.broadcast %sign3A_436 : i32 to vector<16xi32>
        %sign3A_438 = arith.cmpi sgt, %iota3A, %sign3A_437 : vector<16xi32>
        %sign3A_439 = arith.extui %sign3A_438 : vector<16xi1> to vector<16xi32>
        %sign3A_440 = arith.constant 0 : i32
        %sign3A_441 = vector.broadcast %sign3A_440 : i32 to vector<16xi32>
        %sign3A_442 = arith.cmpi slt, %iota3A, %sign3A_441 : vector<16xi32>
        %sign3A_443 = arith.extui %sign3A_442 : vector<16xi1> to vector<16xi32>
        %sign3A_444 = arith.subi %sign3A_439, %sign3A_443 : vector<16xi32>
        %sign3A_445 = arith.constant 0 : i32
        %sign3A_446 = arith.cmpi sgt, %jit3A_433, %sign3A_445 : i32
        %sign3A_447 = arith.extui %sign3A_446 : i1 to i32
        %sign3A_448 = arith.constant 0 : i32
        %sign3A_449 = arith.cmpi slt, %jit3A_433, %sign3A_448 : i32
        %sign3A_450 = arith.extui %sign3A_449 : i1 to i32
        %sign3A_451 = arith.subi %sign3A_447, %sign3A_450 : i32
        %ne3A_452 = vector.broadcast %sign3A_451 : i32 to vector<16xi32>
        %ne3A_453 = arith.cmpi ne, %sign3A_444, %ne3A_452 : vector<16xi32>
        %rem3A_454 = vector.broadcast %jit3A_433 : i32 to vector<16xi32>
        %rem3A_455 = arith.remsi %iota3A, %rem3A_454 : vector<16xi32>
        %ne3A_456 = arith.constant 0 : i32
        %ne3A_457 = vector.broadcast %ne3A_456 : i32 to vector<16xi32>
        %ne3A_458 = arith.cmpi ne, %rem3A_455, %ne3A_457 : vector<16xi32>
        %and3A_459 = arith.andi %ne3A_453, %ne3A_458 : vector<16xi1>
        %sub3A_460 = arith.constant 1 : i32
        %sub3A_461 = vector.broadcast %sub3A_460 : i32 to vector<16xi32>
        %sub3A_462 = arith.subi %div3A_435, %sub3A_461 : vector<16xi32>
        %select_n3A_463 = arith.select %and3A_459, %sub3A_462, %div3A_435 : vector<16xi1>, vector<16xi32>
        %add3A_464 = arith.constant 4 : i32
        %add3A_465 = vector.broadcast %add3A_464 : i32 to vector<16xi32>
        %add3A_466 = arith.addi %select_n3A_463, %add3A_465 : vector<16xi32>
        %jit3A_467 = arith.constant 8 : i32
        %div3A_468 = vector.broadcast %jit3A_467 : i32 to vector<16xi32>
        %div3A_469 = arith.divsi %iota3A, %div3A_468 : vector<16xi32>
        %sign3A_470 = arith.constant 0 : i32
        %sign3A_471 = vector.broadcast %sign3A_470 : i32 to vector<16xi32>
        %sign3A_472 = arith.cmpi sgt, %iota3A, %sign3A_471 : vector<16xi32>
        %sign3A_473 = arith.extui %sign3A_472 : vector<16xi1> to vector<16xi32>
        %sign3A_474 = arith.constant 0 : i32
        %sign3A_475 = vector.broadcast %sign3A_474 : i32 to vector<16xi32>
        %sign3A_476 = arith.cmpi slt, %iota3A, %sign3A_475 : vector<16xi32>
        %sign3A_477 = arith.extui %sign3A_476 : vector<16xi1> to vector<16xi32>
        %sign3A_478 = arith.subi %sign3A_473, %sign3A_477 : vector<16xi32>
        %sign3A_479 = arith.constant 0 : i32
        %sign3A_480 = arith.cmpi sgt, %jit3A_467, %sign3A_479 : i32
        %sign3A_481 = arith.extui %sign3A_480 : i1 to i32
        %sign3A_482 = arith.constant 0 : i32
        %sign3A_483 = arith.cmpi slt, %jit3A_467, %sign3A_482 : i32
        %sign3A_484 = arith.extui %sign3A_483 : i1 to i32
        %sign3A_485 = arith.subi %sign3A_481, %sign3A_484 : i32
        %ne3A_486 = vector.broadcast %sign3A_485 : i32 to vector<16xi32>
        %ne3A_487 = arith.cmpi ne, %sign3A_478, %ne3A_486 : vector<16xi32>
        %rem3A_488 = vector.broadcast %jit3A_467 : i32 to vector<16xi32>
        %rem3A_489 = arith.remsi %iota3A, %rem3A_488 : vector<16xi32>
        %ne3A_490 = arith.constant 0 : i32
        %ne3A_491 = vector.broadcast %ne3A_490 : i32 to vector<16xi32>
        %ne3A_492 = arith.cmpi ne, %rem3A_489, %ne3A_491 : vector<16xi32>
        %and3A_493 = arith.andi %ne3A_487, %ne3A_492 : vector<16xi1>
        %sub3A_494 = arith.constant 1 : i32
        %sub3A_495 = vector.broadcast %sub3A_494 : i32 to vector<16xi32>
        %sub3A_496 = arith.subi %div3A_469, %sub3A_495 : vector<16xi32>
        %select_n3A_497 = arith.select %and3A_493, %sub3A_496, %div3A_469 : vector<16xi1>, vector<16xi32>
        %add3A_498 = arith.constant 6 : i32
        %add3A_499 = vector.broadcast %add3A_498 : i32 to vector<16xi32>
        %add3A_500 = arith.addi %select_n3A_497, %add3A_499 : vector<16xi32>
        %jit3A_501 = arith.constant 8 : i32
        %eq3A_502 = arith.constant 0 : i32
        %eq3A_503 = arith.cmpi eq, %jit3A_501, %eq3A_502 : i32
        %jit3A_504 = arith.constant 1 : i32
        %select_n3A_505 = arith.select %eq3A_503, %jit3A_504, %jit3A_501 : i32
        %rem3A_506 = vector.broadcast %select_n3A_505 : i32 to vector<16xi32>
        %rem3A_507 = arith.remsi %iota3A, %rem3A_506 : vector<16xi32>
        %ne3A_508 = arith.constant 0 : i32
        %ne3A_509 = vector.broadcast %ne3A_508 : i32 to vector<16xi32>
        %ne3A_510 = arith.cmpi ne, %rem3A_507, %ne3A_509 : vector<16xi32>
        %lt3A_511 = arith.constant 0 : i32
        %lt3A_512 = vector.broadcast %lt3A_511 : i32 to vector<16xi32>
        %lt3A_513 = arith.cmpi slt, %rem3A_507, %lt3A_512 : vector<16xi32>
        %lt3A_514 = arith.constant 0 : i32
        %lt3A_515 = arith.cmpi slt, %select_n3A_505, %lt3A_514 : i32
        %ne3A_516 = vector.broadcast %lt3A_515 : i1 to vector<16xi1>
        %ne3A_517 = vector.broadcast %ne3A_516 : vector<16xi1> to vector<16xi1>
        %ne3A_518 = arith.xori %lt3A_513, %ne3A_517 : vector<16xi1>
        %and3A_519 = arith.andi %ne3A_518, %ne3A_510 : vector<16xi1>
        %add3A_520 = vector.broadcast %select_n3A_505 : i32 to vector<16xi32>
        %add3A_521 = arith.addi %rem3A_507, %add3A_520 : vector<16xi32>
        %select_n3A_522 = arith.select %and3A_519, %add3A_521, %rem3A_507 : vector<16xi1>, vector<16xi32>
        %scan3A_523 = arith.constant 0 : i32
        %scan3A_524 = arith.constant 0 : i32
        %scan3A_525 = arith.constant 16 : i32
        %scan3A_526 = arith.addi %scan3A_524, %scan3A_525 : i32
        %scan3A_527 = arith.constant 1 : i32
        scf.for %scan3A_575 = %scan3A_524 to %scan3A_526 step %scan3A_527  : i32 {
          %mul3A_576 = arith.constant 16 : i32
          %mul3A_577 = arith.muli %scan3A_575, %mul3A_576 : i32
          %jit3A_578 = arith.constant 8 : i32
          %div3A_579 = arith.divsi %scan3A_575, %jit3A_578 : i32
          %sign3A_580 = arith.constant 0 : i32
          %sign3A_581 = arith.cmpi sgt, %scan3A_575, %sign3A_580 : i32
          %sign3A_582 = arith.extui %sign3A_581 : i1 to i32
          %sign3A_583 = arith.constant 0 : i32
          %sign3A_584 = arith.cmpi slt, %scan3A_575, %sign3A_583 : i32
          %sign3A_585 = arith.extui %sign3A_584 : i1 to i32
          %sign3A_586 = arith.subi %sign3A_582, %sign3A_585 : i32
          %sign3A_587 = arith.constant 0 : i32
          %sign3A_588 = arith.cmpi sgt, %jit3A_578, %sign3A_587 : i32
          %sign3A_589 = arith.extui %sign3A_588 : i1 to i32
          %sign3A_590 = arith.constant 0 : i32
          %sign3A_591 = arith.cmpi slt, %jit3A_578, %sign3A_590 : i32
          %sign3A_592 = arith.extui %sign3A_591 : i1 to i32
          %sign3A_593 = arith.subi %sign3A_589, %sign3A_592 : i32
          %ne3A_594 = arith.cmpi ne, %sign3A_586, %sign3A_593 : i32
          %rem3A_595 = arith.remsi %scan3A_575, %jit3A_578 : i32
          %ne3A_596 = arith.constant 0 : i32
          %ne3A_597 = arith.cmpi ne, %rem3A_595, %ne3A_596 : i32
          %and3A_598 = arith.andi %ne3A_594, %ne3A_597 : i1
          %sub3A_599 = arith.constant 1 : i32
          %sub3A_600 = arith.subi %div3A_579, %sub3A_599 : i32
          %select_n3A_601 = arith.select %and3A_598, %sub3A_600, %div3A_579 : i32
          %broadcast_in_dim3A = vector.broadcast %select_n3A_601 : i32 to vector<16xi32>
          %jit3A_602 = arith.constant 8 : i32
          %eq3A_603 = arith.constant 0 : i32
          %eq3A_604 = arith.cmpi eq, %jit3A_602, %eq3A_603 : i32
          %jit3A_605 = arith.constant 1 : i32
          %select_n3A_606 = arith.select %eq3A_604, %jit3A_605, %jit3A_602 : i32
          %rem3A_607 = arith.remsi %scan3A_575, %select_n3A_606 : i32
          %ne3A_608 = arith.constant 0 : i32
          %ne3A_609 = arith.cmpi ne, %rem3A_607, %ne3A_608 : i32
          %lt3A_610 = arith.constant 0 : i32
          %lt3A_611 = arith.cmpi slt, %rem3A_607, %lt3A_610 : i32
          %lt3A_612 = arith.constant 0 : i32
          %lt3A_613 = arith.cmpi slt, %select_n3A_606, %lt3A_612 : i32
          %ne3A_614 = arith.xori %lt3A_611, %lt3A_613 : i1
          %and3A_615 = arith.andi %ne3A_614, %ne3A_609 : i1
          %add3A_616 = arith.addi %rem3A_607, %select_n3A_606 : i32
          %select_n3A_617 = arith.select %and3A_615, %add3A_616, %rem3A_607 : i32
          %mul3A_618 = arith.constant 16 : i32
          %mul3A_619 = arith.muli %select_n3A_617, %mul3A_618 : i32
          %add3A_620 = arith.constant 0 : i32
          %add3A_621 = arith.addi %mul3A_577, %add3A_620 : i32
          %add3A_622 = arith.constant 0 : i32
          %add3A_623 = arith.addi %mul3A_619, %add3A_622 : i32
          %broadcast_in_dim3A_624 = vector.broadcast %add3A_623 : i32 to vector<16xi32>
          %get3A_625 = arith.index_cast %add3A_621 : i32 to index
          %get3A_626 = arith.constant 0 : index
          %get3A_627 = tpu.vector_load %arg9[%get3A_625, %get3A_626] {strides = array<i32>} : memref<256x64xf32, #tpu.memory_space<vmem>>, vector<16xf32>,
          %mul3A_628 = arith.constant 8.000000e+00 : f32
          %mul3A_629 = vector.broadcast %mul3A_628 : f32 to vector<16xf32>
          %mul3A_630 = arith.mulf %get3A_627, %mul3A_629 : vector<16xf32>
          tpu.vector_store_idx %arg11[%broadcast_in_dim3A, %add3A_398, %select_n3A_522, %broadcast_in_dim3A_624], %mul3A_630 : memref<2x8x8x129xf32, #tpu.memory_space<vmem>>[vector<16xi32>, vector<16xi32>, vector<16xi32>, vector<16xi32>], vector<16xf32>,
          %get3A_631 = arith.index_cast %add3A_621 : i32 to index
          %get3A_632 = arith.constant 16 : index
          %get3A_633 = tpu.vector_load %arg9[%get3A_631, %get3A_632] {strides = array<i32>} : memref<256x64xf32, #tpu.memory_space<vmem>>, vector<16xf32>,
          %mul3A_634 = arith.constant 8.000000e+00 : f32
          %mul3A_635 = vector.broadcast %mul3A_634 : f32 to vector<16xf32>
          %mul3A_636 = arith.mulf %get3A_633, %mul3A_635 : vector<16xf32>
          tpu.vector_store_idx %arg11[%broadcast_in_dim3A, %add3A_432, %select_n3A_522, %broadcast_in_dim3A_624], %mul3A_636 : memref<2x8x8x129xf32, #tpu.memory_space<vmem>>[vector<16xi32>, vector<16xi32>, vector<16xi32>, vector<16xi32>], vector<16xf32>,
          %get3A_637 = arith.index_cast %add3A_621 : i32 to index
          %get3A_638 = arith.constant 32 : index
          %get3A_639 = tpu.vector_load %arg9[%get3A_637, %get3A_638] {strides = array<i32>} : memref<256x64xf32, #tpu.memory_space<vmem>>, vector<16xf32>,
          %mul3A_640 = arith.constant 8.000000e+00 : f32
          %mul3A_641 = vector.broadcast %mul3A_640 : f32 to vector<16xf32>
          %mul3A_642 = arith.mulf %get3A_639, %mul3A_641 : vector<16xf32>
          tpu.vector_store_idx %arg11[%broadcast_in_dim3A, %add3A_466, %select_n3A_522, %broadcast_in_dim3A_624], %mul3A_642 : memref<2x8x8x129xf32, #tpu.memory_space<vmem>>[vector<16xi32>, vector<16xi32>, vector<16xi32>, vector<16xi32>], vector<16xf32>,
          %get3A_643 = arith.index_cast %add3A_621 : i32 to index
          %get3A_644 = arith.constant 48 : index
          %get3A_645 = tpu.vector_load %arg9[%get3A_643, %get3A_644] {strides = array<i32>} : memref<256x64xf32, #tpu.memory_space<vmem>>, vector<16xf32>,
          %mul3A_646 = arith.constant 8.000000e+00 : f32
          %mul3A_647 = vector.broadcast %mul3A_646 : f32 to vector<16xf32>
          %mul3A_648 = arith.mulf %get3A_645, %mul3A_647 : vector<16xf32>
          tpu.vector_store_idx %arg11[%broadcast_in_dim3A, %add3A_500, %select_n3A_522, %broadcast_in_dim3A_624], %mul3A_648 : memref<2x8x8x129xf32, #tpu.memory_space<vmem>>[vector<16xi32>, vector<16xi32>, vector<16xi32>, vector<16xi32>], vector<16xf32>,
          %add3A_649 = arith.constant 1 : i32
          %add3A_650 = arith.addi %mul3A_577, %add3A_649 : i32
          %add3A_651 = arith.constant 1 : i32
          %add3A_652 = arith.addi %mul3A_619, %add3A_651 : i32
          %broadcast_in_dim3A_653 = vector.broadcast %add3A_652 : i32 to vector<16xi32>
          %get3A_654 = arith.index_cast %add3A_650 : i32 to index
          %get3A_655 = arith.constant 0 : index
          %get3A_656 = tpu.vector_load %arg9[%get3A_654, %get3A_655] {strides = array<i32>} : memref<256x64xf32, #tpu.memory_space<vmem>>, vector<16xf32>,
          %mul3A_657 = arith.constant 8.000000e+00 : f32
          %mul3A_658 = vector.broadcast %mul3A_657 : f32 to vector<16xf32>
          %mul3A_659 = arith.mulf %get3A_656, %mul3A_658 : vector<16xf32>
          tpu.vector_store_idx %arg11[%broadcast_in_dim3A, %add3A_398, %select_n3A_522, %broadcast_in_dim3A_653], %mul3A_659 : memref<2x8x8x129xf32, #tpu.memory_space<vmem>>[vector<16xi32>, vector<16xi32>, vector<16xi32>, vector<16xi32>], vector<16xf32>,
          %get3A_660 = arith.index_cast %add3A_650 : i32 to index
          %get3A_661 = arith.constant 16 : index
          %get3A_662 = tpu.vector_load %arg9[%get3A_660, %get3A_661] {strides = array<i32>} : memref<256x64xf32, #tpu.memory_space<vmem>>, vector<16xf32>,
          %mul3A_663 = arith.constant 8.000000e+00 : f32
          %mul3A_664 = vector.broadcast %mul3A_663 : f32 to vector<16xf32>
          %mul3A_665 = arith.mulf %get3A_662, %mul3A_664 : vector<16xf32>
          tpu.vector_store_idx %arg11[%broadcast_in_dim3A, %add3A_432, %select_n3A_522, %broadcast_in_dim3A_653], %mul3A_665 : memref<2x8x8x129xf32, #tpu.memory_space<vmem>>[vector<16xi32>, vector<16xi32>, vector<16xi32>, vector<16xi32>], vector<16xf32>,
          %get3A_666 = arith.index_cast %add3A_650 : i32 to index
          %get3A_667 = arith.constant 32 : index
          %get3A_668 = tpu.vector_load %arg9[%get3A_666, %get3A_667] {strides = array<i32>} : memref<256x64xf32, #tpu.memory_space<vmem>>, vector<16xf32>,
          %mul3A_669 = arith.constant 8.000000e+00 : f32
          %mul3A_670 = vector.broadcast %mul3A_669 : f32 to vector<16xf32>
          %mul3A_671 = arith.mulf %get3A_668, %mul3A_670 : vector<16xf32>
          tpu.vector_store_idx %arg11[%broadcast_in_dim3A, %add3A_466, %select_n3A_522, %broadcast_in_dim3A_653], %mul3A_671 : memref<2x8x8x129xf32, #tpu.memory_space<vmem>>[vector<16xi32>, vector<16xi32>, vector<16xi32>, vector<16xi32>], vector<16xf32>,
          %get3A_672 = arith.index_cast %add3A_650 : i32 to index
          %get3A_673 = arith.constant 48 : index
          %get3A_674 = tpu.vector_load %arg9[%get3A_672, %get3A_673] {strides = array<i32>} : memref<256x64xf32, #tpu.memory_space<vmem>>, vector<16xf32>,
          %mul3A_675 = arith.constant 8.000000e+00 : f32
          %mul3A_676 = vector.broadcast %mul3A_675 : f32 to vector<16xf32>
          %mul3A_677 = arith.mulf %get3A_674, %mul3A_676 : vector<16xf32>
          tpu.vector_store_idx %arg11[%broadcast_in_dim3A, %add3A_500, %select_n3A_522, %broadcast_in_dim3A_653], %mul3A_677 : memref<2x8x8x129xf32, #tpu.memory_space<vmem>>[vector<16xi32>, vector<16xi32>, vector<16xi32>, vector<16xi32>], vector<16xf32>,
          %add3A_678 = arith.constant 2 : i32
          %add3A_679 = arith.addi %mul3A_577, %add3A_678 : i32
          %add3A_680 = arith.constant 2 : i32
          %add3A_681 = arith.addi %mul3A_619, %add3A_680 : i32
          %broadcast_in_dim3A_682 = vector.broadcast %add3A_681 : i32 to vector<16xi32>
          %get3A_683 = arith.index_cast %add3A_679 : i32 to index
          %get3A_684 = arith.constant 0 : index
          %get3A_685 = tpu.vector_load %arg9[%get3A_683, %get3A_684] {strides = array<i32>} : memref<256x64xf32, #tpu.memory_space<vmem>>, vector<16xf32>,
          %mul3A_686 = arith.constant 8.000000e+00 : f32
          %mul3A_687 = vector.broadcast %mul3A_686 : f32 to vector<16xf32>
          %mul3A_688 = arith.mulf %get3A_685, %mul3A_687 : vector<16xf32>
          tpu.vector_store_idx %arg11[%broadcast_in_dim3A, %add3A_398, %select_n3A_522, %broadcast_in_dim3A_682], %mul3A_688 : memref<2x8x8x129xf32, #tpu.memory_space<vmem>>[vector<16xi32>, vector<16xi32>, vector<16xi32>, vector<16xi32>], vector<16xf32>,
          %get3A_689 = arith.index_cast %add3A_679 : i32 to index
          %get3A_690 = arith.constant 16 : index
          %get3A_691 = tpu.vector_load %arg9[%get3A_689, %get3A_690] {strides = array<i32>} : memref<256x64xf32, #tpu.memory_space<vmem>>, vector<16xf32>,
          %mul3A_692 = arith.constant 8.000000e+00 : f32
          %mul3A_693 = vector.broadcast %mul3A_692 : f32 to vector<16xf32>
          %mul3A_694 = arith.mulf %get3A_691, %mul3A_693 : vector<16xf32>
          tpu.vector_store_idx %arg11[%broadcast_in_dim3A, %add3A_432, %select_n3A_522, %broadcast_in_dim3A_682], %mul3A_694 : memref<2x8x8x129xf32, #tpu.memory_space<vmem>>[vector<16xi32>, vector<16xi32>, vector<16xi32>, vector<16xi32>], vector<16xf32>,
          %get3A_695 = arith.index_cast %add3A_679 : i32 to index
          %get3A_696 = arith.constant 32 : index
          %get3A_697 = tpu.vector_load %arg9[%get3A_695, %get3A_696] {strides = array<i32>} : memref<256x64xf32, #tpu.memory_space<vmem>>, vector<16xf32>,
          %mul3A_698 = arith.constant 8.000000e+00 : f32
          %mul3A_699 = vector.broadcast %mul3A_698 : f32 to vector<16xf32>
          %mul3A_700 = arith.mulf %get3A_697, %mul3A_699 : vector<16xf32>
          tpu.vector_store_idx %arg11[%broadcast_in_dim3A, %add3A_466, %select_n3A_522, %broadcast_in_dim3A_682], %mul3A_700 : memref<2x8x8x129xf32, #tpu.memory_space<vmem>>[vector<16xi32>, vector<16xi32>, vector<16xi32>, vector<16xi32>], vector<16xf32>,
          %get3A_701 = arith.index_cast %add3A_679 : i32 to index
          %get3A_702 = arith.constant 48 : index
          %get3A_703 = tpu.vector_load %arg9[%get3A_701, %get3A_702] {strides = array<i32>} : memref<256x64xf32, #tpu.memory_space<vmem>>, vector<16xf32>,
          %mul3A_704 = arith.constant 8.000000e+00 : f32
          %mul3A_705 = vector.broadcast %mul3A_704 : f32 to vector<16xf32>
          %mul3A_706 = arith.mulf %get3A_703, %mul3A_705 : vector<16xf32>
          tpu.vector_store_idx %arg11[%broadcast_in_dim3A, %add3A_500, %select_n3A_522, %broadcast_in_dim3A_682], %mul3A_706 : memref<2x8x8x129xf32, #tpu.memory_space<vmem>>[vector<16xi32>, vector<16xi32>, vector<16xi32>, vector<16xi32>], vector<16xf32>,
          %add3A_707 = arith.constant 3 : i32
          %add3A_708 = arith.addi %mul3A_577, %add3A_707 : i32
          %add3A_709 = arith.constant 3 : i32
          %add3A_710 = arith.addi %mul3A_619, %add3A_709 : i32
          %broadcast_in_dim3A_711 = vector.broadcast %add3A_710 : i32 to vector<16xi32>
          %get3A_712 = arith.index_cast %add3A_708 : i32 to index
          %get3A_713 = arith.constant 0 : index
          %get3A_714 = tpu.vector_load %arg9[%get3A_712, %get3A_713] {strides = array<i32>} : memref<256x64xf32, #tpu.memory_space<vmem>>, vector<16xf32>,
          %mul3A_715 = arith.constant 8.000000e+00 : f32
          %mul3A_716 = vector.broadcast %mul3A_715 : f32 to vector<16xf32>
          %mul3A_717 = arith.mulf %get3A_714, %mul3A_716 : vector<16xf32>
          tpu.vector_store_idx %arg11[%broadcast_in_dim3A, %add3A_398, %select_n3A_522, %broadcast_in_dim3A_711], %mul3A_717 : memref<2x8x8x129xf32, #tpu.memory_space<vmem>>[vector<16xi32>, vector<16xi32>, vector<16xi32>, vector<16xi32>], vector<16xf32>,
          %get3A_718 = arith.index_cast %add3A_708 : i32 to index
          %get3A_719 = arith.constant 16 : index
          %get3A_720 = tpu.vector_load %arg9[%get3A_718, %get3A_719] {strides = array<i32>} : memref<256x64xf32, #tpu.memory_space<vmem>>, vector<16xf32>,
          %mul3A_721 = arith.constant 8.000000e+00 : f32
          %mul3A_722 = vector.broadcast %mul3A_721 : f32 to vector<16xf32>
          %mul3A_723 = arith.mulf %get3A_720, %mul3A_722 : vector<16xf32>
          tpu.vector_store_idx %arg11[%broadcast_in_dim3A, %add3A_432, %select_n3A_522, %broadcast_in_dim3A_711], %mul3A_723 : memref<2x8x8x129xf32, #tpu.memory_space<vmem>>[vector<16xi32>, vector<16xi32>, vector<16xi32>, vector<16xi32>], vector<16xf32>,
          %get3A_724 = arith.index_cast %add3A_708 : i32 to index
          %get3A_725 = arith.constant 32 : index
          %get3A_726 = tpu.vector_load %arg9[%get3A_724, %get3A_725] {strides = array<i32>} : memref<256x64xf32, #tpu.memory_space<vmem>>, vector<16xf32>,
          %mul3A_727 = arith.constant 8.000000e+00 : f32
          %mul3A_728 = vector.broadcast %mul3A_727 : f32 to vector<16xf32>
          %mul3A_729 = arith.mulf %get3A_726, %mul3A_728 : vector<16xf32>
          tpu.vector_store_idx %arg11[%broadcast_in_dim3A, %add3A_466, %select_n3A_522, %broadcast_in_dim3A_711], %mul3A_729 : memref<2x8x8x129xf32, #tpu.memory_space<vmem>>[vector<16xi32>, vector<16xi32>, vector<16xi32>, vector<16xi32>], vector<16xf32>,
          %get3A_730 = arith.index_cast %add3A_708 : i32 to index
          %get3A_731 = arith.constant 48 : index
          %get3A_732 = tpu.vector_load %arg9[%get3A_730, %get3A_731] {strides = array<i32>} : memref<256x64xf32, #tpu.memory_space<vmem>>, vector<16xf32>,
          %mul3A_733 = arith.constant 8.000000e+00 : f32
          %mul3A_734 = vector.broadcast %mul3A_733 : f32 to vector<16xf32>
          %mul3A_735 = arith.mulf %get3A_732, %mul3A_734 : vector<16xf32>
          tpu.vector_store_idx %arg11[%broadcast_in_dim3A, %add3A_500, %select_n3A_522, %broadcast_in_dim3A_711], %mul3A_735 : memref<2x8x8x129xf32, #tpu.memory_space<vmem>>[vector<16xi32>, vector<16xi32>, vector<16xi32>, vector<16xi32>], vector<16xf32>,
          %add3A_736 = arith.constant 4 : i32
          %add3A_737 = arith.addi %mul3A_577, %add3A_736 : i32
          %add3A_738 = arith.constant 4 : i32
          %add3A_739 = arith.addi %mul3A_619, %add3A_738 : i32
          %broadcast_in_dim3A_740 = vector.broadcast %add3A_739 : i32 to vector<16xi32>
          %get3A_741 = arith.index_cast %add3A_737 : i32 to index
          %get3A_742 = arith.constant 0 : index
          %get3A_743 = tpu.vector_load %arg9[%get3A_741, %get3A_742] {strides = array<i32>} : memref<256x64xf32, #tpu.memory_space<vmem>>, vector<16xf32>,
          %mul3A_744 = arith.constant 8.000000e+00 : f32
          %mul3A_745 = vector.broadcast %mul3A_744 : f32 to vector<16xf32>
          %mul3A_746 = arith.mulf %get3A_743, %mul3A_745 : vector<16xf32>
          tpu.vector_store_idx %arg11[%broadcast_in_dim3A, %add3A_398, %select_n3A_522, %broadcast_in_dim3A_740], %mul3A_746 : memref<2x8x8x129xf32, #tpu.memory_space<vmem>>[vector<16xi32>, vector<16xi32>, vector<16xi32>, vector<16xi32>], vector<16xf32>,
          %get3A_747 = arith.index_cast %add3A_737 : i32 to index
          %get3A_748 = arith.constant 16 : index
          %get3A_749 = tpu.vector_load %arg9[%get3A_747, %get3A_748] {strides = array<i32>} : memref<256x64xf32, #tpu.memory_space<vmem>>, vector<16xf32>,
          %mul3A_750 = arith.constant 8.000000e+00 : f32
          %mul3A_751 = vector.broadcast %mul3A_750 : f32 to vector<16xf32>
          %mul3A_752 = arith.mulf %get3A_749, %mul3A_751 : vector<16xf32>
          tpu.vector_store_idx %arg11[%broadcast_in_dim3A, %add3A_432, %select_n3A_522, %broadcast_in_dim3A_740], %mul3A_752 : memref<2x8x8x129xf32, #tpu.memory_space<vmem>>[vector<16xi32>, vector<16xi32>, vector<16xi32>, vector<16xi32>], vector<16xf32>,
          %get3A_753 = arith.index_cast %add3A_737 : i32 to index
          %get3A_754 = arith.constant 32 : index
          %get3A_755 = tpu.vector_load %arg9[%get3A_753, %get3A_754] {strides = array<i32>} : memref<256x64xf32, #tpu.memory_space<vmem>>, vector<16xf32>,
          %mul3A_756 = arith.constant 8.000000e+00 : f32
          %mul3A_757 = vector.broadcast %mul3A_756 : f32 to vector<16xf32>
          %mul3A_758 = arith.mulf %get3A_755, %mul3A_757 : vector<16xf32>
          tpu.vector_store_idx %arg11[%broadcast_in_dim3A, %add3A_466, %select_n3A_522, %broadcast_in_dim3A_740], %mul3A_758 : memref<2x8x8x129xf32, #tpu.memory_space<vmem>>[vector<16xi32>, vector<16xi32>, vector<16xi32>, vector<16xi32>], vector<16xf32>,
          %get3A_759 = arith.index_cast %add3A_737 : i32 to index
          %get3A_760 = arith.constant 48 : index
          %get3A_761 = tpu.vector_load %arg9[%get3A_759, %get3A_760] {strides = array<i32>} : memref<256x64xf32, #tpu.memory_space<vmem>>, vector<16xf32>,
          %mul3A_762 = arith.constant 8.000000e+00 : f32
          %mul3A_763 = vector.broadcast %mul3A_762 : f32 to vector<16xf32>
          %mul3A_764 = arith.mulf %get3A_761, %mul3A_763 : vector<16xf32>
          tpu.vector_store_idx %arg11[%broadcast_in_dim3A, %add3A_500, %select_n3A_522, %broadcast_in_dim3A_740], %mul3A_764 : memref<2x8x8x129xf32, #tpu.memory_space<vmem>>[vector<16xi32>, vector<16xi32>, vector<16xi32>, vector<16xi32>], vector<16xf32>,
          %add3A_765 = arith.constant 5 : i32
          %add3A_766 = arith.addi %mul3A_577, %add3A_765 : i32
          %add3A_767 = arith.constant 5 : i32
          %add3A_768 = arith.addi %mul3A_619, %add3A_767 : i32
          %broadcast_in_dim3A_769 = vector.broadcast %add3A_768 : i32 to vector<16xi32>
          %get3A_770 = arith.index_cast %add3A_766 : i32 to index
          %get3A_771 = arith.constant 0 : index
          %get3A_772 = tpu.vector_load %arg9[%get3A_770, %get3A_771] {strides = array<i32>} : memref<256x64xf32, #tpu.memory_space<vmem>>, vector<16xf32>,
          %mul3A_773 = arith.constant 8.000000e+00 : f32
          %mul3A_774 = vector.broadcast %mul3A_773 : f32 to vector<16xf32>
          %mul3A_775 = arith.mulf %get3A_772, %mul3A_774 : vector<16xf32>
          tpu.vector_store_idx %arg11[%broadcast_in_dim3A, %add3A_398, %select_n3A_522, %broadcast_in_dim3A_769], %mul3A_775 : memref<2x8x8x129xf32, #tpu.memory_space<vmem>>[vector<16xi32>, vector<16xi32>, vector<16xi32>, vector<16xi32>], vector<16xf32>,
          %get3A_776 = arith.index_cast %add3A_766 : i32 to index
          %get3A_777 = arith.constant 16 : index
          %get3A_778 = tpu.vector_load %arg9[%get3A_776, %get3A_777] {strides = array<i32>} : memref<256x64xf32, #tpu.memory_space<vmem>>, vector<16xf32>,
          %mul3A_779 = arith.constant 8.000000e+00 : f32
          %mul3A_780 = vector.broadcast %mul3A_779 : f32 to vector<16xf32>
          %mul3A_781 = arith.mulf %get3A_778, %mul3A_780 : vector<16xf32>
          tpu.vector_store_idx %arg11[%broadcast_in_dim3A, %add3A_432, %select_n3A_522, %broadcast_in_dim3A_769], %mul3A_781 : memref<2x8x8x129xf32, #tpu.memory_space<vmem>>[vector<16xi32>, vector<16xi32>, vector<16xi32>, vector<16xi32>], vector<16xf32>,
          %get3A_782 = arith.index_cast %add3A_766 : i32 to index
          %get3A_783 = arith.constant 32 : index
          %get3A_784 = tpu.vector_load %arg9[%get3A_782, %get3A_783] {strides = array<i32>} : memref<256x64xf32, #tpu.memory_space<vmem>>, vector<16xf32>,
          %mul3A_785 = arith.constant 8.000000e+00 : f32
          %mul3A_786 = vector.broadcast %mul3A_785 : f32 to vector<16xf32>
          %mul3A_787 = arith.mulf %get3A_784, %mul3A_786 : vector<16xf32>
          tpu.vector_store_idx %arg11[%broadcast_in_dim3A, %add3A_466, %select_n3A_522, %broadcast_in_dim3A_769], %mul3A_787 : memref<2x8x8x129xf32, #tpu.memory_space<vmem>>[vector<16xi32>, vector<16xi32>, vector<16xi32>, vector<16xi32>], vector<16xf32>,
          %get3A_788 = arith.index_cast %add3A_766 : i32 to index
          %get3A_789 = arith.constant 48 : index
          %get3A_790 = tpu.vector_load %arg9[%get3A_788, %get3A_789] {strides = array<i32>} : memref<256x64xf32, #tpu.memory_space<vmem>>, vector<16xf32>,
          %mul3A_791 = arith.constant 8.000000e+00 : f32
          %mul3A_792 = vector.broadcast %mul3A_791 : f32 to vector<16xf32>
          %mul3A_793 = arith.mulf %get3A_790, %mul3A_792 : vector<16xf32>
          tpu.vector_store_idx %arg11[%broadcast_in_dim3A, %add3A_500, %select_n3A_522, %broadcast_in_dim3A_769], %mul3A_793 : memref<2x8x8x129xf32, #tpu.memory_space<vmem>>[vector<16xi32>, vector<16xi32>, vector<16xi32>, vector<16xi32>], vector<16xf32>,
          %add3A_794 = arith.constant 6 : i32
          %add3A_795 = arith.addi %mul3A_577, %add3A_794 : i32
          %add3A_796 = arith.constant 6 : i32
          %add3A_797 = arith.addi %mul3A_619, %add3A_796 : i32
          %broadcast_in_dim3A_798 = vector.broadcast %add3A_797 : i32 to vector<16xi32>
          %get3A_799 = arith.index_cast %add3A_795 : i32 to index
          %get3A_800 = arith.constant 0 : index
          %get3A_801 = tpu.vector_load %arg9[%get3A_799, %get3A_800] {strides = array<i32>} : memref<256x64xf32, #tpu.memory_space<vmem>>, vector<16xf32>,
          %mul3A_802 = arith.constant 8.000000e+00 : f32
          %mul3A_803 = vector.broadcast %mul3A_802 : f32 to vector<16xf32>
          %mul3A_804 = arith.mulf %get3A_801, %mul3A_803 : vector<16xf32>
          tpu.vector_store_idx %arg11[%broadcast_in_dim3A, %add3A_398, %select_n3A_522, %broadcast_in_dim3A_798], %mul3A_804 : memref<2x8x8x129xf32, #tpu.memory_space<vmem>>[vector<16xi32>, vector<16xi32>, vector<16xi32>, vector<16xi32>], vector<16xf32>,
          %get3A_805 = arith.index_cast %add3A_795 : i32 to index
          %get3A_806 = arith.constant 16 : index
          %get3A_807 = tpu.vector_load %arg9[%get3A_805, %get3A_806] {strides = array<i32>} : memref<256x64xf32, #tpu.memory_space<vmem>>, vector<16xf32>,
          %mul3A_808 = arith.constant 8.000000e+00 : f32
          %mul3A_809 = vector.broadcast %mul3A_808 : f32 to vector<16xf32>
          %mul3A_810 = arith.mulf %get3A_807, %mul3A_809 : vector<16xf32>
          tpu.vector_store_idx %arg11[%broadcast_in_dim3A, %add3A_432, %select_n3A_522, %broadcast_in_dim3A_798], %mul3A_810 : memref<2x8x8x129xf32, #tpu.memory_space<vmem>>[vector<16xi32>, vector<16xi32>, vector<16xi32>, vector<16xi32>], vector<16xf32>,
          %get3A_811 = arith.index_cast %add3A_795 : i32 to index
          %get3A_812 = arith.constant 32 : index
          %get3A_813 = tpu.vector_load %arg9[%get3A_811, %get3A_812] {strides = array<i32>} : memref<256x64xf32, #tpu.memory_space<vmem>>, vector<16xf32>,
          %mul3A_814 = arith.constant 8.000000e+00 : f32
          %mul3A_815 = vector.broadcast %mul3A_814 : f32 to vector<16xf32>
          %mul3A_816 = arith.mulf %get3A_813, %mul3A_815 : vector<16xf32>
          tpu.vector_store_idx %arg11[%broadcast_in_dim3A, %add3A_466, %select_n3A_522, %broadcast_in_dim3A_798], %mul3A_816 : memref<2x8x8x129xf32, #tpu.memory_space<vmem>>[vector<16xi32>, vector<16xi32>, vector<16xi32>, vector<16xi32>], vector<16xf32>,
          %get3A_817 = arith.index_cast %add3A_795 : i32 to index
          %get3A_818 = arith.constant 48 : index
          %get3A_819 = tpu.vector_load %arg9[%get3A_817, %get3A_818] {strides = array<i32>} : memref<256x64xf32, #tpu.memory_space<vmem>>, vector<16xf32>,
          %mul3A_820 = arith.constant 8.000000e+00 : f32
          %mul3A_821 = vector.broadcast %mul3A_820 : f32 to vector<16xf32>
          %mul3A_822 = arith.mulf %get3A_819, %mul3A_821 : vector<16xf32>
          tpu.vector_store_idx %arg11[%broadcast_in_dim3A, %add3A_500, %select_n3A_522, %broadcast_in_dim3A_798], %mul3A_822 : memref<2x8x8x129xf32, #tpu.memory_space<vmem>>[vector<16xi32>, vector<16xi32>, vector<16xi32>, vector<16xi32>], vector<16xf32>,
          %add3A_823 = arith.constant 7 : i32
          %add3A_824 = arith.addi %mul3A_577, %add3A_823 : i32
          %add3A_825 = arith.constant 7 : i32
          %add3A_826 = arith.addi %mul3A_619, %add3A_825 : i32
          %broadcast_in_dim3A_827 = vector.broadcast %add3A_826 : i32 to vector<16xi32>
          %get3A_828 = arith.index_cast %add3A_824 : i32 to index
          %get3A_829 = arith.constant 0 : index
          %get3A_830 = tpu.vector_load %arg9[%get3A_828, %get3A_829] {strides = array<i32>} : memref<256x64xf32, #tpu.memory_space<vmem>>, vector<16xf32>,
          %mul3A_831 = arith.constant 8.000000e+00 : f32
          %mul3A_832 = vector.broadcast %mul3A_831 : f32 to vector<16xf32>
          %mul3A_833 = arith.mulf %get3A_830, %mul3A_832 : vector<16xf32>
          tpu.vector_store_idx %arg11[%broadcast_in_dim3A, %add3A_398, %select_n3A_522, %broadcast_in_dim3A_827], %mul3A_833 : memref<2x8x8x129xf32, #tpu.memory_space<vmem>>[vector<16xi32>, vector<16xi32>, vector<16xi32>, vector<16xi32>], vector<16xf32>,
          %get3A_834 = arith.index_cast %add3A_824 : i32 to index
          %get3A_835 = arith.constant 16 : index
          %get3A_836 = tpu.vector_load %arg9[%get3A_834, %get3A_835] {strides = array<i32>} : memref<256x64xf32, #tpu.memory_space<vmem>>, vector<16xf32>,
          %mul3A_837 = arith.constant 8.000000e+00 : f32
          %mul3A_838 = vector.broadcast %mul3A_837 : f32 to vector<16xf32>
          %mul3A_839 = arith.mulf %get3A_836, %mul3A_838 : vector<16xf32>
          tpu.vector_store_idx %arg11[%broadcast_in_dim3A, %add3A_432, %select_n3A_522, %broadcast_in_dim3A_827], %mul3A_839 : memref<2x8x8x129xf32, #tpu.memory_space<vmem>>[vector<16xi32>, vector<16xi32>, vector<16xi32>, vector<16xi32>], vector<16xf32>,
          %get3A_840 = arith.index_cast %add3A_824 : i32 to index
          %get3A_841 = arith.constant 32 : index
          %get3A_842 = tpu.vector_load %arg9[%get3A_840, %get3A_841] {strides = array<i32>} : memref<256x64xf32, #tpu.memory_space<vmem>>, vector<16xf32>,
          %mul3A_843 = arith.constant 8.000000e+00 : f32
          %mul3A_844 = vector.broadcast %mul3A_843 : f32 to vector<16xf32>
          %mul3A_845 = arith.mulf %get3A_842, %mul3A_844 : vector<16xf32>
          tpu.vector_store_idx %arg11[%broadcast_in_dim3A, %add3A_466, %select_n3A_522, %broadcast_in_dim3A_827], %mul3A_845 : memref<2x8x8x129xf32, #tpu.memory_space<vmem>>[vector<16xi32>, vector<16xi32>, vector<16xi32>, vector<16xi32>], vector<16xf32>,
          %get3A_846 = arith.index_cast %add3A_824 : i32 to index
          %get3A_847 = arith.constant 48 : index
          %get3A_848 = tpu.vector_load %arg9[%get3A_846, %get3A_847] {strides = array<i32>} : memref<256x64xf32, #tpu.memory_space<vmem>>, vector<16xf32>,
          %mul3A_849 = arith.constant 8.000000e+00 : f32
          %mul3A_850 = vector.broadcast %mul3A_849 : f32 to vector<16xf32>
          %mul3A_851 = arith.mulf %get3A_848, %mul3A_850 : vector<16xf32>
          tpu.vector_store_idx %arg11[%broadcast_in_dim3A, %add3A_500, %select_n3A_522, %broadcast_in_dim3A_827], %mul3A_851 : memref<2x8x8x129xf32, #tpu.memory_space<vmem>>[vector<16xi32>, vector<16xi32>, vector<16xi32>, vector<16xi32>], vector<16xf32>,
          %add3A_852 = arith.constant 8 : i32
          %add3A_853 = arith.addi %mul3A_577, %add3A_852 : i32
          %add3A_854 = arith.constant 8 : i32
          %add3A_855 = arith.addi %mul3A_619, %add3A_854 : i32
          %broadcast_in_dim3A_856 = vector.broadcast %add3A_855 : i32 to vector<16xi32>
          %get3A_857 = arith.index_cast %add3A_853 : i32 to index
          %get3A_858 = arith.constant 0 : index
          %get3A_859 = tpu.vector_load %arg9[%get3A_857, %get3A_858] {strides = array<i32>} : memref<256x64xf32, #tpu.memory_space<vmem>>, vector<16xf32>,
          %mul3A_860 = arith.constant 8.000000e+00 : f32
          %mul3A_861 = vector.broadcast %mul3A_860 : f32 to vector<16xf32>
          %mul3A_862 = arith.mulf %get3A_859, %mul3A_861 : vector<16xf32>
          tpu.vector_store_idx %arg11[%broadcast_in_dim3A, %add3A_398, %select_n3A_522, %broadcast_in_dim3A_856], %mul3A_862 : memref<2x8x8x129xf32, #tpu.memory_space<vmem>>[vector<16xi32>, vector<16xi32>, vector<16xi32>, vector<16xi32>], vector<16xf32>,
          %get3A_863 = arith.index_cast %add3A_853 : i32 to index
          %get3A_864 = arith.constant 16 : index
          %get3A_865 = tpu.vector_load %arg9[%get3A_863, %get3A_864] {strides = array<i32>} : memref<256x64xf32, #tpu.memory_space<vmem>>, vector<16xf32>,
          %mul3A_866 = arith.constant 8.000000e+00 : f32
          %mul3A_867 = vector.broadcast %mul3A_866 : f32 to vector<16xf32>
          %mul3A_868 = arith.mulf %get3A_865, %mul3A_867 : vector<16xf32>
          tpu.vector_store_idx %arg11[%broadcast_in_dim3A, %add3A_432, %select_n3A_522, %broadcast_in_dim3A_856], %mul3A_868 : memref<2x8x8x129xf32, #tpu.memory_space<vmem>>[vector<16xi32>, vector<16xi32>, vector<16xi32>, vector<16xi32>], vector<16xf32>,
          %get3A_869 = arith.index_cast %add3A_853 : i32 to index
          %get3A_870 = arith.constant 32 : index
          %get3A_871 = tpu.vector_load %arg9[%get3A_869, %get3A_870] {strides = array<i32>} : memref<256x64xf32, #tpu.memory_space<vmem>>, vector<16xf32>,
          %mul3A_872 = arith.constant 8.000000e+00 : f32
          %mul3A_873 = vector.broadcast %mul3A_872 : f32 to vector<16xf32>
          %mul3A_874 = arith.mulf %get3A_871, %mul3A_873 : vector<16xf32>
          tpu.vector_store_idx %arg11[%broadcast_in_dim3A, %add3A_466, %select_n3A_522, %broadcast_in_dim3A_856], %mul3A_874 : memref<2x8x8x129xf32, #tpu.memory_space<vmem>>[vector<16xi32>, vector<16xi32>, vector<16xi32>, vector<16xi32>], vector<16xf32>,
          %get3A_875 = arith.index_cast %add3A_853 : i32 to index
          %get3A_876 = arith.constant 48 : index
          %get3A_877 = tpu.vector_load %arg9[%get3A_875, %get3A_876] {strides = array<i32>} : memref<256x64xf32, #tpu.memory_space<vmem>>, vector<16xf32>,
          %mul3A_878 = arith.constant 8.000000e+00 : f32
          %mul3A_879 = vector.broadcast %mul3A_878 : f32 to vector<16xf32>
          %mul3A_880 = arith.mulf %get3A_877, %mul3A_879 : vector<16xf32>
          tpu.vector_store_idx %arg11[%broadcast_in_dim3A, %add3A_500, %select_n3A_522, %broadcast_in_dim3A_856], %mul3A_880 : memref<2x8x8x129xf32, #tpu.memory_space<vmem>>[vector<16xi32>, vector<16xi32>, vector<16xi32>, vector<16xi32>], vector<16xf32>,
          %add3A_881 = arith.constant 9 : i32
          %add3A_882 = arith.addi %mul3A_577, %add3A_881 : i32
          %add3A_883 = arith.constant 9 : i32
          %add3A_884 = arith.addi %mul3A_619, %add3A_883 : i32
          %broadcast_in_dim3A_885 = vector.broadcast %add3A_884 : i32 to vector<16xi32>
          %get3A_886 = arith.index_cast %add3A_882 : i32 to index
          %get3A_887 = arith.constant 0 : index
          %get3A_888 = tpu.vector_load %arg9[%get3A_886, %get3A_887] {strides = array<i32>} : memref<256x64xf32, #tpu.memory_space<vmem>>, vector<16xf32>,
          %mul3A_889 = arith.constant 8.000000e+00 : f32
          %mul3A_890 = vector.broadcast %mul3A_889 : f32 to vector<16xf32>
          %mul3A_891 = arith.mulf %get3A_888, %mul3A_890 : vector<16xf32>
          tpu.vector_store_idx %arg11[%broadcast_in_dim3A, %add3A_398, %select_n3A_522, %broadcast_in_dim3A_885], %mul3A_891 : memref<2x8x8x129xf32, #tpu.memory_space<vmem>>[vector<16xi32>, vector<16xi32>, vector<16xi32>, vector<16xi32>], vector<16xf32>,
          %get3A_892 = arith.index_cast %add3A_882 : i32 to index
          %get3A_893 = arith.constant 16 : index
          %get3A_894 = tpu.vector_load %arg9[%get3A_892, %get3A_893] {strides = array<i32>} : memref<256x64xf32, #tpu.memory_space<vmem>>, vector<16xf32>,
          %mul3A_895 = arith.constant 8.000000e+00 : f32
          %mul3A_896 = vector.broadcast %mul3A_895 : f32 to vector<16xf32>
          %mul3A_897 = arith.mulf %get3A_894, %mul3A_896 : vector<16xf32>
          tpu.vector_store_idx %arg11[%broadcast_in_dim3A, %add3A_432, %select_n3A_522, %broadcast_in_dim3A_885], %mul3A_897 : memref<2x8x8x129xf32, #tpu.memory_space<vmem>>[vector<16xi32>, vector<16xi32>, vector<16xi32>, vector<16xi32>], vector<16xf32>,
          %get3A_898 = arith.index_cast %add3A_882 : i32 to index
          %get3A_899 = arith.constant 32 : index
          %get3A_900 = tpu.vector_load %arg9[%get3A_898, %get3A_899] {strides = array<i32>} : memref<256x64xf32, #tpu.memory_space<vmem>>, vector<16xf32>,
          %mul3A_901 = arith.constant 8.000000e+00 : f32
          %mul3A_902 = vector.broadcast %mul3A_901 : f32 to vector<16xf32>
          %mul3A_903 = arith.mulf %get3A_900, %mul3A_902 : vector<16xf32>
          tpu.vector_store_idx %arg11[%broadcast_in_dim3A, %add3A_466, %select_n3A_522, %broadcast_in_dim3A_885], %mul3A_903 : memref<2x8x8x129xf32, #tpu.memory_space<vmem>>[vector<16xi32>, vector<16xi32>, vector<16xi32>, vector<16xi32>], vector<16xf32>,
          %get3A_904 = arith.index_cast %add3A_882 : i32 to index
          %get3A_905 = arith.constant 48 : index
          %get3A_906 = tpu.vector_load %arg9[%get3A_904, %get3A_905] {strides = array<i32>} : memref<256x64xf32, #tpu.memory_space<vmem>>, vector<16xf32>,
          %mul3A_907 = arith.constant 8.000000e+00 : f32
          %mul3A_908 = vector.broadcast %mul3A_907 : f32 to vector<16xf32>
          %mul3A_909 = arith.mulf %get3A_906, %mul3A_908 : vector<16xf32>
          tpu.vector_store_idx %arg11[%broadcast_in_dim3A, %add3A_500, %select_n3A_522, %broadcast_in_dim3A_885], %mul3A_909 : memref<2x8x8x129xf32, #tpu.memory_space<vmem>>[vector<16xi32>, vector<16xi32>, vector<16xi32>, vector<16xi32>], vector<16xf32>,
          %add3A_910 = arith.constant 10 : i32
          %add3A_911 = arith.addi %mul3A_577, %add3A_910 : i32
          %add3A_912 = arith.constant 10 : i32
          %add3A_913 = arith.addi %mul3A_619, %add3A_912 : i32
          %broadcast_in_dim3A_914 = vector.broadcast %add3A_913 : i32 to vector<16xi32>
          %get3A_915 = arith.index_cast %add3A_911 : i32 to index
          %get3A_916 = arith.constant 0 : index
          %get3A_917 = tpu.vector_load %arg9[%get3A_915, %get3A_916] {strides = array<i32>} : memref<256x64xf32, #tpu.memory_space<vmem>>, vector<16xf32>,
          %mul3A_918 = arith.constant 8.000000e+00 : f32
          %mul3A_919 = vector.broadcast %mul3A_918 : f32 to vector<16xf32>
          %mul3A_920 = arith.mulf %get3A_917, %mul3A_919 : vector<16xf32>
          tpu.vector_store_idx %arg11[%broadcast_in_dim3A, %add3A_398, %select_n3A_522, %broadcast_in_dim3A_914], %mul3A_920 : memref<2x8x8x129xf32, #tpu.memory_space<vmem>>[vector<16xi32>, vector<16xi32>, vector<16xi32>, vector<16xi32>], vector<16xf32>,
          %get3A_921 = arith.index_cast %add3A_911 : i32 to index
          %get3A_922 = arith.constant 16 : index
          %get3A_923 = tpu.vector_load %arg9[%get3A_921, %get3A_922] {strides = array<i32>} : memref<256x64xf32, #tpu.memory_space<vmem>>, vector<16xf32>,
          %mul3A_924 = arith.constant 8.000000e+00 : f32
          %mul3A_925 = vector.broadcast %mul3A_924 : f32 to vector<16xf32>
          %mul3A_926 = arith.mulf %get3A_923, %mul3A_925 : vector<16xf32>
          tpu.vector_store_idx %arg11[%broadcast_in_dim3A, %add3A_432, %select_n3A_522, %broadcast_in_dim3A_914], %mul3A_926 : memref<2x8x8x129xf32, #tpu.memory_space<vmem>>[vector<16xi32>, vector<16xi32>, vector<16xi32>, vector<16xi32>], vector<16xf32>,
          %get3A_927 = arith.index_cast %add3A_911 : i32 to index
          %get3A_928 = arith.constant 32 : index
          %get3A_929 = tpu.vector_load %arg9[%get3A_927, %get3A_928] {strides = array<i32>} : memref<256x64xf32, #tpu.memory_space<vmem>>, vector<16xf32>,
          %mul3A_930 = arith.constant 8.000000e+00 : f32
          %mul3A_931 = vector.broadcast %mul3A_930 : f32 to vector<16xf32>
          %mul3A_932 = arith.mulf %get3A_929, %mul3A_931 : vector<16xf32>
          tpu.vector_store_idx %arg11[%broadcast_in_dim3A, %add3A_466, %select_n3A_522, %broadcast_in_dim3A_914], %mul3A_932 : memref<2x8x8x129xf32, #tpu.memory_space<vmem>>[vector<16xi32>, vector<16xi32>, vector<16xi32>, vector<16xi32>], vector<16xf32>,
          %get3A_933 = arith.index_cast %add3A_911 : i32 to index
          %get3A_934 = arith.constant 48 : index
          %get3A_935 = tpu.vector_load %arg9[%get3A_933, %get3A_934] {strides = array<i32>} : memref<256x64xf32, #tpu.memory_space<vmem>>, vector<16xf32>,
          %mul3A_936 = arith.constant 8.000000e+00 : f32
          %mul3A_937 = vector.broadcast %mul3A_936 : f32 to vector<16xf32>
          %mul3A_938 = arith.mulf %get3A_935, %mul3A_937 : vector<16xf32>
          tpu.vector_store_idx %arg11[%broadcast_in_dim3A, %add3A_500, %select_n3A_522, %broadcast_in_dim3A_914], %mul3A_938 : memref<2x8x8x129xf32, #tpu.memory_space<vmem>>[vector<16xi32>, vector<16xi32>, vector<16xi32>, vector<16xi32>], vector<16xf32>,
          %add3A_939 = arith.constant 11 : i32
          %add3A_940 = arith.addi %mul3A_577, %add3A_939 : i32
          %add3A_941 = arith.constant 11 : i32
          %add3A_942 = arith.addi %mul3A_619, %add3A_941 : i32
          %broadcast_in_dim3A_943 = vector.broadcast %add3A_942 : i32 to vector<16xi32>
          %get3A_944 = arith.index_cast %add3A_940 : i32 to index
          %get3A_945 = arith.constant 0 : index
          %get3A_946 = tpu.vector_load %arg9[%get3A_944, %get3A_945] {strides = array<i32>} : memref<256x64xf32, #tpu.memory_space<vmem>>, vector<16xf32>,
          %mul3A_947 = arith.constant 8.000000e+00 : f32
          %mul3A_948 = vector.broadcast %mul3A_947 : f32 to vector<16xf32>
          %mul3A_949 = arith.mulf %get3A_946, %mul3A_948 : vector<16xf32>
          tpu.vector_store_idx %arg11[%broadcast_in_dim3A, %add3A_398, %select_n3A_522, %broadcast_in_dim3A_943], %mul3A_949 : memref<2x8x8x129xf32, #tpu.memory_space<vmem>>[vector<16xi32>, vector<16xi32>, vector<16xi32>, vector<16xi32>], vector<16xf32>,
          %get3A_950 = arith.index_cast %add3A_940 : i32 to index
          %get3A_951 = arith.constant 16 : index
          %get3A_952 = tpu.vector_load %arg9[%get3A_950, %get3A_951] {strides = array<i32>} : memref<256x64xf32, #tpu.memory_space<vmem>>, vector<16xf32>,
          %mul3A_953 = arith.constant 8.000000e+00 : f32
          %mul3A_954 = vector.broadcast %mul3A_953 : f32 to vector<16xf32>
          %mul3A_955 = arith.mulf %get3A_952, %mul3A_954 : vector<16xf32>
          tpu.vector_store_idx %arg11[%broadcast_in_dim3A, %add3A_432, %select_n3A_522, %broadcast_in_dim3A_943], %mul3A_955 : memref<2x8x8x129xf32, #tpu.memory_space<vmem>>[vector<16xi32>, vector<16xi32>, vector<16xi32>, vector<16xi32>], vector<16xf32>,
          %get3A_956 = arith.index_cast %add3A_940 : i32 to index
          %get3A_957 = arith.constant 32 : index
          %get3A_958 = tpu.vector_load %arg9[%get3A_956, %get3A_957] {strides = array<i32>} : memref<256x64xf32, #tpu.memory_space<vmem>>, vector<16xf32>,
          %mul3A_959 = arith.constant 8.000000e+00 : f32
          %mul3A_960 = vector.broadcast %mul3A_959 : f32 to vector<16xf32>
          %mul3A_961 = arith.mulf %get3A_958, %mul3A_960 : vector<16xf32>
          tpu.vector_store_idx %arg11[%broadcast_in_dim3A, %add3A_466, %select_n3A_522, %broadcast_in_dim3A_943], %mul3A_961 : memref<2x8x8x129xf32, #tpu.memory_space<vmem>>[vector<16xi32>, vector<16xi32>, vector<16xi32>, vector<16xi32>], vector<16xf32>,
          %get3A_962 = arith.index_cast %add3A_940 : i32 to index
          %get3A_963 = arith.constant 48 : index
          %get3A_964 = tpu.vector_load %arg9[%get3A_962, %get3A_963] {strides = array<i32>} : memref<256x64xf32, #tpu.memory_space<vmem>>, vector<16xf32>,
          %mul3A_965 = arith.constant 8.000000e+00 : f32
          %mul3A_966 = vector.broadcast %mul3A_965 : f32 to vector<16xf32>
          %mul3A_967 = arith.mulf %get3A_964, %mul3A_966 : vector<16xf32>
          tpu.vector_store_idx %arg11[%broadcast_in_dim3A, %add3A_500, %select_n3A_522, %broadcast_in_dim3A_943], %mul3A_967 : memref<2x8x8x129xf32, #tpu.memory_space<vmem>>[vector<16xi32>, vector<16xi32>, vector<16xi32>, vector<16xi32>], vector<16xf32>,
          %add3A_968 = arith.constant 12 : i32
          %add3A_969 = arith.addi %mul3A_577, %add3A_968 : i32
          %add3A_970 = arith.constant 12 : i32
          %add3A_971 = arith.addi %mul3A_619, %add3A_970 : i32
          %broadcast_in_dim3A_972 = vector.broadcast %add3A_971 : i32 to vector<16xi32>
          %get3A_973 = arith.index_cast %add3A_969 : i32 to index
          %get3A_974 = arith.constant 0 : index
          %get3A_975 = tpu.vector_load %arg9[%get3A_973, %get3A_974] {strides = array<i32>} : memref<256x64xf32, #tpu.memory_space<vmem>>, vector<16xf32>,
          %mul3A_976 = arith.constant 8.000000e+00 : f32
          %mul3A_977 = vector.broadcast %mul3A_976 : f32 to vector<16xf32>
          %mul3A_978 = arith.mulf %get3A_975, %mul3A_977 : vector<16xf32>
          tpu.vector_store_idx %arg11[%broadcast_in_dim3A, %add3A_398, %select_n3A_522, %broadcast_in_dim3A_972], %mul3A_978 : memref<2x8x8x129xf32, #tpu.memory_space<vmem>>[vector<16xi32>, vector<16xi32>, vector<16xi32>, vector<16xi32>], vector<16xf32>,
          %get3A_979 = arith.index_cast %add3A_969 : i32 to index
          %get3A_980 = arith.constant 16 : index
          %get3A_981 = tpu.vector_load %arg9[%get3A_979, %get3A_980] {strides = array<i32>} : memref<256x64xf32, #tpu.memory_space<vmem>>, vector<16xf32>,
          %mul3A_982 = arith.constant 8.000000e+00 : f32
          %mul3A_983 = vector.broadcast %mul3A_982 : f32 to vector<16xf32>
          %mul3A_984 = arith.mulf %get3A_981, %mul3A_983 : vector<16xf32>
          tpu.vector_store_idx %arg11[%broadcast_in_dim3A, %add3A_432, %select_n3A_522, %broadcast_in_dim3A_972], %mul3A_984 : memref<2x8x8x129xf32, #tpu.memory_space<vmem>>[vector<16xi32>, vector<16xi32>, vector<16xi32>, vector<16xi32>], vector<16xf32>,
          %get3A_985 = arith.index_cast %add3A_969 : i32 to index
          %get3A_986 = arith.constant 32 : index
          %get3A_987 = tpu.vector_load %arg9[%get3A_985, %get3A_986] {strides = array<i32>} : memref<256x64xf32, #tpu.memory_space<vmem>>, vector<16xf32>,
          %mul3A_988 = arith.constant 8.000000e+00 : f32
          %mul3A_989 = vector.broadcast %mul3A_988 : f32 to vector<16xf32>
          %mul3A_990 = arith.mulf %get3A_987, %mul3A_989 : vector<16xf32>
          tpu.vector_store_idx %arg11[%broadcast_in_dim3A, %add3A_466, %select_n3A_522, %broadcast_in_dim3A_972], %mul3A_990 : memref<2x8x8x129xf32, #tpu.memory_space<vmem>>[vector<16xi32>, vector<16xi32>, vector<16xi32>, vector<16xi32>], vector<16xf32>,
          %get3A_991 = arith.index_cast %add3A_969 : i32 to index
          %get3A_992 = arith.constant 48 : index
          %get3A_993 = tpu.vector_load %arg9[%get3A_991, %get3A_992] {strides = array<i32>} : memref<256x64xf32, #tpu.memory_space<vmem>>, vector<16xf32>,
          %mul3A_994 = arith.constant 8.000000e+00 : f32
          %mul3A_995 = vector.broadcast %mul3A_994 : f32 to vector<16xf32>
          %mul3A_996 = arith.mulf %get3A_993, %mul3A_995 : vector<16xf32>
          tpu.vector_store_idx %arg11[%broadcast_in_dim3A, %add3A_500, %select_n3A_522, %broadcast_in_dim3A_972], %mul3A_996 : memref<2x8x8x129xf32, #tpu.memory_space<vmem>>[vector<16xi32>, vector<16xi32>, vector<16xi32>, vector<16xi32>], vector<16xf32>,
          %add3A_997 = arith.constant 13 : i32
          %add3A_998 = arith.addi %mul3A_577, %add3A_997 : i32
          %add3A_999 = arith.constant 13 : i32
          %add3A_1000 = arith.addi %mul3A_619, %add3A_999 : i32
          %broadcast_in_dim3A_1001 = vector.broadcast %add3A_1000 : i32 to vector<16xi32>
          %get3A_1002 = arith.index_cast %add3A_998 : i32 to index
          %get3A_1003 = arith.constant 0 : index
          %get3A_1004 = tpu.vector_load %arg9[%get3A_1002, %get3A_1003] {strides = array<i32>} : memref<256x64xf32, #tpu.memory_space<vmem>>, vector<16xf32>,
          %mul3A_1005 = arith.constant 8.000000e+00 : f32
          %mul3A_1006 = vector.broadcast %mul3A_1005 : f32 to vector<16xf32>
          %mul3A_1007 = arith.mulf %get3A_1004, %mul3A_1006 : vector<16xf32>
          tpu.vector_store_idx %arg11[%broadcast_in_dim3A, %add3A_398, %select_n3A_522, %broadcast_in_dim3A_1001], %mul3A_1007 : memref<2x8x8x129xf32, #tpu.memory_space<vmem>>[vector<16xi32>, vector<16xi32>, vector<16xi32>, vector<16xi32>], vector<16xf32>,
          %get3A_1008 = arith.index_cast %add3A_998 : i32 to index
          %get3A_1009 = arith.constant 16 : index
          %get3A_1010 = tpu.vector_load %arg9[%get3A_1008, %get3A_1009] {strides = array<i32>} : memref<256x64xf32, #tpu.memory_space<vmem>>, vector<16xf32>,
          %mul3A_1011 = arith.constant 8.000000e+00 : f32
          %mul3A_1012 = vector.broadcast %mul3A_1011 : f32 to vector<16xf32>
          %mul3A_1013 = arith.mulf %get3A_1010, %mul3A_1012 : vector<16xf32>
          tpu.vector_store_idx %arg11[%broadcast_in_dim3A, %add3A_432, %select_n3A_522, %broadcast_in_dim3A_1001], %mul3A_1013 : memref<2x8x8x129xf32, #tpu.memory_space<vmem>>[vector<16xi32>, vector<16xi32>, vector<16xi32>, vector<16xi32>], vector<16xf32>,
          %get3A_1014 = arith.index_cast %add3A_998 : i32 to index
          %get3A_1015 = arith.constant 32 : index
          %get3A_1016 = tpu.vector_load %arg9[%get3A_1014, %get3A_1015] {strides = array<i32>} : memref<256x64xf32, #tpu.memory_space<vmem>>, vector<16xf32>,
          %mul3A_1017 = arith.constant 8.000000e+00 : f32
          %mul3A_1018 = vector.broadcast %mul3A_1017 : f32 to vector<16xf32>
          %mul3A_1019 = arith.mulf %get3A_1016, %mul3A_1018 : vector<16xf32>
          tpu.vector_store_idx %arg11[%broadcast_in_dim3A, %add3A_466, %select_n3A_522, %broadcast_in_dim3A_1001], %mul3A_1019 : memref<2x8x8x129xf32, #tpu.memory_space<vmem>>[vector<16xi32>, vector<16xi32>, vector<16xi32>, vector<16xi32>], vector<16xf32>,
          %get3A_1020 = arith.index_cast %add3A_998 : i32 to index
          %get3A_1021 = arith.constant 48 : index
          %get3A_1022 = tpu.vector_load %arg9[%get3A_1020, %get3A_1021] {strides = array<i32>} : memref<256x64xf32, #tpu.memory_space<vmem>>, vector<16xf32>,
          %mul3A_1023 = arith.constant 8.000000e+00 : f32
          %mul3A_1024 = vector.broadcast %mul3A_1023 : f32 to vector<16xf32>
          %mul3A_1025 = arith.mulf %get3A_1022, %mul3A_1024 : vector<16xf32>
          tpu.vector_store_idx %arg11[%broadcast_in_dim3A, %add3A_500, %select_n3A_522, %broadcast_in_dim3A_1001], %mul3A_1025 : memref<2x8x8x129xf32, #tpu.memory_space<vmem>>[vector<16xi32>, vector<16xi32>, vector<16xi32>, vector<16xi32>], vector<16xf32>,
          %add3A_1026 = arith.constant 14 : i32
          %add3A_1027 = arith.addi %mul3A_577, %add3A_1026 : i32
          %add3A_1028 = arith.constant 14 : i32
          %add3A_1029 = arith.addi %mul3A_619, %add3A_1028 : i32
          %broadcast_in_dim3A_1030 = vector.broadcast %add3A_1029 : i32 to vector<16xi32>
          %get3A_1031 = arith.index_cast %add3A_1027 : i32 to index
          %get3A_1032 = arith.constant 0 : index
          %get3A_1033 = tpu.vector_load %arg9[%get3A_1031, %get3A_1032] {strides = array<i32>} : memref<256x64xf32, #tpu.memory_space<vmem>>, vector<16xf32>,
          %mul3A_1034 = arith.constant 8.000000e+00 : f32
          %mul3A_1035 = vector.broadcast %mul3A_1034 : f32 to vector<16xf32>
          %mul3A_1036 = arith.mulf %get3A_1033, %mul3A_1035 : vector<16xf32>
          tpu.vector_store_idx %arg11[%broadcast_in_dim3A, %add3A_398, %select_n3A_522, %broadcast_in_dim3A_1030], %mul3A_1036 : memref<2x8x8x129xf32, #tpu.memory_space<vmem>>[vector<16xi32>, vector<16xi32>, vector<16xi32>, vector<16xi32>], vector<16xf32>,
          %get3A_1037 = arith.index_cast %add3A_1027 : i32 to index
          %get3A_1038 = arith.constant 16 : index
          %get3A_1039 = tpu.vector_load %arg9[%get3A_1037, %get3A_1038] {strides = array<i32>} : memref<256x64xf32, #tpu.memory_space<vmem>>, vector<16xf32>,
          %mul3A_1040 = arith.constant 8.000000e+00 : f32
          %mul3A_1041 = vector.broadcast %mul3A_1040 : f32 to vector<16xf32>
          %mul3A_1042 = arith.mulf %get3A_1039, %mul3A_1041 : vector<16xf32>
          tpu.vector_store_idx %arg11[%broadcast_in_dim3A, %add3A_432, %select_n3A_522, %broadcast_in_dim3A_1030], %mul3A_1042 : memref<2x8x8x129xf32, #tpu.memory_space<vmem>>[vector<16xi32>, vector<16xi32>, vector<16xi32>, vector<16xi32>], vector<16xf32>,
          %get3A_1043 = arith.index_cast %add3A_1027 : i32 to index
          %get3A_1044 = arith.constant 32 : index
          %get3A_1045 = tpu.vector_load %arg9[%get3A_1043, %get3A_1044] {strides = array<i32>} : memref<256x64xf32, #tpu.memory_space<vmem>>, vector<16xf32>,
          %mul3A_1046 = arith.constant 8.000000e+00 : f32
          %mul3A_1047 = vector.broadcast %mul3A_1046 : f32 to vector<16xf32>
          %mul3A_1048 = arith.mulf %get3A_1045, %mul3A_1047 : vector<16xf32>
          tpu.vector_store_idx %arg11[%broadcast_in_dim3A, %add3A_466, %select_n3A_522, %broadcast_in_dim3A_1030], %mul3A_1048 : memref<2x8x8x129xf32, #tpu.memory_space<vmem>>[vector<16xi32>, vector<16xi32>, vector<16xi32>, vector<16xi32>], vector<16xf32>,
          %get3A_1049 = arith.index_cast %add3A_1027 : i32 to index
          %get3A_1050 = arith.constant 48 : index
          %get3A_1051 = tpu.vector_load %arg9[%get3A_1049, %get3A_1050] {strides = array<i32>} : memref<256x64xf32, #tpu.memory_space<vmem>>, vector<16xf32>,
          %mul3A_1052 = arith.constant 8.000000e+00 : f32
          %mul3A_1053 = vector.broadcast %mul3A_1052 : f32 to vector<16xf32>
          %mul3A_1054 = arith.mulf %get3A_1051, %mul3A_1053 : vector<16xf32>
          tpu.vector_store_idx %arg11[%broadcast_in_dim3A, %add3A_500, %select_n3A_522, %broadcast_in_dim3A_1030], %mul3A_1054 : memref<2x8x8x129xf32, #tpu.memory_space<vmem>>[vector<16xi32>, vector<16xi32>, vector<16xi32>, vector<16xi32>], vector<16xf32>,
          %add3A_1055 = arith.constant 15 : i32
          %add3A_1056 = arith.addi %mul3A_577, %add3A_1055 : i32
          %add3A_1057 = arith.constant 15 : i32
          %add3A_1058 = arith.addi %mul3A_619, %add3A_1057 : i32
          %broadcast_in_dim3A_1059 = vector.broadcast %add3A_1058 : i32 to vector<16xi32>
          %get3A_1060 = arith.index_cast %add3A_1056 : i32 to index
          %get3A_1061 = arith.constant 0 : index
          %get3A_1062 = tpu.vector_load %arg9[%get3A_1060, %get3A_1061] {strides = array<i32>} : memref<256x64xf32, #tpu.memory_space<vmem>>, vector<16xf32>,
          %mul3A_1063 = arith.constant 8.000000e+00 : f32
          %mul3A_1064 = vector.broadcast %mul3A_1063 : f32 to vector<16xf32>
          %mul3A_1065 = arith.mulf %get3A_1062, %mul3A_1064 : vector<16xf32>
          tpu.vector_store_idx %arg11[%broadcast_in_dim3A, %add3A_398, %select_n3A_522, %broadcast_in_dim3A_1059], %mul3A_1065 : memref<2x8x8x129xf32, #tpu.memory_space<vmem>>[vector<16xi32>, vector<16xi32>, vector<16xi32>, vector<16xi32>], vector<16xf32>,
          %get3A_1066 = arith.index_cast %add3A_1056 : i32 to index
          %get3A_1067 = arith.constant 16 : index
          %get3A_1068 = tpu.vector_load %arg9[%get3A_1066, %get3A_1067] {strides = array<i32>} : memref<256x64xf32, #tpu.memory_space<vmem>>, vector<16xf32>,
          %mul3A_1069 = arith.constant 8.000000e+00 : f32
          %mul3A_1070 = vector.broadcast %mul3A_1069 : f32 to vector<16xf32>
          %mul3A_1071 = arith.mulf %get3A_1068, %mul3A_1070 : vector<16xf32>
          tpu.vector_store_idx %arg11[%broadcast_in_dim3A, %add3A_432, %select_n3A_522, %broadcast_in_dim3A_1059], %mul3A_1071 : memref<2x8x8x129xf32, #tpu.memory_space<vmem>>[vector<16xi32>, vector<16xi32>, vector<16xi32>, vector<16xi32>], vector<16xf32>,
          %get3A_1072 = arith.index_cast %add3A_1056 : i32 to index
          %get3A_1073 = arith.constant 32 : index
          %get3A_1074 = tpu.vector_load %arg9[%get3A_1072, %get3A_1073] {strides = array<i32>} : memref<256x64xf32, #tpu.memory_space<vmem>>, vector<16xf32>,
          %mul3A_1075 = arith.constant 8.000000e+00 : f32
          %mul3A_1076 = vector.broadcast %mul3A_1075 : f32 to vector<16xf32>
          %mul3A_1077 = arith.mulf %get3A_1074, %mul3A_1076 : vector<16xf32>
          tpu.vector_store_idx %arg11[%broadcast_in_dim3A, %add3A_466, %select_n3A_522, %broadcast_in_dim3A_1059], %mul3A_1077 : memref<2x8x8x129xf32, #tpu.memory_space<vmem>>[vector<16xi32>, vector<16xi32>, vector<16xi32>, vector<16xi32>], vector<16xf32>,
          %get3A_1078 = arith.index_cast %add3A_1056 : i32 to index
          %get3A_1079 = arith.constant 48 : index
          %get3A_1080 = tpu.vector_load %arg9[%get3A_1078, %get3A_1079] {strides = array<i32>} : memref<256x64xf32, #tpu.memory_space<vmem>>, vector<16xf32>,
          %mul3A_1081 = arith.constant 8.000000e+00 : f32
          %mul3A_1082 = vector.broadcast %mul3A_1081 : f32 to vector<16xf32>
          %mul3A_1083 = arith.mulf %get3A_1080, %mul3A_1082 : vector<16xf32>
          tpu.vector_store_idx %arg11[%broadcast_in_dim3A, %add3A_500, %select_n3A_522, %broadcast_in_dim3A_1059], %mul3A_1083 : memref<2x8x8x129xf32, #tpu.memory_space<vmem>>[vector<16xi32>, vector<16xi32>, vector<16xi32>, vector<16xi32>], vector<16xf32>,
        }
        %scan3A_528 = arith.constant 16 : i32
        %add3A_529 = arith.constant 0 : i32
        %add3A_530 = arith.addi %mul3A_335, %add3A_529 : i32
        %dma_start3A_531 = arith.constant 0 : i32
        %dma_start3A_532 = arith.constant 0 : i32
        %dma_start3A_533 = arith.constant 0 : i32
        %dma_start3A_534 = arith.constant 0 : i32
        %dma_start3A_535 = tpu.memref_slice %arg11[%dma_start3A_531, %dma_start3A_532, %dma_start3A_533, %dma_start3A_534] : memref<2x8x8x129xf32, #tpu.memory_space<vmem>> -> memref<1x8x8x128xf32, #tpu.memory_space<vmem>>
        %dma_start3A_536 = tpu.memref_squeeze %dma_start3A_535 : memref<1x8x8x128xf32, #tpu.memory_space<vmem>> -> memref<8x8x128xf32, #tpu.memory_space<vmem>>
        %dma_start3A_537 = arith.constant 0 : i32
        %dma_start3A_538 = arith.constant 0 : i32
        %dma_start3A_539 = arith.constant 0 : i32
        %dma_start3A_540 = tpu.memref_slice %arg4[%select_n3A_317, %dma_start3A_537, %add3A_530, %dma_start3A_538, %dma_start3A_539] : memref<200x8x32x8x128xf32, #tpu.memory_space<hbm>> -> memref<1x8x1x8x128xf32, #tpu.memory_space<hbm>>
        %dma_start3A_541 = tpu.memref_squeeze %dma_start3A_540 : memref<1x8x1x8x128xf32, #tpu.memory_space<hbm>> -> memref<8x8x128xf32, #tpu.memory_space<hbm>>
        %dma_start3A_542 = arith.constant 0 : i32
        %dma_start3A_543 = arith.constant 0 : i32
        %dma_start3A_544 = arith.constant 0 : i32
        %dma_start3A_545 = tpu.memref_slice %arg4[%select_n3A_317, %dma_start3A_542, %add3A_530, %dma_start3A_543, %dma_start3A_544] : memref<200x8x32x8x128xf32, #tpu.memory_space<hbm>> -> memref<1x8x1x8x128xf32, #tpu.memory_space<hbm>>
        %dma_start3A_546 = tpu.memref_squeeze %dma_start3A_545 : memref<1x8x1x8x128xf32, #tpu.memory_space<hbm>> -> memref<8x8x128xf32, #tpu.memory_space<hbm>>
        %dma_start3A_547 = arith.constant 0 : i32
        %dma_start3A_548 = arith.constant 0 : i32
        %dma_start3A_549 = arith.constant 0 : i32
        %dma_start3A_550 = tpu.memref_slice %arg11[%dma_start3A_531, %dma_start3A_547, %dma_start3A_548, %dma_start3A_549] : memref<2x8x8x129xf32, #tpu.memory_space<vmem>> -> memref<1x8x8x128xf32, #tpu.memory_space<vmem>>
        %dma_start3A_551 = tpu.memref_squeeze %dma_start3A_550 : memref<1x8x8x128xf32, #tpu.memory_space<vmem>> -> memref<8x8x128xf32, #tpu.memory_space<vmem>>
        tpu.enqueue_dma source(%dma_start3A_551 : memref<8x8x128xf32, #tpu.memory_space<vmem>>) target(%dma_start3A_546 : memref<8x8x128xf32, #tpu.memory_space<hbm>>) target_semaphore(%arg17 : memref<!tpu.dma_semaphore, #tpu.memory_space<semaphore_mem>>)
        %add3A_552 = arith.constant 1 : i32
        %add3A_553 = arith.addi %mul3A_335, %add3A_552 : i32
        %dma_start3A_554 = arith.constant 1 : i32
        %dma_start3A_555 = arith.constant 0 : i32
        %dma_start3A_556 = arith.constant 0 : i32
        %dma_start3A_557 = arith.constant 0 : i32
        %dma_start3A_558 = tpu.memref_slice %arg11[%dma_start3A_554, %dma_start3A_555, %dma_start3A_556, %dma_start3A_557] : memref<2x8x8x129xf32, #tpu.memory_space<vmem>> -> memref<1x8x8x128xf32, #tpu.memory_space<vmem>>
        %dma_start3A_559 = tpu.memref_squeeze %dma_start3A_558 : memref<1x8x8x128xf32, #tpu.memory_space<vmem>> -> memref<8x8x128xf32, #tpu.memory_space<vmem>>
        %dma_start3A_560 = arith.constant 0 : i32
        %dma_start3A_561 = arith.constant 0 : i32
        %dma_start3A_562 = arith.constant 0 : i32
        %dma_start3A_563 = tpu.memref_slice %arg4[%select_n3A_317, %dma_start3A_560, %add3A_553, %dma_start3A_561, %dma_start3A_562] : memref<200x8x32x8x128xf32, #tpu.memory_space<hbm>> -> memref<1x8x1x8x128xf32, #tpu.memory_space<hbm>>
        %dma_start3A_564 = tpu.memref_squeeze %dma_start3A_563 : memref<1x8x1x8x128xf32, #tpu.memory_space<hbm>> -> memref<8x8x128xf32, #tpu.memory_space<hbm>>
        %dma_start3A_565 = arith.constant 0 : i32
        %dma_start3A_566 = arith.constant 0 : i32
        %dma_start3A_567 = arith.constant 0 : i32
        %dma_start3A_568 = tpu.memref_slice %arg4[%select_n3A_317, %dma_start3A_565, %add3A_553, %dma_start3A_566, %dma_start3A_567] : memref<200x8x32x8x128xf32, #tpu.memory_space<hbm>> -> memref<1x8x1x8x128xf32, #tpu.memory_space<hbm>>
        %dma_start3A_569 = tpu.memref_squeeze %dma_start3A_568 : memref<1x8x1x8x128xf32, #tpu.memory_space<hbm>> -> memref<8x8x128xf32, #tpu.memory_space<hbm>>
        %dma_start3A_570 = arith.constant 0 : i32
        %dma_start3A_571 = arith.constant 0 : i32
        %dma_start3A_572 = arith.constant 0 : i32
        %dma_start3A_573 = tpu.memref_slice %arg11[%dma_start3A_554, %dma_start3A_570, %dma_start3A_571, %dma_start3A_572] : memref<2x8x8x129xf32, #tpu.memory_space<vmem>> -> memref<1x8x8x128xf32, #tpu.memory_space<vmem>>
        %dma_start3A_574 = tpu.memref_squeeze %dma_start3A_573 : memref<1x8x8x128xf32, #tpu.memory_space<vmem>> -> memref<8x8x128xf32, #tpu.memory_space<vmem>>
        tpu.enqueue_dma source(%dma_start3A_574 : memref<8x8x128xf32, #tpu.memory_space<vmem>>) target(%dma_start3A_569 : memref<8x8x128xf32, #tpu.memory_space<hbm>>) target_semaphore(%arg17 : memref<!tpu.dma_semaphore, #tpu.memory_space<semaphore_mem>>)
      } else {
      }
      %eq3A_339 = arith.constant 1 : i32
      %eq3A_340 = arith.cmpi eq, %rem3A_292, %eq3A_339 : i32
      %convert_element_type3A_341 = arith.extui %eq3A_340 : i1 to i32
      %cond3A_342 = arith.constant 0 : i32
      %cond3A_343 = arith.cmpi ne, %convert_element_type3A_341, %cond3A_342 : i32
      scf.if %cond3A_343 {
        %dma_wait3A_344 = arith.constant 0 : i32
        %dma_wait3A_345 = arith.constant 0 : i32
        %dma_wait3A_346 = tpu.memref_slice %arg3[%dma_wait3A_344, %dma_wait3A_345] : memref<2000000x64xf32, #tpu.memory_space<hbm>> -> memref<2000000x64xf32, #tpu.memory_space<hbm>>
        tpu.wait_indirect_dma semaphore(%arg16 : memref<!tpu.dma_semaphore, #tpu.memory_space<semaphore_mem>>) src(%dma_wait3A_346 : memref<2000000x64xf32, #tpu.memory_space<hbm>>) dst(%arg10 : memref<256x64xf32, #tpu.memory_space<vmem>>)
        %add3A_347 = arith.constant 1 : i32
        %add3A_348 = arith.addi %scan3A_290, %add3A_347 : i32
        %lt3A_349 = arith.constant 100 : i32
        %lt3A_350 = arith.cmpi slt, %add3A_348, %lt3A_349 : i32
        %convert_element_type3A_351 = arith.extui %lt3A_350 : i1 to i32
        %cond3A_352 = arith.constant 0 : i32
        %cond3A_353 = arith.cmpi ne, %convert_element_type3A_351, %cond3A_352 : i32
        scf.if %cond3A_353 {
          %dma_wait3A_575 = arith.constant 0 : i32
          %dma_wait3A_576 = arith.constant 0 : i32
          %dma_wait3A_577 = tpu.memref_slice %arg2[%dma_wait3A_575, %dma_wait3A_576] : memref<200x4096xi32, #tpu.memory_space<hbm>> -> memref<1x256xi32, #tpu.memory_space<hbm>>
          %dma_wait3A_578 = tpu.memref_squeeze %dma_wait3A_577 : memref<1x256xi32, #tpu.memory_space<hbm>> -> memref<256xi32, #tpu.memory_space<hbm>>
          %dma_wait3A_579 = arith.constant 0 : i32
          %dma_wait3A_580 = tpu.memref_slice %arg2[%dma_wait3A_575, %dma_wait3A_579] : memref<200x4096xi32, #tpu.memory_space<hbm>> -> memref<1x256xi32, #tpu.memory_space<hbm>>
          %dma_wait3A_581 = tpu.memref_squeeze %dma_wait3A_580 : memref<1x256xi32, #tpu.memory_space<hbm>> -> memref<256xi32, #tpu.memory_space<hbm>>
          tpu.wait_dma2 semaphore(%arg13 : memref<!tpu.dma_semaphore, #tpu.memory_space<semaphore_mem>>) src(%dma_wait3A_581 : memref<256xi32, #tpu.memory_space<hbm>>) dst(%arg5 : memref<256xi32, #tpu.memory_space<vmem>>)
          %get3A_582 = arith.constant 0 : index
          %get3A_583 = tpu.vector_load %arg5[%get3A_582] {strides = array<i32>} : memref<256xi32, #tpu.memory_space<vmem>>, vector<16xi32>,
          %shift_left3A_584 = arith.constant 1 : i32
          %shift_left3A_585 = vector.broadcast %shift_left3A_584 : i32 to vector<16xi32>
          %shift_left3A_586 = arith.shli %get3A_583, %shift_left3A_585 : vector<16xi32>
          %swap3A_587 = arith.constant 0 : index
          %swap3A_588 = tpu.vector_load %arg7[%swap3A_587] {strides = array<i32>} : memref<256xi32, #tpu.memory_space<vmem>>, vector<16xi32>,
          tpu.vector_store %arg7[%swap3A_587], %shift_left3A_586 {strides = array<i32>} : memref<256xi32, #tpu.memory_space<vmem>>, vector<16xi32>,
          %get3A_589 = arith.constant 16 : index
          %get3A_590 = tpu.vector_load %arg5[%get3A_589] {strides = array<i32>} : memref<256xi32, #tpu.memory_space<vmem>>, vector<16xi32>,
          %shift_left3A_591 = arith.constant 1 : i32
          %shift_left3A_592 = vector.broadcast %shift_left3A_591 : i32 to vector<16xi32>
          %shift_left3A_593 = arith.shli %get3A_590, %shift_left3A_592 : vector<16xi32>
          %swap3A_594 = arith.constant 16 : index
          %swap3A_595 = tpu.vector_load %arg7[%swap3A_594] {strides = array<i32>} : memref<256xi32, #tpu.memory_space<vmem>>, vector<16xi32>,
          tpu.vector_store %arg7[%swap3A_594], %shift_left3A_593 {strides = array<i32>} : memref<256xi32, #tpu.memory_space<vmem>>, vector<16xi32>,
          %get3A_596 = arith.constant 32 : index
          %get3A_597 = tpu.vector_load %arg5[%get3A_596] {strides = array<i32>} : memref<256xi32, #tpu.memory_space<vmem>>, vector<16xi32>,
          %shift_left3A_598 = arith.constant 1 : i32
          %shift_left3A_599 = vector.broadcast %shift_left3A_598 : i32 to vector<16xi32>
          %shift_left3A_600 = arith.shli %get3A_597, %shift_left3A_599 : vector<16xi32>
          %swap3A_601 = arith.constant 32 : index
          %swap3A_602 = tpu.vector_load %arg7[%swap3A_601] {strides = array<i32>} : memref<256xi32, #tpu.memory_space<vmem>>, vector<16xi32>,
          tpu.vector_store %arg7[%swap3A_601], %shift_left3A_600 {strides = array<i32>} : memref<256xi32, #tpu.memory_space<vmem>>, vector<16xi32>,
          %get3A_603 = arith.constant 48 : index
          %get3A_604 = tpu.vector_load %arg5[%get3A_603] {strides = array<i32>} : memref<256xi32, #tpu.memory_space<vmem>>, vector<16xi32>,
          %shift_left3A_605 = arith.constant 1 : i32
          %shift_left3A_606 = vector.broadcast %shift_left3A_605 : i32 to vector<16xi32>
          %shift_left3A_607 = arith.shli %get3A_604, %shift_left3A_606 : vector<16xi32>
          %swap3A_608 = arith.constant 48 : index
          %swap3A_609 = tpu.vector_load %arg7[%swap3A_608] {strides = array<i32>} : memref<256xi32, #tpu.memory_space<vmem>>, vector<16xi32>,
          tpu.vector_store %arg7[%swap3A_608], %shift_left3A_607 {strides = array<i32>} : memref<256xi32, #tpu.memory_space<vmem>>, vector<16xi32>,
          %get3A_610 = arith.constant 64 : index
          %get3A_611 = tpu.vector_load %arg5[%get3A_610] {strides = array<i32>} : memref<256xi32, #tpu.memory_space<vmem>>, vector<16xi32>,
          %shift_left3A_612 = arith.constant 1 : i32
          %shift_left3A_613 = vector.broadcast %shift_left3A_612 : i32 to vector<16xi32>
          %shift_left3A_614 = arith.shli %get3A_611, %shift_left3A_613 : vector<16xi32>
          %swap3A_615 = arith.constant 64 : index
          %swap3A_616 = tpu.vector_load %arg7[%swap3A_615] {strides = array<i32>} : memref<256xi32, #tpu.memory_space<vmem>>, vector<16xi32>,
          tpu.vector_store %arg7[%swap3A_615], %shift_left3A_614 {strides = array<i32>} : memref<256xi32, #tpu.memory_space<vmem>>, vector<16xi32>,
          %get3A_617 = arith.constant 80 : index
          %get3A_618 = tpu.vector_load %arg5[%get3A_617] {strides = array<i32>} : memref<256xi32, #tpu.memory_space<vmem>>, vector<16xi32>,
          %shift_left3A_619 = arith.constant 1 : i32
          %shift_left3A_620 = vector.broadcast %shift_left3A_619 : i32 to vector<16xi32>
          %shift_left3A_621 = arith.shli %get3A_618, %shift_left3A_620 : vector<16xi32>
          %swap3A_622 = arith.constant 80 : index
          %swap3A_623 = tpu.vector_load %arg7[%swap3A_622] {strides = array<i32>} : memref<256xi32, #tpu.memory_space<vmem>>, vector<16xi32>,
          tpu.vector_store %arg7[%swap3A_622], %shift_left3A_621 {strides = array<i32>} : memref<256xi32, #tpu.memory_space<vmem>>, vector<16xi32>,
          %get3A_624 = arith.constant 96 : index
          %get3A_625 = tpu.vector_load %arg5[%get3A_624] {strides = array<i32>} : memref<256xi32, #tpu.memory_space<vmem>>, vector<16xi32>,
          %shift_left3A_626 = arith.constant 1 : i32
          %shift_left3A_627 = vector.broadcast %shift_left3A_626 : i32 to vector<16xi32>
          %shift_left3A_628 = arith.shli %get3A_625, %shift_left3A_627 : vector<16xi32>
          %swap3A_629 = arith.constant 96 : index
          %swap3A_630 = tpu.vector_load %arg7[%swap3A_629] {strides = array<i32>} : memref<256xi32, #tpu.memory_space<vmem>>, vector<16xi32>,
          tpu.vector_store %arg7[%swap3A_629], %shift_left3A_628 {strides = array<i32>} : memref<256xi32, #tpu.memory_space<vmem>>, vector<16xi32>,
          %get3A_631 = arith.constant 112 : index
          %get3A_632 = tpu.vector_load %arg5[%get3A_631] {strides = array<i32>} : memref<256xi32, #tpu.memory_space<vmem>>, vector<16xi32>,
          %shift_left3A_633 = arith.constant 1 : i32
          %shift_left3A_634 = vector.broadcast %shift_left3A_633 : i32 to vector<16xi32>
          %shift_left3A_635 = arith.shli %get3A_632, %shift_left3A_634 : vector<16xi32>
          %swap3A_636 = arith.constant 112 : index
          %swap3A_637 = tpu.vector_load %arg7[%swap3A_636] {strides = array<i32>} : memref<256xi32, #tpu.memory_space<vmem>>, vector<16xi32>,
          tpu.vector_store %arg7[%swap3A_636], %shift_left3A_635 {strides = array<i32>} : memref<256xi32, #tpu.memory_space<vmem>>, vector<16xi32>,
          %get3A_638 = arith.constant 128 : index
          %get3A_639 = tpu.vector_load %arg5[%get3A_638] {strides = array<i32>} : memref<256xi32, #tpu.memory_space<vmem>>, vector<16xi32>,
          %shift_left3A_640 = arith.constant 1 : i32
          %shift_left3A_641 = vector.broadcast %shift_left3A_640 : i32 to vector<16xi32>
          %shift_left3A_642 = arith.shli %get3A_639, %shift_left3A_641 : vector<16xi32>
          %swap3A_643 = arith.constant 128 : index
          %swap3A_644 = tpu.vector_load %arg7[%swap3A_643] {strides = array<i32>} : memref<256xi32, #tpu.memory_space<vmem>>, vector<16xi32>,
          tpu.vector_store %arg7[%swap3A_643], %shift_left3A_642 {strides = array<i32>} : memref<256xi32, #tpu.memory_space<vmem>>, vector<16xi32>,
          %get3A_645 = arith.constant 144 : index
          %get3A_646 = tpu.vector_load %arg5[%get3A_645] {strides = array<i32>} : memref<256xi32, #tpu.memory_space<vmem>>, vector<16xi32>,
          %shift_left3A_647 = arith.constant 1 : i32
          %shift_left3A_648 = vector.broadcast %shift_left3A_647 : i32 to vector<16xi32>
          %shift_left3A_649 = arith.shli %get3A_646, %shift_left3A_648 : vector<16xi32>
          %swap3A_650 = arith.constant 144 : index
          %swap3A_651 = tpu.vector_load %arg7[%swap3A_650] {strides = array<i32>} : memref<256xi32, #tpu.memory_space<vmem>>, vector<16xi32>,
          tpu.vector_store %arg7[%swap3A_650], %shift_left3A_649 {strides = array<i32>} : memref<256xi32, #tpu.memory_space<vmem>>, vector<16xi32>,
          %get3A_652 = arith.constant 160 : index
          %get3A_653 = tpu.vector_load %arg5[%get3A_652] {strides = array<i32>} : memref<256xi32, #tpu.memory_space<vmem>>, vector<16xi32>,
          %shift_left3A_654 = arith.constant 1 : i32
          %shift_left3A_655 = vector.broadcast %shift_left3A_654 : i32 to vector<16xi32>
          %shift_left3A_656 = arith.shli %get3A_653, %shift_left3A_655 : vector<16xi32>
          %swap3A_657 = arith.constant 160 : index
          %swap3A_658 = tpu.vector_load %arg7[%swap3A_657] {strides = array<i32>} : memref<256xi32, #tpu.memory_space<vmem>>, vector<16xi32>,
          tpu.vector_store %arg7[%swap3A_657], %shift_left3A_656 {strides = array<i32>} : memref<256xi32, #tpu.memory_space<vmem>>, vector<16xi32>,
          %get3A_659 = arith.constant 176 : index
          %get3A_660 = tpu.vector_load %arg5[%get3A_659] {strides = array<i32>} : memref<256xi32, #tpu.memory_space<vmem>>, vector<16xi32>,
          %shift_left3A_661 = arith.constant 1 : i32
          %shift_left3A_662 = vector.broadcast %shift_left3A_661 : i32 to vector<16xi32>
          %shift_left3A_663 = arith.shli %get3A_660, %shift_left3A_662 : vector<16xi32>
          %swap3A_664 = arith.constant 176 : index
          %swap3A_665 = tpu.vector_load %arg7[%swap3A_664] {strides = array<i32>} : memref<256xi32, #tpu.memory_space<vmem>>, vector<16xi32>,
          tpu.vector_store %arg7[%swap3A_664], %shift_left3A_663 {strides = array<i32>} : memref<256xi32, #tpu.memory_space<vmem>>, vector<16xi32>,
          %get3A_666 = arith.constant 192 : index
          %get3A_667 = tpu.vector_load %arg5[%get3A_666] {strides = array<i32>} : memref<256xi32, #tpu.memory_space<vmem>>, vector<16xi32>,
          %shift_left3A_668 = arith.constant 1 : i32
          %shift_left3A_669 = vector.broadcast %shift_left3A_668 : i32 to vector<16xi32>
          %shift_left3A_670 = arith.shli %get3A_667, %shift_left3A_669 : vector<16xi32>
          %swap3A_671 = arith.constant 192 : index
          %swap3A_672 = tpu.vector_load %arg7[%swap3A_671] {strides = array<i32>} : memref<256xi32, #tpu.memory_space<vmem>>, vector<16xi32>,
          tpu.vector_store %arg7[%swap3A_671], %shift_left3A_670 {strides = array<i32>} : memref<256xi32, #tpu.memory_space<vmem>>, vector<16xi32>,
          %get3A_673 = arith.constant 208 : index
          %get3A_674 = tpu.vector_load %arg5[%get3A_673] {strides = array<i32>} : memref<256xi32, #tpu.memory_space<vmem>>, vector<16xi32>,
          %shift_left3A_675 = arith.constant 1 : i32
          %shift_left3A_676 = vector.broadcast %shift_left3A_675 : i32 to vector<16xi32>
          %shift_left3A_677 = arith.shli %get3A_674, %shift_left3A_676 : vector<16xi32>
          %swap3A_678 = arith.constant 208 : index
          %swap3A_679 = tpu.vector_load %arg7[%swap3A_678] {strides = array<i32>} : memref<256xi32, #tpu.memory_space<vmem>>, vector<16xi32>,
          tpu.vector_store %arg7[%swap3A_678], %shift_left3A_677 {strides = array<i32>} : memref<256xi32, #tpu.memory_space<vmem>>, vector<16xi32>,
          %get3A_680 = arith.constant 224 : index
          %get3A_681 = tpu.vector_load %arg5[%get3A_680] {strides = array<i32>} : memref<256xi32, #tpu.memory_space<vmem>>, vector<16xi32>,
          %shift_left3A_682 = arith.constant 1 : i32
          %shift_left3A_683 = vector.broadcast %shift_left3A_682 : i32 to vector<16xi32>
          %shift_left3A_684 = arith.shli %get3A_681, %shift_left3A_683 : vector<16xi32>
          %swap3A_685 = arith.constant 224 : index
          %swap3A_686 = tpu.vector_load %arg7[%swap3A_685] {strides = array<i32>} : memref<256xi32, #tpu.memory_space<vmem>>, vector<16xi32>,
          tpu.vector_store %arg7[%swap3A_685], %shift_left3A_684 {strides = array<i32>} : memref<256xi32, #tpu.memory_space<vmem>>, vector<16xi32>,
          %get3A_687 = arith.constant 240 : index
          %get3A_688 = tpu.vector_load %arg5[%get3A_687] {strides = array<i32>} : memref<256xi32, #tpu.memory_space<vmem>>, vector<16xi32>,
          %shift_left3A_689 = arith.constant 1 : i32
          %shift_left3A_690 = vector.broadcast %shift_left3A_689 : i32 to vector<16xi32>
          %shift_left3A_691 = arith.shli %get3A_688, %shift_left3A_690 : vector<16xi32>
          %swap3A_692 = arith.constant 240 : index
          %swap3A_693 = tpu.vector_load %arg7[%swap3A_692] {strides = array<i32>} : memref<256xi32, #tpu.memory_space<vmem>>, vector<16xi32>,
          tpu.vector_store %arg7[%swap3A_692], %shift_left3A_691 {strides = array<i32>} : memref<256xi32, #tpu.memory_space<vmem>>, vector<16xi32>,
          %dma_start3A_694 = arith.constant 0 : i32
          %dma_start3A_695 = arith.constant 0 : i32
          %dma_start3A_696 = tpu.memref_slice %arg3[%dma_start3A_694, %dma_start3A_695] : memref<2000000x64xf32, #tpu.memory_space<hbm>> -> memref<2000000x64xf32, #tpu.memory_space<hbm>>
          tpu.enqueue_indirect_dma source(%dma_start3A_696 : memref<2000000x64xf32, #tpu.memory_space<hbm>>) target(%arg9 : memref<256x64xf32, #tpu.memory_space<vmem>>) offsets(%arg7 : memref<256xi32, #tpu.memory_space<vmem>>) semaphore(%arg15 : memref<!tpu.dma_semaphore, #tpu.memory_space<semaphore_mem>>)
        } else {
        }
        %add3A_354 = arith.constant 2 : i32
        %add3A_355 = arith.addi %scan3A_290, %add3A_354 : i32
        %lt3A_356 = arith.constant 100 : i32
        %lt3A_357 = arith.cmpi slt, %add3A_355, %lt3A_356 : i32
        %convert_element_type3A_358 = arith.extui %lt3A_357 : i1 to i32
        %cond3A_359 = arith.constant 0 : i32
        %cond3A_360 = arith.cmpi ne, %convert_element_type3A_358, %cond3A_359 : i32
        scf.if %cond3A_360 {
          %add3A_575 = arith.constant 2 : i32
          %add3A_576 = arith.addi %scan3A_290, %add3A_575 : i32
          %add3A_577 = arith.addi %mul3A_2, %add3A_576 : i32
          %jit3A_578 = arith.constant 16 : i32
          %div3A_579 = arith.divsi %add3A_577, %jit3A_578 : i32
          %sign3A_580 = arith.constant 0 : i32
          %sign3A_581 = arith.cmpi sgt, %add3A_577, %sign3A_580 : i32
          %sign3A_582 = arith.extui %sign3A_581 : i1 to i32
          %sign3A_583 = arith.constant 0 : i32
          %sign3A_584 = arith.cmpi slt, %add3A_577, %sign3A_583 : i32
          %sign3A_585 = arith.extui %sign3A_584 : i1 to i32
          %sign3A_586 = arith.subi %sign3A_582, %sign3A_585 : i32
          %sign3A_587 = arith.constant 0 : i32
          %sign3A_588 = arith.cmpi sgt, %jit3A_578, %sign3A_587 : i32
          %sign3A_589 = arith.extui %sign3A_588 : i1 to i32
          %sign3A_590 = arith.constant 0 : i32
          %sign3A_591 = arith.cmpi slt, %jit3A_578, %sign3A_590 : i32
          %sign3A_592 = arith.extui %sign3A_591 : i1 to i32
          %sign3A_593 = arith.subi %sign3A_589, %sign3A_592 : i32
          %ne3A_594 = arith.cmpi ne, %sign3A_586, %sign3A_593 : i32
          %rem3A_595 = arith.remsi %add3A_577, %jit3A_578 : i32
          %ne3A_596 = arith.constant 0 : i32
          %ne3A_597 = arith.cmpi ne, %rem3A_595, %ne3A_596 : i32
          %and3A_598 = arith.andi %ne3A_594, %ne3A_597 : i1
          %sub3A_599 = arith.constant 1 : i32
          %sub3A_600 = arith.subi %div3A_579, %sub3A_599 : i32
          %select_n3A_601 = arith.select %and3A_598, %sub3A_600, %div3A_579 : i32
          %jit3A_602 = arith.constant 16 : i32
          %eq3A_603 = arith.constant 0 : i32
          %eq3A_604 = arith.cmpi eq, %jit3A_602, %eq3A_603 : i32
          %jit3A_605 = arith.constant 1 : i32
          %select_n3A_606 = arith.select %eq3A_604, %jit3A_605, %jit3A_602 : i32
          %rem3A_607 = arith.remsi %add3A_577, %select_n3A_606 : i32
          %ne3A_608 = arith.constant 0 : i32
          %ne3A_609 = arith.cmpi ne, %rem3A_607, %ne3A_608 : i32
          %lt3A_610 = arith.constant 0 : i32
          %lt3A_611 = arith.cmpi slt, %rem3A_607, %lt3A_610 : i32
          %lt3A_612 = arith.constant 0 : i32
          %lt3A_613 = arith.cmpi slt, %select_n3A_606, %lt3A_612 : i32
          %ne3A_614 = arith.xori %lt3A_611, %lt3A_613 : i1
          %and3A_615 = arith.andi %ne3A_614, %ne3A_609 : i1
          %add3A_616 = arith.addi %rem3A_607, %select_n3A_606 : i32
          %select_n3A_617 = arith.select %and3A_615, %add3A_616, %rem3A_607 : i32
          %mul3A_618 = arith.constant 256 : i32
          %mul3A_619 = arith.muli %select_n3A_617, %mul3A_618 : i32
          %dma_start3A_620 = tpu.memref_slice %arg2[%select_n3A_601, %mul3A_619] : memref<200x4096xi32, #tpu.memory_space<hbm>> -> memref<1x256xi32, #tpu.memory_space<hbm>>
          %dma_start3A_621 = tpu.memref_squeeze %dma_start3A_620 : memref<1x256xi32, #tpu.memory_space<hbm>> -> memref<256xi32, #tpu.memory_space<hbm>>
          %dma_start3A_622 = tpu.memref_slice %arg2[%select_n3A_601, %mul3A_619] : memref<200x4096xi32, #tpu.memory_space<hbm>> -> memref<1x256xi32, #tpu.memory_space<hbm>>
          %dma_start3A_623 = tpu.memref_squeeze %dma_start3A_622 : memref<1x256xi32, #tpu.memory_space<hbm>> -> memref<256xi32, #tpu.memory_space<hbm>>
          tpu.enqueue_dma source(%dma_start3A_623 : memref<256xi32, #tpu.memory_space<hbm>>) target(%arg6 : memref<256xi32, #tpu.memory_space<vmem>>) target_semaphore(%arg14 : memref<!tpu.dma_semaphore, #tpu.memory_space<semaphore_mem>>)
        } else {
        }
        %ge3A = arith.constant 2 : i32
        %ge3A_361 = arith.cmpi sge, %scan3A_290, %ge3A : i32
        %convert_element_type3A_362 = arith.extui %ge3A_361 : i1 to i32
        %cond3A_363 = arith.constant 0 : i32
        %cond3A_364 = arith.cmpi ne, %convert_element_type3A_362, %cond3A_363 : i32
        scf.if %cond3A_364 {
          %dma_wait3A_575 = arith.constant 0 : i32
          %dma_wait3A_576 = arith.constant 0 : i32
          %dma_wait3A_577 = arith.constant 0 : i32
          %dma_wait3A_578 = arith.constant 0 : i32
          %dma_wait3A_579 = arith.constant 0 : i32
          %dma_wait3A_580 = arith.constant 0 : i32
          %dma_wait3A_581 = tpu.memref_slice %arg12[%dma_wait3A_575, %dma_wait3A_578, %dma_wait3A_579, %dma_wait3A_580] : memref<2x8x8x129xf32, #tpu.memory_space<vmem>> -> memref<1x8x8x128xf32, #tpu.memory_space<vmem>>
          %dma_wait3A_582 = tpu.memref_squeeze %dma_wait3A_581 : memref<1x8x8x128xf32, #tpu.memory_space<vmem>> -> memref<8x8x128xf32, #tpu.memory_space<vmem>>
          %dma_wait3A_583 = arith.constant 0 : i32
          %dma_wait3A_584 = arith.constant 0 : i32
          %dma_wait3A_585 = arith.constant 0 : i32
          %dma_wait3A_586 = tpu.memref_slice %arg4[%dma_wait3A_576, %dma_wait3A_583, %dma_wait3A_577, %dma_wait3A_584, %dma_wait3A_585] : memref<200x8x32x8x128xf32, #tpu.memory_space<hbm>> -> memref<1x8x1x8x128xf32, #tpu.memory_space<hbm>>
          %dma_wait3A_587 = tpu.memref_squeeze %dma_wait3A_586 : memref<1x8x1x8x128xf32, #tpu.memory_space<hbm>> -> memref<8x8x128xf32, #tpu.memory_space<hbm>>
          %dma_wait3A_588 = arith.constant 0 : i32
          %dma_wait3A_589 = arith.constant 0 : i32
          %dma_wait3A_590 = arith.constant 0 : i32
          %dma_wait3A_591 = tpu.memref_slice %arg4[%dma_wait3A_576, %dma_wait3A_588, %dma_wait3A_577, %dma_wait3A_589, %dma_wait3A_590] : memref<200x8x32x8x128xf32, #tpu.memory_space<hbm>> -> memref<1x8x1x8x128xf32, #tpu.memory_space<hbm>>
          %dma_wait3A_592 = tpu.memref_squeeze %dma_wait3A_591 : memref<1x8x1x8x128xf32, #tpu.memory_space<hbm>> -> memref<8x8x128xf32, #tpu.memory_space<hbm>>
          %dma_wait3A_593 = arith.constant 0 : i32
          %dma_wait3A_594 = arith.constant 0 : i32
          %dma_wait3A_595 = arith.constant 0 : i32
          %dma_wait3A_596 = tpu.memref_slice %arg12[%dma_wait3A_575, %dma_wait3A_593, %dma_wait3A_594, %dma_wait3A_595] : memref<2x8x8x129xf32, #tpu.memory_space<vmem>> -> memref<1x8x8x128xf32, #tpu.memory_space<vmem>>
          %dma_wait3A_597 = tpu.memref_squeeze %dma_wait3A_596 : memref<1x8x8x128xf32, #tpu.memory_space<vmem>> -> memref<8x8x128xf32, #tpu.memory_space<vmem>>
          tpu.wait_dma2 semaphore(%arg18 : memref<!tpu.dma_semaphore, #tpu.memory_space<semaphore_mem>>) src(%dma_wait3A_597 : memref<8x8x128xf32, #tpu.memory_space<vmem>>) dst(%dma_wait3A_592 : memref<8x8x128xf32, #tpu.memory_space<hbm>>)
          %dma_wait3A_598 = arith.constant 1 : i32
          %dma_wait3A_599 = arith.constant 0 : i32
          %dma_wait3A_600 = arith.constant 0 : i32
          %dma_wait3A_601 = arith.constant 0 : i32
          %dma_wait3A_602 = arith.constant 0 : i32
          %dma_wait3A_603 = arith.constant 0 : i32
          %dma_wait3A_604 = tpu.memref_slice %arg12[%dma_wait3A_598, %dma_wait3A_601, %dma_wait3A_602, %dma_wait3A_603] : memref<2x8x8x129xf32, #tpu.memory_space<vmem>> -> memref<1x8x8x128xf32, #tpu.memory_space<vmem>>
          %dma_wait3A_605 = tpu.memref_squeeze %dma_wait3A_604 : memref<1x8x8x128xf32, #tpu.memory_space<vmem>> -> memref<8x8x128xf32, #tpu.memory_space<vmem>>
          %dma_wait3A_606 = arith.constant 0 : i32
          %dma_wait3A_607 = arith.constant 0 : i32
          %dma_wait3A_608 = arith.constant 0 : i32
          %dma_wait3A_609 = tpu.memref_slice %arg4[%dma_wait3A_599, %dma_wait3A_606, %dma_wait3A_600, %dma_wait3A_607, %dma_wait3A_608] : memref<200x8x32x8x128xf32, #tpu.memory_space<hbm>> -> memref<1x8x1x8x128xf32, #tpu.memory_space<hbm>>
          %dma_wait3A_610 = tpu.memref_squeeze %dma_wait3A_609 : memref<1x8x1x8x128xf32, #tpu.memory_space<hbm>> -> memref<8x8x128xf32, #tpu.memory_space<hbm>>
          %dma_wait3A_611 = arith.constant 0 : i32
          %dma_wait3A_612 = arith.constant 0 : i32
          %dma_wait3A_613 = arith.constant 0 : i32
          %dma_wait3A_614 = tpu.memref_slice %arg4[%dma_wait3A_599, %dma_wait3A_611, %dma_wait3A_600, %dma_wait3A_612, %dma_wait3A_613] : memref<200x8x32x8x128xf32, #tpu.memory_space<hbm>> -> memref<1x8x1x8x128xf32, #tpu.memory_space<hbm>>
          %dma_wait3A_615 = tpu.memref_squeeze %dma_wait3A_614 : memref<1x8x1x8x128xf32, #tpu.memory_space<hbm>> -> memref<8x8x128xf32, #tpu.memory_space<hbm>>
          %dma_wait3A_616 = arith.constant 0 : i32
          %dma_wait3A_617 = arith.constant 0 : i32
          %dma_wait3A_618 = arith.constant 0 : i32
          %dma_wait3A_619 = tpu.memref_slice %arg12[%dma_wait3A_598, %dma_wait3A_616, %dma_wait3A_617, %dma_wait3A_618] : memref<2x8x8x129xf32, #tpu.memory_space<vmem>> -> memref<1x8x8x128xf32, #tpu.memory_space<vmem>>
          %dma_wait3A_620 = tpu.memref_squeeze %dma_wait3A_619 : memref<1x8x8x128xf32, #tpu.memory_space<vmem>> -> memref<8x8x128xf32, #tpu.memory_space<vmem>>
          tpu.wait_dma2 semaphore(%arg18 : memref<!tpu.dma_semaphore, #tpu.memory_space<semaphore_mem>>) src(%dma_wait3A_620 : memref<8x8x128xf32, #tpu.memory_space<vmem>>) dst(%dma_wait3A_615 : memref<8x8x128xf32, #tpu.memory_space<hbm>>)
        } else {
        }
        %iota3A = tpu.iota {dimensions = array<i32: 0>} : vector<16xi32>
        %jit3A_365 = arith.constant 8 : i32
        %div3A_366 = vector.broadcast %jit3A_365 : i32 to vector<16xi32>
        %div3A_367 = arith.divsi %iota3A, %div3A_366 : vector<16xi32>
        %sign3A_368 = arith.constant 0 : i32
        %sign3A_369 = vector.broadcast %sign3A_368 : i32 to vector<16xi32>
        %sign3A_370 = arith.cmpi sgt, %iota3A, %sign3A_369 : vector<16xi32>
        %sign3A_371 = arith.extui %sign3A_370 : vector<16xi1> to vector<16xi32>
        %sign3A_372 = arith.constant 0 : i32
        %sign3A_373 = vector.broadcast %sign3A_372 : i32 to vector<16xi32>
        %sign3A_374 = arith.cmpi slt, %iota3A, %sign3A_373 : vector<16xi32>
        %sign3A_375 = arith.extui %sign3A_374 : vector<16xi1> to vector<16xi32>
        %sign3A_376 = arith.subi %sign3A_371, %sign3A_375 : vector<16xi32>
        %sign3A_377 = arith.constant 0 : i32
        %sign3A_378 = arith.cmpi sgt, %jit3A_365, %sign3A_377 : i32
        %sign3A_379 = arith.extui %sign3A_378 : i1 to i32
        %sign3A_380 = arith.constant 0 : i32
        %sign3A_381 = arith.cmpi slt, %jit3A_365, %sign3A_380 : i32
        %sign3A_382 = arith.extui %sign3A_381 : i1 to i32
        %sign3A_383 = arith.subi %sign3A_379, %sign3A_382 : i32
        %ne3A_384 = vector.broadcast %sign3A_383 : i32 to vector<16xi32>
        %ne3A_385 = arith.cmpi ne, %sign3A_376, %ne3A_384 : vector<16xi32>
        %rem3A_386 = vector.broadcast %jit3A_365 : i32 to vector<16xi32>
        %rem3A_387 = arith.remsi %iota3A, %rem3A_386 : vector<16xi32>
        %ne3A_388 = arith.constant 0 : i32
        %ne3A_389 = vector.broadcast %ne3A_388 : i32 to vector<16xi32>
        %ne3A_390 = arith.cmpi ne, %rem3A_387, %ne3A_389 : vector<16xi32>
        %and3A_391 = arith.andi %ne3A_385, %ne3A_390 : vector<16xi1>
        %sub3A_392 = arith.constant 1 : i32
        %sub3A_393 = vector.broadcast %sub3A_392 : i32 to vector<16xi32>
        %sub3A_394 = arith.subi %div3A_367, %sub3A_393 : vector<16xi32>
        %select_n3A_395 = arith.select %and3A_391, %sub3A_394, %div3A_367 : vector<16xi1>, vector<16xi32>
        %add3A_396 = arith.constant 0 : i32
        %add3A_397 = vector.broadcast %add3A_396 : i32 to vector<16xi32>
        %add3A_398 = arith.addi %select_n3A_395, %add3A_397 : vector<16xi32>
        %jit3A_399 = arith.constant 8 : i32
        %div3A_400 = vector.broadcast %jit3A_399 : i32 to vector<16xi32>
        %div3A_401 = arith.divsi %iota3A, %div3A_400 : vector<16xi32>
        %sign3A_402 = arith.constant 0 : i32
        %sign3A_403 = vector.broadcast %sign3A_402 : i32 to vector<16xi32>
        %sign3A_404 = arith.cmpi sgt, %iota3A, %sign3A_403 : vector<16xi32>
        %sign3A_405 = arith.extui %sign3A_404 : vector<16xi1> to vector<16xi32>
        %sign3A_406 = arith.constant 0 : i32
        %sign3A_407 = vector.broadcast %sign3A_406 : i32 to vector<16xi32>
        %sign3A_408 = arith.cmpi slt, %iota3A, %sign3A_407 : vector<16xi32>
        %sign3A_409 = arith.extui %sign3A_408 : vector<16xi1> to vector<16xi32>
        %sign3A_410 = arith.subi %sign3A_405, %sign3A_409 : vector<16xi32>
        %sign3A_411 = arith.constant 0 : i32
        %sign3A_412 = arith.cmpi sgt, %jit3A_399, %sign3A_411 : i32
        %sign3A_413 = arith.extui %sign3A_412 : i1 to i32
        %sign3A_414 = arith.constant 0 : i32
        %sign3A_415 = arith.cmpi slt, %jit3A_399, %sign3A_414 : i32
        %sign3A_416 = arith.extui %sign3A_415 : i1 to i32
        %sign3A_417 = arith.subi %sign3A_413, %sign3A_416 : i32
        %ne3A_418 = vector.broadcast %sign3A_417 : i32 to vector<16xi32>
        %ne3A_419 = arith.cmpi ne, %sign3A_410, %ne3A_418 : vector<16xi32>
        %rem3A_420 = vector.broadcast %jit3A_399 : i32 to vector<16xi32>
        %rem3A_421 = arith.remsi %iota3A, %rem3A_420 : vector<16xi32>
        %ne3A_422 = arith.constant 0 : i32
        %ne3A_423 = vector.broadcast %ne3A_422 : i32 to vector<16xi32>
        %ne3A_424 = arith.cmpi ne, %rem3A_421, %ne3A_423 : vector<16xi32>
        %and3A_425 = arith.andi %ne3A_419, %ne3A_424 : vector<16xi1>
        %sub3A_426 = arith.constant 1 : i32
        %sub3A_427 = vector.broadcast %sub3A_426 : i32 to vector<16xi32>
        %sub3A_428 = arith.subi %div3A_401, %sub3A_427 : vector<16xi32>
        %select_n3A_429 = arith.select %and3A_425, %sub3A_428, %div3A_401 : vector<16xi1>, vector<16xi32>
        %add3A_430 = arith.constant 2 : i32
        %add3A_431 = vector.broadcast %add3A_430 : i32 to vector<16xi32>
        %add3A_432 = arith.addi %select_n3A_429, %add3A_431 : vector<16xi32>
        %jit3A_433 = arith.constant 8 : i32
        %div3A_434 = vector.broadcast %jit3A_433 : i32 to vector<16xi32>
        %div3A_435 = arith.divsi %iota3A, %div3A_434 : vector<16xi32>
        %sign3A_436 = arith.constant 0 : i32
        %sign3A_437 = vector.broadcast %sign3A_436 : i32 to vector<16xi32>
        %sign3A_438 = arith.cmpi sgt, %iota3A, %sign3A_437 : vector<16xi32>
        %sign3A_439 = arith.extui %sign3A_438 : vector<16xi1> to vector<16xi32>
        %sign3A_440 = arith.constant 0 : i32
        %sign3A_441 = vector.broadcast %sign3A_440 : i32 to vector<16xi32>
        %sign3A_442 = arith.cmpi slt, %iota3A, %sign3A_441 : vector<16xi32>
        %sign3A_443 = arith.extui %sign3A_442 : vector<16xi1> to vector<16xi32>
        %sign3A_444 = arith.subi %sign3A_439, %sign3A_443 : vector<16xi32>
        %sign3A_445 = arith.constant 0 : i32
        %sign3A_446 = arith.cmpi sgt, %jit3A_433, %sign3A_445 : i32
        %sign3A_447 = arith.extui %sign3A_446 : i1 to i32
        %sign3A_448 = arith.constant 0 : i32
        %sign3A_449 = arith.cmpi slt, %jit3A_433, %sign3A_448 : i32
        %sign3A_450 = arith.extui %sign3A_449 : i1 to i32
        %sign3A_451 = arith.subi %sign3A_447, %sign3A_450 : i32
        %ne3A_452 = vector.broadcast %sign3A_451 : i32 to vector<16xi32>
        %ne3A_453 = arith.cmpi ne, %sign3A_444, %ne3A_452 : vector<16xi32>
        %rem3A_454 = vector.broadcast %jit3A_433 : i32 to vector<16xi32>
        %rem3A_455 = arith.remsi %iota3A, %rem3A_454 : vector<16xi32>
        %ne3A_456 = arith.constant 0 : i32
        %ne3A_457 = vector.broadcast %ne3A_456 : i32 to vector<16xi32>
        %ne3A_458 = arith.cmpi ne, %rem3A_455, %ne3A_457 : vector<16xi32>
        %and3A_459 = arith.andi %ne3A_453, %ne3A_458 : vector<16xi1>
        %sub3A_460 = arith.constant 1 : i32
        %sub3A_461 = vector.broadcast %sub3A_460 : i32 to vector<16xi32>
        %sub3A_462 = arith.subi %div3A_435, %sub3A_461 : vector<16xi32>
        %select_n3A_463 = arith.select %and3A_459, %sub3A_462, %div3A_435 : vector<16xi1>, vector<16xi32>
        %add3A_464 = arith.constant 4 : i32
        %add3A_465 = vector.broadcast %add3A_464 : i32 to vector<16xi32>
        %add3A_466 = arith.addi %select_n3A_463, %add3A_465 : vector<16xi32>
        %jit3A_467 = arith.constant 8 : i32
        %div3A_468 = vector.broadcast %jit3A_467 : i32 to vector<16xi32>
        %div3A_469 = arith.divsi %iota3A, %div3A_468 : vector<16xi32>
        %sign3A_470 = arith.constant 0 : i32
        %sign3A_471 = vector.broadcast %sign3A_470 : i32 to vector<16xi32>
        %sign3A_472 = arith.cmpi sgt, %iota3A, %sign3A_471 : vector<16xi32>
        %sign3A_473 = arith.extui %sign3A_472 : vector<16xi1> to vector<16xi32>
        %sign3A_474 = arith.constant 0 : i32
        %sign3A_475 = vector.broadcast %sign3A_474 : i32 to vector<16xi32>
        %sign3A_476 = arith.cmpi slt, %iota3A, %sign3A_475 : vector<16xi32>
        %sign3A_477 = arith.extui %sign3A_476 : vector<16xi1> to vector<16xi32>
        %sign3A_478 = arith.subi %sign3A_473, %sign3A_477 : vector<16xi32>
        %sign3A_479 = arith.constant 0 : i32
        %sign3A_480 = arith.cmpi sgt, %jit3A_467, %sign3A_479 : i32
        %sign3A_481 = arith.extui %sign3A_480 : i1 to i32
        %sign3A_482 = arith.constant 0 : i32
        %sign3A_483 = arith.cmpi slt, %jit3A_467, %sign3A_482 : i32
        %sign3A_484 = arith.extui %sign3A_483 : i1 to i32
        %sign3A_485 = arith.subi %sign3A_481, %sign3A_484 : i32
        %ne3A_486 = vector.broadcast %sign3A_485 : i32 to vector<16xi32>
        %ne3A_487 = arith.cmpi ne, %sign3A_478, %ne3A_486 : vector<16xi32>
        %rem3A_488 = vector.broadcast %jit3A_467 : i32 to vector<16xi32>
        %rem3A_489 = arith.remsi %iota3A, %rem3A_488 : vector<16xi32>
        %ne3A_490 = arith.constant 0 : i32
        %ne3A_491 = vector.broadcast %ne3A_490 : i32 to vector<16xi32>
        %ne3A_492 = arith.cmpi ne, %rem3A_489, %ne3A_491 : vector<16xi32>
        %and3A_493 = arith.andi %ne3A_487, %ne3A_492 : vector<16xi1>
        %sub3A_494 = arith.constant 1 : i32
        %sub3A_495 = vector.broadcast %sub3A_494 : i32 to vector<16xi32>
        %sub3A_496 = arith.subi %div3A_469, %sub3A_495 : vector<16xi32>
        %select_n3A_497 = arith.select %and3A_493, %sub3A_496, %div3A_469 : vector<16xi1>, vector<16xi32>
        %add3A_498 = arith.constant 6 : i32
        %add3A_499 = vector.broadcast %add3A_498 : i32 to vector<16xi32>
        %add3A_500 = arith.addi %select_n3A_497, %add3A_499 : vector<16xi32>
        %jit3A_501 = arith.constant 8 : i32
        %eq3A_502 = arith.constant 0 : i32
        %eq3A_503 = arith.cmpi eq, %jit3A_501, %eq3A_502 : i32
        %jit3A_504 = arith.constant 1 : i32
        %select_n3A_505 = arith.select %eq3A_503, %jit3A_504, %jit3A_501 : i32
        %rem3A_506 = vector.broadcast %select_n3A_505 : i32 to vector<16xi32>
        %rem3A_507 = arith.remsi %iota3A, %rem3A_506 : vector<16xi32>
        %ne3A_508 = arith.constant 0 : i32
        %ne3A_509 = vector.broadcast %ne3A_508 : i32 to vector<16xi32>
        %ne3A_510 = arith.cmpi ne, %rem3A_507, %ne3A_509 : vector<16xi32>
        %lt3A_511 = arith.constant 0 : i32
        %lt3A_512 = vector.broadcast %lt3A_511 : i32 to vector<16xi32>
        %lt3A_513 = arith.cmpi slt, %rem3A_507, %lt3A_512 : vector<16xi32>
        %lt3A_514 = arith.constant 0 : i32
        %lt3A_515 = arith.cmpi slt, %select_n3A_505, %lt3A_514 : i32
        %ne3A_516 = vector.broadcast %lt3A_515 : i1 to vector<16xi1>
        %ne3A_517 = vector.broadcast %ne3A_516 : vector<16xi1> to vector<16xi1>
        %ne3A_518 = arith.xori %lt3A_513, %ne3A_517 : vector<16xi1>
        %and3A_519 = arith.andi %ne3A_518, %ne3A_510 : vector<16xi1>
        %add3A_520 = vector.broadcast %select_n3A_505 : i32 to vector<16xi32>
        %add3A_521 = arith.addi %rem3A_507, %add3A_520 : vector<16xi32>
        %select_n3A_522 = arith.select %and3A_519, %add3A_521, %rem3A_507 : vector<16xi1>, vector<16xi32>
        %scan3A_523 = arith.constant 0 : i32
        %scan3A_524 = arith.constant 0 : i32
        %scan3A_525 = arith.constant 16 : i32
        %scan3A_526 = arith.addi %scan3A_524, %scan3A_525 : i32
        %scan3A_527 = arith.constant 1 : i32
        scf.for %scan3A_575 = %scan3A_524 to %scan3A_526 step %scan3A_527  : i32 {
          %mul3A_576 = arith.constant 16 : i32
          %mul3A_577 = arith.muli %scan3A_575, %mul3A_576 : i32
          %jit3A_578 = arith.constant 8 : i32
          %div3A_579 = arith.divsi %scan3A_575, %jit3A_578 : i32
          %sign3A_580 = arith.constant 0 : i32
          %sign3A_581 = arith.cmpi sgt, %scan3A_575, %sign3A_580 : i32
          %sign3A_582 = arith.extui %sign3A_581 : i1 to i32
          %sign3A_583 = arith.constant 0 : i32
          %sign3A_584 = arith.cmpi slt, %scan3A_575, %sign3A_583 : i32
          %sign3A_585 = arith.extui %sign3A_584 : i1 to i32
          %sign3A_586 = arith.subi %sign3A_582, %sign3A_585 : i32
          %sign3A_587 = arith.constant 0 : i32
          %sign3A_588 = arith.cmpi sgt, %jit3A_578, %sign3A_587 : i32
          %sign3A_589 = arith.extui %sign3A_588 : i1 to i32
          %sign3A_590 = arith.constant 0 : i32
          %sign3A_591 = arith.cmpi slt, %jit3A_578, %sign3A_590 : i32
          %sign3A_592 = arith.extui %sign3A_591 : i1 to i32
          %sign3A_593 = arith.subi %sign3A_589, %sign3A_592 : i32
          %ne3A_594 = arith.cmpi ne, %sign3A_586, %sign3A_593 : i32
          %rem3A_595 = arith.remsi %scan3A_575, %jit3A_578 : i32
          %ne3A_596 = arith.constant 0 : i32
          %ne3A_597 = arith.cmpi ne, %rem3A_595, %ne3A_596 : i32
          %and3A_598 = arith.andi %ne3A_594, %ne3A_597 : i1
          %sub3A_599 = arith.constant 1 : i32
          %sub3A_600 = arith.subi %div3A_579, %sub3A_599 : i32
          %select_n3A_601 = arith.select %and3A_598, %sub3A_600, %div3A_579 : i32
          %broadcast_in_dim3A = vector.broadcast %select_n3A_601 : i32 to vector<16xi32>
          %jit3A_602 = arith.constant 8 : i32
          %eq3A_603 = arith.constant 0 : i32
          %eq3A_604 = arith.cmpi eq, %jit3A_602, %eq3A_603 : i32
          %jit3A_605 = arith.constant 1 : i32
          %select_n3A_606 = arith.select %eq3A_604, %jit3A_605, %jit3A_602 : i32
          %rem3A_607 = arith.remsi %scan3A_575, %select_n3A_606 : i32
          %ne3A_608 = arith.constant 0 : i32
          %ne3A_609 = arith.cmpi ne, %rem3A_607, %ne3A_608 : i32
          %lt3A_610 = arith.constant 0 : i32
          %lt3A_611 = arith.cmpi slt, %rem3A_607, %lt3A_610 : i32
          %lt3A_612 = arith.constant 0 : i32
          %lt3A_613 = arith.cmpi slt, %select_n3A_606, %lt3A_612 : i32
          %ne3A_614 = arith.xori %lt3A_611, %lt3A_613 : i1
          %and3A_615 = arith.andi %ne3A_614, %ne3A_609 : i1
          %add3A_616 = arith.addi %rem3A_607, %select_n3A_606 : i32
          %select_n3A_617 = arith.select %and3A_615, %add3A_616, %rem3A_607 : i32
          %mul3A_618 = arith.constant 16 : i32
          %mul3A_619 = arith.muli %select_n3A_617, %mul3A_618 : i32
          %add3A_620 = arith.constant 0 : i32
          %add3A_621 = arith.addi %mul3A_577, %add3A_620 : i32
          %add3A_622 = arith.constant 0 : i32
          %add3A_623 = arith.addi %mul3A_619, %add3A_622 : i32
          %broadcast_in_dim3A_624 = vector.broadcast %add3A_623 : i32 to vector<16xi32>
          %get3A_625 = arith.index_cast %add3A_621 : i32 to index
          %get3A_626 = arith.constant 0 : index
          %get3A_627 = tpu.vector_load %arg10[%get3A_625, %get3A_626] {strides = array<i32>} : memref<256x64xf32, #tpu.memory_space<vmem>>, vector<16xf32>,
          %mul3A_628 = arith.constant 8.000000e+00 : f32
          %mul3A_629 = vector.broadcast %mul3A_628 : f32 to vector<16xf32>
          %mul3A_630 = arith.mulf %get3A_627, %mul3A_629 : vector<16xf32>
          tpu.vector_store_idx %arg12[%broadcast_in_dim3A, %add3A_398, %select_n3A_522, %broadcast_in_dim3A_624], %mul3A_630 : memref<2x8x8x129xf32, #tpu.memory_space<vmem>>[vector<16xi32>, vector<16xi32>, vector<16xi32>, vector<16xi32>], vector<16xf32>,
          %get3A_631 = arith.index_cast %add3A_621 : i32 to index
          %get3A_632 = arith.constant 16 : index
          %get3A_633 = tpu.vector_load %arg10[%get3A_631, %get3A_632] {strides = array<i32>} : memref<256x64xf32, #tpu.memory_space<vmem>>, vector<16xf32>,
          %mul3A_634 = arith.constant 8.000000e+00 : f32
          %mul3A_635 = vector.broadcast %mul3A_634 : f32 to vector<16xf32>
          %mul3A_636 = arith.mulf %get3A_633, %mul3A_635 : vector<16xf32>
          tpu.vector_store_idx %arg12[%broadcast_in_dim3A, %add3A_432, %select_n3A_522, %broadcast_in_dim3A_624], %mul3A_636 : memref<2x8x8x129xf32, #tpu.memory_space<vmem>>[vector<16xi32>, vector<16xi32>, vector<16xi32>, vector<16xi32>], vector<16xf32>,
          %get3A_637 = arith.index_cast %add3A_621 : i32 to index
          %get3A_638 = arith.constant 32 : index
          %get3A_639 = tpu.vector_load %arg10[%get3A_637, %get3A_638] {strides = array<i32>} : memref<256x64xf32, #tpu.memory_space<vmem>>, vector<16xf32>,
          %mul3A_640 = arith.constant 8.000000e+00 : f32
          %mul3A_641 = vector.broadcast %mul3A_640 : f32 to vector<16xf32>
          %mul3A_642 = arith.mulf %get3A_639, %mul3A_641 : vector<16xf32>
          tpu.vector_store_idx %arg12[%broadcast_in_dim3A, %add3A_466, %select_n3A_522, %broadcast_in_dim3A_624], %mul3A_642 : memref<2x8x8x129xf32, #tpu.memory_space<vmem>>[vector<16xi32>, vector<16xi32>, vector<16xi32>, vector<16xi32>], vector<16xf32>,
          %get3A_643 = arith.index_cast %add3A_621 : i32 to index
          %get3A_644 = arith.constant 48 : index
          %get3A_645 = tpu.vector_load %arg10[%get3A_643, %get3A_644] {strides = array<i32>} : memref<256x64xf32, #tpu.memory_space<vmem>>, vector<16xf32>,
          %mul3A_646 = arith.constant 8.000000e+00 : f32
          %mul3A_647 = vector.broadcast %mul3A_646 : f32 to vector<16xf32>
          %mul3A_648 = arith.mulf %get3A_645, %mul3A_647 : vector<16xf32>
          tpu.vector_store_idx %arg12[%broadcast_in_dim3A, %add3A_500, %select_n3A_522, %broadcast_in_dim3A_624], %mul3A_648 : memref<2x8x8x129xf32, #tpu.memory_space<vmem>>[vector<16xi32>, vector<16xi32>, vector<16xi32>, vector<16xi32>], vector<16xf32>,
          %add3A_649 = arith.constant 1 : i32
          %add3A_650 = arith.addi %mul3A_577, %add3A_649 : i32
          %add3A_651 = arith.constant 1 : i32
          %add3A_652 = arith.addi %mul3A_619, %add3A_651 : i32
          %broadcast_in_dim3A_653 = vector.broadcast %add3A_652 : i32 to vector<16xi32>
          %get3A_654 = arith.index_cast %add3A_650 : i32 to index
          %get3A_655 = arith.constant 0 : index
          %get3A_656 = tpu.vector_load %arg10[%get3A_654, %get3A_655] {strides = array<i32>} : memref<256x64xf32, #tpu.memory_space<vmem>>, vector<16xf32>,
          %mul3A_657 = arith.constant 8.000000e+00 : f32
          %mul3A_658 = vector.broadcast %mul3A_657 : f32 to vector<16xf32>
          %mul3A_659 = arith.mulf %get3A_656, %mul3A_658 : vector<16xf32>
          tpu.vector_store_idx %arg12[%broadcast_in_dim3A, %add3A_398, %select_n3A_522, %broadcast_in_dim3A_653], %mul3A_659 : memref<2x8x8x129xf32, #tpu.memory_space<vmem>>[vector<16xi32>, vector<16xi32>, vector<16xi32>, vector<16xi32>], vector<16xf32>,
          %get3A_660 = arith.index_cast %add3A_650 : i32 to index
          %get3A_661 = arith.constant 16 : index
          %get3A_662 = tpu.vector_load %arg10[%get3A_660, %get3A_661] {strides = array<i32>} : memref<256x64xf32, #tpu.memory_space<vmem>>, vector<16xf32>,
          %mul3A_663 = arith.constant 8.000000e+00 : f32
          %mul3A_664 = vector.broadcast %mul3A_663 : f32 to vector<16xf32>
          %mul3A_665 = arith.mulf %get3A_662, %mul3A_664 : vector<16xf32>
          tpu.vector_store_idx %arg12[%broadcast_in_dim3A, %add3A_432, %select_n3A_522, %broadcast_in_dim3A_653], %mul3A_665 : memref<2x8x8x129xf32, #tpu.memory_space<vmem>>[vector<16xi32>, vector<16xi32>, vector<16xi32>, vector<16xi32>], vector<16xf32>,
          %get3A_666 = arith.index_cast %add3A_650 : i32 to index
          %get3A_667 = arith.constant 32 : index
          %get3A_668 = tpu.vector_load %arg10[%get3A_666, %get3A_667] {strides = array<i32>} : memref<256x64xf32, #tpu.memory_space<vmem>>, vector<16xf32>,
          %mul3A_669 = arith.constant 8.000000e+00 : f32
          %mul3A_670 = vector.broadcast %mul3A_669 : f32 to vector<16xf32>
          %mul3A_671 = arith.mulf %get3A_668, %mul3A_670 : vector<16xf32>
          tpu.vector_store_idx %arg12[%broadcast_in_dim3A, %add3A_466, %select_n3A_522, %broadcast_in_dim3A_653], %mul3A_671 : memref<2x8x8x129xf32, #tpu.memory_space<vmem>>[vector<16xi32>, vector<16xi32>, vector<16xi32>, vector<16xi32>], vector<16xf32>,
          %get3A_672 = arith.index_cast %add3A_650 : i32 to index
          %get3A_673 = arith.constant 48 : index
          %get3A_674 = tpu.vector_load %arg10[%get3A_672, %get3A_673] {strides = array<i32>} : memref<256x64xf32, #tpu.memory_space<vmem>>, vector<16xf32>,
          %mul3A_675 = arith.constant 8.000000e+00 : f32
          %mul3A_676 = vector.broadcast %mul3A_675 : f32 to vector<16xf32>
          %mul3A_677 = arith.mulf %get3A_674, %mul3A_676 : vector<16xf32>
          tpu.vector_store_idx %arg12[%broadcast_in_dim3A, %add3A_500, %select_n3A_522, %broadcast_in_dim3A_653], %mul3A_677 : memref<2x8x8x129xf32, #tpu.memory_space<vmem>>[vector<16xi32>, vector<16xi32>, vector<16xi32>, vector<16xi32>], vector<16xf32>,
          %add3A_678 = arith.constant 2 : i32
          %add3A_679 = arith.addi %mul3A_577, %add3A_678 : i32
          %add3A_680 = arith.constant 2 : i32
          %add3A_681 = arith.addi %mul3A_619, %add3A_680 : i32
          %broadcast_in_dim3A_682 = vector.broadcast %add3A_681 : i32 to vector<16xi32>
          %get3A_683 = arith.index_cast %add3A_679 : i32 to index
          %get3A_684 = arith.constant 0 : index
          %get3A_685 = tpu.vector_load %arg10[%get3A_683, %get3A_684] {strides = array<i32>} : memref<256x64xf32, #tpu.memory_space<vmem>>, vector<16xf32>,
          %mul3A_686 = arith.constant 8.000000e+00 : f32
          %mul3A_687 = vector.broadcast %mul3A_686 : f32 to vector<16xf32>
          %mul3A_688 = arith.mulf %get3A_685, %mul3A_687 : vector<16xf32>
          tpu.vector_store_idx %arg12[%broadcast_in_dim3A, %add3A_398, %select_n3A_522, %broadcast_in_dim3A_682], %mul3A_688 : memref<2x8x8x129xf32, #tpu.memory_space<vmem>>[vector<16xi32>, vector<16xi32>, vector<16xi32>, vector<16xi32>], vector<16xf32>,
          %get3A_689 = arith.index_cast %add3A_679 : i32 to index
          %get3A_690 = arith.constant 16 : index
          %get3A_691 = tpu.vector_load %arg10[%get3A_689, %get3A_690] {strides = array<i32>} : memref<256x64xf32, #tpu.memory_space<vmem>>, vector<16xf32>,
          %mul3A_692 = arith.constant 8.000000e+00 : f32
          %mul3A_693 = vector.broadcast %mul3A_692 : f32 to vector<16xf32>
          %mul3A_694 = arith.mulf %get3A_691, %mul3A_693 : vector<16xf32>
          tpu.vector_store_idx %arg12[%broadcast_in_dim3A, %add3A_432, %select_n3A_522, %broadcast_in_dim3A_682], %mul3A_694 : memref<2x8x8x129xf32, #tpu.memory_space<vmem>>[vector<16xi32>, vector<16xi32>, vector<16xi32>, vector<16xi32>], vector<16xf32>,
          %get3A_695 = arith.index_cast %add3A_679 : i32 to index
          %get3A_696 = arith.constant 32 : index
          %get3A_697 = tpu.vector_load %arg10[%get3A_695, %get3A_696] {strides = array<i32>} : memref<256x64xf32, #tpu.memory_space<vmem>>, vector<16xf32>,
          %mul3A_698 = arith.constant 8.000000e+00 : f32
          %mul3A_699 = vector.broadcast %mul3A_698 : f32 to vector<16xf32>
          %mul3A_700 = arith.mulf %get3A_697, %mul3A_699 : vector<16xf32>
          tpu.vector_store_idx %arg12[%broadcast_in_dim3A, %add3A_466, %select_n3A_522, %broadcast_in_dim3A_682], %mul3A_700 : memref<2x8x8x129xf32, #tpu.memory_space<vmem>>[vector<16xi32>, vector<16xi32>, vector<16xi32>, vector<16xi32>], vector<16xf32>,
          %get3A_701 = arith.index_cast %add3A_679 : i32 to index
          %get3A_702 = arith.constant 48 : index
          %get3A_703 = tpu.vector_load %arg10[%get3A_701, %get3A_702] {strides = array<i32>} : memref<256x64xf32, #tpu.memory_space<vmem>>, vector<16xf32>,
          %mul3A_704 = arith.constant 8.000000e+00 : f32
          %mul3A_705 = vector.broadcast %mul3A_704 : f32 to vector<16xf32>
          %mul3A_706 = arith.mulf %get3A_703, %mul3A_705 : vector<16xf32>
          tpu.vector_store_idx %arg12[%broadcast_in_dim3A, %add3A_500, %select_n3A_522, %broadcast_in_dim3A_682], %mul3A_706 : memref<2x8x8x129xf32, #tpu.memory_space<vmem>>[vector<16xi32>, vector<16xi32>, vector<16xi32>, vector<16xi32>], vector<16xf32>,
          %add3A_707 = arith.constant 3 : i32
          %add3A_708 = arith.addi %mul3A_577, %add3A_707 : i32
          %add3A_709 = arith.constant 3 : i32
          %add3A_710 = arith.addi %mul3A_619, %add3A_709 : i32
          %broadcast_in_dim3A_711 = vector.broadcast %add3A_710 : i32 to vector<16xi32>
          %get3A_712 = arith.index_cast %add3A_708 : i32 to index
          %get3A_713 = arith.constant 0 : index
          %get3A_714 = tpu.vector_load %arg10[%get3A_712, %get3A_713] {strides = array<i32>} : memref<256x64xf32, #tpu.memory_space<vmem>>, vector<16xf32>,
          %mul3A_715 = arith.constant 8.000000e+00 : f32
          %mul3A_716 = vector.broadcast %mul3A_715 : f32 to vector<16xf32>
          %mul3A_717 = arith.mulf %get3A_714, %mul3A_716 : vector<16xf32>
          tpu.vector_store_idx %arg12[%broadcast_in_dim3A, %add3A_398, %select_n3A_522, %broadcast_in_dim3A_711], %mul3A_717 : memref<2x8x8x129xf32, #tpu.memory_space<vmem>>[vector<16xi32>, vector<16xi32>, vector<16xi32>, vector<16xi32>], vector<16xf32>,
          %get3A_718 = arith.index_cast %add3A_708 : i32 to index
          %get3A_719 = arith.constant 16 : index
          %get3A_720 = tpu.vector_load %arg10[%get3A_718, %get3A_719] {strides = array<i32>} : memref<256x64xf32, #tpu.memory_space<vmem>>, vector<16xf32>,
          %mul3A_721 = arith.constant 8.000000e+00 : f32
          %mul3A_722 = vector.broadcast %mul3A_721 : f32 to vector<16xf32>
          %mul3A_723 = arith.mulf %get3A_720, %mul3A_722 : vector<16xf32>
          tpu.vector_store_idx %arg12[%broadcast_in_dim3A, %add3A_432, %select_n3A_522, %broadcast_in_dim3A_711], %mul3A_723 : memref<2x8x8x129xf32, #tpu.memory_space<vmem>>[vector<16xi32>, vector<16xi32>, vector<16xi32>, vector<16xi32>], vector<16xf32>,
          %get3A_724 = arith.index_cast %add3A_708 : i32 to index
          %get3A_725 = arith.constant 32 : index
          %get3A_726 = tpu.vector_load %arg10[%get3A_724, %get3A_725] {strides = array<i32>} : memref<256x64xf32, #tpu.memory_space<vmem>>, vector<16xf32>,
          %mul3A_727 = arith.constant 8.000000e+00 : f32
          %mul3A_728 = vector.broadcast %mul3A_727 : f32 to vector<16xf32>
          %mul3A_729 = arith.mulf %get3A_726, %mul3A_728 : vector<16xf32>
          tpu.vector_store_idx %arg12[%broadcast_in_dim3A, %add3A_466, %select_n3A_522, %broadcast_in_dim3A_711], %mul3A_729 : memref<2x8x8x129xf32, #tpu.memory_space<vmem>>[vector<16xi32>, vector<16xi32>, vector<16xi32>, vector<16xi32>], vector<16xf32>,
          %get3A_730 = arith.index_cast %add3A_708 : i32 to index
          %get3A_731 = arith.constant 48 : index
          %get3A_732 = tpu.vector_load %arg10[%get3A_730, %get3A_731] {strides = array<i32>} : memref<256x64xf32, #tpu.memory_space<vmem>>, vector<16xf32>,
          %mul3A_733 = arith.constant 8.000000e+00 : f32
          %mul3A_734 = vector.broadcast %mul3A_733 : f32 to vector<16xf32>
          %mul3A_735 = arith.mulf %get3A_732, %mul3A_734 : vector<16xf32>
          tpu.vector_store_idx %arg12[%broadcast_in_dim3A, %add3A_500, %select_n3A_522, %broadcast_in_dim3A_711], %mul3A_735 : memref<2x8x8x129xf32, #tpu.memory_space<vmem>>[vector<16xi32>, vector<16xi32>, vector<16xi32>, vector<16xi32>], vector<16xf32>,
          %add3A_736 = arith.constant 4 : i32
          %add3A_737 = arith.addi %mul3A_577, %add3A_736 : i32
          %add3A_738 = arith.constant 4 : i32
          %add3A_739 = arith.addi %mul3A_619, %add3A_738 : i32
          %broadcast_in_dim3A_740 = vector.broadcast %add3A_739 : i32 to vector<16xi32>
          %get3A_741 = arith.index_cast %add3A_737 : i32 to index
          %get3A_742 = arith.constant 0 : index
          %get3A_743 = tpu.vector_load %arg10[%get3A_741, %get3A_742] {strides = array<i32>} : memref<256x64xf32, #tpu.memory_space<vmem>>, vector<16xf32>,
          %mul3A_744 = arith.constant 8.000000e+00 : f32
          %mul3A_745 = vector.broadcast %mul3A_744 : f32 to vector<16xf32>
          %mul3A_746 = arith.mulf %get3A_743, %mul3A_745 : vector<16xf32>
          tpu.vector_store_idx %arg12[%broadcast_in_dim3A, %add3A_398, %select_n3A_522, %broadcast_in_dim3A_740], %mul3A_746 : memref<2x8x8x129xf32, #tpu.memory_space<vmem>>[vector<16xi32>, vector<16xi32>, vector<16xi32>, vector<16xi32>], vector<16xf32>,
          %get3A_747 = arith.index_cast %add3A_737 : i32 to index
          %get3A_748 = arith.constant 16 : index
          %get3A_749 = tpu.vector_load %arg10[%get3A_747, %get3A_748] {strides = array<i32>} : memref<256x64xf32, #tpu.memory_space<vmem>>, vector<16xf32>,
          %mul3A_750 = arith.constant 8.000000e+00 : f32
          %mul3A_751 = vector.broadcast %mul3A_750 : f32 to vector<16xf32>
          %mul3A_752 = arith.mulf %get3A_749, %mul3A_751 : vector<16xf32>
          tpu.vector_store_idx %arg12[%broadcast_in_dim3A, %add3A_432, %select_n3A_522, %broadcast_in_dim3A_740], %mul3A_752 : memref<2x8x8x129xf32, #tpu.memory_space<vmem>>[vector<16xi32>, vector<16xi32>, vector<16xi32>, vector<16xi32>], vector<16xf32>,
          %get3A_753 = arith.index_cast %add3A_737 : i32 to index
          %get3A_754 = arith.constant 32 : index
          %get3A_755 = tpu.vector_load %arg10[%get3A_753, %get3A_754] {strides = array<i32>} : memref<256x64xf32, #tpu.memory_space<vmem>>, vector<16xf32>,
          %mul3A_756 = arith.constant 8.000000e+00 : f32
          %mul3A_757 = vector.broadcast %mul3A_756 : f32 to vector<16xf32>
          %mul3A_758 = arith.mulf %get3A_755, %mul3A_757 : vector<16xf32>
          tpu.vector_store_idx %arg12[%broadcast_in_dim3A, %add3A_466, %select_n3A_522, %broadcast_in_dim3A_740], %mul3A_758 : memref<2x8x8x129xf32, #tpu.memory_space<vmem>>[vector<16xi32>, vector<16xi32>, vector<16xi32>, vector<16xi32>], vector<16xf32>,
          %get3A_759 = arith.index_cast %add3A_737 : i32 to index
          %get3A_760 = arith.constant 48 : index
          %get3A_761 = tpu.vector_load %arg10[%get3A_759, %get3A_760] {strides = array<i32>} : memref<256x64xf32, #tpu.memory_space<vmem>>, vector<16xf32>,
          %mul3A_762 = arith.constant 8.000000e+00 : f32
          %mul3A_763 = vector.broadcast %mul3A_762 : f32 to vector<16xf32>
          %mul3A_764 = arith.mulf %get3A_761, %mul3A_763 : vector<16xf32>
          tpu.vector_store_idx %arg12[%broadcast_in_dim3A, %add3A_500, %select_n3A_522, %broadcast_in_dim3A_740], %mul3A_764 : memref<2x8x8x129xf32, #tpu.memory_space<vmem>>[vector<16xi32>, vector<16xi32>, vector<16xi32>, vector<16xi32>], vector<16xf32>,
          %add3A_765 = arith.constant 5 : i32
          %add3A_766 = arith.addi %mul3A_577, %add3A_765 : i32
          %add3A_767 = arith.constant 5 : i32
          %add3A_768 = arith.addi %mul3A_619, %add3A_767 : i32
          %broadcast_in_dim3A_769 = vector.broadcast %add3A_768 : i32 to vector<16xi32>
          %get3A_770 = arith.index_cast %add3A_766 : i32 to index
          %get3A_771 = arith.constant 0 : index
          %get3A_772 = tpu.vector_load %arg10[%get3A_770, %get3A_771] {strides = array<i32>} : memref<256x64xf32, #tpu.memory_space<vmem>>, vector<16xf32>,
          %mul3A_773 = arith.constant 8.000000e+00 : f32
          %mul3A_774 = vector.broadcast %mul3A_773 : f32 to vector<16xf32>
          %mul3A_775 = arith.mulf %get3A_772, %mul3A_774 : vector<16xf32>
          tpu.vector_store_idx %arg12[%broadcast_in_dim3A, %add3A_398, %select_n3A_522, %broadcast_in_dim3A_769], %mul3A_775 : memref<2x8x8x129xf32, #tpu.memory_space<vmem>>[vector<16xi32>, vector<16xi32>, vector<16xi32>, vector<16xi32>], vector<16xf32>,
          %get3A_776 = arith.index_cast %add3A_766 : i32 to index
          %get3A_777 = arith.constant 16 : index
          %get3A_778 = tpu.vector_load %arg10[%get3A_776, %get3A_777] {strides = array<i32>} : memref<256x64xf32, #tpu.memory_space<vmem>>, vector<16xf32>,
          %mul3A_779 = arith.constant 8.000000e+00 : f32
          %mul3A_780 = vector.broadcast %mul3A_779 : f32 to vector<16xf32>
          %mul3A_781 = arith.mulf %get3A_778, %mul3A_780 : vector<16xf32>
          tpu.vector_store_idx %arg12[%broadcast_in_dim3A, %add3A_432, %select_n3A_522, %broadcast_in_dim3A_769], %mul3A_781 : memref<2x8x8x129xf32, #tpu.memory_space<vmem>>[vector<16xi32>, vector<16xi32>, vector<16xi32>, vector<16xi32>], vector<16xf32>,
          %get3A_782 = arith.index_cast %add3A_766 : i32 to index
          %get3A_783 = arith.constant 32 : index
          %get3A_784 = tpu.vector_load %arg10[%get3A_782, %get3A_783] {strides = array<i32>} : memref<256x64xf32, #tpu.memory_space<vmem>>, vector<16xf32>,
          %mul3A_785 = arith.constant 8.000000e+00 : f32
          %mul3A_786 = vector.broadcast %mul3A_785 : f32 to vector<16xf32>
          %mul3A_787 = arith.mulf %get3A_784, %mul3A_786 : vector<16xf32>
          tpu.vector_store_idx %arg12[%broadcast_in_dim3A, %add3A_466, %select_n3A_522, %broadcast_in_dim3A_769], %mul3A_787 : memref<2x8x8x129xf32, #tpu.memory_space<vmem>>[vector<16xi32>, vector<16xi32>, vector<16xi32>, vector<16xi32>], vector<16xf32>,
          %get3A_788 = arith.index_cast %add3A_766 : i32 to index
          %get3A_789 = arith.constant 48 : index
          %get3A_790 = tpu.vector_load %arg10[%get3A_788, %get3A_789] {strides = array<i32>} : memref<256x64xf32, #tpu.memory_space<vmem>>, vector<16xf32>,
          %mul3A_791 = arith.constant 8.000000e+00 : f32
          %mul3A_792 = vector.broadcast %mul3A_791 : f32 to vector<16xf32>
          %mul3A_793 = arith.mulf %get3A_790, %mul3A_792 : vector<16xf32>
          tpu.vector_store_idx %arg12[%broadcast_in_dim3A, %add3A_500, %select_n3A_522, %broadcast_in_dim3A_769], %mul3A_793 : memref<2x8x8x129xf32, #tpu.memory_space<vmem>>[vector<16xi32>, vector<16xi32>, vector<16xi32>, vector<16xi32>], vector<16xf32>,
          %add3A_794 = arith.constant 6 : i32
          %add3A_795 = arith.addi %mul3A_577, %add3A_794 : i32
          %add3A_796 = arith.constant 6 : i32
          %add3A_797 = arith.addi %mul3A_619, %add3A_796 : i32
          %broadcast_in_dim3A_798 = vector.broadcast %add3A_797 : i32 to vector<16xi32>
          %get3A_799 = arith.index_cast %add3A_795 : i32 to index
          %get3A_800 = arith.constant 0 : index
          %get3A_801 = tpu.vector_load %arg10[%get3A_799, %get3A_800] {strides = array<i32>} : memref<256x64xf32, #tpu.memory_space<vmem>>, vector<16xf32>,
          %mul3A_802 = arith.constant 8.000000e+00 : f32
          %mul3A_803 = vector.broadcast %mul3A_802 : f32 to vector<16xf32>
          %mul3A_804 = arith.mulf %get3A_801, %mul3A_803 : vector<16xf32>
          tpu.vector_store_idx %arg12[%broadcast_in_dim3A, %add3A_398, %select_n3A_522, %broadcast_in_dim3A_798], %mul3A_804 : memref<2x8x8x129xf32, #tpu.memory_space<vmem>>[vector<16xi32>, vector<16xi32>, vector<16xi32>, vector<16xi32>], vector<16xf32>,
          %get3A_805 = arith.index_cast %add3A_795 : i32 to index
          %get3A_806 = arith.constant 16 : index
          %get3A_807 = tpu.vector_load %arg10[%get3A_805, %get3A_806] {strides = array<i32>} : memref<256x64xf32, #tpu.memory_space<vmem>>, vector<16xf32>,
          %mul3A_808 = arith.constant 8.000000e+00 : f32
          %mul3A_809 = vector.broadcast %mul3A_808 : f32 to vector<16xf32>
          %mul3A_810 = arith.mulf %get3A_807, %mul3A_809 : vector<16xf32>
          tpu.vector_store_idx %arg12[%broadcast_in_dim3A, %add3A_432, %select_n3A_522, %broadcast_in_dim3A_798], %mul3A_810 : memref<2x8x8x129xf32, #tpu.memory_space<vmem>>[vector<16xi32>, vector<16xi32>, vector<16xi32>, vector<16xi32>], vector<16xf32>,
          %get3A_811 = arith.index_cast %add3A_795 : i32 to index
          %get3A_812 = arith.constant 32 : index
          %get3A_813 = tpu.vector_load %arg10[%get3A_811, %get3A_812] {strides = array<i32>} : memref<256x64xf32, #tpu.memory_space<vmem>>, vector<16xf32>,
          %mul3A_814 = arith.constant 8.000000e+00 : f32
          %mul3A_815 = vector.broadcast %mul3A_814 : f32 to vector<16xf32>
          %mul3A_816 = arith.mulf %get3A_813, %mul3A_815 : vector<16xf32>
          tpu.vector_store_idx %arg12[%broadcast_in_dim3A, %add3A_466, %select_n3A_522, %broadcast_in_dim3A_798], %mul3A_816 : memref<2x8x8x129xf32, #tpu.memory_space<vmem>>[vector<16xi32>, vector<16xi32>, vector<16xi32>, vector<16xi32>], vector<16xf32>,
          %get3A_817 = arith.index_cast %add3A_795 : i32 to index
          %get3A_818 = arith.constant 48 : index
          %get3A_819 = tpu.vector_load %arg10[%get3A_817, %get3A_818] {strides = array<i32>} : memref<256x64xf32, #tpu.memory_space<vmem>>, vector<16xf32>,
          %mul3A_820 = arith.constant 8.000000e+00 : f32
          %mul3A_821 = vector.broadcast %mul3A_820 : f32 to vector<16xf32>
          %mul3A_822 = arith.mulf %get3A_819, %mul3A_821 : vector<16xf32>
          tpu.vector_store_idx %arg12[%broadcast_in_dim3A, %add3A_500, %select_n3A_522, %broadcast_in_dim3A_798], %mul3A_822 : memref<2x8x8x129xf32, #tpu.memory_space<vmem>>[vector<16xi32>, vector<16xi32>, vector<16xi32>, vector<16xi32>], vector<16xf32>,
          %add3A_823 = arith.constant 7 : i32
          %add3A_824 = arith.addi %mul3A_577, %add3A_823 : i32
          %add3A_825 = arith.constant 7 : i32
          %add3A_826 = arith.addi %mul3A_619, %add3A_825 : i32
          %broadcast_in_dim3A_827 = vector.broadcast %add3A_826 : i32 to vector<16xi32>
          %get3A_828 = arith.index_cast %add3A_824 : i32 to index
          %get3A_829 = arith.constant 0 : index
          %get3A_830 = tpu.vector_load %arg10[%get3A_828, %get3A_829] {strides = array<i32>} : memref<256x64xf32, #tpu.memory_space<vmem>>, vector<16xf32>,
          %mul3A_831 = arith.constant 8.000000e+00 : f32
          %mul3A_832 = vector.broadcast %mul3A_831 : f32 to vector<16xf32>
          %mul3A_833 = arith.mulf %get3A_830, %mul3A_832 : vector<16xf32>
          tpu.vector_store_idx %arg12[%broadcast_in_dim3A, %add3A_398, %select_n3A_522, %broadcast_in_dim3A_827], %mul3A_833 : memref<2x8x8x129xf32, #tpu.memory_space<vmem>>[vector<16xi32>, vector<16xi32>, vector<16xi32>, vector<16xi32>], vector<16xf32>,
          %get3A_834 = arith.index_cast %add3A_824 : i32 to index
          %get3A_835 = arith.constant 16 : index
          %get3A_836 = tpu.vector_load %arg10[%get3A_834, %get3A_835] {strides = array<i32>} : memref<256x64xf32, #tpu.memory_space<vmem>>, vector<16xf32>,
          %mul3A_837 = arith.constant 8.000000e+00 : f32
          %mul3A_838 = vector.broadcast %mul3A_837 : f32 to vector<16xf32>
          %mul3A_839 = arith.mulf %get3A_836, %mul3A_838 : vector<16xf32>
          tpu.vector_store_idx %arg12[%broadcast_in_dim3A, %add3A_432, %select_n3A_522, %broadcast_in_dim3A_827], %mul3A_839 : memref<2x8x8x129xf32, #tpu.memory_space<vmem>>[vector<16xi32>, vector<16xi32>, vector<16xi32>, vector<16xi32>], vector<16xf32>,
          %get3A_840 = arith.index_cast %add3A_824 : i32 to index
          %get3A_841 = arith.constant 32 : index
          %get3A_842 = tpu.vector_load %arg10[%get3A_840, %get3A_841] {strides = array<i32>} : memref<256x64xf32, #tpu.memory_space<vmem>>, vector<16xf32>,
          %mul3A_843 = arith.constant 8.000000e+00 : f32
          %mul3A_844 = vector.broadcast %mul3A_843 : f32 to vector<16xf32>
          %mul3A_845 = arith.mulf %get3A_842, %mul3A_844 : vector<16xf32>
          tpu.vector_store_idx %arg12[%broadcast_in_dim3A, %add3A_466, %select_n3A_522, %broadcast_in_dim3A_827], %mul3A_845 : memref<2x8x8x129xf32, #tpu.memory_space<vmem>>[vector<16xi32>, vector<16xi32>, vector<16xi32>, vector<16xi32>], vector<16xf32>,
          %get3A_846 = arith.index_cast %add3A_824 : i32 to index
          %get3A_847 = arith.constant 48 : index
          %get3A_848 = tpu.vector_load %arg10[%get3A_846, %get3A_847] {strides = array<i32>} : memref<256x64xf32, #tpu.memory_space<vmem>>, vector<16xf32>,
          %mul3A_849 = arith.constant 8.000000e+00 : f32
          %mul3A_850 = vector.broadcast %mul3A_849 : f32 to vector<16xf32>
          %mul3A_851 = arith.mulf %get3A_848, %mul3A_850 : vector<16xf32>
          tpu.vector_store_idx %arg12[%broadcast_in_dim3A, %add3A_500, %select_n3A_522, %broadcast_in_dim3A_827], %mul3A_851 : memref<2x8x8x129xf32, #tpu.memory_space<vmem>>[vector<16xi32>, vector<16xi32>, vector<16xi32>, vector<16xi32>], vector<16xf32>,
          %add3A_852 = arith.constant 8 : i32
          %add3A_853 = arith.addi %mul3A_577, %add3A_852 : i32
          %add3A_854 = arith.constant 8 : i32
          %add3A_855 = arith.addi %mul3A_619, %add3A_854 : i32
          %broadcast_in_dim3A_856 = vector.broadcast %add3A_855 : i32 to vector<16xi32>
          %get3A_857 = arith.index_cast %add3A_853 : i32 to index
          %get3A_858 = arith.constant 0 : index
          %get3A_859 = tpu.vector_load %arg10[%get3A_857, %get3A_858] {strides = array<i32>} : memref<256x64xf32, #tpu.memory_space<vmem>>, vector<16xf32>,
          %mul3A_860 = arith.constant 8.000000e+00 : f32
          %mul3A_861 = vector.broadcast %mul3A_860 : f32 to vector<16xf32>
          %mul3A_862 = arith.mulf %get3A_859, %mul3A_861 : vector<16xf32>
          tpu.vector_store_idx %arg12[%broadcast_in_dim3A, %add3A_398, %select_n3A_522, %broadcast_in_dim3A_856], %mul3A_862 : memref<2x8x8x129xf32, #tpu.memory_space<vmem>>[vector<16xi32>, vector<16xi32>, vector<16xi32>, vector<16xi32>], vector<16xf32>,
          %get3A_863 = arith.index_cast %add3A_853 : i32 to index
          %get3A_864 = arith.constant 16 : index
          %get3A_865 = tpu.vector_load %arg10[%get3A_863, %get3A_864] {strides = array<i32>} : memref<256x64xf32, #tpu.memory_space<vmem>>, vector<16xf32>,
          %mul3A_866 = arith.constant 8.000000e+00 : f32
          %mul3A_867 = vector.broadcast %mul3A_866 : f32 to vector<16xf32>
          %mul3A_868 = arith.mulf %get3A_865, %mul3A_867 : vector<16xf32>
          tpu.vector_store_idx %arg12[%broadcast_in_dim3A, %add3A_432, %select_n3A_522, %broadcast_in_dim3A_856], %mul3A_868 : memref<2x8x8x129xf32, #tpu.memory_space<vmem>>[vector<16xi32>, vector<16xi32>, vector<16xi32>, vector<16xi32>], vector<16xf32>,
          %get3A_869 = arith.index_cast %add3A_853 : i32 to index
          %get3A_870 = arith.constant 32 : index
          %get3A_871 = tpu.vector_load %arg10[%get3A_869, %get3A_870] {strides = array<i32>} : memref<256x64xf32, #tpu.memory_space<vmem>>, vector<16xf32>,
          %mul3A_872 = arith.constant 8.000000e+00 : f32
          %mul3A_873 = vector.broadcast %mul3A_872 : f32 to vector<16xf32>
          %mul3A_874 = arith.mulf %get3A_871, %mul3A_873 : vector<16xf32>
          tpu.vector_store_idx %arg12[%broadcast_in_dim3A, %add3A_466, %select_n3A_522, %broadcast_in_dim3A_856], %mul3A_874 : memref<2x8x8x129xf32, #tpu.memory_space<vmem>>[vector<16xi32>, vector<16xi32>, vector<16xi32>, vector<16xi32>], vector<16xf32>,
          %get3A_875 = arith.index_cast %add3A_853 : i32 to index
          %get3A_876 = arith.constant 48 : index
          %get3A_877 = tpu.vector_load %arg10[%get3A_875, %get3A_876] {strides = array<i32>} : memref<256x64xf32, #tpu.memory_space<vmem>>, vector<16xf32>,
          %mul3A_878 = arith.constant 8.000000e+00 : f32
          %mul3A_879 = vector.broadcast %mul3A_878 : f32 to vector<16xf32>
          %mul3A_880 = arith.mulf %get3A_877, %mul3A_879 : vector<16xf32>
          tpu.vector_store_idx %arg12[%broadcast_in_dim3A, %add3A_500, %select_n3A_522, %broadcast_in_dim3A_856], %mul3A_880 : memref<2x8x8x129xf32, #tpu.memory_space<vmem>>[vector<16xi32>, vector<16xi32>, vector<16xi32>, vector<16xi32>], vector<16xf32>,
          %add3A_881 = arith.constant 9 : i32
          %add3A_882 = arith.addi %mul3A_577, %add3A_881 : i32
          %add3A_883 = arith.constant 9 : i32
          %add3A_884 = arith.addi %mul3A_619, %add3A_883 : i32
          %broadcast_in_dim3A_885 = vector.broadcast %add3A_884 : i32 to vector<16xi32>
          %get3A_886 = arith.index_cast %add3A_882 : i32 to index
          %get3A_887 = arith.constant 0 : index
          %get3A_888 = tpu.vector_load %arg10[%get3A_886, %get3A_887] {strides = array<i32>} : memref<256x64xf32, #tpu.memory_space<vmem>>, vector<16xf32>,
          %mul3A_889 = arith.constant 8.000000e+00 : f32
          %mul3A_890 = vector.broadcast %mul3A_889 : f32 to vector<16xf32>
          %mul3A_891 = arith.mulf %get3A_888, %mul3A_890 : vector<16xf32>
          tpu.vector_store_idx %arg12[%broadcast_in_dim3A, %add3A_398, %select_n3A_522, %broadcast_in_dim3A_885], %mul3A_891 : memref<2x8x8x129xf32, #tpu.memory_space<vmem>>[vector<16xi32>, vector<16xi32>, vector<16xi32>, vector<16xi32>], vector<16xf32>,
          %get3A_892 = arith.index_cast %add3A_882 : i32 to index
          %get3A_893 = arith.constant 16 : index
          %get3A_894 = tpu.vector_load %arg10[%get3A_892, %get3A_893] {strides = array<i32>} : memref<256x64xf32, #tpu.memory_space<vmem>>, vector<16xf32>,
          %mul3A_895 = arith.constant 8.000000e+00 : f32
          %mul3A_896 = vector.broadcast %mul3A_895 : f32 to vector<16xf32>
          %mul3A_897 = arith.mulf %get3A_894, %mul3A_896 : vector<16xf32>
          tpu.vector_store_idx %arg12[%broadcast_in_dim3A, %add3A_432, %select_n3A_522, %broadcast_in_dim3A_885], %mul3A_897 : memref<2x8x8x129xf32, #tpu.memory_space<vmem>>[vector<16xi32>, vector<16xi32>, vector<16xi32>, vector<16xi32>], vector<16xf32>,
          %get3A_898 = arith.index_cast %add3A_882 : i32 to index
          %get3A_899 = arith.constant 32 : index
          %get3A_900 = tpu.vector_load %arg10[%get3A_898, %get3A_899] {strides = array<i32>} : memref<256x64xf32, #tpu.memory_space<vmem>>, vector<16xf32>,
          %mul3A_901 = arith.constant 8.000000e+00 : f32
          %mul3A_902 = vector.broadcast %mul3A_901 : f32 to vector<16xf32>
          %mul3A_903 = arith.mulf %get3A_900, %mul3A_902 : vector<16xf32>
          tpu.vector_store_idx %arg12[%broadcast_in_dim3A, %add3A_466, %select_n3A_522, %broadcast_in_dim3A_885], %mul3A_903 : memref<2x8x8x129xf32, #tpu.memory_space<vmem>>[vector<16xi32>, vector<16xi32>, vector<16xi32>, vector<16xi32>], vector<16xf32>,
          %get3A_904 = arith.index_cast %add3A_882 : i32 to index
          %get3A_905 = arith.constant 48 : index
          %get3A_906 = tpu.vector_load %arg10[%get3A_904, %get3A_905] {strides = array<i32>} : memref<256x64xf32, #tpu.memory_space<vmem>>, vector<16xf32>,
          %mul3A_907 = arith.constant 8.000000e+00 : f32
          %mul3A_908 = vector.broadcast %mul3A_907 : f32 to vector<16xf32>
          %mul3A_909 = arith.mulf %get3A_906, %mul3A_908 : vector<16xf32>
          tpu.vector_store_idx %arg12[%broadcast_in_dim3A, %add3A_500, %select_n3A_522, %broadcast_in_dim3A_885], %mul3A_909 : memref<2x8x8x129xf32, #tpu.memory_space<vmem>>[vector<16xi32>, vector<16xi32>, vector<16xi32>, vector<16xi32>], vector<16xf32>,
          %add3A_910 = arith.constant 10 : i32
          %add3A_911 = arith.addi %mul3A_577, %add3A_910 : i32
          %add3A_912 = arith.constant 10 : i32
          %add3A_913 = arith.addi %mul3A_619, %add3A_912 : i32
          %broadcast_in_dim3A_914 = vector.broadcast %add3A_913 : i32 to vector<16xi32>
          %get3A_915 = arith.index_cast %add3A_911 : i32 to index
          %get3A_916 = arith.constant 0 : index
          %get3A_917 = tpu.vector_load %arg10[%get3A_915, %get3A_916] {strides = array<i32>} : memref<256x64xf32, #tpu.memory_space<vmem>>, vector<16xf32>,
          %mul3A_918 = arith.constant 8.000000e+00 : f32
          %mul3A_919 = vector.broadcast %mul3A_918 : f32 to vector<16xf32>
          %mul3A_920 = arith.mulf %get3A_917, %mul3A_919 : vector<16xf32>
          tpu.vector_store_idx %arg12[%broadcast_in_dim3A, %add3A_398, %select_n3A_522, %broadcast_in_dim3A_914], %mul3A_920 : memref<2x8x8x129xf32, #tpu.memory_space<vmem>>[vector<16xi32>, vector<16xi32>, vector<16xi32>, vector<16xi32>], vector<16xf32>,
          %get3A_921 = arith.index_cast %add3A_911 : i32 to index
          %get3A_922 = arith.constant 16 : index
          %get3A_923 = tpu.vector_load %arg10[%get3A_921, %get3A_922] {strides = array<i32>} : memref<256x64xf32, #tpu.memory_space<vmem>>, vector<16xf32>,
          %mul3A_924 = arith.constant 8.000000e+00 : f32
          %mul3A_925 = vector.broadcast %mul3A_924 : f32 to vector<16xf32>
          %mul3A_926 = arith.mulf %get3A_923, %mul3A_925 : vector<16xf32>
          tpu.vector_store_idx %arg12[%broadcast_in_dim3A, %add3A_432, %select_n3A_522, %broadcast_in_dim3A_914], %mul3A_926 : memref<2x8x8x129xf32, #tpu.memory_space<vmem>>[vector<16xi32>, vector<16xi32>, vector<16xi32>, vector<16xi32>], vector<16xf32>,
          %get3A_927 = arith.index_cast %add3A_911 : i32 to index
          %get3A_928 = arith.constant 32 : index
          %get3A_929 = tpu.vector_load %arg10[%get3A_927, %get3A_928] {strides = array<i32>} : memref<256x64xf32, #tpu.memory_space<vmem>>, vector<16xf32>,
          %mul3A_930 = arith.constant 8.000000e+00 : f32
          %mul3A_931 = vector.broadcast %mul3A_930 : f32 to vector<16xf32>
          %mul3A_932 = arith.mulf %get3A_929, %mul3A_931 : vector<16xf32>
          tpu.vector_store_idx %arg12[%broadcast_in_dim3A, %add3A_466, %select_n3A_522, %broadcast_in_dim3A_914], %mul3A_932 : memref<2x8x8x129xf32, #tpu.memory_space<vmem>>[vector<16xi32>, vector<16xi32>, vector<16xi32>, vector<16xi32>], vector<16xf32>,
          %get3A_933 = arith.index_cast %add3A_911 : i32 to index
          %get3A_934 = arith.constant 48 : index
          %get3A_935 = tpu.vector_load %arg10[%get3A_933, %get3A_934] {strides = array<i32>} : memref<256x64xf32, #tpu.memory_space<vmem>>, vector<16xf32>,
          %mul3A_936 = arith.constant 8.000000e+00 : f32
          %mul3A_937 = vector.broadcast %mul3A_936 : f32 to vector<16xf32>
          %mul3A_938 = arith.mulf %get3A_935, %mul3A_937 : vector<16xf32>
          tpu.vector_store_idx %arg12[%broadcast_in_dim3A, %add3A_500, %select_n3A_522, %broadcast_in_dim3A_914], %mul3A_938 : memref<2x8x8x129xf32, #tpu.memory_space<vmem>>[vector<16xi32>, vector<16xi32>, vector<16xi32>, vector<16xi32>], vector<16xf32>,
          %add3A_939 = arith.constant 11 : i32
          %add3A_940 = arith.addi %mul3A_577, %add3A_939 : i32
          %add3A_941 = arith.constant 11 : i32
          %add3A_942 = arith.addi %mul3A_619, %add3A_941 : i32
          %broadcast_in_dim3A_943 = vector.broadcast %add3A_942 : i32 to vector<16xi32>
          %get3A_944 = arith.index_cast %add3A_940 : i32 to index
          %get3A_945 = arith.constant 0 : index
          %get3A_946 = tpu.vector_load %arg10[%get3A_944, %get3A_945] {strides = array<i32>} : memref<256x64xf32, #tpu.memory_space<vmem>>, vector<16xf32>,
          %mul3A_947 = arith.constant 8.000000e+00 : f32
          %mul3A_948 = vector.broadcast %mul3A_947 : f32 to vector<16xf32>
          %mul3A_949 = arith.mulf %get3A_946, %mul3A_948 : vector<16xf32>
          tpu.vector_store_idx %arg12[%broadcast_in_dim3A, %add3A_398, %select_n3A_522, %broadcast_in_dim3A_943], %mul3A_949 : memref<2x8x8x129xf32, #tpu.memory_space<vmem>>[vector<16xi32>, vector<16xi32>, vector<16xi32>, vector<16xi32>], vector<16xf32>,
          %get3A_950 = arith.index_cast %add3A_940 : i32 to index
          %get3A_951 = arith.constant 16 : index
          %get3A_952 = tpu.vector_load %arg10[%get3A_950, %get3A_951] {strides = array<i32>} : memref<256x64xf32, #tpu.memory_space<vmem>>, vector<16xf32>,
          %mul3A_953 = arith.constant 8.000000e+00 : f32
          %mul3A_954 = vector.broadcast %mul3A_953 : f32 to vector<16xf32>
          %mul3A_955 = arith.mulf %get3A_952, %mul3A_954 : vector<16xf32>
          tpu.vector_store_idx %arg12[%broadcast_in_dim3A, %add3A_432, %select_n3A_522, %broadcast_in_dim3A_943], %mul3A_955 : memref<2x8x8x129xf32, #tpu.memory_space<vmem>>[vector<16xi32>, vector<16xi32>, vector<16xi32>, vector<16xi32>], vector<16xf32>,
          %get3A_956 = arith.index_cast %add3A_940 : i32 to index
          %get3A_957 = arith.constant 32 : index
          %get3A_958 = tpu.vector_load %arg10[%get3A_956, %get3A_957] {strides = array<i32>} : memref<256x64xf32, #tpu.memory_space<vmem>>, vector<16xf32>,
          %mul3A_959 = arith.constant 8.000000e+00 : f32
          %mul3A_960 = vector.broadcast %mul3A_959 : f32 to vector<16xf32>
          %mul3A_961 = arith.mulf %get3A_958, %mul3A_960 : vector<16xf32>
          tpu.vector_store_idx %arg12[%broadcast_in_dim3A, %add3A_466, %select_n3A_522, %broadcast_in_dim3A_943], %mul3A_961 : memref<2x8x8x129xf32, #tpu.memory_space<vmem>>[vector<16xi32>, vector<16xi32>, vector<16xi32>, vector<16xi32>], vector<16xf32>,
          %get3A_962 = arith.index_cast %add3A_940 : i32 to index
          %get3A_963 = arith.constant 48 : index
          %get3A_964 = tpu.vector_load %arg10[%get3A_962, %get3A_963] {strides = array<i32>} : memref<256x64xf32, #tpu.memory_space<vmem>>, vector<16xf32>,
          %mul3A_965 = arith.constant 8.000000e+00 : f32
          %mul3A_966 = vector.broadcast %mul3A_965 : f32 to vector<16xf32>
          %mul3A_967 = arith.mulf %get3A_964, %mul3A_966 : vector<16xf32>
          tpu.vector_store_idx %arg12[%broadcast_in_dim3A, %add3A_500, %select_n3A_522, %broadcast_in_dim3A_943], %mul3A_967 : memref<2x8x8x129xf32, #tpu.memory_space<vmem>>[vector<16xi32>, vector<16xi32>, vector<16xi32>, vector<16xi32>], vector<16xf32>,
          %add3A_968 = arith.constant 12 : i32
          %add3A_969 = arith.addi %mul3A_577, %add3A_968 : i32
          %add3A_970 = arith.constant 12 : i32
          %add3A_971 = arith.addi %mul3A_619, %add3A_970 : i32
          %broadcast_in_dim3A_972 = vector.broadcast %add3A_971 : i32 to vector<16xi32>
          %get3A_973 = arith.index_cast %add3A_969 : i32 to index
          %get3A_974 = arith.constant 0 : index
          %get3A_975 = tpu.vector_load %arg10[%get3A_973, %get3A_974] {strides = array<i32>} : memref<256x64xf32, #tpu.memory_space<vmem>>, vector<16xf32>,
          %mul3A_976 = arith.constant 8.000000e+00 : f32
          %mul3A_977 = vector.broadcast %mul3A_976 : f32 to vector<16xf32>
          %mul3A_978 = arith.mulf %get3A_975, %mul3A_977 : vector<16xf32>
          tpu.vector_store_idx %arg12[%broadcast_in_dim3A, %add3A_398, %select_n3A_522, %broadcast_in_dim3A_972], %mul3A_978 : memref<2x8x8x129xf32, #tpu.memory_space<vmem>>[vector<16xi32>, vector<16xi32>, vector<16xi32>, vector<16xi32>], vector<16xf32>,
          %get3A_979 = arith.index_cast %add3A_969 : i32 to index
          %get3A_980 = arith.constant 16 : index
          %get3A_981 = tpu.vector_load %arg10[%get3A_979, %get3A_980] {strides = array<i32>} : memref<256x64xf32, #tpu.memory_space<vmem>>, vector<16xf32>,
          %mul3A_982 = arith.constant 8.000000e+00 : f32
          %mul3A_983 = vector.broadcast %mul3A_982 : f32 to vector<16xf32>
          %mul3A_984 = arith.mulf %get3A_981, %mul3A_983 : vector<16xf32>
          tpu.vector_store_idx %arg12[%broadcast_in_dim3A, %add3A_432, %select_n3A_522, %broadcast_in_dim3A_972], %mul3A_984 : memref<2x8x8x129xf32, #tpu.memory_space<vmem>>[vector<16xi32>, vector<16xi32>, vector<16xi32>, vector<16xi32>], vector<16xf32>,
          %get3A_985 = arith.index_cast %add3A_969 : i32 to index
          %get3A_986 = arith.constant 32 : index
          %get3A_987 = tpu.vector_load %arg10[%get3A_985, %get3A_986] {strides = array<i32>} : memref<256x64xf32, #tpu.memory_space<vmem>>, vector<16xf32>,
          %mul3A_988 = arith.constant 8.000000e+00 : f32
          %mul3A_989 = vector.broadcast %mul3A_988 : f32 to vector<16xf32>
          %mul3A_990 = arith.mulf %get3A_987, %mul3A_989 : vector<16xf32>
          tpu.vector_store_idx %arg12[%broadcast_in_dim3A, %add3A_466, %select_n3A_522, %broadcast_in_dim3A_972], %mul3A_990 : memref<2x8x8x129xf32, #tpu.memory_space<vmem>>[vector<16xi32>, vector<16xi32>, vector<16xi32>, vector<16xi32>], vector<16xf32>,
          %get3A_991 = arith.index_cast %add3A_969 : i32 to index
          %get3A_992 = arith.constant 48 : index
          %get3A_993 = tpu.vector_load %arg10[%get3A_991, %get3A_992] {strides = array<i32>} : memref<256x64xf32, #tpu.memory_space<vmem>>, vector<16xf32>,
          %mul3A_994 = arith.constant 8.000000e+00 : f32
          %mul3A_995 = vector.broadcast %mul3A_994 : f32 to vector<16xf32>
          %mul3A_996 = arith.mulf %get3A_993, %mul3A_995 : vector<16xf32>
          tpu.vector_store_idx %arg12[%broadcast_in_dim3A, %add3A_500, %select_n3A_522, %broadcast_in_dim3A_972], %mul3A_996 : memref<2x8x8x129xf32, #tpu.memory_space<vmem>>[vector<16xi32>, vector<16xi32>, vector<16xi32>, vector<16xi32>], vector<16xf32>,
          %add3A_997 = arith.constant 13 : i32
          %add3A_998 = arith.addi %mul3A_577, %add3A_997 : i32
          %add3A_999 = arith.constant 13 : i32
          %add3A_1000 = arith.addi %mul3A_619, %add3A_999 : i32
          %broadcast_in_dim3A_1001 = vector.broadcast %add3A_1000 : i32 to vector<16xi32>
          %get3A_1002 = arith.index_cast %add3A_998 : i32 to index
          %get3A_1003 = arith.constant 0 : index
          %get3A_1004 = tpu.vector_load %arg10[%get3A_1002, %get3A_1003] {strides = array<i32>} : memref<256x64xf32, #tpu.memory_space<vmem>>, vector<16xf32>,
          %mul3A_1005 = arith.constant 8.000000e+00 : f32
          %mul3A_1006 = vector.broadcast %mul3A_1005 : f32 to vector<16xf32>
          %mul3A_1007 = arith.mulf %get3A_1004, %mul3A_1006 : vector<16xf32>
          tpu.vector_store_idx %arg12[%broadcast_in_dim3A, %add3A_398, %select_n3A_522, %broadcast_in_dim3A_1001], %mul3A_1007 : memref<2x8x8x129xf32, #tpu.memory_space<vmem>>[vector<16xi32>, vector<16xi32>, vector<16xi32>, vector<16xi32>], vector<16xf32>,
          %get3A_1008 = arith.index_cast %add3A_998 : i32 to index
          %get3A_1009 = arith.constant 16 : index
          %get3A_1010 = tpu.vector_load %arg10[%get3A_1008, %get3A_1009] {strides = array<i32>} : memref<256x64xf32, #tpu.memory_space<vmem>>, vector<16xf32>,
          %mul3A_1011 = arith.constant 8.000000e+00 : f32
          %mul3A_1012 = vector.broadcast %mul3A_1011 : f32 to vector<16xf32>
          %mul3A_1013 = arith.mulf %get3A_1010, %mul3A_1012 : vector<16xf32>
          tpu.vector_store_idx %arg12[%broadcast_in_dim3A, %add3A_432, %select_n3A_522, %broadcast_in_dim3A_1001], %mul3A_1013 : memref<2x8x8x129xf32, #tpu.memory_space<vmem>>[vector<16xi32>, vector<16xi32>, vector<16xi32>, vector<16xi32>], vector<16xf32>,
          %get3A_1014 = arith.index_cast %add3A_998 : i32 to index
          %get3A_1015 = arith.constant 32 : index
          %get3A_1016 = tpu.vector_load %arg10[%get3A_1014, %get3A_1015] {strides = array<i32>} : memref<256x64xf32, #tpu.memory_space<vmem>>, vector<16xf32>,
          %mul3A_1017 = arith.constant 8.000000e+00 : f32
          %mul3A_1018 = vector.broadcast %mul3A_1017 : f32 to vector<16xf32>
          %mul3A_1019 = arith.mulf %get3A_1016, %mul3A_1018 : vector<16xf32>
          tpu.vector_store_idx %arg12[%broadcast_in_dim3A, %add3A_466, %select_n3A_522, %broadcast_in_dim3A_1001], %mul3A_1019 : memref<2x8x8x129xf32, #tpu.memory_space<vmem>>[vector<16xi32>, vector<16xi32>, vector<16xi32>, vector<16xi32>], vector<16xf32>,
          %get3A_1020 = arith.index_cast %add3A_998 : i32 to index
          %get3A_1021 = arith.constant 48 : index
          %get3A_1022 = tpu.vector_load %arg10[%get3A_1020, %get3A_1021] {strides = array<i32>} : memref<256x64xf32, #tpu.memory_space<vmem>>, vector<16xf32>,
          %mul3A_1023 = arith.constant 8.000000e+00 : f32
          %mul3A_1024 = vector.broadcast %mul3A_1023 : f32 to vector<16xf32>
          %mul3A_1025 = arith.mulf %get3A_1022, %mul3A_1024 : vector<16xf32>
          tpu.vector_store_idx %arg12[%broadcast_in_dim3A, %add3A_500, %select_n3A_522, %broadcast_in_dim3A_1001], %mul3A_1025 : memref<2x8x8x129xf32, #tpu.memory_space<vmem>>[vector<16xi32>, vector<16xi32>, vector<16xi32>, vector<16xi32>], vector<16xf32>,
          %add3A_1026 = arith.constant 14 : i32
          %add3A_1027 = arith.addi %mul3A_577, %add3A_1026 : i32
          %add3A_1028 = arith.constant 14 : i32
          %add3A_1029 = arith.addi %mul3A_619, %add3A_1028 : i32
          %broadcast_in_dim3A_1030 = vector.broadcast %add3A_1029 : i32 to vector<16xi32>
          %get3A_1031 = arith.index_cast %add3A_1027 : i32 to index
          %get3A_1032 = arith.constant 0 : index
          %get3A_1033 = tpu.vector_load %arg10[%get3A_1031, %get3A_1032] {strides = array<i32>} : memref<256x64xf32, #tpu.memory_space<vmem>>, vector<16xf32>,
          %mul3A_1034 = arith.constant 8.000000e+00 : f32
          %mul3A_1035 = vector.broadcast %mul3A_1034 : f32 to vector<16xf32>
          %mul3A_1036 = arith.mulf %get3A_1033, %mul3A_1035 : vector<16xf32>
          tpu.vector_store_idx %arg12[%broadcast_in_dim3A, %add3A_398, %select_n3A_522, %broadcast_in_dim3A_1030], %mul3A_1036 : memref<2x8x8x129xf32, #tpu.memory_space<vmem>>[vector<16xi32>, vector<16xi32>, vector<16xi32>, vector<16xi32>], vector<16xf32>,
          %get3A_1037 = arith.index_cast %add3A_1027 : i32 to index
          %get3A_1038 = arith.constant 16 : index
          %get3A_1039 = tpu.vector_load %arg10[%get3A_1037, %get3A_1038] {strides = array<i32>} : memref<256x64xf32, #tpu.memory_space<vmem>>, vector<16xf32>,
          %mul3A_1040 = arith.constant 8.000000e+00 : f32
          %mul3A_1041 = vector.broadcast %mul3A_1040 : f32 to vector<16xf32>
          %mul3A_1042 = arith.mulf %get3A_1039, %mul3A_1041 : vector<16xf32>
          tpu.vector_store_idx %arg12[%broadcast_in_dim3A, %add3A_432, %select_n3A_522, %broadcast_in_dim3A_1030], %mul3A_1042 : memref<2x8x8x129xf32, #tpu.memory_space<vmem>>[vector<16xi32>, vector<16xi32>, vector<16xi32>, vector<16xi32>], vector<16xf32>,
          %get3A_1043 = arith.index_cast %add3A_1027 : i32 to index
          %get3A_1044 = arith.constant 32 : index
          %get3A_1045 = tpu.vector_load %arg10[%get3A_1043, %get3A_1044] {strides = array<i32>} : memref<256x64xf32, #tpu.memory_space<vmem>>, vector<16xf32>,
          %mul3A_1046 = arith.constant 8.000000e+00 : f32
          %mul3A_1047 = vector.broadcast %mul3A_1046 : f32 to vector<16xf32>
          %mul3A_1048 = arith.mulf %get3A_1045, %mul3A_1047 : vector<16xf32>
          tpu.vector_store_idx %arg12[%broadcast_in_dim3A, %add3A_466, %select_n3A_522, %broadcast_in_dim3A_1030], %mul3A_1048 : memref<2x8x8x129xf32, #tpu.memory_space<vmem>>[vector<16xi32>, vector<16xi32>, vector<16xi32>, vector<16xi32>], vector<16xf32>,
          %get3A_1049 = arith.index_cast %add3A_1027 : i32 to index
          %get3A_1050 = arith.constant 48 : index
          %get3A_1051 = tpu.vector_load %arg10[%get3A_1049, %get3A_1050] {strides = array<i32>} : memref<256x64xf32, #tpu.memory_space<vmem>>, vector<16xf32>,
          %mul3A_1052 = arith.constant 8.000000e+00 : f32
          %mul3A_1053 = vector.broadcast %mul3A_1052 : f32 to vector<16xf32>
          %mul3A_1054 = arith.mulf %get3A_1051, %mul3A_1053 : vector<16xf32>
          tpu.vector_store_idx %arg12[%broadcast_in_dim3A, %add3A_500, %select_n3A_522, %broadcast_in_dim3A_1030], %mul3A_1054 : memref<2x8x8x129xf32, #tpu.memory_space<vmem>>[vector<16xi32>, vector<16xi32>, vector<16xi32>, vector<16xi32>], vector<16xf32>,
          %add3A_1055 = arith.constant 15 : i32
          %add3A_1056 = arith.addi %mul3A_577, %add3A_1055 : i32
          %add3A_1057 = arith.constant 15 : i32
          %add3A_1058 = arith.addi %mul3A_619, %add3A_1057 : i32
          %broadcast_in_dim3A_1059 = vector.broadcast %add3A_1058 : i32 to vector<16xi32>
          %get3A_1060 = arith.index_cast %add3A_1056 : i32 to index
          %get3A_1061 = arith.constant 0 : index
          %get3A_1062 = tpu.vector_load %arg10[%get3A_1060, %get3A_1061] {strides = array<i32>} : memref<256x64xf32, #tpu.memory_space<vmem>>, vector<16xf32>,
          %mul3A_1063 = arith.constant 8.000000e+00 : f32
          %mul3A_1064 = vector.broadcast %mul3A_1063 : f32 to vector<16xf32>
          %mul3A_1065 = arith.mulf %get3A_1062, %mul3A_1064 : vector<16xf32>
          tpu.vector_store_idx %arg12[%broadcast_in_dim3A, %add3A_398, %select_n3A_522, %broadcast_in_dim3A_1059], %mul3A_1065 : memref<2x8x8x129xf32, #tpu.memory_space<vmem>>[vector<16xi32>, vector<16xi32>, vector<16xi32>, vector<16xi32>], vector<16xf32>,
          %get3A_1066 = arith.index_cast %add3A_1056 : i32 to index
          %get3A_1067 = arith.constant 16 : index
          %get3A_1068 = tpu.vector_load %arg10[%get3A_1066, %get3A_1067] {strides = array<i32>} : memref<256x64xf32, #tpu.memory_space<vmem>>, vector<16xf32>,
          %mul3A_1069 = arith.constant 8.000000e+00 : f32
          %mul3A_1070 = vector.broadcast %mul3A_1069 : f32 to vector<16xf32>
          %mul3A_1071 = arith.mulf %get3A_1068, %mul3A_1070 : vector<16xf32>
          tpu.vector_store_idx %arg12[%broadcast_in_dim3A, %add3A_432, %select_n3A_522, %broadcast_in_dim3A_1059], %mul3A_1071 : memref<2x8x8x129xf32, #tpu.memory_space<vmem>>[vector<16xi32>, vector<16xi32>, vector<16xi32>, vector<16xi32>], vector<16xf32>,
          %get3A_1072 = arith.index_cast %add3A_1056 : i32 to index
          %get3A_1073 = arith.constant 32 : index
          %get3A_1074 = tpu.vector_load %arg10[%get3A_1072, %get3A_1073] {strides = array<i32>} : memref<256x64xf32, #tpu.memory_space<vmem>>, vector<16xf32>,
          %mul3A_1075 = arith.constant 8.000000e+00 : f32
          %mul3A_1076 = vector.broadcast %mul3A_1075 : f32 to vector<16xf32>
          %mul3A_1077 = arith.mulf %get3A_1074, %mul3A_1076 : vector<16xf32>
          tpu.vector_store_idx %arg12[%broadcast_in_dim3A, %add3A_466, %select_n3A_522, %broadcast_in_dim3A_1059], %mul3A_1077 : memref<2x8x8x129xf32, #tpu.memory_space<vmem>>[vector<16xi32>, vector<16xi32>, vector<16xi32>, vector<16xi32>], vector<16xf32>,
          %get3A_1078 = arith.index_cast %add3A_1056 : i32 to index
          %get3A_1079 = arith.constant 48 : index
          %get3A_1080 = tpu.vector_load %arg10[%get3A_1078, %get3A_1079] {strides = array<i32>} : memref<256x64xf32, #tpu.memory_space<vmem>>, vector<16xf32>,
          %mul3A_1081 = arith.constant 8.000000e+00 : f32
          %mul3A_1082 = vector.broadcast %mul3A_1081 : f32 to vector<16xf32>
          %mul3A_1083 = arith.mulf %get3A_1080, %mul3A_1082 : vector<16xf32>
          tpu.vector_store_idx %arg12[%broadcast_in_dim3A, %add3A_500, %select_n3A_522, %broadcast_in_dim3A_1059], %mul3A_1083 : memref<2x8x8x129xf32, #tpu.memory_space<vmem>>[vector<16xi32>, vector<16xi32>, vector<16xi32>, vector<16xi32>], vector<16xf32>,
        }
        %scan3A_528 = arith.constant 16 : i32
        %add3A_529 = arith.constant 0 : i32
        %add3A_530 = arith.addi %mul3A_335, %add3A_529 : i32
        %dma_start3A_531 = arith.constant 0 : i32
        %dma_start3A_532 = arith.constant 0 : i32
        %dma_start3A_533 = arith.constant 0 : i32
        %dma_start3A_534 = arith.constant 0 : i32
        %dma_start3A_535 = tpu.memref_slice %arg12[%dma_start3A_531, %dma_start3A_532, %dma_start3A_533, %dma_start3A_534] : memref<2x8x8x129xf32, #tpu.memory_space<vmem>> -> memref<1x8x8x128xf32, #tpu.memory_space<vmem>>
        %dma_start3A_536 = tpu.memref_squeeze %dma_start3A_535 : memref<1x8x8x128xf32, #tpu.memory_space<vmem>> -> memref<8x8x128xf32, #tpu.memory_space<vmem>>
        %dma_start3A_537 = arith.constant 0 : i32
        %dma_start3A_538 = arith.constant 0 : i32
        %dma_start3A_539 = arith.constant 0 : i32
        %dma_start3A_540 = tpu.memref_slice %arg4[%select_n3A_317, %dma_start3A_537, %add3A_530, %dma_start3A_538, %dma_start3A_539] : memref<200x8x32x8x128xf32, #tpu.memory_space<hbm>> -> memref<1x8x1x8x128xf32, #tpu.memory_space<hbm>>
        %dma_start3A_541 = tpu.memref_squeeze %dma_start3A_540 : memref<1x8x1x8x128xf32, #tpu.memory_space<hbm>> -> memref<8x8x128xf32, #tpu.memory_space<hbm>>
        %dma_start3A_542 = arith.constant 0 : i32
        %dma_start3A_543 = arith.constant 0 : i32
        %dma_start3A_544 = arith.constant 0 : i32
        %dma_start3A_545 = tpu.memref_slice %arg4[%select_n3A_317, %dma_start3A_542, %add3A_530, %dma_start3A_543, %dma_start3A_544] : memref<200x8x32x8x128xf32, #tpu.memory_space<hbm>> -> memref<1x8x1x8x128xf32, #tpu.memory_space<hbm>>
        %dma_start3A_546 = tpu.memref_squeeze %dma_start3A_545 : memref<1x8x1x8x128xf32, #tpu.memory_space<hbm>> -> memref<8x8x128xf32, #tpu.memory_space<hbm>>
        %dma_start3A_547 = arith.constant 0 : i32
        %dma_start3A_548 = arith.constant 0 : i32
        %dma_start3A_549 = arith.constant 0 : i32
        %dma_start3A_550 = tpu.memref_slice %arg12[%dma_start3A_531, %dma_start3A_547, %dma_start3A_548, %dma_start3A_549] : memref<2x8x8x129xf32, #tpu.memory_space<vmem>> -> memref<1x8x8x128xf32, #tpu.memory_space<vmem>>
        %dma_start3A_551 = tpu.memref_squeeze %dma_start3A_550 : memref<1x8x8x128xf32, #tpu.memory_space<vmem>> -> memref<8x8x128xf32, #tpu.memory_space<vmem>>
        tpu.enqueue_dma source(%dma_start3A_551 : memref<8x8x128xf32, #tpu.memory_space<vmem>>) target(%dma_start3A_546 : memref<8x8x128xf32, #tpu.memory_space<hbm>>) target_semaphore(%arg18 : memref<!tpu.dma_semaphore, #tpu.memory_space<semaphore_mem>>)
        %add3A_552 = arith.constant 1 : i32
        %add3A_553 = arith.addi %mul3A_335, %add3A_552 : i32
        %dma_start3A_554 = arith.constant 1 : i32
        %dma_start3A_555 = arith.constant 0 : i32
        %dma_start3A_556 = arith.constant 0 : i32
        %dma_start3A_557 = arith.constant 0 : i32
        %dma_start3A_558 = tpu.memref_slice %arg12[%dma_start3A_554, %dma_start3A_555, %dma_start3A_556, %dma_start3A_557] : memref<2x8x8x129xf32, #tpu.memory_space<vmem>> -> memref<1x8x8x128xf32, #tpu.memory_space<vmem>>
        %dma_start3A_559 = tpu.memref_squeeze %dma_start3A_558 : memref<1x8x8x128xf32, #tpu.memory_space<vmem>> -> memref<8x8x128xf32, #tpu.memory_space<vmem>>
        %dma_start3A_560 = arith.constant 0 : i32
        %dma_start3A_561 = arith.constant 0 : i32
        %dma_start3A_562 = arith.constant 0 : i32
        %dma_start3A_563 = tpu.memref_slice %arg4[%select_n3A_317, %dma_start3A_560, %add3A_553, %dma_start3A_561, %dma_start3A_562] : memref<200x8x32x8x128xf32, #tpu.memory_space<hbm>> -> memref<1x8x1x8x128xf32, #tpu.memory_space<hbm>>
        %dma_start3A_564 = tpu.memref_squeeze %dma_start3A_563 : memref<1x8x1x8x128xf32, #tpu.memory_space<hbm>> -> memref<8x8x128xf32, #tpu.memory_space<hbm>>
        %dma_start3A_565 = arith.constant 0 : i32
        %dma_start3A_566 = arith.constant 0 : i32
        %dma_start3A_567 = arith.constant 0 : i32
        %dma_start3A_568 = tpu.memref_slice %arg4[%select_n3A_317, %dma_start3A_565, %add3A_553, %dma_start3A_566, %dma_start3A_567] : memref<200x8x32x8x128xf32, #tpu.memory_space<hbm>> -> memref<1x8x1x8x128xf32, #tpu.memory_space<hbm>>
        %dma_start3A_569 = tpu.memref_squeeze %dma_start3A_568 : memref<1x8x1x8x128xf32, #tpu.memory_space<hbm>> -> memref<8x8x128xf32, #tpu.memory_space<hbm>>
        %dma_start3A_570 = arith.constant 0 : i32
        %dma_start3A_571 = arith.constant 0 : i32
        %dma_start3A_572 = arith.constant 0 : i32
        %dma_start3A_573 = tpu.memref_slice %arg12[%dma_start3A_554, %dma_start3A_570, %dma_start3A_571, %dma_start3A_572] : memref<2x8x8x129xf32, #tpu.memory_space<vmem>> -> memref<1x8x8x128xf32, #tpu.memory_space<vmem>>
        %dma_start3A_574 = tpu.memref_squeeze %dma_start3A_573 : memref<1x8x8x128xf32, #tpu.memory_space<vmem>> -> memref<8x8x128xf32, #tpu.memory_space<vmem>>
        tpu.enqueue_dma source(%dma_start3A_574 : memref<8x8x128xf32, #tpu.memory_space<vmem>>) target(%dma_start3A_569 : memref<8x8x128xf32, #tpu.memory_space<hbm>>) target_semaphore(%arg18 : memref<!tpu.dma_semaphore, #tpu.memory_space<semaphore_mem>>)
      } else {
      }
    }
    %scan3A_198 = arith.constant 100 : i32
    %dma_wait3A = arith.constant 0 : i32
    %dma_wait3A_199 = arith.constant 0 : i32
    %dma_wait3A_200 = arith.constant 0 : i32
    %dma_wait3A_201 = arith.constant 0 : i32
    %dma_wait3A_202 = arith.constant 0 : i32
    %dma_wait3A_203 = arith.constant 0 : i32
    %dma_wait3A_204 = tpu.memref_slice %arg11[%dma_wait3A, %dma_wait3A_201, %dma_wait3A_202, %dma_wait3A_203] : memref<2x8x8x129xf32, #tpu.memory_space<vmem>> -> memref<1x8x8x128xf32, #tpu.memory_space<vmem>>
    %dma_wait3A_205 = tpu.memref_squeeze %dma_wait3A_204 : memref<1x8x8x128xf32, #tpu.memory_space<vmem>> -> memref<8x8x128xf32, #tpu.memory_space<vmem>>
    %dma_wait3A_206 = arith.constant 0 : i32
    %dma_wait3A_207 = arith.constant 0 : i32
    %dma_wait3A_208 = arith.constant 0 : i32
    %dma_wait3A_209 = tpu.memref_slice %arg4[%dma_wait3A_199, %dma_wait3A_206, %dma_wait3A_200, %dma_wait3A_207, %dma_wait3A_208] : memref<200x8x32x8x128xf32, #tpu.memory_space<hbm>> -> memref<1x8x1x8x128xf32, #tpu.memory_space<hbm>>
    %dma_wait3A_210 = tpu.memref_squeeze %dma_wait3A_209 : memref<1x8x1x8x128xf32, #tpu.memory_space<hbm>> -> memref<8x8x128xf32, #tpu.memory_space<hbm>>
    %dma_wait3A_211 = arith.constant 0 : i32
    %dma_wait3A_212 = arith.constant 0 : i32
    %dma_wait3A_213 = arith.constant 0 : i32
    %dma_wait3A_214 = tpu.memref_slice %arg4[%dma_wait3A_199, %dma_wait3A_211, %dma_wait3A_200, %dma_wait3A_212, %dma_wait3A_213] : memref<200x8x32x8x128xf32, #tpu.memory_space<hbm>> -> memref<1x8x1x8x128xf32, #tpu.memory_space<hbm>>
    %dma_wait3A_215 = tpu.memref_squeeze %dma_wait3A_214 : memref<1x8x1x8x128xf32, #tpu.memory_space<hbm>> -> memref<8x8x128xf32, #tpu.memory_space<hbm>>
    %dma_wait3A_216 = arith.constant 0 : i32
    %dma_wait3A_217 = arith.constant 0 : i32
    %dma_wait3A_218 = arith.constant 0 : i32
    %dma_wait3A_219 = tpu.memref_slice %arg11[%dma_wait3A, %dma_wait3A_216, %dma_wait3A_217, %dma_wait3A_218] : memref<2x8x8x129xf32, #tpu.memory_space<vmem>> -> memref<1x8x8x128xf32, #tpu.memory_space<vmem>>
    %dma_wait3A_220 = tpu.memref_squeeze %dma_wait3A_219 : memref<1x8x8x128xf32, #tpu.memory_space<vmem>> -> memref<8x8x128xf32, #tpu.memory_space<vmem>>
    tpu.wait_dma2 semaphore(%arg17 : memref<!tpu.dma_semaphore, #tpu.memory_space<semaphore_mem>>) src(%dma_wait3A_220 : memref<8x8x128xf32, #tpu.memory_space<vmem>>) dst(%dma_wait3A_215 : memref<8x8x128xf32, #tpu.memory_space<hbm>>)
    %dma_wait3A_221 = arith.constant 1 : i32
    %dma_wait3A_222 = arith.constant 0 : i32
    %dma_wait3A_223 = arith.constant 0 : i32
    %dma_wait3A_224 = arith.constant 0 : i32
    %dma_wait3A_225 = arith.constant 0 : i32
    %dma_wait3A_226 = arith.constant 0 : i32
    %dma_wait3A_227 = tpu.memref_slice %arg11[%dma_wait3A_221, %dma_wait3A_224, %dma_wait3A_225, %dma_wait3A_226] : memref<2x8x8x129xf32, #tpu.memory_space<vmem>> -> memref<1x8x8x128xf32, #tpu.memory_space<vmem>>
    %dma_wait3A_228 = tpu.memref_squeeze %dma_wait3A_227 : memref<1x8x8x128xf32, #tpu.memory_space<vmem>> -> memref<8x8x128xf32, #tpu.memory_space<vmem>>
    %dma_wait3A_229 = arith.constant 0 : i32
    %dma_wait3A_230 = arith.constant 0 : i32
    %dma_wait3A_231 = arith.constant 0 : i32
    %dma_wait3A_232 = tpu.memref_slice %arg4[%dma_wait3A_222, %dma_wait3A_229, %dma_wait3A_223, %dma_wait3A_230, %dma_wait3A_231] : memref<200x8x32x8x128xf32, #tpu.memory_space<hbm>> -> memref<1x8x1x8x128xf32, #tpu.memory_space<hbm>>
    %dma_wait3A_233 = tpu.memref_squeeze %dma_wait3A_232 : memref<1x8x1x8x128xf32, #tpu.memory_space<hbm>> -> memref<8x8x128xf32, #tpu.memory_space<hbm>>
    %dma_wait3A_234 = arith.constant 0 : i32
    %dma_wait3A_235 = arith.constant 0 : i32
    %dma_wait3A_236 = arith.constant 0 : i32
    %dma_wait3A_237 = tpu.memref_slice %arg4[%dma_wait3A_222, %dma_wait3A_234, %dma_wait3A_223, %dma_wait3A_235, %dma_wait3A_236] : memref<200x8x32x8x128xf32, #tpu.memory_space<hbm>> -> memref<1x8x1x8x128xf32, #tpu.memory_space<hbm>>
    %dma_wait3A_238 = tpu.memref_squeeze %dma_wait3A_237 : memref<1x8x1x8x128xf32, #tpu.memory_space<hbm>> -> memref<8x8x128xf32, #tpu.memory_space<hbm>>
    %dma_wait3A_239 = arith.constant 0 : i32
    %dma_wait3A_240 = arith.constant 0 : i32
    %dma_wait3A_241 = arith.constant 0 : i32
    %dma_wait3A_242 = tpu.memref_slice %arg11[%dma_wait3A_221, %dma_wait3A_239, %dma_wait3A_240, %dma_wait3A_241] : memref<2x8x8x129xf32, #tpu.memory_space<vmem>> -> memref<1x8x8x128xf32, #tpu.memory_space<vmem>>
    %dma_wait3A_243 = tpu.memref_squeeze %dma_wait3A_242 : memref<1x8x8x128xf32, #tpu.memory_space<vmem>> -> memref<8x8x128xf32, #tpu.memory_space<vmem>>
    tpu.wait_dma2 semaphore(%arg17 : memref<!tpu.dma_semaphore, #tpu.memory_space<semaphore_mem>>) src(%dma_wait3A_243 : memref<8x8x128xf32, #tpu.memory_space<vmem>>) dst(%dma_wait3A_238 : memref<8x8x128xf32, #tpu.memory_space<hbm>>)
    %dma_wait3A_244 = arith.constant 0 : i32
    %dma_wait3A_245 = arith.constant 0 : i32
    %dma_wait3A_246 = arith.constant 0 : i32
    %dma_wait3A_247 = arith.constant 0 : i32
    %dma_wait3A_248 = arith.constant 0 : i32
    %dma_wait3A_249 = arith.constant 0 : i32
    %dma_wait3A_250 = tpu.memref_slice %arg12[%dma_wait3A_244, %dma_wait3A_247, %dma_wait3A_248, %dma_wait3A_249] : memref<2x8x8x129xf32, #tpu.memory_space<vmem>> -> memref<1x8x8x128xf32, #tpu.memory_space<vmem>>
    %dma_wait3A_251 = tpu.memref_squeeze %dma_wait3A_250 : memref<1x8x8x128xf32, #tpu.memory_space<vmem>> -> memref<8x8x128xf32, #tpu.memory_space<vmem>>
    %dma_wait3A_252 = arith.constant 0 : i32
    %dma_wait3A_253 = arith.constant 0 : i32
    %dma_wait3A_254 = arith.constant 0 : i32
    %dma_wait3A_255 = tpu.memref_slice %arg4[%dma_wait3A_245, %dma_wait3A_252, %dma_wait3A_246, %dma_wait3A_253, %dma_wait3A_254] : memref<200x8x32x8x128xf32, #tpu.memory_space<hbm>> -> memref<1x8x1x8x128xf32, #tpu.memory_space<hbm>>
    %dma_wait3A_256 = tpu.memref_squeeze %dma_wait3A_255 : memref<1x8x1x8x128xf32, #tpu.memory_space<hbm>> -> memref<8x8x128xf32, #tpu.memory_space<hbm>>
    %dma_wait3A_257 = arith.constant 0 : i32
    %dma_wait3A_258 = arith.constant 0 : i32
    %dma_wait3A_259 = arith.constant 0 : i32
    %dma_wait3A_260 = tpu.memref_slice %arg4[%dma_wait3A_245, %dma_wait3A_257, %dma_wait3A_246, %dma_wait3A_258, %dma_wait3A_259] : memref<200x8x32x8x128xf32, #tpu.memory_space<hbm>> -> memref<1x8x1x8x128xf32, #tpu.memory_space<hbm>>
    %dma_wait3A_261 = tpu.memref_squeeze %dma_wait3A_260 : memref<1x8x1x8x128xf32, #tpu.memory_space<hbm>> -> memref<8x8x128xf32, #tpu.memory_space<hbm>>
    %dma_wait3A_262 = arith.constant 0 : i32
    %dma_wait3A_263 = arith.constant 0 : i32
    %dma_wait3A_264 = arith.constant 0 : i32
    %dma_wait3A_265 = tpu.memref_slice %arg12[%dma_wait3A_244, %dma_wait3A_262, %dma_wait3A_263, %dma_wait3A_264] : memref<2x8x8x129xf32, #tpu.memory_space<vmem>> -> memref<1x8x8x128xf32, #tpu.memory_space<vmem>>
    %dma_wait3A_266 = tpu.memref_squeeze %dma_wait3A_265 : memref<1x8x8x128xf32, #tpu.memory_space<vmem>> -> memref<8x8x128xf32, #tpu.memory_space<vmem>>
    tpu.wait_dma2 semaphore(%arg18 : memref<!tpu.dma_semaphore, #tpu.memory_space<semaphore_mem>>) src(%dma_wait3A_266 : memref<8x8x128xf32, #tpu.memory_space<vmem>>) dst(%dma_wait3A_261 : memref<8x8x128xf32, #tpu.memory_space<hbm>>)
    %dma_wait3A_267 = arith.constant 1 : i32
    %dma_wait3A_268 = arith.constant 0 : i32
    %dma_wait3A_269 = arith.constant 0 : i32
    %dma_wait3A_270 = arith.constant 0 : i32
    %dma_wait3A_271 = arith.constant 0 : i32
    %dma_wait3A_272 = arith.constant 0 : i32
    %dma_wait3A_273 = tpu.memref_slice %arg12[%dma_wait3A_267, %dma_wait3A_270, %dma_wait3A_271, %dma_wait3A_272] : memref<2x8x8x129xf32, #tpu.memory_space<vmem>> -> memref<1x8x8x128xf32, #tpu.memory_space<vmem>>
    %dma_wait3A_274 = tpu.memref_squeeze %dma_wait3A_273 : memref<1x8x8x128xf32, #tpu.memory_space<vmem>> -> memref<8x8x128xf32, #tpu.memory_space<vmem>>
    %dma_wait3A_275 = arith.constant 0 : i32
    %dma_wait3A_276 = arith.constant 0 : i32
    %dma_wait3A_277 = arith.constant 0 : i32
    %dma_wait3A_278 = tpu.memref_slice %arg4[%dma_wait3A_268, %dma_wait3A_275, %dma_wait3A_269, %dma_wait3A_276, %dma_wait3A_277] : memref<200x8x32x8x128xf32, #tpu.memory_space<hbm>> -> memref<1x8x1x8x128xf32, #tpu.memory_space<hbm>>
    %dma_wait3A_279 = tpu.memref_squeeze %dma_wait3A_278 : memref<1x8x1x8x128xf32, #tpu.memory_space<hbm>> -> memref<8x8x128xf32, #tpu.memory_space<hbm>>
    %dma_wait3A_280 = arith.constant 0 : i32
    %dma_wait3A_281 = arith.constant 0 : i32
    %dma_wait3A_282 = arith.constant 0 : i32
    %dma_wait3A_283 = tpu.memref_slice %arg4[%dma_wait3A_268, %dma_wait3A_280, %dma_wait3A_269, %dma_wait3A_281, %dma_wait3A_282] : memref<200x8x32x8x128xf32, #tpu.memory_space<hbm>> -> memref<1x8x1x8x128xf32, #tpu.memory_space<hbm>>
    %dma_wait3A_284 = tpu.memref_squeeze %dma_wait3A_283 : memref<1x8x1x8x128xf32, #tpu.memory_space<hbm>> -> memref<8x8x128xf32, #tpu.memory_space<hbm>>
    %dma_wait3A_285 = arith.constant 0 : i32
    %dma_wait3A_286 = arith.constant 0 : i32
    %dma_wait3A_287 = arith.constant 0 : i32
    %dma_wait3A_288 = tpu.memref_slice %arg12[%dma_wait3A_267, %dma_wait3A_285, %dma_wait3A_286, %dma_wait3A_287] : memref<2x8x8x129xf32, #tpu.memory_space<vmem>> -> memref<1x8x8x128xf32, #tpu.memory_space<vmem>>
    %dma_wait3A_289 = tpu.memref_squeeze %dma_wait3A_288 : memref<1x8x8x128xf32, #tpu.memory_space<vmem>> -> memref<8x8x128xf32, #tpu.memory_space<vmem>>
    tpu.wait_dma2 semaphore(%arg18 : memref<!tpu.dma_semaphore, #tpu.memory_space<semaphore_mem>>) src(%dma_wait3A_289 : memref<8x8x128xf32, #tpu.memory_space<vmem>>) dst(%dma_wait3A_284 : memref<8x8x128xf32, #tpu.memory_space<hbm>>)
    return
  }
}

</mosaic_0001>

<sc_bundles>
// kernel: kernel.3.cloned.1.call-start
scs
__scs_entry_jumppad:
0x0: {  	(pc) =	sbr.rel $0x88, $3  }
0x1: {  	(tag) =	ssettag $0x0;
	lr =	simm.s32 $0x1  }
0x2: {  	[smem:$0x3F9F] =	sst lr;
	_ =	strace $0xD0000000  }
0x3: {  	_ = 	snop  }
0x4: {  	_ = 	snop  }
0x5: {  	_ = 	snop  }
0x6: {  	_ = 	snop  }
0x7: {  	_ = 	snop  }
__scs_overlays_trampoline_lowered:
0x8: {  	[smem:$0x3FAE] =	sst s0  }
0x9: {  	[smem:$0x3FAF] =	sst s1  }
0xa: {  	[smem:$0x3FB0] =	sst s2  }
0xb: {  	[smem:$0x3FB1] =	sst s3  }
0xc: {  	[smem:$0x3FB2] =	sst s4  }
0xd: {  	[smem:$0x3FB3] =	sst s5  }
0xe: {  	[smem:$0x3FB4] =	sst s6  }
0xf: {  	[smem:$0x3FB5] =	sst s7  }
0x10: {  	[smem:$0x3FB6] =	sst s8  }
0x11: {  	[smem:$0x3FB7] =	sst s9;
	s0 =	simm.s32 @!p0 $0x0  }
0x12: {  	s1 =	sld [smem:$0x3F9D];
	s0 =	simm.s32 @p0 $0x1  }
0x13: {  	[smem:$0x3FB8] =	sst s0;
	s0 =	simm.s32 @!p1 $0x0  }
0x14: {  	s2 =	sld [smem:$0x3F9C];
	s0 =	simm.s32 @p1 $0x1  }
0x15: {  	[smem:$0x3FB9] =	sst s0;
	s0 =	simm.s32 @!p2 $0x0  }
0x16: {  	s3 =	sld [smem:$0x3FDB];
	s0 =	simm.s32 @p2 $0x1  }
0x17: {  	s4 =	simm.s32 $0x1BF5;
	[smem:$0x3FBB] =	sst s0  }
0x18: {  	s0 =	sld [smem:$0x3F9E];
	_ =	swait.ge [sflag:s4], $0x0  }
0x19: {  	s7 =	sld [smem:$0x3F9F]  }
0x1a: {  	s8 =	sadd.s32 $0xFFFFE003, lr  }
0x1b: {  	s9 =	sadd.s32 $0xFFFFFEF7, lr;
	s5 =	simm.s32 $0xFFFFFFFF;
	p2 =	slt.u32 s8, $0xFFFFF086  }
0x1c: {  	p1 =	slt.u32 s9, $0xF7A;
	s5 =	simm.s32 @!p2 $0x0  }
0x1d: {  	s5 =	simm.s32 @p1 $0x1;
	p0 =	seq.s32 s7, s2  }
0x1e: {  	s7 =	smul.u32 @!p0 $0xF7A, s2;
	p2 =	seq.s32 @!p0 s5, $0x0  }
0x1f: {  	s9 =	smul.u32 $0xF7A, s1;
	s8 =	simm.s32 @!p0 $0x1BF5;
	p2 =	por !p2, p0  }
0x20: {  	[sflag:s8] =	ssyncset.s32 @!p0 $0xFFFFF086;
	s6 =	sadd.s32 @!p0 s3, s7;
	s7 =	simm.s32 @!p0 $0x108  }
0x21: {  	s3 =	sadd.s32 s3, s9;
	s6 =	sadd.s32 @!p0 $0x88, s6;
	s7 =	simm.s32 @p2 $0x1082  }
0x22: {  	[simem:s7], [sflag:s8] =	dma.local @!p0 [hbm:s6], $0xF7A  }
0x23: {  	s9 =	sor.u32 $0xD0000000, s2;
	s6 =	simm.s32 $0x108;
	_ =	swait.ge @!p0 [sflag:s8], $0x0  }
0x24: {  	s3 =	sadd.s32 $0x88, s3;
	s6 =	simm.s32 @!p1 $0x1082;
	[sflag:s4] =	ssyncset.s32 $0xFFFFF086  }
0x25: {  	[simem:s6], [sflag:s4] =	dma.local [hbm:s3], $0xF7A  }
0x26: {  	[smem:$0x3F9F] =	sst s1;
	(tag) =	ssettag s2;
	_ =	strace s9  }
0x27: {  	s1 =	sld [smem:$0x3FAF]  }
0x28: {  	s2 =	sld [smem:$0x3FB0]  }
0x29: {  	s4 =	sld [smem:$0x3FB2]  }
0x2a: {  	p0 =	seq.s32 s5, $0x0;
	s5 =	sld [smem:$0x3FB3]  }
0x2b: {  	s6 =	sld [smem:$0x3FB4]  }
0x2c: {  	s7 =	sld [smem:$0x3FB5]  }
0x2d: {  	s3 =	simm.s32 $0x108;
	s8 =	sld [smem:$0x3FB6]  }
0x2e: {  	s3 =	simm.s32 @!p0 $0x1082;
	s9 =	sld [smem:$0x3FB7]  }
0x2f: {  	lr =	sadd.s32 s0, s3;
	s0 =	sld [smem:$0x3FAE]  }
0x30: {  	s3 =	sld [smem:$0x3FB1]  }
0x31: {  	[smem:$0x3FBA] =	sst s10  }
0x32: {  	s10 =	sld [smem:$0x3FB8];
	_ =	sdelay $0x3  }
0x33: {  	p0 =	seq.s32 s10, $0x1;
	s10 =	sld [smem:$0x3FBA];
	_ =	sdelay $0x3  }
0x34: {  	[smem:$0x3FBA] =	sst s10  }
0x35: {  	s10 =	sld [smem:$0x3FB9];
	_ =	sdelay $0x3  }
0x36: {  	p1 =	seq.s32 s10, $0x1;
	s10 =	sld [smem:$0x3FBA];
	_ =	sdelay $0x3  }
0x37: {  	[smem:$0x3FBA] =	sst s10  }
0x38: {  	s10 =	sld [smem:$0x3FBB]  }
0x39: {  	_ = 	snop;
	(pc) =	sbr.ind lr, $3  }
0x3a: {  	_ = 	snop  }
0x3b: {  	_ = 	snop  }
0x3c: {  	p2 =	seq.s32 s10, $0x1;
	s10 =	sld [smem:$0x3FBA]  }
0x3d: {  	_ =	shalt  }
0x3e: {  	_ =	shalt  }
0x3f: {  	_ =	shalt  }
0x40: {  	_ =	shalt  }
0x41: {  	_ =	shalt  }
0x42: {  	_ =	shalt  }
0x43: {  	_ =	shalt  }
0x44: {  	_ =	shalt  }
0x45: {  	_ =	shalt  }
0x46: {  	_ =	shalt  }
0x47: {  	_ =	shalt  }
0x48: {  	_ =	shalt  }
0x49: {  	_ =	shalt  }
0x4a: {  	_ =	shalt  }
0x4b: {  	_ =	shalt  }
0x4c: {  	_ =	shalt  }
0x4d: {  	_ =	shalt  }
0x4e: {  	_ =	shalt  }
0x4f: {  	_ =	shalt  }
0x50: {  	_ =	shalt  }
0x51: {  	_ =	shalt  }
0x52: {  	_ =	shalt  }
0x53: {  	_ =	shalt  }
0x54: {  	_ =	shalt  }
0x55: {  	_ =	shalt  }
0x56: {  	_ =	shalt  }
0x57: {  	_ =	shalt  }
0x58: {  	_ =	shalt  }
0x59: {  	_ =	shalt  }
0x5a: {  	_ =	shalt  }
0x5b: {  	_ =	shalt  }
0x5c: {  	_ =	shalt  }
0x5d: {  	_ =	shalt  }
0x5e: {  	_ =	shalt  }
0x5f: {  	_ =	shalt  }
0x60: {  	_ =	shalt  }
0x61: {  	_ =	shalt  }
0x62: {  	_ =	shalt  }
0x63: {  	_ =	shalt  }
0x64: {  	_ =	shalt  }
0x65: {  	_ =	shalt  }
0x66: {  	_ =	shalt  }
0x67: {  	_ =	shalt  }
0x68: {  	_ =	shalt  }
0x69: {  	_ =	shalt  }
0x6a: {  	_ =	shalt  }
0x6b: {  	_ =	shalt  }
0x6c: {  	_ =	shalt  }
0x6d: {  	_ =	shalt  }
0x6e: {  	_ =	shalt  }
0x6f: {  	_ =	shalt  }
0x70: {  	_ =	shalt  }
0x71: {  	_ =	shalt  }
0x72: {  	_ =	shalt  }
0x73: {  	_ =	shalt  }
0x74: {  	_ =	shalt  }
0x75: {  	_ =	shalt  }
0x76: {  	_ =	shalt  }
0x77: {  	_ =	shalt  }
0x78: {  	_ =	shalt  }
0x79: {  	_ =	shalt  }
0x7a: {  	_ =	shalt  }
0x7b: {  	_ =	shalt  }
0x7c: {  	_ =	shalt  }
0x7d: {  	_ =	shalt  }
0x7e: {  	_ =	shalt  }
0x7f: {  	_ =	shalt  }
0x80: {  	_ =	shalt  }
0x81: {  	_ =	shalt  }
0x82: {  	_ =	shalt  }
0x83: {  	_ =	shalt  }
0x84: {  	_ =	shalt  }
0x85: {  	_ =	shalt  }
0x86: {  	_ =	shalt  }
0x87: {  	_ =	shalt  }
.Lfunc_end0:
.L_simem_size_0:
called_computation.1_lowered:
.L_overlay_start_0:
0x88: {  	s2 =	sld [smem:$0x3FD9]  }
0x89: {  	s3 =	sld [smem:$0x3FFE];
	_ =	sdelay $0x1  }
0x8a: {  	s1 =	srdreg.scid  }
0x8b: {  	s0 =	sand.u32 $0x1, s1  }
0x8c: {  	s17 =	sshll.u32 s0, $0xA;
	s2 =	sadd.s32 s3, s2  }
0x8d: {  	s2 =	sadd.s32 s2, s17  }
0x8e: {  	[smem:$0x3FC6] =	sst s2  }
0x8f: {  	_ = 	snop  }
0x90: {  	s2 =	sld [smem:$0x3FD0];
	(tm) =	ssettm $0x1  }
0x91: {  	s18 =	sld [smem:$0x3FFB];
	_ =	sdelay $0x3  }
0x92: {  	_ =	strace s18  }
0x93: {  	s3 =	sld [smem:$0x3FFC];
	_ =	sdelay $0x3  }
0x94: {  	_ =	strace s3  }
0x95: {  	s3 =	sld [smem:$0x3FFD];
	_ =	sdelay $0x3  }
0x96: {  	_ =	strace s3  }
0x97: {  	_ =	strace $0x8FFFFFFF  }
0x98: {  	s19 =	sld [smem:$0x3FDB];
	_ =	sdelay $0x1  }
0x99: {  	s4 =	simm.s32 $_scs_section_size  }
0x9a: {  	s5 =	simm.s32 $_size__tile_overlayer_lowered;
	s6 =	simm.s32 $_tile_overlayer_lowered  }
0x9b: {  	s22 =	simm.s32 $0x1BFF;
	s21 =	sshll.u32 s6, $0x1;
	s3 =	sadd.s32 s4, s19  }
0x9c: {  	s7 =	simm.s32 $0x0;
	s20 =	sshll.u32 s5, $0x1;
	s5 =	sadd.s32 s21, s3  }
0x9d: {  	[timem:s7], [sflag:s22] =	dma.local [hbm:s5], s20  }
0x9e: {  	_ =	swait.ge [sflag:s22], s20  }
0x9f: {  	s4 =	ssub.s32 $0x0, s20;
	[sflag:s22] =	ssyncset.done $0x0  }
0xa0: {  	[sflag:s22] =	ssyncadd.s32 s4;
	_ =	sdelay $0x1  }
0xa1: {  	s23 =	simm.s32 $0x1B8B  }
0xa2: {  	_ =	swait.ge [sflag:s23], $0x1  }
0xa3: {  	[sflag:s23] =	ssyncset.done $0x0  }
0xa4: {  	s25 =	simm.s32 $0x1B8E;
	s24 =	sld [smem:$0x3FFE];
	[sflag:s23] =	ssyncadd.s32 $0xFFFFFFFF  }
0xa5: {  	s26 =	simm.s32 $execute0_lowered;
	[smem:$0x3FD2] =	sst s25  }
0xa6: {  	s5 =	sshll.u32 s26, $0x1;
	_ =	strace $0x80000049;
	[dreg:$0x1] =	wrdreg $0xFFFFFFFF  }
0xa7: {  	s28 =	simm.s32 $_size_execute0_lowered;
	s3 =	sadd.s32 s3, s5;
	[dreg:$0x0] =	wrdreg $0x0  }
0xa8: {  	s5 =	sshll.u32 s28, $0x1;
	[dreg:$0x2] =	wrdreg s3  }
0xa9: {  	[dreg:$0x3] =	wrdreg s5  }
0xaa: {  	[dreg:$0x4] =	wrdreg $0xC0  }
0xab: {  	_ =	task [dreg:s7], $0x5FFFF  }
0xac: {  	[dreg:$0x1] =	wrdreg $0xFFFFFFFF  }
0xad: {  	[dreg:$0x0] =	wrdreg $0x60  }
0xae: {  	[dreg:$0x2] =	wrdreg s24  }
0xaf: {  	[dreg:$0x3] =	wrdreg s2  }
0xb0: {  	[dreg:$0x4] =	wrdreg $0x9  }
0xb1: {  	_ =	task.clear_ibuf [dreg:s7], $0x5FFFF;
	_ =	strace $0x90000049  }
0xb2: {  	s29 =	simm.s32 $0x9;
	_ =	strace $0x8000004B  }
0xb3: {  	_ =	swait.ge [sflag:s29], $0x1  }
0xb4: {  	[sflag:s29] =	ssyncadd.s32 $0xFFFFFFFF  }
0xb5: {  	_ =	strace $0x9000004B  }
0xb6: {  	_ =	sfence  }
0xb7: {  	s30 =	sld [smem:$0x0];
	_ =	sdelay $0x2  }
0xb8: {  	s31 =	sshll.u32 s1, $0xD;
	s1 =	sshrl.u32 s1, $0x2  }
0xb9: {  	s3 =	sand.u32 $0x4000, s31;
	s1 =	sadd.s32 s1, s30  }
0xba: {  	s0 =	sor.u32 s3, s0;
	s1 =	sshll.u32 s1, $0x11  }
0xbb: {  	s0 =	sor.u32 s1, s0  }
0xbc: {  	s0 =	sadd.s32 $0x8F2B, s0  }
0xbd: {  	[sflag:s0] =	ssyncadd.remote.s32 $0x1  }
0xbe: {  	_ =	sfence.sel $0xFFFF  }
0xbf: {  	[dreg:$0x0] =	wrdreg $0xFFFFFFFF;
	(pc) =	sbr.abs _section_cstart, $3  }
0xc0: {  	[dreg:$0x1] =	wrdreg $0xFFFFFFFF  }
0xc1: {  	_ =	task.clear_ibuf [dreg:s7], $0x2FFFF;
	_ =	strace $0x9FFFFFFF  }
0xc2: {  	(tm) =	ssettm $0x7FFFFFFF  }
0xc3: {  	_ =	shalt  }
tec
execute0_lowered:
.L_overlay_start_1:
0x0: {  	(tag) =	ssettag $0x1  }
0x1: {  	s1 =	srdreg.scid  }
0x2: {  	s0 =	stileid.u32;
	s6 =	rddreg [dreg:$0x0];
	s3 =	simm.s32 $0x0  }
0x3: {  	s11 =	simm.s32 $0x7;
	s12 =	simm.s32 $0x100;
	s14 =	simm.s32 $0x400  }
0x4: {  	s15 =	simm.s32 $0x4;
	s16 =	simm.s32 $0x6;
	s17 =	simm.s32 $0xC800  }
0x5: {  	s18 =	simm.s32 $0x5;
	s19 =	simm.s32 $0x3;
	s20 =	simm.s32 $0x2  }
0x6: {  	s21 =	simm.s32 $0x300;
	s1 =	sand.u32 $0x1, s1;
	s2 =	sshll.u32 s0, $0x1  }
0x7: {  	s22 =	simm.s32 $0x4400;
	s23 =	simm.s32 $0x8400;
	s5 =	sor.u32 s1, s2  }
0x8: {  	s24 =	simm.s32 $0x0;
	[smem:$0x7FF] =	sst s3;
	s4 =	smul.u32 $0x6400, s5  }
0x9: {  	s2 =	rddreg [dreg:$0x1];
	_ =	strace $0x8000004A;
	s7 =	sshll.u32 s5, $0xA  }
.Ltmp0:
0xa: {  	s7 =	sand.u32 $0xC00, s7;
	s8 =	sand.u32 $0xFF000, s4;
	(pc) =	sbr.rel .LBB2_1-.Ltmp0, $4  }
0xb: {  	v0 =	vlaneseq.u32;
	s1 =	ssub.s32 $0x2, s1;
	s5 =	smul.u32 $0x64, s5;
	s7 =	sor.u32 s7, s8  }
0xc: {  	v1 =	vimm.s32 $0x0;
	vm0 =	vcmask $0x300;
	v0 =	vmul.u32 $0x88, v0;
	s31 =	sshrl.u32 s1, $0x1;
	s4 =	sadd.s32 $0xF42E00, s6;
	s7 =	sshrl.u32 s7, $0x3  }
0xd: {  	v1 =	vsel vm0, $0x3, v1;
	s1 =	ssub.s32 s1, s31;
	s6 =	sadd.s32 $0xF5BE00, s6;
	s7 =	sadd.s32 s4, s7  }
0xe: {  	v2 =	vadd.s32 $0x880, v0;
	v3 =	vadd.s32 $0x1100, v0;
	v4 =	vadd.s32 $0x1980, v0;
	s9 =	sor.u32 $0x2, s5;
	s10 =	smax.u32 s1, $0x1;
	s8 =	sadd.s32 $0x20, s7  }
.LBB2_18:
0xf: {  	_ =	swait.ge [sflag:s18], $0x2000  }
0x10: {  	[sflag:s18] =	ssyncset.done $0x0  }
0x11: {  	[sflag:s18] =	ssyncadd.s32 $0xFFFFE000  }
0x12: {  	_ =	swait.ge [sflag:s18], $0x2000  }
0x13: {  	[sflag:s18] =	ssyncset.done $0x0  }
0x14: {  	s24 =	sadd.s32 $0x1, s24;
	[sflag:s18] =	ssyncadd.s32 $0xFFFFE000  }
0x15: {  	p0 =	sne.s32 s24, s10;
	_ =	swait.ge [sflag:s16], $0x2000  }
.Ltmp1:
0x16: {  	[sflag:s16] =	ssyncset.done $0x0;
	(pc) =	sbr.rel @!p0 .LBB2_19-.Ltmp1, $4  }
0x17: {  	[sflag:s16] =	ssyncadd.s32 $0xFFFFE000  }
0x18: {  	_ =	swait.ge [sflag:s16], $0x2000  }
0x19: {  	[sflag:s16] =	ssyncset.done $0x0  }
0x1a: {  	[sflag:s16] =	ssyncadd.s32 $0xFFFFE000  }
.LBB2_1:
0x1b: {  	[tilespmem:s3], [sflag:$0x7] =	stream.linear.gather [hbm4b:s7+s3], $0x100, $0x38;
	[tilespmem:$0x10C00] =	vst v63  }
0x1c: {  	_ =	swait.ge [sflag:s11], $0x100  }
0x1d: {  	[sflag:s11] =	ssyncset.done $0x0  }
0x1e: {  	[sflag:s11] =	ssyncadd.s32 $0xFFFFFF00  }
0x1f: {  	v5 =	vld [tilespmem:$0x0]  }
0x20: {  	v6 =	vld [tilespmem:$0x10]  }
0x21: {  	v7 =	vld [tilespmem:$0x20]  }
0x22: {  	v8 =	vld [tilespmem:$0x30]  }
0x23: {  	v9 =	vld [tilespmem:$0x40]  }
0x24: {  	v10 =	vld [tilespmem:$0x50];
	v5 =	vshll.u32 v5, $0x1  }
0x25: {  	[tilespmem:$0x200] =	vst v5;
	v5 =	vshll.u32 v6, $0x1;
	v6 =	vld [tilespmem:$0x60]  }
0x26: {  	[tilespmem:$0x210] =	vst v5;
	v5 =	vshll.u32 v7, $0x1;
	v7 =	vld [tilespmem:$0x70]  }
0x27: {  	v58 =	vld [tilespmem:$0x80];
	[tilespmem:$0x220] =	vst v5;
	v5 =	vshll.u32 v8, $0x1  }
0x28: {  	v59 =	vld [tilespmem:$0x90];
	[tilespmem:$0x230] =	vst v5;
	v5 =	vshll.u32 v9, $0x1  }
0x29: {  	v60 =	vld [tilespmem:$0xA0];
	[tilespmem:$0x240] =	vst v5;
	v5 =	vshll.u32 v10, $0x1  }
0x2a: {  	[tilespmem:$0x250] =	vst v5;
	v5 =	vshll.u32 v6, $0x1;
	v6 =	vld [tilespmem:$0xB0]  }
0x2b: {  	[tilespmem:$0x260] =	vst v5;
	v5 =	vshll.u32 v7, $0x1;
	v7 =	vld [tilespmem:$0xC0]  }
0x2c: {  	v61 =	vld [tilespmem:$0xD0];
	[tilespmem:$0x270] =	vst v5;
	v5 =	vshll.u32 v58, $0x1  }
0x2d: {  	v62 =	vld [tilespmem:$0xE0];
	[tilespmem:$0x280] =	vst v5;
	v5 =	vshll.u32 v59, $0x1  }
0x2e: {  	v63 =	vld [tilespmem:$0xF0];
	[tilespmem:$0x290] =	vst v5;
	v5 =	vshll.u32 v60, $0x1  }
0x2f: {  	[tilespmem:$0x2A0] =	vst v5;
	v5 =	vshll.u32 v6, $0x1  }
0x30: {  	[tilespmem:$0x2B0] =	vst v5;
	v5 =	vshll.u32 v7, $0x1  }
0x31: {  	[tilespmem:$0x2C0] =	vst v5;
	v5 =	vshll.u32 v61, $0x1  }
0x32: {  	[tilespmem:$0x2D0] =	vst v5;
	v5 =	vshll.u32 v62, $0x1  }
.Ltmp2:
0x33: {  	[tilespmem:$0x2E0] =	vst v5;
	v5 =	vshll.u32 v63, $0x1;
	(pc) =	sbr.rel .LBB2_2-.Ltmp2, $4  }
0x34: {  	s0 =	simm.s32 $0x200;
	[tilespmem:$0x2F0] =	vst v5  }
0x35: {  	[tilespmem:s14], [sflag:$0x3] =	stream.indirect.gather [hbm4b:s6+s12], $0x40, s0, s12, $0xb8;
	[tilespmem:$0x10C00] =	vst v63  }
0x36: {  	s25 =	simm.s32 $0x0  }
0x37: {  	[tilespmem:s12], [sflag:$0x2] =	stream.linear.gather [hbm4b:s8+s3], $0x100, $0x38;
	[tilespmem:$0x10C00] =	vst v63  }
.LBB2_9:
0x38: {  	[hbm4b:s30+s3] =	stream.linear.scatter [tilespmem:s29], [sflag:$0x5], $0x80, $0x38;
	[tilespmem:$0x10C00] =	vst v63  }
0x39: {  	s0 =	sadd.s32 $0xA600, s1  }
0x3a: {  	[hbm4b:s26+s3] =	stream.linear.scatter [tilespmem:s0], [sflag:$0x5], $0x80, $0x38;
	[tilespmem:$0x10C00] =	vst v63  }
0x3b: {  	s31 =	sadd.s32 $0xA688, s1;
	s28 =	sadd.s32 $0x10, s26  }
0x3c: {  	[hbm4b:s28+s3] =	stream.linear.scatter [tilespmem:s31], [sflag:$0x5], $0x80, $0x38;
	[tilespmem:$0x10C00] =	vst v63  }
0x3d: {  	s13 =	sadd.s32 $0xA710, s1;
	s29 =	sadd.s32 $0x20, s26  }
0x3e: {  	[hbm4b:s29+s3] =	stream.linear.scatter [tilespmem:s13], [sflag:$0x5], $0x80, $0x38;
	[tilespmem:$0x10C00] =	vst v63  }
0x3f: {  	s30 =	sadd.s32 $0xA798, s1;
	s31 =	sadd.s32 $0x30, s26  }
0x40: {  	[hbm4b:s31+s3] =	stream.linear.scatter [tilespmem:s30], [sflag:$0x5], $0x80, $0x38;
	[tilespmem:$0x10C00] =	vst v63  }
0x41: {  	s13 =	sadd.s32 $0xA820, s1;
	s29 =	sadd.s32 $0x40, s26  }
0x42: {  	[hbm4b:s29+s3] =	stream.linear.scatter [tilespmem:s13], [sflag:$0x5], $0x80, $0x38;
	[tilespmem:$0x10C00] =	vst v63  }
0x43: {  	s30 =	sadd.s32 $0xA8A8, s1;
	s31 =	sadd.s32 $0x50, s26  }
0x44: {  	[hbm4b:s31+s3] =	stream.linear.scatter [tilespmem:s30], [sflag:$0x5], $0x80, $0x38;
	[tilespmem:$0x10C00] =	vst v63  }
0x45: {  	s13 =	sadd.s32 $0xA930, s1;
	s29 =	sadd.s32 $0x60, s26  }
0x46: {  	[hbm4b:s29+s3] =	stream.linear.scatter [tilespmem:s13], [sflag:$0x5], $0x80, $0x38;
	[tilespmem:$0x10C00] =	vst v63  }
0x47: {  	s30 =	sadd.s32 $0xA9B8, s1;
	s31 =	sadd.s32 $0x70, s26  }
0x48: {  	[hbm4b:s31+s3] =	stream.linear.scatter [tilespmem:s30], [sflag:$0x5], $0x80, $0x38;
	[tilespmem:$0x10C00] =	vst v63  }
.LBB2_17:
0x49: {  	s25 =	sadd.s32 $0x1, s25  }
0x4a: {  	p0 =	sne.s32 s25, $0x64  }
.Ltmp3:
0x4b: {  	_ = 	snop;
	(pc) =	sbr.rel @!p0 .LBB2_18-.Ltmp3, $1  }
0x4c: {  	_ =	sdelay $0x3  }
.LBB2_2:
0x4d: {  	s26 =	sand.u32 $0x1, s25  }
0x4e: {  	p0 =	seq.s32 s26, $0x1  }
.Ltmp4:
0x4f: {  	_ = 	snop;
	(pc) =	sbr.rel @!p0 .LBB2_3-.Ltmp4, $4  }
0x50: {  	_ = 	snop  }
0x51: {  	s1 =	sadd.s32 s5, s25  }
0x52: {  	s29 =	sshll.u32 s1, $0x1  }
0x53: {  	s28 =	sshrl.u32 s1, $0x4;
	s26 =	sand.u32 $0x1E, s29  }
0x54: {  	_ =	swait.ge [sflag:s15], $0x4000  }
0x55: {  	p0 =	seq.s32 s25, $0x63;
	[sflag:s15] =	ssyncset.done $0x0  }
0x56: {  	s0 =	simm.s32 @!p0 $0x1;
	[sflag:s15] =	ssyncadd.s32 $0xFFFFC000  }
0x57: {  	_ =	swait.ge @!p0 [sflag:s0], $0x100  }
0x58: {  	[sflag:s0] =	ssyncset.done @!p0 $0x0  }
0x59: {  	[sflag:s0] =	ssyncadd.s32 @!p0 $0xFFFFFF00  }
0x5a: {  	v5 =	vld @!p0 [tilespmem:$0x0]  }
0x5b: {  	v6 =	vld @!p0 [tilespmem:$0x10]  }
0x5c: {  	v7 =	vld @!p0 [tilespmem:$0x20]  }
0x5d: {  	v8 =	vld @!p0 [tilespmem:$0x30]  }
0x5e: {  	v9 =	vld @!p0 [tilespmem:$0x40]  }
0x5f: {  	v10 =	vld @!p0 [tilespmem:$0x50];
	v5 =	vshll.u32 @!p0 v5, $0x1  }
0x60: {  	[tilespmem:$0x200] =	vst @!p0 v5;
	v5 =	vshll.u32 @!p0 v6, $0x1;
	v6 =	vld @!p0 [tilespmem:$0x60]  }
0x61: {  	[tilespmem:$0x210] =	vst @!p0 v5;
	v5 =	vshll.u32 @!p0 v7, $0x1;
	v7 =	vld @!p0 [tilespmem:$0x70]  }
0x62: {  	[tilespmem:$0x220] =	vst @!p0 v5;
	v5 =	vshll.u32 @!p0 v8, $0x1;
	v8 =	vld @!p0 [tilespmem:$0x80]  }
0x63: {  	[tilespmem:$0x230] =	vst @!p0 v5;
	v5 =	vshll.u32 @!p0 v9, $0x1;
	v9 =	vld @!p0 [tilespmem:$0x90]  }
0x64: {  	[tilespmem:$0x240] =	vst @!p0 v5;
	v5 =	vshll.u32 @!p0 v10, $0x1;
	v10 =	vld @!p0 [tilespmem:$0xA0]  }
0x65: {  	[tilespmem:$0x250] =	vst @!p0 v5;
	v5 =	vshll.u32 @!p0 v6, $0x1;
	v6 =	vld @!p0 [tilespmem:$0xB0]  }
0x66: {  	[tilespmem:$0x260] =	vst @!p0 v5;
	v5 =	vshll.u32 @!p0 v7, $0x1;
	v7 =	vld @!p0 [tilespmem:$0xC0]  }
0x67: {  	[tilespmem:$0x270] =	vst @!p0 v5;
	v5 =	vshll.u32 @!p0 v8, $0x1;
	v8 =	vld @!p0 [tilespmem:$0xD0]  }
0x68: {  	[tilespmem:$0x280] =	vst @!p0 v5;
	v5 =	vshll.u32 @!p0 v9, $0x1;
	v9 =	vld @!p0 [tilespmem:$0xE0]  }
0x69: {  	[tilespmem:$0x290] =	vst @!p0 v5;
	v5 =	vshll.u32 @!p0 v10, $0x1;
	v10 =	vld @!p0 [tilespmem:$0xF0]  }
0x6a: {  	[tilespmem:$0x2A0] =	vst @!p0 v5;
	v5 =	vshll.u32 @!p0 v6, $0x1  }
0x6b: {  	[tilespmem:$0x2B0] =	vst @!p0 v5;
	v5 =	vshll.u32 @!p0 v7, $0x1  }
0x6c: {  	[tilespmem:$0x2C0] =	vst @!p0 v5;
	v5 =	vshll.u32 @!p0 v8, $0x1  }
0x6d: {  	[tilespmem:$0x2D0] =	vst @!p0 v5;
	v5 =	vshll.u32 @!p0 v9, $0x1  }
0x6e: {  	s1 =	simm.s32 @!p0 $0x200;
	[tilespmem:$0x2E0] =	vst @!p0 v5;
	v5 =	vshll.u32 @!p0 v10, $0x1  }
0x6f: {  	s29 =	simm.s32 @!p0 $0x400;
	p1 =	sgt.u32 @!p0 s25, $0x61;
	s0 =	simm.s32 @!p0 $0x100;
	[tilespmem:$0x2F0] =	vst @!p0 v5  }
0x70: {  	[tilespmem:s29], [sflag:$0x3] =	stream.indirect.gather @!p0 [hbm4b:s6+s0], $0x40, s1, s0, $0xb8;
	[tilespmem:$0x10C00] =	vst v63  }
0x71: {  	p0 =	por p0, p1  }
0x72: {  	s0 =	sadd.s32 @!p0 s25, s9  }
0x73: {  	s0 =	sshll.u32 @!p0 s0, $0x5  }
0x74: {  	s1 =	simm.s32 @!p0 $0x0;
	s0 =	sand.u32 @!p0 $0xFFFFFE0, s0  }
0x75: {  	s29 =	simm.s32 @!p0 $0x100;
	p1 =	slt.u32 @!p0 s25, $0x2;
	s0 =	sadd.s32 @!p0 s4, s0  }
0x76: {  	[tilespmem:s29], [sflag:$0x2] =	stream.linear.gather @!p0 [hbm4b:s0+s1], $0x100, $0x38;
	[tilespmem:$0x10C00] =	vst v63  }
0x77: {  	p0 =	por p0, !p1  }
0x78: {  	_ =	swait.ge @p0 [sflag:s16], $0x2000  }
0x79: {  	[sflag:s16] =	ssyncset.done @p0 $0x0  }
0x7a: {  	[sflag:s16] =	ssyncadd.s32 @p0 $0xFFFFE000  }
0x7b: {  	_ =	swait.ge @p0 [sflag:s16], $0x2000  }
0x7c: {  	s30 =	simm.s32 $0x4600;
	[sflag:s16] =	ssyncset.done @p0 $0x0  }
0x7d: {  	s31 =	simm.s32 $0x0;
	s29 =	simm.s32 $0x0;
	[sflag:s16] =	ssyncadd.s32 @p0 $0xFFFFE000  }
.LBB2_11:
0x7e: {  	s0 =	sshrl.u32 s31, $0x3  }
0x7f: {  	s1 =	sand.u32 $0x70, s29;
	v5 =	vmov s0  }
0x80: {  	v6 =	vmov s1;
	v5 =	vmul.u32 $0x2200, v5  }
0x81: {  	v6 =	vshrl.u32 v6, $0x3  }
0x82: {  	v8 =	vbroadcast v5, $0x0;
	v5 =	vshll.u32 v6, v1  }
0x83: {  	v6 =	vld [tilespmem:s30+$0xFFFFFE00];
	v9 =	vbroadcast v5, $0x0  }
0x84: {  	v5 =	vadd.s32 v0, v8  }
0x85: {  	v10 =	vadd.s32 v5, v9;
	_ =	sdelay $0x2  }
0x86: {  	v6 =	vmul.f32 $8.000000000e+00, v6;
	_ =	sdelay $0x1  }
0x87: {  	[tilespmem:v10+s17+$0x0] =	vst.idx.msk $0xffff, v6  }
0x88: {  	v7 =	vld [tilespmem:s30+$0xFFFFFE10]  }
0x89: {  	v6 =	vadd.s32 v2, v8  }
0x8a: {  	v11 =	vadd.s32 v6, v9;
	_ =	sdelay $0x2  }
0x8b: {  	v7 =	vmul.f32 $8.000000000e+00, v7;
	_ =	sdelay $0x1  }
0x8c: {  	[tilespmem:v11+s17+$0x0] =	vst.idx.msk $0xffff, v7  }
0x8d: {  	v12 =	vld [tilespmem:s30+$0xFFFFFE20]  }
0x8e: {  	v7 =	vadd.s32 v3, v8  }
0x8f: {  	v13 =	vadd.s32 v7, v9;
	_ =	sdelay $0x2  }
0x90: {  	v12 =	vmul.f32 $8.000000000e+00, v12;
	_ =	sdelay $0x1  }
0x91: {  	[tilespmem:v13+s17+$0x0] =	vst.idx.msk $0xffff, v12  }
0x92: {  	v12 =	vld [tilespmem:s30+$0xFFFFFE30]  }
0x93: {  	v8 =	vadd.s32 v4, v8  }
0x94: {  	v9 =	vadd.s32 v8, v9;
	_ =	sdelay $0x2  }
0x95: {  	v12 =	vmul.f32 $8.000000000e+00, v12;
	_ =	sdelay $0x1  }
0x96: {  	[tilespmem:v9+s17+$0x0] =	vst.idx.msk $0xffff, v12  }
0x97: {  	v12 =	vld [tilespmem:s30+$0xFFFFFE40];
	_ =	sdelay $0x1  }
0x98: {  	v14 =	vor.u32 $0x1, v10;
	_ =	sdelay $0x2  }
0x99: {  	v12 =	vmul.f32 $8.000000000e+00, v12;
	_ =	sdelay $0x1  }
0x9a: {  	[tilespmem:v14+s17+$0x0] =	vst.idx.msk $0xffff, v12  }
0x9b: {  	v12 =	vld [tilespmem:s30+$0xFFFFFE50];
	_ =	sdelay $0x1  }
0x9c: {  	v61 =	vor.u32 $0x1, v11;
	_ =	sdelay $0x2  }
0x9d: {  	v12 =	vmul.f32 $8.000000000e+00, v12;
	_ =	sdelay $0x1  }
0x9e: {  	[tilespmem:v61+s17+$0x0] =	vst.idx.msk $0xffff, v12  }
0x9f: {  	v12 =	vld [tilespmem:s30+$0xFFFFFE60];
	_ =	sdelay $0x1  }
0xa0: {  	v62 =	vor.u32 $0x1, v13;
	_ =	sdelay $0x2  }
0xa1: {  	v12 =	vmul.f32 $8.000000000e+00, v12;
	_ =	sdelay $0x1  }
0xa2: {  	[tilespmem:v62+s17+$0x0] =	vst.idx.msk $0xffff, v12  }
0xa3: {  	v12 =	vld [tilespmem:s30+$0xFFFFFE70];
	_ =	sdelay $0x1  }
0xa4: {  	v63 =	vor.u32 $0x1, v9;
	_ =	sdelay $0x2  }
0xa5: {  	v12 =	vmul.f32 $8.000000000e+00, v12;
	_ =	sdelay $0x1  }
0xa6: {  	[tilespmem:v63+s17+$0x0] =	vst.idx.msk $0xffff, v12  }
0xa7: {  	v12 =	vld [tilespmem:s30+$0xFFFFFE80];
	_ =	sdelay $0x1  }
0xa8: {  	v16 =	vor.u32 $0x2, v10;
	_ =	sdelay $0x2  }
0xa9: {  	v12 =	vmul.f32 $8.000000000e+00, v12;
	_ =	sdelay $0x1  }
0xaa: {  	[tilespmem:v16+s17+$0x0] =	vst.idx.msk $0xffff, v12  }
0xab: {  	v12 =	vld [tilespmem:s30+$0xFFFFFE90];
	_ =	sdelay $0x1  }
0xac: {  	v17 =	vor.u32 $0x2, v11;
	_ =	sdelay $0x2  }
0xad: {  	v12 =	vmul.f32 $8.000000000e+00, v12;
	_ =	sdelay $0x1  }
0xae: {  	[tilespmem:v17+s17+$0x0] =	vst.idx.msk $0xffff, v12  }
0xaf: {  	v12 =	vld [tilespmem:s30+$0xFFFFFEA0];
	_ =	sdelay $0x1  }
0xb0: {  	v18 =	vor.u32 $0x2, v13;
	_ =	sdelay $0x2  }
0xb1: {  	v12 =	vmul.f32 $8.000000000e+00, v12;
	_ =	sdelay $0x1  }
0xb2: {  	[tilespmem:v18+s17+$0x0] =	vst.idx.msk $0xffff, v12  }
0xb3: {  	v12 =	vld [tilespmem:s30+$0xFFFFFEB0];
	_ =	sdelay $0x1  }
0xb4: {  	v19 =	vor.u32 $0x2, v9;
	_ =	sdelay $0x2  }
0xb5: {  	v12 =	vmul.f32 $8.000000000e+00, v12;
	_ =	sdelay $0x1  }
0xb6: {  	[tilespmem:v19+s17+$0x0] =	vst.idx.msk $0xffff, v12  }
0xb7: {  	v12 =	vld [tilespmem:s30+$0xFFFFFEC0];
	_ =	sdelay $0x1  }
0xb8: {  	v20 =	vor.u32 $0x3, v10;
	_ =	sdelay $0x2  }
0xb9: {  	v12 =	vmul.f32 $8.000000000e+00, v12;
	_ =	sdelay $0x1  }
0xba: {  	[tilespmem:v20+s17+$0x0] =	vst.idx.msk $0xffff, v12  }
0xbb: {  	v12 =	vld [tilespmem:s30+$0xFFFFFED0];
	_ =	sdelay $0x1  }
0xbc: {  	v21 =	vor.u32 $0x3, v11;
	_ =	sdelay $0x2  }
0xbd: {  	v12 =	vmul.f32 $8.000000000e+00, v12;
	_ =	sdelay $0x1  }
0xbe: {  	[tilespmem:v21+s17+$0x0] =	vst.idx.msk $0xffff, v12  }
0xbf: {  	v12 =	vld [tilespmem:s30+$0xFFFFFEE0];
	_ =	sdelay $0x1  }
0xc0: {  	v22 =	vor.u32 $0x3, v13;
	_ =	sdelay $0x2  }
0xc1: {  	v12 =	vmul.f32 $8.000000000e+00, v12;
	_ =	sdelay $0x1  }
0xc2: {  	[tilespmem:v22+s17+$0x0] =	vst.idx.msk $0xffff, v12  }
0xc3: {  	v12 =	vld [tilespmem:s30+$0xFFFFFEF0];
	_ =	sdelay $0x1  }
0xc4: {  	v23 =	vor.u32 $0x3, v9;
	_ =	sdelay $0x2  }
0xc5: {  	v12 =	vmul.f32 $8.000000000e+00, v12;
	_ =	sdelay $0x1  }
0xc6: {  	[tilespmem:v23+s17+$0x0] =	vst.idx.msk $0xffff, v12  }
0xc7: {  	v12 =	vld [tilespmem:s30+$0xFFFFFF00];
	_ =	sdelay $0x1  }
0xc8: {  	v24 =	vor.u32 $0x4, v10;
	_ =	sdelay $0x2  }
0xc9: {  	v12 =	vmul.f32 $8.000000000e+00, v12;
	_ =	sdelay $0x1  }
0xca: {  	[tilespmem:v24+s17+$0x0] =	vst.idx.msk $0xffff, v12  }
0xcb: {  	v12 =	vld [tilespmem:s30+$0xFFFFFF10];
	_ =	sdelay $0x1  }
0xcc: {  	v25 =	vor.u32 $0x4, v11;
	_ =	sdelay $0x2  }
0xcd: {  	v12 =	vmul.f32 $8.000000000e+00, v12;
	_ =	sdelay $0x1  }
0xce: {  	[tilespmem:v25+s17+$0x0] =	vst.idx.msk $0xffff, v12  }
0xcf: {  	v12 =	vld [tilespmem:s30+$0xFFFFFF20];
	_ =	sdelay $0x1  }
0xd0: {  	v26 =	vor.u32 $0x4, v13;
	_ =	sdelay $0x2  }
0xd1: {  	v12 =	vmul.f32 $8.000000000e+00, v12;
	_ =	sdelay $0x1  }
0xd2: {  	[tilespmem:v26+s17+$0x0] =	vst.idx.msk $0xffff, v12  }
0xd3: {  	v12 =	vld [tilespmem:s30+$0xFFFFFF30];
	_ =	sdelay $0x1  }
0xd4: {  	v27 =	vor.u32 $0x4, v9;
	_ =	sdelay $0x2  }
0xd5: {  	v12 =	vmul.f32 $8.000000000e+00, v12;
	_ =	sdelay $0x1  }
0xd6: {  	[tilespmem:v27+s17+$0x0] =	vst.idx.msk $0xffff, v12  }
0xd7: {  	v12 =	vld [tilespmem:s30+$0xFFFFFF40];
	_ =	sdelay $0x1  }
0xd8: {  	v28 =	vor.u32 $0x5, v10;
	_ =	sdelay $0x2  }
0xd9: {  	v12 =	vmul.f32 $8.000000000e+00, v12;
	_ =	sdelay $0x1  }
0xda: {  	[tilespmem:v28+s17+$0x0] =	vst.idx.msk $0xffff, v12  }
0xdb: {  	v12 =	vld [tilespmem:s30+$0xFFFFFF50];
	_ =	sdelay $0x1  }
0xdc: {  	v29 =	vor.u32 $0x5, v11;
	_ =	sdelay $0x2  }
0xdd: {  	v12 =	vmul.f32 $8.000000000e+00, v12;
	_ =	sdelay $0x1  }
0xde: {  	[tilespmem:v29+s17+$0x0] =	vst.idx.msk $0xffff, v12  }
0xdf: {  	v12 =	vld [tilespmem:s30+$0xFFFFFF60];
	_ =	sdelay $0x1  }
0xe0: {  	v30 =	vor.u32 $0x5, v13;
	_ =	sdelay $0x2  }
0xe1: {  	v12 =	vmul.f32 $8.000000000e+00, v12;
	_ =	sdelay $0x1  }
0xe2: {  	[tilespmem:v30+s17+$0x0] =	vst.idx.msk $0xffff, v12  }
0xe3: {  	v12 =	vld [tilespmem:s30+$0xFFFFFF70];
	_ =	sdelay $0x1  }
0xe4: {  	v31 =	vor.u32 $0x5, v9;
	_ =	sdelay $0x2  }
0xe5: {  	v12 =	vmul.f32 $8.000000000e+00, v12;
	_ =	sdelay $0x1  }
0xe6: {  	[tilespmem:v31+s17+$0x0] =	vst.idx.msk $0xffff, v12  }
0xe7: {  	v12 =	vld [tilespmem:s30+$0xFFFFFF80];
	_ =	sdelay $0x1  }
0xe8: {  	v32 =	vor.u32 $0x6, v10;
	_ =	sdelay $0x2  }
0xe9: {  	v12 =	vmul.f32 $8.000000000e+00, v12;
	_ =	sdelay $0x1  }
0xea: {  	[tilespmem:v32+s17+$0x0] =	vst.idx.msk $0xffff, v12  }
0xeb: {  	v12 =	vld [tilespmem:s30+$0xFFFFFF90];
	_ =	sdelay $0x1  }
0xec: {  	v33 =	vor.u32 $0x6, v11;
	_ =	sdelay $0x2  }
0xed: {  	v12 =	vmul.f32 $8.000000000e+00, v12;
	_ =	sdelay $0x1  }
0xee: {  	[tilespmem:v33+s17+$0x0] =	vst.idx.msk $0xffff, v12  }
0xef: {  	v12 =	vld [tilespmem:s30+$0xFFFFFFA0];
	_ =	sdelay $0x1  }
0xf0: {  	v34 =	vor.u32 $0x6, v13;
	_ =	sdelay $0x2  }
0xf1: {  	v12 =	vmul.f32 $8.000000000e+00, v12;
	_ =	sdelay $0x1  }
0xf2: {  	[tilespmem:v34+s17+$0x0] =	vst.idx.msk $0xffff, v12  }
0xf3: {  	v12 =	vld [tilespmem:s30+$0xFFFFFFB0];
	_ =	sdelay $0x1  }
0xf4: {  	v35 =	vor.u32 $0x6, v9;
	_ =	sdelay $0x2  }
0xf5: {  	v12 =	vmul.f32 $8.000000000e+00, v12;
	_ =	sdelay $0x1  }
0xf6: {  	[tilespmem:v35+s17+$0x0] =	vst.idx.msk $0xffff, v12  }
0xf7: {  	v12 =	vld [tilespmem:s30+$0xFFFFFFC0];
	_ =	sdelay $0x1  }
0xf8: {  	v10 =	vor.u32 $0x7, v10;
	_ =	sdelay $0x2  }
0xf9: {  	v12 =	vmul.f32 $8.000000000e+00, v12;
	_ =	sdelay $0x1  }
0xfa: {  	[tilespmem:v10+s17+$0x0] =	vst.idx.msk $0xffff, v12  }
0xfb: {  	v10 =	vld [tilespmem:s30+$0xFFFFFFD0];
	_ =	sdelay $0x1  }
0xfc: {  	v11 =	vor.u32 $0x7, v11;
	_ =	sdelay $0x2  }
0xfd: {  	v10 =	vmul.f32 $8.000000000e+00, v10;
	_ =	sdelay $0x1  }
0xfe: {  	[tilespmem:v11+s17+$0x0] =	vst.idx.msk $0xffff, v10  }
0xff: {  	v10 =	vld [tilespmem:s30+$0xFFFFFFE0];
	_ =	sdelay $0x1  }
0x100: {  	v36 =	vor.u32 $0x7, v13;
	_ =	sdelay $0x2  }
0x101: {  	v10 =	vmul.f32 $8.000000000e+00, v10;
	_ =	sdelay $0x1  }
0x102: {  	[tilespmem:v36+s17+$0x0] =	vst.idx.msk $0xffff, v10  }
0x103: {  	v10 =	vld [tilespmem:s30+$0xFFFFFFF0];
	_ =	sdelay $0x1  }
0x104: {  	v9 =	vor.u32 $0x7, v9;
	_ =	sdelay $0x1  }
0x105: {  	s13 =	sor.u32 $0x8, s1  }
0x106: {  	v37 =	vmov s13;
	v10 =	vmul.f32 $8.000000000e+00, v10  }
0x107: {  	v11 =	vshrl.u32 v37, $0x3  }
0x108: {  	v38 =	vshll.u32 v11, v1;
	[tilespmem:v9+s17+$0x0] =	vst.idx.msk $0xffff, v10  }
0x109: {  	v9 =	vbroadcast v38, $0x0;
	v10 =	vld [tilespmem:s30+$0x0];
	_ =	sdelay $0x1  }
0x10a: {  	v5 =	vadd.s32 v5, v9;
	_ =	sdelay $0x2  }
0x10b: {  	v10 =	vmul.f32 $8.000000000e+00, v10;
	_ =	sdelay $0x1  }
0x10c: {  	[tilespmem:v5+s17+$0x0] =	vst.idx.msk $0xffff, v10  }
0x10d: {  	v10 =	vld [tilespmem:s30+$0x10];
	_ =	sdelay $0x1  }
0x10e: {  	v6 =	vadd.s32 v6, v9;
	_ =	sdelay $0x2  }
0x10f: {  	v10 =	vmul.f32 $8.000000000e+00, v10;
	_ =	sdelay $0x1  }
0x110: {  	[tilespmem:v6+s17+$0x0] =	vst.idx.msk $0xffff, v10  }
0x111: {  	v10 =	vld [tilespmem:s30+$0x20];
	_ =	sdelay $0x1  }
0x112: {  	v7 =	vadd.s32 v7, v9;
	_ =	sdelay $0x2  }
0x113: {  	v10 =	vmul.f32 $8.000000000e+00, v10;
	_ =	sdelay $0x1  }
0x114: {  	[tilespmem:v7+s17+$0x0] =	vst.idx.msk $0xffff, v10  }
0x115: {  	v10 =	vld [tilespmem:s30+$0x30];
	_ =	sdelay $0x1  }
0x116: {  	v8 =	vadd.s32 v8, v9;
	_ =	sdelay $0x2  }
0x117: {  	v39 =	vmul.f32 $8.000000000e+00, v10;
	_ =	sdelay $0x1  }
0x118: {  	[tilespmem:v8+s17+$0x0] =	vst.idx.msk $0xffff, v39  }
0x119: {  	v9 =	vld [tilespmem:s30+$0x40];
	_ =	sdelay $0x1  }
0x11a: {  	v40 =	vor.u32 $0x1, v5;
	_ =	sdelay $0x2  }
0x11b: {  	v9 =	vmul.f32 $8.000000000e+00, v9;
	_ =	sdelay $0x1  }
0x11c: {  	[tilespmem:v40+s17+$0x0] =	vst.idx.msk $0xffff, v9  }
0x11d: {  	v9 =	vld [tilespmem:s30+$0x50];
	_ =	sdelay $0x1  }
0x11e: {  	v41 =	vor.u32 $0x1, v6;
	_ =	sdelay $0x2  }
0x11f: {  	v9 =	vmul.f32 $8.000000000e+00, v9;
	_ =	sdelay $0x1  }
0x120: {  	[tilespmem:v41+s17+$0x0] =	vst.idx.msk $0xffff, v9  }
0x121: {  	v9 =	vld [tilespmem:s30+$0x60];
	_ =	sdelay $0x1  }
0x122: {  	v42 =	vor.u32 $0x1, v7;
	_ =	sdelay $0x2  }
0x123: {  	v9 =	vmul.f32 $8.000000000e+00, v9;
	_ =	sdelay $0x1  }
0x124: {  	[tilespmem:v42+s17+$0x0] =	vst.idx.msk $0xffff, v9  }
0x125: {  	v9 =	vld [tilespmem:s30+$0x70];
	_ =	sdelay $0x1  }
0x126: {  	v43 =	vor.u32 $0x1, v8;
	_ =	sdelay $0x2  }
0x127: {  	v9 =	vmul.f32 $8.000000000e+00, v9;
	_ =	sdelay $0x1  }
0x128: {  	[tilespmem:v43+s17+$0x0] =	vst.idx.msk $0xffff, v9  }
0x129: {  	v9 =	vld [tilespmem:s30+$0x80];
	_ =	sdelay $0x1  }
0x12a: {  	v44 =	vor.u32 $0x2, v5;
	_ =	sdelay $0x2  }
0x12b: {  	v9 =	vmul.f32 $8.000000000e+00, v9;
	_ =	sdelay $0x1  }
0x12c: {  	[tilespmem:v44+s17+$0x0] =	vst.idx.msk $0xffff, v9  }
0x12d: {  	v9 =	vld [tilespmem:s30+$0x90];
	_ =	sdelay $0x1  }
0x12e: {  	v45 =	vor.u32 $0x2, v6;
	_ =	sdelay $0x2  }
0x12f: {  	v9 =	vmul.f32 $8.000000000e+00, v9;
	_ =	sdelay $0x1  }
0x130: {  	[tilespmem:v45+s17+$0x0] =	vst.idx.msk $0xffff, v9  }
0x131: {  	v9 =	vld [tilespmem:s30+$0xA0];
	_ =	sdelay $0x1  }
0x132: {  	v46 =	vor.u32 $0x2, v7;
	_ =	sdelay $0x2  }
0x133: {  	v9 =	vmul.f32 $8.000000000e+00, v9;
	_ =	sdelay $0x1  }
0x134: {  	[tilespmem:v46+s17+$0x0] =	vst.idx.msk $0xffff, v9  }
0x135: {  	v9 =	vld [tilespmem:s30+$0xB0];
	_ =	sdelay $0x1  }
0x136: {  	v47 =	vor.u32 $0x2, v8;
	_ =	sdelay $0x2  }
0x137: {  	v9 =	vmul.f32 $8.000000000e+00, v9;
	_ =	sdelay $0x1  }
0x138: {  	[tilespmem:v47+s17+$0x0] =	vst.idx.msk $0xffff, v9  }
0x139: {  	v9 =	vld [tilespmem:s30+$0xC0];
	_ =	sdelay $0x1  }
0x13a: {  	v48 =	vor.u32 $0x3, v5;
	_ =	sdelay $0x2  }
0x13b: {  	v9 =	vmul.f32 $8.000000000e+00, v9;
	_ =	sdelay $0x1  }
0x13c: {  	[tilespmem:v48+s17+$0x0] =	vst.idx.msk $0xffff, v9  }
0x13d: {  	v9 =	vld [tilespmem:s30+$0xD0];
	_ =	sdelay $0x1  }
0x13e: {  	v49 =	vor.u32 $0x3, v6;
	_ =	sdelay $0x2  }
0x13f: {  	v9 =	vmul.f32 $8.000000000e+00, v9;
	_ =	sdelay $0x1  }
0x140: {  	[tilespmem:v49+s17+$0x0] =	vst.idx.msk $0xffff, v9  }
0x141: {  	v9 =	vld [tilespmem:s30+$0xE0];
	_ =	sdelay $0x1  }
0x142: {  	v50 =	vor.u32 $0x3, v7;
	_ =	sdelay $0x2  }
0x143: {  	v9 =	vmul.f32 $8.000000000e+00, v9;
	_ =	sdelay $0x1  }
0x144: {  	[tilespmem:v50+s17+$0x0] =	vst.idx.msk $0xffff, v9  }
0x145: {  	v9 =	vld [tilespmem:s30+$0xF0];
	_ =	sdelay $0x1  }
0x146: {  	v51 =	vor.u32 $0x3, v8;
	_ =	sdelay $0x2  }
0x147: {  	v9 =	vmul.f32 $8.000000000e+00, v9;
	_ =	sdelay $0x1  }
0x148: {  	[tilespmem:v51+s17+$0x0] =	vst.idx.msk $0xffff, v9  }
0x149: {  	v9 =	vld [tilespmem:s30+$0x100];
	_ =	sdelay $0x1  }
0x14a: {  	v52 =	vor.u32 $0x4, v5;
	_ =	sdelay $0x2  }
0x14b: {  	v9 =	vmul.f32 $8.000000000e+00, v9;
	_ =	sdelay $0x1  }
0x14c: {  	[tilespmem:v52+s17+$0x0] =	vst.idx.msk $0xffff, v9  }
0x14d: {  	v9 =	vld [tilespmem:s30+$0x110];
	_ =	sdelay $0x1  }
0x14e: {  	v53 =	vor.u32 $0x4, v6;
	_ =	sdelay $0x2  }
0x14f: {  	v9 =	vmul.f32 $8.000000000e+00, v9;
	_ =	sdelay $0x1  }
0x150: {  	[tilespmem:v53+s17+$0x0] =	vst.idx.msk $0xffff, v9  }
0x151: {  	v9 =	vld [tilespmem:s30+$0x120];
	_ =	sdelay $0x1  }
0x152: {  	v54 =	vor.u32 $0x4, v7;
	_ =	sdelay $0x2  }
0x153: {  	v9 =	vmul.f32 $8.000000000e+00, v9;
	_ =	sdelay $0x1  }
0x154: {  	[tilespmem:v54+s17+$0x0] =	vst.idx.msk $0xffff, v9  }
0x155: {  	v9 =	vld [tilespmem:s30+$0x130];
	_ =	sdelay $0x1  }
0x156: {  	v55 =	vor.u32 $0x4, v8;
	_ =	sdelay $0x2  }
0x157: {  	v9 =	vmul.f32 $8.000000000e+00, v9;
	_ =	sdelay $0x1  }
0x158: {  	[tilespmem:v55+s17+$0x0] =	vst.idx.msk $0xffff, v9  }
0x159: {  	v9 =	vld [tilespmem:s30+$0x140];
	_ =	sdelay $0x1  }
0x15a: {  	v56 =	vor.u32 $0x5, v5;
	_ =	sdelay $0x2  }
0x15b: {  	v9 =	vmul.f32 $8.000000000e+00, v9;
	_ =	sdelay $0x1  }
0x15c: {  	[tilespmem:v56+s17+$0x0] =	vst.idx.msk $0xffff, v9  }
0x15d: {  	v9 =	vld [tilespmem:s30+$0x150];
	_ =	sdelay $0x1  }
0x15e: {  	v57 =	vor.u32 $0x5, v6;
	_ =	sdelay $0x2  }
0x15f: {  	v9 =	vmul.f32 $8.000000000e+00, v9;
	_ =	sdelay $0x1  }
0x160: {  	[tilespmem:v57+s17+$0x0] =	vst.idx.msk $0xffff, v9  }
0x161: {  	v9 =	vld [tilespmem:s30+$0x160];
	_ =	sdelay $0x1  }
0x162: {  	v58 =	vor.u32 $0x5, v7;
	_ =	sdelay $0x2  }
0x163: {  	v9 =	vmul.f32 $8.000000000e+00, v9;
	_ =	sdelay $0x1  }
0x164: {  	[tilespmem:v58+s17+$0x0] =	vst.idx.msk $0xffff, v9  }
0x165: {  	v9 =	vld [tilespmem:s30+$0x170];
	_ =	sdelay $0x1  }
0x166: {  	v59 =	vor.u32 $0x5, v8;
	_ =	sdelay $0x2  }
0x167: {  	v9 =	vmul.f32 $8.000000000e+00, v9;
	_ =	sdelay $0x1  }
0x168: {  	[tilespmem:v59+s17+$0x0] =	vst.idx.msk $0xffff, v9  }
0x169: {  	v9 =	vld [tilespmem:s30+$0x180];
	_ =	sdelay $0x1  }
0x16a: {  	v60 =	vor.u32 $0x6, v5;
	_ =	sdelay $0x2  }
0x16b: {  	v9 =	vmul.f32 $8.000000000e+00, v9;
	_ =	sdelay $0x1  }
0x16c: {  	[tilespmem:v60+s17+$0x0] =	vst.idx.msk $0xffff, v9  }
0x16d: {  	v9 =	vld [tilespmem:s30+$0x190];
	_ =	sdelay $0x1  }
0x16e: {  	v61 =	vor.u32 $0x6, v6;
	_ =	sdelay $0x2  }
0x16f: {  	v9 =	vmul.f32 $8.000000000e+00, v9;
	_ =	sdelay $0x1  }
0x170: {  	[tilespmem:v61+s17+$0x0] =	vst.idx.msk $0xffff, v9  }
0x171: {  	v9 =	vld [tilespmem:s30+$0x1A0];
	_ =	sdelay $0x1  }
0x172: {  	v62 =	vor.u32 $0x6, v7;
	_ =	sdelay $0x2  }
0x173: {  	v9 =	vmul.f32 $8.000000000e+00, v9;
	_ =	sdelay $0x1  }
0x174: {  	[tilespmem:v62+s17+$0x0] =	vst.idx.msk $0xffff, v9  }
0x175: {  	v9 =	vld [tilespmem:s30+$0x1B0];
	_ =	sdelay $0x1  }
0x176: {  	v63 =	vor.u32 $0x6, v8;
	_ =	sdelay $0x2  }
0x177: {  	v9 =	vmul.f32 $8.000000000e+00, v9;
	_ =	sdelay $0x1  }
0x178: {  	[tilespmem:v63+s17+$0x0] =	vst.idx.msk $0xffff, v9  }
0x179: {  	v9 =	vld [tilespmem:s30+$0x1C0];
	_ =	sdelay $0x1  }
0x17a: {  	v5 =	vor.u32 $0x7, v5;
	_ =	sdelay $0x2  }
0x17b: {  	v9 =	vmul.f32 $8.000000000e+00, v9;
	_ =	sdelay $0x1  }
0x17c: {  	[tilespmem:v5+s17+$0x0] =	vst.idx.msk $0xffff, v9  }
0x17d: {  	v5 =	vld [tilespmem:s30+$0x1D0];
	_ =	sdelay $0x1  }
0x17e: {  	v6 =	vor.u32 $0x7, v6;
	_ =	sdelay $0x2  }
0x17f: {  	v5 =	vmul.f32 $8.000000000e+00, v5;
	_ =	sdelay $0x1  }
0x180: {  	[tilespmem:v6+s17+$0x0] =	vst.idx.msk $0xffff, v5  }
0x181: {  	v5 =	vld [tilespmem:s30+$0x1E0];
	_ =	sdelay $0x1  }
0x182: {  	v6 =	vor.u32 $0x7, v7;
	_ =	sdelay $0x2  }
0x183: {  	v5 =	vmul.f32 $8.000000000e+00, v5;
	_ =	sdelay $0x1  }
0x184: {  	[tilespmem:v6+s17+$0x0] =	vst.idx.msk $0xffff, v5  }
0x185: {  	v5 =	vld [tilespmem:s30+$0x1F0];
	_ =	sdelay $0x1  }
0x186: {  	p0 =	sne.s32 s31, $0xF;
	v6 =	vor.u32 $0x7, v8  }
.Ltmp5:
0x187: {  	_ = 	snop;
	(pc) =	sbr.rel @p0 .LBB2_11-.Ltmp5, $3  }
0x188: {  	_ = 	snop  }
0x189: {  	v5 =	vmul.f32 $8.000000000e+00, v5;
	_ =	sdelay $0x1  }
0x18a: {  	s29 =	sadd.s32 $0x10, s29;
	s31 =	sadd.s32 $0x1, s31;
	s30 =	sadd.s32 $0x400, s30;
	[tilespmem:v6+s17+$0x0] =	vst.idx.msk $0xffff, v5  }
0x18b: {  	s0 =	sshll.u32 s28, $0x12;
	s1 =	sshll.u32 s26, $0xA  }
0x18c: {  	s0 =	sor.u32 s0, s1  }
0x18d: {  	s1 =	sshrl.u32 s0, $0x3  }
0x18e: {  	s13 =	simm.s32 $0xC800;
	s0 =	sadd.s32 s2, s1  }
0x18f: {  	[hbm4b:s0+s3] =	stream.linear.scatter [tilespmem:s13], [sflag:$0x6], $0x80, $0x38;
	[tilespmem:$0x10C00] =	vst v63  }
0x190: {  	s13 =	simm.s32 $0xC888;
	s28 =	sadd.s32 $0x10, s0  }
0x191: {  	[hbm4b:s28+s3] =	stream.linear.scatter [tilespmem:s13], [sflag:$0x6], $0x80, $0x38;
	[tilespmem:$0x10C00] =	vst v63  }
0x192: {  	s13 =	simm.s32 $0xC910;
	s28 =	sadd.s32 $0x20, s0  }
0x193: {  	[hbm4b:s28+s3] =	stream.linear.scatter [tilespmem:s13], [sflag:$0x6], $0x80, $0x38;
	[tilespmem:$0x10C00] =	vst v63  }
0x194: {  	s13 =	simm.s32 $0xC998;
	s28 =	sadd.s32 $0x30, s0  }
0x195: {  	[hbm4b:s28+s3] =	stream.linear.scatter [tilespmem:s13], [sflag:$0x6], $0x80, $0x38;
	[tilespmem:$0x10C00] =	vst v63  }
0x196: {  	s13 =	simm.s32 $0xCA20;
	s28 =	sadd.s32 $0x40, s0  }
0x197: {  	[hbm4b:s28+s3] =	stream.linear.scatter [tilespmem:s13], [sflag:$0x6], $0x80, $0x38;
	[tilespmem:$0x10C00] =	vst v63  }
0x198: {  	s26 =	simm.s32 $0x440;
	s13 =	simm.s32 $0xCAA8;
	s28 =	sadd.s32 $0x50, s0  }
0x199: {  	[hbm4b:s28+s3] =	stream.linear.scatter [tilespmem:s13], [sflag:$0x6], $0x80, $0x38;
	[tilespmem:$0x10C00] =	vst v63  }
0x19a: {  	s29 =	simm.s32 $0x2200;
	s13 =	simm.s32 $0xCB30;
	s28 =	sadd.s32 $0x60, s0  }
0x19b: {  	[hbm4b:s28+s3] =	stream.linear.scatter [tilespmem:s13], [sflag:$0x6], $0x80, $0x38;
	[tilespmem:$0x10C00] =	vst v63  }
0x19c: {  	s30 =	simm.s32 $0xCBB8;
	s31 =	sadd.s32 $0x70, s0;
	s28 =	sadd.s32 $0x1000, s0  }
.LBB2_13:
0x19d: {  	[hbm4b:s31+s3] =	stream.linear.scatter [tilespmem:s30], [sflag:$0x6], $0x80, $0x38;
	[tilespmem:$0x10C00] =	vst v63  }
0x19e: {  	s0 =	smov.u32 s26;
	s26 =	smov.u32 s29  }
0x19f: {  	s13 =	sadd.s32 $0x1100, s29;
	s26 =	sshra.s32 s26, $0x2;
	s30 =	sadd.s32 $0xC800, s0  }
0x1a0: {  	[hbm4b:s28+s3] =	stream.linear.scatter [tilespmem:s30], [sflag:$0x6], $0x80, $0x38;
	[tilespmem:$0x10C00] =	vst v63  }
0x1a1: {  	p0 =	sne.s32 s29, $0x7700;
	s29 =	sadd.s32 $0xC888, s0;
	s30 =	sadd.s32 $0x10, s28  }
0x1a2: {  	[hbm4b:s30+s3] =	stream.linear.scatter [tilespmem:s29], [sflag:$0x6], $0x80, $0x38;
	[tilespmem:$0x10C00] =	vst v63  }
0x1a3: {  	s29 =	sadd.s32 $0xC910, s0;
	s30 =	sadd.s32 $0x20, s28  }
0x1a4: {  	[hbm4b:s30+s3] =	stream.linear.scatter [tilespmem:s29], [sflag:$0x6], $0x80, $0x38;
	[tilespmem:$0x10C00] =	vst v63  }
0x1a5: {  	s29 =	sadd.s32 $0xC998, s0;
	s30 =	sadd.s32 $0x30, s28  }
0x1a6: {  	[hbm4b:s30+s3] =	stream.linear.scatter [tilespmem:s29], [sflag:$0x6], $0x80, $0x38;
	[tilespmem:$0x10C00] =	vst v63  }
0x1a7: {  	s29 =	sadd.s32 $0xCA20, s0;
	s30 =	sadd.s32 $0x40, s28  }
0x1a8: {  	[hbm4b:s30+s3] =	stream.linear.scatter [tilespmem:s29], [sflag:$0x6], $0x80, $0x38;
	[tilespmem:$0x10C00] =	vst v63  }
.Ltmp6:
0x1a9: {  	s29 =	sadd.s32 $0xCAA8, s0;
	s30 =	sadd.s32 $0x50, s28;
	(pc) =	sbr.rel @p0 .LBB2_13-.Ltmp6, $4  }
0x1aa: {  	[hbm4b:s30+s3] =	stream.linear.scatter [tilespmem:s29], [sflag:$0x6], $0x80, $0x38;
	[tilespmem:$0x10C00] =	vst v63  }
0x1ab: {  	s31 =	sadd.s32 $0x70, s28;
	s29 =	sadd.s32 $0xCB30, s0;
	s30 =	sadd.s32 $0x60, s28  }
0x1ac: {  	[hbm4b:s30+s3] =	stream.linear.scatter [tilespmem:s29], [sflag:$0x6], $0x80, $0x38;
	[tilespmem:$0x10C00] =	vst v63  }
0x1ad: {  	s28 =	sadd.s32 $0x1000, s28;
	s30 =	sadd.s32 $0xCBB8, s0;
	s29 =	smov.u32 s13  }
0x1ae: {  	[hbm4b:s31+s3] =	stream.linear.scatter [tilespmem:s30], [sflag:$0x6], $0x80, $0x38;
	[tilespmem:$0x10C00] =	vst v63  }
0x1af: {  	s0 =	sadd.s32 $0xC800, s26  }
0x1b0: {  	[hbm4b:s28+s3] =	stream.linear.scatter [tilespmem:s0], [sflag:$0x6], $0x80, $0x38;
	[tilespmem:$0x10C00] =	vst v63  }
0x1b1: {  	s31 =	sadd.s32 $0xC888, s26;
	s13 =	sadd.s32 $0x10, s28  }
0x1b2: {  	[hbm4b:s13+s3] =	stream.linear.scatter [tilespmem:s31], [sflag:$0x6], $0x80, $0x38;
	[tilespmem:$0x10C00] =	vst v63  }
0x1b3: {  	s13 =	sadd.s32 $0xC910, s26;
	s31 =	sadd.s32 $0x20, s28  }
0x1b4: {  	[hbm4b:s31+s3] =	stream.linear.scatter [tilespmem:s13], [sflag:$0x6], $0x80, $0x38;
	[tilespmem:$0x10C00] =	vst v63  }
0x1b5: {  	s13 =	sadd.s32 $0xC998, s26;
	s31 =	sadd.s32 $0x30, s28  }
0x1b6: {  	[hbm4b:s31+s3] =	stream.linear.scatter [tilespmem:s13], [sflag:$0x6], $0x80, $0x38;
	[tilespmem:$0x10C00] =	vst v63  }
0x1b7: {  	s13 =	sadd.s32 $0xCA20, s26;
	s31 =	sadd.s32 $0x40, s28  }
0x1b8: {  	[hbm4b:s31+s3] =	stream.linear.scatter [tilespmem:s13], [sflag:$0x6], $0x80, $0x38;
	[tilespmem:$0x10C00] =	vst v63  }
0x1b9: {  	s13 =	sadd.s32 $0xCAA8, s26;
	s31 =	sadd.s32 $0x50, s28  }
0x1ba: {  	[hbm4b:s31+s3] =	stream.linear.scatter [tilespmem:s13], [sflag:$0x6], $0x80, $0x38;
	[tilespmem:$0x10C00] =	vst v63  }
0x1bb: {  	s13 =	sadd.s32 $0xCB30, s26;
	s31 =	sadd.s32 $0x60, s28  }
0x1bc: {  	[hbm4b:s31+s3] =	stream.linear.scatter [tilespmem:s13], [sflag:$0x6], $0x80, $0x38;
	[tilespmem:$0x10C00] =	vst v63  }
0x1bd: {  	s1 =	sadd.s32 s1, s2;
	s26 =	sadd.s32 $0xCBB8, s26;
	s31 =	sadd.s32 $0x70, s28  }
0x1be: {  	[hbm4b:s31+s3] =	stream.linear.scatter [tilespmem:s26], [sflag:$0x6], $0x80, $0x38;
	[tilespmem:$0x10C00] =	vst v63  }
0x1bf: {  	s0 =	sadd.s32 $0x80, s1;
	s13 =	simm.s32 $0xEA00  }
0x1c0: {  	[hbm4b:s0+s3] =	stream.linear.scatter [tilespmem:s13], [sflag:$0x6], $0x80, $0x38;
	[tilespmem:$0x10C00] =	vst v63  }
0x1c1: {  	s26 =	simm.s32 $0xEA88;
	s31 =	sadd.s32 $0x10, s0  }
0x1c2: {  	[hbm4b:s31+s3] =	stream.linear.scatter [tilespmem:s26], [sflag:$0x6], $0x80, $0x38;
	[tilespmem:$0x10C00] =	vst v63  }
0x1c3: {  	s26 =	simm.s32 $0xEB10;
	s31 =	sadd.s32 $0x20, s0  }
0x1c4: {  	[hbm4b:s31+s3] =	stream.linear.scatter [tilespmem:s26], [sflag:$0x6], $0x80, $0x38;
	[tilespmem:$0x10C00] =	vst v63  }
0x1c5: {  	s26 =	simm.s32 $0xEB98;
	s31 =	sadd.s32 $0x30, s0  }
0x1c6: {  	[hbm4b:s31+s3] =	stream.linear.scatter [tilespmem:s26], [sflag:$0x6], $0x80, $0x38;
	[tilespmem:$0x10C00] =	vst v63  }
0x1c7: {  	s26 =	simm.s32 $0xEC20;
	s31 =	sadd.s32 $0x40, s0  }
0x1c8: {  	[hbm4b:s31+s3] =	stream.linear.scatter [tilespmem:s26], [sflag:$0x6], $0x80, $0x38;
	[tilespmem:$0x10C00] =	vst v63  }
0x1c9: {  	s29 =	simm.s32 $0xEDB8;
	s26 =	simm.s32 $0xECA8;
	s31 =	sadd.s32 $0x50, s0  }
0x1ca: {  	[hbm4b:s31+s3] =	stream.linear.scatter [tilespmem:s26], [sflag:$0x6], $0x80, $0x38;
	[tilespmem:$0x10C00] =	vst v63  }
0x1cb: {  	s1 =	simm.s32 $0x440;
	s26 =	simm.s32 $0xED30;
	s31 =	sadd.s32 $0x60, s0  }
0x1cc: {  	[hbm4b:s31+s3] =	stream.linear.scatter [tilespmem:s26], [sflag:$0x6], $0x80, $0x38;
	[tilespmem:$0x10C00] =	vst v63  }
0x1cd: {  	s30 =	sadd.s32 $0x70, s0;
	s28 =	simm.s32 $0x2200;
	s26 =	sadd.s32 $0x1000, s0  }
.LBB2_15:
0x1ce: {  	[hbm4b:s30+s3] =	stream.linear.scatter [tilespmem:s29], [sflag:$0x6], $0x80, $0x38;
	[tilespmem:$0x10C00] =	vst v63  }
0x1cf: {  	s0 =	smov.u32 s1;
	s1 =	smov.u32 s28  }
0x1d0: {  	s13 =	sadd.s32 $0x1100, s28;
	s1 =	sshra.s32 s1, $0x2;
	s29 =	sadd.s32 $0xEA00, s0  }
0x1d1: {  	[hbm4b:s26+s3] =	stream.linear.scatter [tilespmem:s29], [sflag:$0x6], $0x80, $0x38;
	[tilespmem:$0x10C00] =	vst v63  }
0x1d2: {  	p0 =	sne.s32 s28, $0x7700;
	s28 =	sadd.s32 $0xEA88, s0;
	s29 =	sadd.s32 $0x10, s26  }
0x1d3: {  	[hbm4b:s29+s3] =	stream.linear.scatter [tilespmem:s28], [sflag:$0x6], $0x80, $0x38;
	[tilespmem:$0x10C00] =	vst v63  }
0x1d4: {  	s28 =	sadd.s32 $0xEB10, s0;
	s29 =	sadd.s32 $0x20, s26  }
0x1d5: {  	[hbm4b:s29+s3] =	stream.linear.scatter [tilespmem:s28], [sflag:$0x6], $0x80, $0x38;
	[tilespmem:$0x10C00] =	vst v63  }
0x1d6: {  	s28 =	sadd.s32 $0xEB98, s0;
	s29 =	sadd.s32 $0x30, s26  }
0x1d7: {  	[hbm4b:s29+s3] =	stream.linear.scatter [tilespmem:s28], [sflag:$0x6], $0x80, $0x38;
	[tilespmem:$0x10C00] =	vst v63  }
0x1d8: {  	s28 =	sadd.s32 $0xEC20, s0;
	s29 =	sadd.s32 $0x40, s26  }
0x1d9: {  	[hbm4b:s29+s3] =	stream.linear.scatter [tilespmem:s28], [sflag:$0x6], $0x80, $0x38;
	[tilespmem:$0x10C00] =	vst v63  }
.Ltmp7:
0x1da: {  	s28 =	sadd.s32 $0xECA8, s0;
	s29 =	sadd.s32 $0x50, s26;
	(pc) =	sbr.rel @p0 .LBB2_15-.Ltmp7, $4  }
0x1db: {  	[hbm4b:s29+s3] =	stream.linear.scatter [tilespmem:s28], [sflag:$0x6], $0x80, $0x38;
	[tilespmem:$0x10C00] =	vst v63  }
0x1dc: {  	s30 =	sadd.s32 $0x70, s26;
	s28 =	sadd.s32 $0xED30, s0;
	s29 =	sadd.s32 $0x60, s26  }
0x1dd: {  	[hbm4b:s29+s3] =	stream.linear.scatter [tilespmem:s28], [sflag:$0x6], $0x80, $0x38;
	[tilespmem:$0x10C00] =	vst v63  }
0x1de: {  	s26 =	sadd.s32 $0x1000, s26;
	s29 =	sadd.s32 $0xEDB8, s0;
	s28 =	smov.u32 s13  }
0x1df: {  	[hbm4b:s30+s3] =	stream.linear.scatter [tilespmem:s29], [sflag:$0x6], $0x80, $0x38;
	[tilespmem:$0x10C00] =	vst v63  }
0x1e0: {  	s0 =	sadd.s32 $0xEA00, s1  }
0x1e1: {  	[hbm4b:s26+s3] =	stream.linear.scatter [tilespmem:s0], [sflag:$0x6], $0x80, $0x38;
	[tilespmem:$0x10C00] =	vst v63  }
0x1e2: {  	s31 =	sadd.s32 $0xEA88, s1;
	s13 =	sadd.s32 $0x10, s26  }
0x1e3: {  	[hbm4b:s13+s3] =	stream.linear.scatter [tilespmem:s31], [sflag:$0x6], $0x80, $0x38;
	[tilespmem:$0x10C00] =	vst v63  }
0x1e4: {  	s28 =	sadd.s32 $0xEB10, s1;
	s29 =	sadd.s32 $0x20, s26  }
0x1e5: {  	[hbm4b:s29+s3] =	stream.linear.scatter [tilespmem:s28], [sflag:$0x6], $0x80, $0x38;
	[tilespmem:$0x10C00] =	vst v63  }
0x1e6: {  	s30 =	sadd.s32 $0xEB98, s1;
	s31 =	sadd.s32 $0x30, s26  }
0x1e7: {  	[hbm4b:s31+s3] =	stream.linear.scatter [tilespmem:s30], [sflag:$0x6], $0x80, $0x38;
	[tilespmem:$0x10C00] =	vst v63  }
0x1e8: {  	s28 =	sadd.s32 $0xEC20, s1;
	s29 =	sadd.s32 $0x40, s26  }
0x1e9: {  	[hbm4b:s29+s3] =	stream.linear.scatter [tilespmem:s28], [sflag:$0x6], $0x80, $0x38;
	[tilespmem:$0x10C00] =	vst v63  }
0x1ea: {  	s30 =	sadd.s32 $0xECA8, s1;
	s31 =	sadd.s32 $0x50, s26  }
0x1eb: {  	[hbm4b:s31+s3] =	stream.linear.scatter [tilespmem:s30], [sflag:$0x6], $0x80, $0x38;
	[tilespmem:$0x10C00] =	vst v63  }
.Ltmp8:
0x1ec: {  	_ = 	snop;
	(pc) =	sbr.rel .LBB2_17-.Ltmp8, $4  }
0x1ed: {  	s28 =	sadd.s32 $0xED30, s1;
	s29 =	sadd.s32 $0x60, s26  }
0x1ee: {  	[hbm4b:s29+s3] =	stream.linear.scatter [tilespmem:s28], [sflag:$0x6], $0x80, $0x38;
	[tilespmem:$0x10C00] =	vst v63  }
0x1ef: {  	s30 =	sadd.s32 $0xEDB8, s1;
	s31 =	sadd.s32 $0x70, s26  }
0x1f0: {  	[hbm4b:s31+s3] =	stream.linear.scatter [tilespmem:s30], [sflag:$0x6], $0x80, $0x38;
	[tilespmem:$0x10C00] =	vst v63  }
.LBB2_3:
0x1f1: {  	_ =	swait.ge [sflag:s19], $0x4000  }
0x1f2: {  	[sflag:s19] =	ssyncset.done $0x0  }
0x1f3: {  	[sflag:s19] =	ssyncadd.s32 $0xFFFFC000  }
0x1f4: {  	_ =	swait.ge [sflag:s20], $0x100  }
0x1f5: {  	[sflag:s20] =	ssyncset.done $0x0  }
0x1f6: {  	[sflag:s20] =	ssyncadd.s32 $0xFFFFFF00  }
0x1f7: {  	v5 =	vld [tilespmem:$0x100]  }
0x1f8: {  	v6 =	vld [tilespmem:$0x110]  }
0x1f9: {  	v7 =	vld [tilespmem:$0x120]  }
0x1fa: {  	v8 =	vld [tilespmem:$0x130]  }
0x1fb: {  	v9 =	vld [tilespmem:$0x140]  }
0x1fc: {  	v10 =	vld [tilespmem:$0x150];
	v5 =	vshll.u32 v5, $0x1  }
0x1fd: {  	[tilespmem:$0x300] =	vst v5;
	v5 =	vshll.u32 v6, $0x1;
	v6 =	vld [tilespmem:$0x160]  }
0x1fe: {  	[tilespmem:$0x310] =	vst v5;
	v5 =	vshll.u32 v7, $0x1;
	v7 =	vld [tilespmem:$0x170]  }
0x1ff: {  	v58 =	vld [tilespmem:$0x180];
	[tilespmem:$0x320] =	vst v5;
	v5 =	vshll.u32 v8, $0x1  }
0x200: {  	v59 =	vld [tilespmem:$0x190];
	[tilespmem:$0x330] =	vst v5;
	v5 =	vshll.u32 v9, $0x1  }
0x201: {  	v60 =	vld [tilespmem:$0x1A0];
	[tilespmem:$0x340] =	vst v5;
	v5 =	vshll.u32 v10, $0x1  }
0x202: {  	[tilespmem:$0x350] =	vst v5;
	v5 =	vshll.u32 v6, $0x1;
	v6 =	vld [tilespmem:$0x1B0]  }
0x203: {  	[tilespmem:$0x360] =	vst v5;
	v5 =	vshll.u32 v7, $0x1;
	v7 =	vld [tilespmem:$0x1C0]  }
0x204: {  	v61 =	vld [tilespmem:$0x1D0];
	[tilespmem:$0x370] =	vst v5;
	v5 =	vshll.u32 v58, $0x1  }
0x205: {  	v62 =	vld [tilespmem:$0x1E0];
	[tilespmem:$0x380] =	vst v5;
	v5 =	vshll.u32 v59, $0x1  }
0x206: {  	v63 =	vld [tilespmem:$0x1F0];
	[tilespmem:$0x390] =	vst v5;
	v5 =	vshll.u32 v60, $0x1  }
0x207: {  	[tilespmem:$0x3A0] =	vst v5;
	v5 =	vshll.u32 v6, $0x1  }
0x208: {  	[tilespmem:$0x3B0] =	vst v5;
	v5 =	vshll.u32 v7, $0x1  }
0x209: {  	p0 =	sgt.u32 s25, $0x61;
	[tilespmem:$0x3C0] =	vst v5;
	v5 =	vshll.u32 v61, $0x1  }
0x20a: {  	s1 =	sadd.s32 @!p0 s25, s9;
	[tilespmem:$0x3D0] =	vst v5;
	v5 =	vshll.u32 v62, $0x1  }
0x20b: {  	s1 =	sshll.u32 @!p0 s1, $0x5;
	[tilespmem:$0x3E0] =	vst v5;
	v5 =	vshll.u32 v63, $0x1  }
0x20c: {  	s1 =	sand.u32 @!p0 $0xFFFFFC0, s1;
	[tilespmem:$0x3F0] =	vst v5  }
0x20d: {  	[tilespmem:s22], [sflag:$0x4] =	stream.indirect.gather [hbm4b:s6+s12], $0x40, s21, s12, $0xb8;
	[tilespmem:$0x10C00] =	vst v63  }
0x20e: {  	s29 =	simm.s32 @!p0 $0x0;
	p1 =	slt.u32 @!p0 s25, $0x2;
	s1 =	sadd.s32 @!p0 s4, s1  }
0x20f: {  	[tilespmem:s29], [sflag:$0x1] =	stream.linear.gather @!p0 [hbm4b:s1+s29], $0x100, $0x38;
	[tilespmem:$0x10C00] =	vst v63  }
0x210: {  	p0 =	por p0, !p1  }
0x211: {  	_ =	swait.ge @p0 [sflag:s18], $0x2000  }
0x212: {  	[sflag:s18] =	ssyncset.done @p0 $0x0  }
0x213: {  	[sflag:s18] =	ssyncadd.s32 @p0 $0xFFFFE000  }
0x214: {  	_ =	swait.ge @p0 [sflag:s18], $0x2000  }
0x215: {  	s30 =	simm.s32 $0x600;
	[sflag:s18] =	ssyncset.done @p0 $0x0  }
0x216: {  	s31 =	simm.s32 $0x0;
	s29 =	simm.s32 $0x0;
	[sflag:s18] =	ssyncadd.s32 @p0 $0xFFFFE000  }
.LBB2_4:
0x217: {  	s1 =	sshrl.u32 s31, $0x3  }
0x218: {  	s13 =	sand.u32 $0x70, s29;
	v5 =	vmov s1  }
0x219: {  	v6 =	vmov s13;
	v5 =	vmul.u32 $0x2200, v5  }
0x21a: {  	v6 =	vshrl.u32 v6, $0x3  }
0x21b: {  	v8 =	vbroadcast v5, $0x0;
	v5 =	vshll.u32 v6, v1  }
0x21c: {  	v6 =	vld [tilespmem:s30+$0xFFFFFE00];
	v9 =	vbroadcast v5, $0x0  }
0x21d: {  	v5 =	vadd.s32 v0, v8  }
0x21e: {  	v10 =	vadd.s32 v5, v9;
	_ =	sdelay $0x2  }
0x21f: {  	v6 =	vmul.f32 $8.000000000e+00, v6;
	_ =	sdelay $0x1  }
0x220: {  	[tilespmem:v10+s23+$0x0] =	vst.idx.msk $0xffff, v6  }
0x221: {  	v7 =	vld [tilespmem:s30+$0xFFFFFE10]  }
0x222: {  	v6 =	vadd.s32 v2, v8  }
0x223: {  	v11 =	vadd.s32 v6, v9;
	_ =	sdelay $0x2  }
0x224: {  	v7 =	vmul.f32 $8.000000000e+00, v7;
	_ =	sdelay $0x1  }
0x225: {  	[tilespmem:v11+s23+$0x0] =	vst.idx.msk $0xffff, v7  }
0x226: {  	v12 =	vld [tilespmem:s30+$0xFFFFFE20]  }
0x227: {  	v7 =	vadd.s32 v3, v8  }
0x228: {  	v13 =	vadd.s32 v7, v9;
	_ =	sdelay $0x2  }
0x229: {  	v12 =	vmul.f32 $8.000000000e+00, v12;
	_ =	sdelay $0x1  }
0x22a: {  	[tilespmem:v13+s23+$0x0] =	vst.idx.msk $0xffff, v12  }
0x22b: {  	v12 =	vld [tilespmem:s30+$0xFFFFFE30]  }
0x22c: {  	v8 =	vadd.s32 v4, v8  }
0x22d: {  	v9 =	vadd.s32 v8, v9;
	_ =	sdelay $0x2  }
0x22e: {  	v12 =	vmul.f32 $8.000000000e+00, v12;
	_ =	sdelay $0x1  }
0x22f: {  	[tilespmem:v9+s23+$0x0] =	vst.idx.msk $0xffff, v12  }
0x230: {  	v12 =	vld [tilespmem:s30+$0xFFFFFE40];
	_ =	sdelay $0x1  }
0x231: {  	v14 =	vor.u32 $0x1, v10;
	_ =	sdelay $0x2  }
0x232: {  	v12 =	vmul.f32 $8.000000000e+00, v12;
	_ =	sdelay $0x1  }
0x233: {  	[tilespmem:v14+s23+$0x0] =	vst.idx.msk $0xffff, v12  }
0x234: {  	v12 =	vld [tilespmem:s30+$0xFFFFFE50];
	_ =	sdelay $0x1  }
0x235: {  	v61 =	vor.u32 $0x1, v11;
	_ =	sdelay $0x2  }
0x236: {  	v12 =	vmul.f32 $8.000000000e+00, v12;
	_ =	sdelay $0x1  }
0x237: {  	[tilespmem:v61+s23+$0x0] =	vst.idx.msk $0xffff, v12  }
0x238: {  	v12 =	vld [tilespmem:s30+$0xFFFFFE60];
	_ =	sdelay $0x1  }
0x239: {  	v62 =	vor.u32 $0x1, v13;
	_ =	sdelay $0x2  }
0x23a: {  	v12 =	vmul.f32 $8.000000000e+00, v12;
	_ =	sdelay $0x1  }
0x23b: {  	[tilespmem:v62+s23+$0x0] =	vst.idx.msk $0xffff, v12  }
0x23c: {  	v12 =	vld [tilespmem:s30+$0xFFFFFE70];
	_ =	sdelay $0x1  }
0x23d: {  	v63 =	vor.u32 $0x1, v9;
	_ =	sdelay $0x2  }
0x23e: {  	v12 =	vmul.f32 $8.000000000e+00, v12;
	_ =	sdelay $0x1  }
0x23f: {  	[tilespmem:v63+s23+$0x0] =	vst.idx.msk $0xffff, v12  }
0x240: {  	v12 =	vld [tilespmem:s30+$0xFFFFFE80];
	_ =	sdelay $0x1  }
0x241: {  	v16 =	vor.u32 $0x2, v10;
	_ =	sdelay $0x2  }
0x242: {  	v12 =	vmul.f32 $8.000000000e+00, v12;
	_ =	sdelay $0x1  }
0x243: {  	[tilespmem:v16+s23+$0x0] =	vst.idx.msk $0xffff, v12  }
0x244: {  	v12 =	vld [tilespmem:s30+$0xFFFFFE90];
	_ =	sdelay $0x1  }
0x245: {  	v17 =	vor.u32 $0x2, v11;
	_ =	sdelay $0x2  }
0x246: {  	v12 =	vmul.f32 $8.000000000e+00, v12;
	_ =	sdelay $0x1  }
0x247: {  	[tilespmem:v17+s23+$0x0] =	vst.idx.msk $0xffff, v12  }
0x248: {  	v12 =	vld [tilespmem:s30+$0xFFFFFEA0];
	_ =	sdelay $0x1  }
0x249: {  	v18 =	vor.u32 $0x2, v13;
	_ =	sdelay $0x2  }
0x24a: {  	v12 =	vmul.f32 $8.000000000e+00, v12;
	_ =	sdelay $0x1  }
0x24b: {  	[tilespmem:v18+s23+$0x0] =	vst.idx.msk $0xffff, v12  }
0x24c: {  	v12 =	vld [tilespmem:s30+$0xFFFFFEB0];
	_ =	sdelay $0x1  }
0x24d: {  	v19 =	vor.u32 $0x2, v9;
	_ =	sdelay $0x2  }
0x24e: {  	v12 =	vmul.f32 $8.000000000e+00, v12;
	_ =	sdelay $0x1  }
0x24f: {  	[tilespmem:v19+s23+$0x0] =	vst.idx.msk $0xffff, v12  }
0x250: {  	v12 =	vld [tilespmem:s30+$0xFFFFFEC0];
	_ =	sdelay $0x1  }
0x251: {  	v20 =	vor.u32 $0x3, v10;
	_ =	sdelay $0x2  }
0x252: {  	v12 =	vmul.f32 $8.000000000e+00, v12;
	_ =	sdelay $0x1  }
0x253: {  	[tilespmem:v20+s23+$0x0] =	vst.idx.msk $0xffff, v12  }
0x254: {  	v12 =	vld [tilespmem:s30+$0xFFFFFED0];
	_ =	sdelay $0x1  }
0x255: {  	v21 =	vor.u32 $0x3, v11;
	_ =	sdelay $0x2  }
0x256: {  	v12 =	vmul.f32 $8.000000000e+00, v12;
	_ =	sdelay $0x1  }
0x257: {  	[tilespmem:v21+s23+$0x0] =	vst.idx.msk $0xffff, v12  }
0x258: {  	v12 =	vld [tilespmem:s30+$0xFFFFFEE0];
	_ =	sdelay $0x1  }
0x259: {  	v22 =	vor.u32 $0x3, v13;
	_ =	sdelay $0x2  }
0x25a: {  	v12 =	vmul.f32 $8.000000000e+00, v12;
	_ =	sdelay $0x1  }
0x25b: {  	[tilespmem:v22+s23+$0x0] =	vst.idx.msk $0xffff, v12  }
0x25c: {  	v12 =	vld [tilespmem:s30+$0xFFFFFEF0];
	_ =	sdelay $0x1  }
0x25d: {  	v23 =	vor.u32 $0x3, v9;
	_ =	sdelay $0x2  }
0x25e: {  	v12 =	vmul.f32 $8.000000000e+00, v12;
	_ =	sdelay $0x1  }
0x25f: {  	[tilespmem:v23+s23+$0x0] =	vst.idx.msk $0xffff, v12  }
0x260: {  	v12 =	vld [tilespmem:s30+$0xFFFFFF00];
	_ =	sdelay $0x1  }
0x261: {  	v24 =	vor.u32 $0x4, v10;
	_ =	sdelay $0x2  }
0x262: {  	v12 =	vmul.f32 $8.000000000e+00, v12;
	_ =	sdelay $0x1  }
0x263: {  	[tilespmem:v24+s23+$0x0] =	vst.idx.msk $0xffff, v12  }
0x264: {  	v12 =	vld [tilespmem:s30+$0xFFFFFF10];
	_ =	sdelay $0x1  }
0x265: {  	v25 =	vor.u32 $0x4, v11;
	_ =	sdelay $0x2  }
0x266: {  	v12 =	vmul.f32 $8.000000000e+00, v12;
	_ =	sdelay $0x1  }
0x267: {  	[tilespmem:v25+s23+$0x0] =	vst.idx.msk $0xffff, v12  }
0x268: {  	v12 =	vld [tilespmem:s30+$0xFFFFFF20];
	_ =	sdelay $0x1  }
0x269: {  	v26 =	vor.u32 $0x4, v13;
	_ =	sdelay $0x2  }
0x26a: {  	v12 =	vmul.f32 $8.000000000e+00, v12;
	_ =	sdelay $0x1  }
0x26b: {  	[tilespmem:v26+s23+$0x0] =	vst.idx.msk $0xffff, v12  }
0x26c: {  	v12 =	vld [tilespmem:s30+$0xFFFFFF30];
	_ =	sdelay $0x1  }
0x26d: {  	v27 =	vor.u32 $0x4, v9;
	_ =	sdelay $0x2  }
0x26e: {  	v12 =	vmul.f32 $8.000000000e+00, v12;
	_ =	sdelay $0x1  }
0x26f: {  	[tilespmem:v27+s23+$0x0] =	vst.idx.msk $0xffff, v12  }
0x270: {  	v12 =	vld [tilespmem:s30+$0xFFFFFF40];
	_ =	sdelay $0x1  }
0x271: {  	v28 =	vor.u32 $0x5, v10;
	_ =	sdelay $0x2  }
0x272: {  	v12 =	vmul.f32 $8.000000000e+00, v12;
	_ =	sdelay $0x1  }
0x273: {  	[tilespmem:v28+s23+$0x0] =	vst.idx.msk $0xffff, v12  }
0x274: {  	v12 =	vld [tilespmem:s30+$0xFFFFFF50];
	_ =	sdelay $0x1  }
0x275: {  	v29 =	vor.u32 $0x5, v11;
	_ =	sdelay $0x2  }
0x276: {  	v12 =	vmul.f32 $8.000000000e+00, v12;
	_ =	sdelay $0x1  }
0x277: {  	[tilespmem:v29+s23+$0x0] =	vst.idx.msk $0xffff, v12  }
0x278: {  	v12 =	vld [tilespmem:s30+$0xFFFFFF60];
	_ =	sdelay $0x1  }
0x279: {  	v30 =	vor.u32 $0x5, v13;
	_ =	sdelay $0x2  }
0x27a: {  	v12 =	vmul.f32 $8.000000000e+00, v12;
	_ =	sdelay $0x1  }
0x27b: {  	[tilespmem:v30+s23+$0x0] =	vst.idx.msk $0xffff, v12  }
0x27c: {  	v12 =	vld [tilespmem:s30+$0xFFFFFF70];
	_ =	sdelay $0x1  }
0x27d: {  	v31 =	vor.u32 $0x5, v9;
	_ =	sdelay $0x2  }
0x27e: {  	v12 =	vmul.f32 $8.000000000e+00, v12;
	_ =	sdelay $0x1  }
0x27f: {  	[tilespmem:v31+s23+$0x0] =	vst.idx.msk $0xffff, v12  }
0x280: {  	v12 =	vld [tilespmem:s30+$0xFFFFFF80];
	_ =	sdelay $0x1  }
0x281: {  	v32 =	vor.u32 $0x6, v10;
	_ =	sdelay $0x2  }
0x282: {  	v12 =	vmul.f32 $8.000000000e+00, v12;
	_ =	sdelay $0x1  }
0x283: {  	[tilespmem:v32+s23+$0x0] =	vst.idx.msk $0xffff, v12  }
0x284: {  	v12 =	vld [tilespmem:s30+$0xFFFFFF90];
	_ =	sdelay $0x1  }
0x285: {  	v33 =	vor.u32 $0x6, v11;
	_ =	sdelay $0x2  }
0x286: {  	v12 =	vmul.f32 $8.000000000e+00, v12;
	_ =	sdelay $0x1  }
0x287: {  	[tilespmem:v33+s23+$0x0] =	vst.idx.msk $0xffff, v12  }
0x288: {  	v12 =	vld [tilespmem:s30+$0xFFFFFFA0];
	_ =	sdelay $0x1  }
0x289: {  	v34 =	vor.u32 $0x6, v13;
	_ =	sdelay $0x2  }
0x28a: {  	v12 =	vmul.f32 $8.000000000e+00, v12;
	_ =	sdelay $0x1  }
0x28b: {  	[tilespmem:v34+s23+$0x0] =	vst.idx.msk $0xffff, v12  }
0x28c: {  	v12 =	vld [tilespmem:s30+$0xFFFFFFB0];
	_ =	sdelay $0x1  }
0x28d: {  	v35 =	vor.u32 $0x6, v9;
	_ =	sdelay $0x2  }
0x28e: {  	v12 =	vmul.f32 $8.000000000e+00, v12;
	_ =	sdelay $0x1  }
0x28f: {  	[tilespmem:v35+s23+$0x0] =	vst.idx.msk $0xffff, v12  }
0x290: {  	v12 =	vld [tilespmem:s30+$0xFFFFFFC0];
	_ =	sdelay $0x1  }
0x291: {  	v10 =	vor.u32 $0x7, v10;
	_ =	sdelay $0x2  }
0x292: {  	v12 =	vmul.f32 $8.000000000e+00, v12;
	_ =	sdelay $0x1  }
0x293: {  	[tilespmem:v10+s23+$0x0] =	vst.idx.msk $0xffff, v12  }
0x294: {  	v10 =	vld [tilespmem:s30+$0xFFFFFFD0];
	_ =	sdelay $0x1  }
0x295: {  	v11 =	vor.u32 $0x7, v11;
	_ =	sdelay $0x2  }
0x296: {  	v10 =	vmul.f32 $8.000000000e+00, v10;
	_ =	sdelay $0x1  }
0x297: {  	[tilespmem:v11+s23+$0x0] =	vst.idx.msk $0xffff, v10  }
0x298: {  	v10 =	vld [tilespmem:s30+$0xFFFFFFE0];
	_ =	sdelay $0x1  }
0x299: {  	v36 =	vor.u32 $0x7, v13;
	_ =	sdelay $0x2  }
0x29a: {  	v10 =	vmul.f32 $8.000000000e+00, v10;
	_ =	sdelay $0x1  }
0x29b: {  	[tilespmem:v36+s23+$0x0] =	vst.idx.msk $0xffff, v10  }
0x29c: {  	v10 =	vld [tilespmem:s30+$0xFFFFFFF0];
	_ =	sdelay $0x1  }
0x29d: {  	v9 =	vor.u32 $0x7, v9;
	_ =	sdelay $0x1  }
0x29e: {  	s1 =	sor.u32 $0x8, s13  }
0x29f: {  	v37 =	vmov s1;
	v10 =	vmul.f32 $8.000000000e+00, v10  }
0x2a0: {  	v11 =	vshrl.u32 v37, $0x3  }
0x2a1: {  	v38 =	vshll.u32 v11, v1;
	[tilespmem:v9+s23+$0x0] =	vst.idx.msk $0xffff, v10  }
0x2a2: {  	v9 =	vbroadcast v38, $0x0;
	v10 =	vld [tilespmem:s30+$0x0];
	_ =	sdelay $0x1  }
0x2a3: {  	v5 =	vadd.s32 v5, v9;
	_ =	sdelay $0x2  }
0x2a4: {  	v10 =	vmul.f32 $8.000000000e+00, v10;
	_ =	sdelay $0x1  }
0x2a5: {  	[tilespmem:v5+s23+$0x0] =	vst.idx.msk $0xffff, v10  }
0x2a6: {  	v10 =	vld [tilespmem:s30+$0x10];
	_ =	sdelay $0x1  }
0x2a7: {  	v6 =	vadd.s32 v6, v9;
	_ =	sdelay $0x2  }
0x2a8: {  	v10 =	vmul.f32 $8.000000000e+00, v10;
	_ =	sdelay $0x1  }
0x2a9: {  	[tilespmem:v6+s23+$0x0] =	vst.idx.msk $0xffff, v10  }
0x2aa: {  	v10 =	vld [tilespmem:s30+$0x20];
	_ =	sdelay $0x1  }
0x2ab: {  	v7 =	vadd.s32 v7, v9;
	_ =	sdelay $0x2  }
0x2ac: {  	v10 =	vmul.f32 $8.000000000e+00, v10;
	_ =	sdelay $0x1  }
0x2ad: {  	[tilespmem:v7+s23+$0x0] =	vst.idx.msk $0xffff, v10  }
0x2ae: {  	v10 =	vld [tilespmem:s30+$0x30];
	_ =	sdelay $0x1  }
0x2af: {  	v8 =	vadd.s32 v8, v9;
	_ =	sdelay $0x2  }
0x2b0: {  	v39 =	vmul.f32 $8.000000000e+00, v10;
	_ =	sdelay $0x1  }
0x2b1: {  	[tilespmem:v8+s23+$0x0] =	vst.idx.msk $0xffff, v39  }
0x2b2: {  	v9 =	vld [tilespmem:s30+$0x40];
	_ =	sdelay $0x1  }
0x2b3: {  	v40 =	vor.u32 $0x1, v5;
	_ =	sdelay $0x2  }
0x2b4: {  	v9 =	vmul.f32 $8.000000000e+00, v9;
	_ =	sdelay $0x1  }
0x2b5: {  	[tilespmem:v40+s23+$0x0] =	vst.idx.msk $0xffff, v9  }
0x2b6: {  	v9 =	vld [tilespmem:s30+$0x50];
	_ =	sdelay $0x1  }
0x2b7: {  	v41 =	vor.u32 $0x1, v6;
	_ =	sdelay $0x2  }
0x2b8: {  	v9 =	vmul.f32 $8.000000000e+00, v9;
	_ =	sdelay $0x1  }
0x2b9: {  	[tilespmem:v41+s23+$0x0] =	vst.idx.msk $0xffff, v9  }
0x2ba: {  	v9 =	vld [tilespmem:s30+$0x60];
	_ =	sdelay $0x1  }
0x2bb: {  	v42 =	vor.u32 $0x1, v7;
	_ =	sdelay $0x2  }
0x2bc: {  	v9 =	vmul.f32 $8.000000000e+00, v9;
	_ =	sdelay $0x1  }
0x2bd: {  	[tilespmem:v42+s23+$0x0] =	vst.idx.msk $0xffff, v9  }
0x2be: {  	v9 =	vld [tilespmem:s30+$0x70];
	_ =	sdelay $0x1  }
0x2bf: {  	v43 =	vor.u32 $0x1, v8;
	_ =	sdelay $0x2  }
0x2c0: {  	v9 =	vmul.f32 $8.000000000e+00, v9;
	_ =	sdelay $0x1  }
0x2c1: {  	[tilespmem:v43+s23+$0x0] =	vst.idx.msk $0xffff, v9  }
0x2c2: {  	v9 =	vld [tilespmem:s30+$0x80];
	_ =	sdelay $0x1  }
0x2c3: {  	v44 =	vor.u32 $0x2, v5;
	_ =	sdelay $0x2  }
0x2c4: {  	v9 =	vmul.f32 $8.000000000e+00, v9;
	_ =	sdelay $0x1  }
0x2c5: {  	[tilespmem:v44+s23+$0x0] =	vst.idx.msk $0xffff, v9  }
0x2c6: {  	v9 =	vld [tilespmem:s30+$0x90];
	_ =	sdelay $0x1  }
0x2c7: {  	v45 =	vor.u32 $0x2, v6;
	_ =	sdelay $0x2  }
0x2c8: {  	v9 =	vmul.f32 $8.000000000e+00, v9;
	_ =	sdelay $0x1  }
0x2c9: {  	[tilespmem:v45+s23+$0x0] =	vst.idx.msk $0xffff, v9  }
0x2ca: {  	v9 =	vld [tilespmem:s30+$0xA0];
	_ =	sdelay $0x1  }
0x2cb: {  	v46 =	vor.u32 $0x2, v7;
	_ =	sdelay $0x2  }
0x2cc: {  	v9 =	vmul.f32 $8.000000000e+00, v9;
	_ =	sdelay $0x1  }
0x2cd: {  	[tilespmem:v46+s23+$0x0] =	vst.idx.msk $0xffff, v9  }
0x2ce: {  	v9 =	vld [tilespmem:s30+$0xB0];
	_ =	sdelay $0x1  }
0x2cf: {  	v47 =	vor.u32 $0x2, v8;
	_ =	sdelay $0x2  }
0x2d0: {  	v9 =	vmul.f32 $8.000000000e+00, v9;
	_ =	sdelay $0x1  }
0x2d1: {  	[tilespmem:v47+s23+$0x0] =	vst.idx.msk $0xffff, v9  }
0x2d2: {  	v9 =	vld [tilespmem:s30+$0xC0];
	_ =	sdelay $0x1  }
0x2d3: {  	v48 =	vor.u32 $0x3, v5;
	_ =	sdelay $0x2  }
0x2d4: {  	v9 =	vmul.f32 $8.000000000e+00, v9;
	_ =	sdelay $0x1  }
0x2d5: {  	[tilespmem:v48+s23+$0x0] =	vst.idx.msk $0xffff, v9  }
0x2d6: {  	v9 =	vld [tilespmem:s30+$0xD0];
	_ =	sdelay $0x1  }
0x2d7: {  	v49 =	vor.u32 $0x3, v6;
	_ =	sdelay $0x2  }
0x2d8: {  	v9 =	vmul.f32 $8.000000000e+00, v9;
	_ =	sdelay $0x1  }
0x2d9: {  	[tilespmem:v49+s23+$0x0] =	vst.idx.msk $0xffff, v9  }
0x2da: {  	v9 =	vld [tilespmem:s30+$0xE0];
	_ =	sdelay $0x1  }
0x2db: {  	v50 =	vor.u32 $0x3, v7;
	_ =	sdelay $0x2  }
0x2dc: {  	v9 =	vmul.f32 $8.000000000e+00, v9;
	_ =	sdelay $0x1  }
0x2dd: {  	[tilespmem:v50+s23+$0x0] =	vst.idx.msk $0xffff, v9  }
0x2de: {  	v9 =	vld [tilespmem:s30+$0xF0];
	_ =	sdelay $0x1  }
0x2df: {  	v51 =	vor.u32 $0x3, v8;
	_ =	sdelay $0x2  }
0x2e0: {  	v9 =	vmul.f32 $8.000000000e+00, v9;
	_ =	sdelay $0x1  }
0x2e1: {  	[tilespmem:v51+s23+$0x0] =	vst.idx.msk $0xffff, v9  }
0x2e2: {  	v9 =	vld [tilespmem:s30+$0x100];
	_ =	sdelay $0x1  }
0x2e3: {  	v52 =	vor.u32 $0x4, v5;
	_ =	sdelay $0x2  }
0x2e4: {  	v9 =	vmul.f32 $8.000000000e+00, v9;
	_ =	sdelay $0x1  }
0x2e5: {  	[tilespmem:v52+s23+$0x0] =	vst.idx.msk $0xffff, v9  }
0x2e6: {  	v9 =	vld [tilespmem:s30+$0x110];
	_ =	sdelay $0x1  }
0x2e7: {  	v53 =	vor.u32 $0x4, v6;
	_ =	sdelay $0x2  }
0x2e8: {  	v9 =	vmul.f32 $8.000000000e+00, v9;
	_ =	sdelay $0x1  }
0x2e9: {  	[tilespmem:v53+s23+$0x0] =	vst.idx.msk $0xffff, v9  }
0x2ea: {  	v9 =	vld [tilespmem:s30+$0x120];
	_ =	sdelay $0x1  }
0x2eb: {  	v54 =	vor.u32 $0x4, v7;
	_ =	sdelay $0x2  }
0x2ec: {  	v9 =	vmul.f32 $8.000000000e+00, v9;
	_ =	sdelay $0x1  }
0x2ed: {  	[tilespmem:v54+s23+$0x0] =	vst.idx.msk $0xffff, v9  }
0x2ee: {  	v9 =	vld [tilespmem:s30+$0x130];
	_ =	sdelay $0x1  }
0x2ef: {  	v55 =	vor.u32 $0x4, v8;
	_ =	sdelay $0x2  }
0x2f0: {  	v9 =	vmul.f32 $8.000000000e+00, v9;
	_ =	sdelay $0x1  }
0x2f1: {  	[tilespmem:v55+s23+$0x0] =	vst.idx.msk $0xffff, v9  }
0x2f2: {  	v9 =	vld [tilespmem:s30+$0x140];
	_ =	sdelay $0x1  }
0x2f3: {  	v56 =	vor.u32 $0x5, v5;
	_ =	sdelay $0x2  }
0x2f4: {  	v9 =	vmul.f32 $8.000000000e+00, v9;
	_ =	sdelay $0x1  }
0x2f5: {  	[tilespmem:v56+s23+$0x0] =	vst.idx.msk $0xffff, v9  }
0x2f6: {  	v9 =	vld [tilespmem:s30+$0x150];
	_ =	sdelay $0x1  }
0x2f7: {  	v57 =	vor.u32 $0x5, v6;
	_ =	sdelay $0x2  }
0x2f8: {  	v9 =	vmul.f32 $8.000000000e+00, v9;
	_ =	sdelay $0x1  }
0x2f9: {  	[tilespmem:v57+s23+$0x0] =	vst.idx.msk $0xffff, v9  }
0x2fa: {  	v9 =	vld [tilespmem:s30+$0x160];
	_ =	sdelay $0x1  }
0x2fb: {  	v58 =	vor.u32 $0x5, v7;
	_ =	sdelay $0x2  }
0x2fc: {  	v9 =	vmul.f32 $8.000000000e+00, v9;
	_ =	sdelay $0x1  }
0x2fd: {  	[tilespmem:v58+s23+$0x0] =	vst.idx.msk $0xffff, v9  }
0x2fe: {  	v9 =	vld [tilespmem:s30+$0x170];
	_ =	sdelay $0x1  }
0x2ff: {  	v59 =	vor.u32 $0x5, v8;
	_ =	sdelay $0x2  }
0x300: {  	v9 =	vmul.f32 $8.000000000e+00, v9;
	_ =	sdelay $0x1  }
0x301: {  	[tilespmem:v59+s23+$0x0] =	vst.idx.msk $0xffff, v9  }
0x302: {  	v9 =	vld [tilespmem:s30+$0x180];
	_ =	sdelay $0x1  }
0x303: {  	v60 =	vor.u32 $0x6, v5;
	_ =	sdelay $0x2  }
0x304: {  	v9 =	vmul.f32 $8.000000000e+00, v9;
	_ =	sdelay $0x1  }
0x305: {  	[tilespmem:v60+s23+$0x0] =	vst.idx.msk $0xffff, v9  }
0x306: {  	v9 =	vld [tilespmem:s30+$0x190];
	_ =	sdelay $0x1  }
0x307: {  	v61 =	vor.u32 $0x6, v6;
	_ =	sdelay $0x2  }
0x308: {  	v9 =	vmul.f32 $8.000000000e+00, v9;
	_ =	sdelay $0x1  }
0x309: {  	[tilespmem:v61+s23+$0x0] =	vst.idx.msk $0xffff, v9  }
0x30a: {  	v9 =	vld [tilespmem:s30+$0x1A0];
	_ =	sdelay $0x1  }
0x30b: {  	v62 =	vor.u32 $0x6, v7;
	_ =	sdelay $0x2  }
0x30c: {  	v9 =	vmul.f32 $8.000000000e+00, v9;
	_ =	sdelay $0x1  }
0x30d: {  	[tilespmem:v62+s23+$0x0] =	vst.idx.msk $0xffff, v9  }
0x30e: {  	v9 =	vld [tilespmem:s30+$0x1B0];
	_ =	sdelay $0x1  }
0x30f: {  	v63 =	vor.u32 $0x6, v8;
	_ =	sdelay $0x2  }
0x310: {  	v9 =	vmul.f32 $8.000000000e+00, v9;
	_ =	sdelay $0x1  }
0x311: {  	[tilespmem:v63+s23+$0x0] =	vst.idx.msk $0xffff, v9  }
0x312: {  	v9 =	vld [tilespmem:s30+$0x1C0];
	_ =	sdelay $0x1  }
0x313: {  	v5 =	vor.u32 $0x7, v5;
	_ =	sdelay $0x2  }
0x314: {  	v9 =	vmul.f32 $8.000000000e+00, v9;
	_ =	sdelay $0x1  }
0x315: {  	[tilespmem:v5+s23+$0x0] =	vst.idx.msk $0xffff, v9  }
0x316: {  	v5 =	vld [tilespmem:s30+$0x1D0];
	_ =	sdelay $0x1  }
0x317: {  	v6 =	vor.u32 $0x7, v6;
	_ =	sdelay $0x2  }
0x318: {  	v5 =	vmul.f32 $8.000000000e+00, v5;
	_ =	sdelay $0x1  }
0x319: {  	[tilespmem:v6+s23+$0x0] =	vst.idx.msk $0xffff, v5  }
0x31a: {  	v5 =	vld [tilespmem:s30+$0x1E0];
	_ =	sdelay $0x1  }
0x31b: {  	v6 =	vor.u32 $0x7, v7;
	_ =	sdelay $0x2  }
0x31c: {  	v5 =	vmul.f32 $8.000000000e+00, v5;
	_ =	sdelay $0x1  }
0x31d: {  	[tilespmem:v6+s23+$0x0] =	vst.idx.msk $0xffff, v5  }
0x31e: {  	v5 =	vld [tilespmem:s30+$0x1F0];
	_ =	sdelay $0x1  }
0x31f: {  	p0 =	sne.s32 s31, $0xF;
	v6 =	vor.u32 $0x7, v8  }
.Ltmp9:
0x320: {  	_ = 	snop;
	(pc) =	sbr.rel @p0 .LBB2_4-.Ltmp9, $3  }
0x321: {  	_ = 	snop  }
0x322: {  	v5 =	vmul.f32 $8.000000000e+00, v5;
	_ =	sdelay $0x1  }
0x323: {  	s29 =	sadd.s32 $0x10, s29;
	s31 =	sadd.s32 $0x1, s31;
	s30 =	sadd.s32 $0x400, s30;
	[tilespmem:v6+s23+$0x0] =	vst.idx.msk $0xffff, v5  }
0x324: {  	s1 =	sshll.u32 s28, $0x12;
	s26 =	sshll.u32 s26, $0xA  }
0x325: {  	s1 =	sor.u32 s1, s26  }
0x326: {  	s1 =	sshrl.u32 s1, $0x3  }
0x327: {  	s13 =	simm.s32 $0x8400;
	s28 =	sadd.s32 s2, s1  }
0x328: {  	[hbm4b:s28+s3] =	stream.linear.scatter [tilespmem:s13], [sflag:$0x5], $0x80, $0x38;
	[tilespmem:$0x10C00] =	vst v63  }
0x329: {  	s0 =	simm.s32 $0x8488;
	s29 =	sadd.s32 $0x10, s28  }
0x32a: {  	[hbm4b:s29+s3] =	stream.linear.scatter [tilespmem:s0], [sflag:$0x5], $0x80, $0x38;
	[tilespmem:$0x10C00] =	vst v63  }
0x32b: {  	s13 =	simm.s32 $0x8510;
	s29 =	sadd.s32 $0x20, s28  }
0x32c: {  	[hbm4b:s29+s3] =	stream.linear.scatter [tilespmem:s13], [sflag:$0x5], $0x80, $0x38;
	[tilespmem:$0x10C00] =	vst v63  }
0x32d: {  	s0 =	simm.s32 $0x8598;
	s29 =	sadd.s32 $0x30, s28  }
0x32e: {  	[hbm4b:s29+s3] =	stream.linear.scatter [tilespmem:s0], [sflag:$0x5], $0x80, $0x38;
	[tilespmem:$0x10C00] =	vst v63  }
0x32f: {  	s13 =	simm.s32 $0x8620;
	s29 =	sadd.s32 $0x40, s28  }
0x330: {  	[hbm4b:s29+s3] =	stream.linear.scatter [tilespmem:s13], [sflag:$0x5], $0x80, $0x38;
	[tilespmem:$0x10C00] =	vst v63  }
0x331: {  	s30 =	simm.s32 $0x87B8;
	s0 =	simm.s32 $0x86A8;
	s29 =	sadd.s32 $0x50, s28  }
0x332: {  	[hbm4b:s29+s3] =	stream.linear.scatter [tilespmem:s0], [sflag:$0x5], $0x80, $0x38;
	[tilespmem:$0x10C00] =	vst v63  }
0x333: {  	s26 =	simm.s32 $0x440;
	s13 =	simm.s32 $0x8730;
	s29 =	sadd.s32 $0x60, s28  }
0x334: {  	[hbm4b:s29+s3] =	stream.linear.scatter [tilespmem:s13], [sflag:$0x5], $0x80, $0x38;
	[tilespmem:$0x10C00] =	vst v63  }
0x335: {  	s31 =	sadd.s32 $0x70, s28;
	s28 =	sadd.s32 $0x1000, s28;
	s29 =	simm.s32 $0x2200  }
.LBB2_6:
0x336: {  	[hbm4b:s31+s3] =	stream.linear.scatter [tilespmem:s30], [sflag:$0x5], $0x80, $0x38;
	[tilespmem:$0x10C00] =	vst v63  }
0x337: {  	s30 =	smov.u32 s26;
	s26 =	smov.u32 s29  }
0x338: {  	s0 =	sadd.s32 $0x1100, s29;
	s26 =	sshra.s32 s26, $0x2;
	s31 =	sadd.s32 $0x8400, s30  }
0x339: {  	[hbm4b:s28+s3] =	stream.linear.scatter [tilespmem:s31], [sflag:$0x5], $0x80, $0x38;
	[tilespmem:$0x10C00] =	vst v63  }
0x33a: {  	p0 =	sne.s32 s29, $0x7700;
	s29 =	sadd.s32 $0x8488, s30;
	s31 =	sadd.s32 $0x10, s28  }
0x33b: {  	[hbm4b:s31+s3] =	stream.linear.scatter [tilespmem:s29], [sflag:$0x5], $0x80, $0x38;
	[tilespmem:$0x10C00] =	vst v63  }
0x33c: {  	s29 =	sadd.s32 $0x8510, s30;
	s31 =	sadd.s32 $0x20, s28  }
0x33d: {  	[hbm4b:s31+s3] =	stream.linear.scatter [tilespmem:s29], [sflag:$0x5], $0x80, $0x38;
	[tilespmem:$0x10C00] =	vst v63  }
0x33e: {  	s29 =	sadd.s32 $0x8598, s30;
	s31 =	sadd.s32 $0x30, s28  }
0x33f: {  	[hbm4b:s31+s3] =	stream.linear.scatter [tilespmem:s29], [sflag:$0x5], $0x80, $0x38;
	[tilespmem:$0x10C00] =	vst v63  }
0x340: {  	s29 =	sadd.s32 $0x8620, s30;
	s31 =	sadd.s32 $0x40, s28  }
0x341: {  	[hbm4b:s31+s3] =	stream.linear.scatter [tilespmem:s29], [sflag:$0x5], $0x80, $0x38;
	[tilespmem:$0x10C00] =	vst v63  }
.Ltmp10:
0x342: {  	s29 =	sadd.s32 $0x86A8, s30;
	s31 =	sadd.s32 $0x50, s28;
	(pc) =	sbr.rel @p0 .LBB2_6-.Ltmp10, $4  }
0x343: {  	[hbm4b:s31+s3] =	stream.linear.scatter [tilespmem:s29], [sflag:$0x5], $0x80, $0x38;
	[tilespmem:$0x10C00] =	vst v63  }
0x344: {  	s29 =	sadd.s32 $0x8730, s30;
	s31 =	sadd.s32 $0x60, s28;
	s30 =	sadd.s32 $0x87B8, s30  }
0x345: {  	[hbm4b:s31+s3] =	stream.linear.scatter [tilespmem:s29], [sflag:$0x5], $0x80, $0x38;
	[tilespmem:$0x10C00] =	vst v63  }
0x346: {  	s31 =	sadd.s32 $0x70, s28;
	s28 =	sadd.s32 $0x1000, s28;
	s29 =	smov.u32 s0  }
0x347: {  	[hbm4b:s31+s3] =	stream.linear.scatter [tilespmem:s30], [sflag:$0x5], $0x80, $0x38;
	[tilespmem:$0x10C00] =	vst v63  }
0x348: {  	s0 =	sadd.s32 $0x8400, s26  }
0x349: {  	[hbm4b:s28+s3] =	stream.linear.scatter [tilespmem:s0], [sflag:$0x5], $0x80, $0x38;
	[tilespmem:$0x10C00] =	vst v63  }
0x34a: {  	s31 =	sadd.s32 $0x8488, s26;
	s29 =	sadd.s32 $0x10, s28  }
0x34b: {  	[hbm4b:s29+s3] =	stream.linear.scatter [tilespmem:s31], [sflag:$0x5], $0x80, $0x38;
	[tilespmem:$0x10C00] =	vst v63  }
0x34c: {  	s13 =	sadd.s32 $0x8510, s26;
	s29 =	sadd.s32 $0x20, s28  }
0x34d: {  	[hbm4b:s29+s3] =	stream.linear.scatter [tilespmem:s13], [sflag:$0x5], $0x80, $0x38;
	[tilespmem:$0x10C00] =	vst v63  }
0x34e: {  	s31 =	sadd.s32 $0x8598, s26;
	s29 =	sadd.s32 $0x30, s28  }
0x34f: {  	[hbm4b:s29+s3] =	stream.linear.scatter [tilespmem:s31], [sflag:$0x5], $0x80, $0x38;
	[tilespmem:$0x10C00] =	vst v63  }
0x350: {  	s13 =	sadd.s32 $0x8620, s26;
	s29 =	sadd.s32 $0x40, s28  }
0x351: {  	[hbm4b:s29+s3] =	stream.linear.scatter [tilespmem:s13], [sflag:$0x5], $0x80, $0x38;
	[tilespmem:$0x10C00] =	vst v63  }
0x352: {  	s31 =	sadd.s32 $0x86A8, s26;
	s29 =	sadd.s32 $0x50, s28  }
0x353: {  	[hbm4b:s29+s3] =	stream.linear.scatter [tilespmem:s31], [sflag:$0x5], $0x80, $0x38;
	[tilespmem:$0x10C00] =	vst v63  }
0x354: {  	s13 =	sadd.s32 $0x8730, s26;
	s29 =	sadd.s32 $0x60, s28  }
0x355: {  	[hbm4b:s29+s3] =	stream.linear.scatter [tilespmem:s13], [sflag:$0x5], $0x80, $0x38;
	[tilespmem:$0x10C00] =	vst v63  }
0x356: {  	s26 =	sadd.s32 $0x87B8, s26;
	s31 =	sadd.s32 $0x70, s28;
	s13 =	sadd.s32 s1, s2  }
0x357: {  	[hbm4b:s31+s3] =	stream.linear.scatter [tilespmem:s26], [sflag:$0x5], $0x80, $0x38;
	[tilespmem:$0x10C00] =	vst v63  }
0x358: {  	s0 =	sadd.s32 $0x80, s13;
	s26 =	simm.s32 $0xA600  }
0x359: {  	[hbm4b:s0+s3] =	stream.linear.scatter [tilespmem:s26], [sflag:$0x5], $0x80, $0x38;
	[tilespmem:$0x10C00] =	vst v63  }
0x35a: {  	s31 =	simm.s32 $0xA688;
	s13 =	sadd.s32 $0x10, s0  }
0x35b: {  	[hbm4b:s13+s3] =	stream.linear.scatter [tilespmem:s31], [sflag:$0x5], $0x80, $0x38;
	[tilespmem:$0x10C00] =	vst v63  }
0x35c: {  	s31 =	simm.s32 $0xA710;
	s13 =	sadd.s32 $0x20, s0  }
0x35d: {  	[hbm4b:s13+s3] =	stream.linear.scatter [tilespmem:s31], [sflag:$0x5], $0x80, $0x38;
	[tilespmem:$0x10C00] =	vst v63  }
0x35e: {  	s31 =	simm.s32 $0xA798;
	s13 =	sadd.s32 $0x30, s0  }
0x35f: {  	[hbm4b:s13+s3] =	stream.linear.scatter [tilespmem:s31], [sflag:$0x5], $0x80, $0x38;
	[tilespmem:$0x10C00] =	vst v63  }
0x360: {  	s31 =	simm.s32 $0xA820;
	s13 =	sadd.s32 $0x40, s0  }
0x361: {  	[hbm4b:s13+s3] =	stream.linear.scatter [tilespmem:s31], [sflag:$0x5], $0x80, $0x38;
	[tilespmem:$0x10C00] =	vst v63  }
0x362: {  	s28 =	simm.s32 $0x2200;
	s31 =	simm.s32 $0xA8A8;
	s13 =	sadd.s32 $0x50, s0  }
0x363: {  	[hbm4b:s13+s3] =	stream.linear.scatter [tilespmem:s31], [sflag:$0x5], $0x80, $0x38;
	[tilespmem:$0x10C00] =	vst v63  }
0x364: {  	s1 =	simm.s32 $0x440;
	s26 =	simm.s32 $0xA930;
	s31 =	sadd.s32 $0x60, s0  }
0x365: {  	[hbm4b:s31+s3] =	stream.linear.scatter [tilespmem:s26], [sflag:$0x5], $0x80, $0x38;
	[tilespmem:$0x10C00] =	vst v63  }
0x366: {  	s29 =	simm.s32 $0xA9B8;
	s30 =	sadd.s32 $0x70, s0;
	s26 =	sadd.s32 $0x1000, s0  }
.LBB2_8:
0x367: {  	[hbm4b:s30+s3] =	stream.linear.scatter [tilespmem:s29], [sflag:$0x5], $0x80, $0x38;
	[tilespmem:$0x10C00] =	vst v63  }
0x368: {  	s0 =	smov.u32 s1;
	s1 =	smov.u32 s28  }
0x369: {  	s31 =	sadd.s32 $0x1100, s28;
	s1 =	sshra.s32 s1, $0x2;
	s29 =	sadd.s32 $0xA600, s0  }
0x36a: {  	[hbm4b:s26+s3] =	stream.linear.scatter [tilespmem:s29], [sflag:$0x5], $0x80, $0x38;
	[tilespmem:$0x10C00] =	vst v63  }
0x36b: {  	p0 =	seq.s32 s28, $0x7700;
	s28 =	sadd.s32 $0xA688, s0;
	s29 =	sadd.s32 $0x10, s26  }
0x36c: {  	[hbm4b:s29+s3] =	stream.linear.scatter [tilespmem:s28], [sflag:$0x5], $0x80, $0x38;
	[tilespmem:$0x10C00] =	vst v63  }
0x36d: {  	s28 =	sadd.s32 $0xA710, s0;
	s29 =	sadd.s32 $0x20, s26  }
0x36e: {  	[hbm4b:s29+s3] =	stream.linear.scatter [tilespmem:s28], [sflag:$0x5], $0x80, $0x38;
	[tilespmem:$0x10C00] =	vst v63  }
0x36f: {  	s28 =	sadd.s32 $0xA798, s0;
	s29 =	sadd.s32 $0x30, s26  }
0x370: {  	[hbm4b:s29+s3] =	stream.linear.scatter [tilespmem:s28], [sflag:$0x5], $0x80, $0x38;
	[tilespmem:$0x10C00] =	vst v63  }
0x371: {  	s28 =	sadd.s32 $0xA820, s0;
	s29 =	sadd.s32 $0x40, s26  }
0x372: {  	[hbm4b:s29+s3] =	stream.linear.scatter [tilespmem:s28], [sflag:$0x5], $0x80, $0x38;
	[tilespmem:$0x10C00] =	vst v63  }
.Ltmp11:
0x373: {  	s28 =	sadd.s32 $0xA8A8, s0;
	s29 =	sadd.s32 $0x50, s26;
	(pc) =	sbr.rel @!p0 .LBB2_8-.Ltmp11, $4  }
0x374: {  	[hbm4b:s29+s3] =	stream.linear.scatter [tilespmem:s28], [sflag:$0x5], $0x80, $0x38;
	[tilespmem:$0x10C00] =	vst v63  }
0x375: {  	s30 =	sadd.s32 $0x70, s26;
	s28 =	sadd.s32 $0xA930, s0;
	s29 =	sadd.s32 $0x60, s26  }
0x376: {  	[hbm4b:s29+s3] =	stream.linear.scatter [tilespmem:s28], [sflag:$0x5], $0x80, $0x38;
	[tilespmem:$0x10C00] =	vst v63  }
0x377: {  	s26 =	sadd.s32 $0x1000, s26;
	s29 =	sadd.s32 $0xA9B8, s0;
	s28 =	smov.u32 s31  }
.Ltmp12:
0x378: {  	_ = 	snop;
	(pc) =	sbr.rel .LBB2_9-.Ltmp12, $1  }
0x379: {  	_ =	sdelay $0x3  }
.LBB2_19:
0x37a: {  	_ =	sfence.sel $0x180000  }
0x37b: {  	[bflag:$0x0] =	sbarrier.arrive $0xFFFF  }
0x37c: {  	_ =	strace $0x9000004A  }
0x37d: {  	s0 =	stileid.u32;
	[bflag:$0x2] =	sbarrier.arrive $0xFFFF  }
0x37e: {  	p0 =	sne.s32 s0, $0x0;
	s0 =	rddreg [dreg:$0x2]  }
0x37f: {  	s0 =	sadd.s32 @!p0 $0x100000, s0  }
0x380: {  	[sflag:s0] =	ssyncadd.tile.s32 @!p0 $0x1;
	_ =	shalt  }
.Lfunc_end2:
_tile_overlayer_lowered:
.L_overlay_start_2:
0x381: {  	(tag) =	ssettag $0x2  }
0x382: {  	s0 =	rddreg [dreg:$0x0];
	s2 =	stileid.u32  }
0x383: {  	s1 =	rddreg [dreg:$0x1];
	p0 =	sne.s32 s2, $0x0  }
0x384: {  	s3 =	rddreg [dreg:$0x2];
	[bflag:$0x3] =	sbarrier.arrive $0xFFFF;
	s2 =	simm.s32 @!p0 $0x1C07  }
0x385: {  	[timem:s3], [sflag:s2] =	dma.local @!p0 [hbm:s0], s1  }
0x386: {  	s0 =	simm.s32 @!p0 $0x7  }
0x387: {  	_ =	swait.ge @!p0 [sflag:s0], s1  }
0x388: {  	s1 =	ssub.s32 @!p0 $0x0, s1;
	[sflag:s0] =	ssyncset.done @!p0 $0x0  }
0x389: {  	[sflag:s0] =	ssyncadd.s32 @!p0 s1  }
0x38a: {  	[bflag:$0x3] =	sbarrier.arrive $0xFFFF  }
0x38b: {  	_ =	shalt  }

// kernel: sparse-core-data-format-call.cloned.1.call-start
scs
called_computation_lowered:
.L_overlay_start_0:
0x0: {  	s2 =	sld [smem:$0x3FD9]  }
0x1: {  	s3 =	sld [smem:$0x3FFE];
	_ =	sdelay $0x1  }
0x2: {  	s1 =	srdreg.scid  }
0x3: {  	s0 =	sand.u32 $0x1, s1  }
0x4: {  	s18 =	sshll.u32 s0, $0xA;
	s2 =	sadd.s32 s3, s2  }
0x5: {  	s2 =	sadd.s32 s2, s18  }
0x6: {  	[smem:$0x3FC6] =	sst s2  }
0x7: {  	_ = 	snop  }
0x8: {  	s2 =	sld [smem:$0x3FC8];
	(tm) =	ssettm $0x1  }
0x9: {  	s19 =	sld [smem:$0x3FFB];
	_ =	sdelay $0x3  }
0xa: {  	_ =	strace s19  }
0xb: {  	s3 =	sld [smem:$0x3FFC];
	_ =	sdelay $0x3  }
0xc: {  	_ =	strace s3  }
0xd: {  	s3 =	sld [smem:$0x3FFD];
	_ =	sdelay $0x3  }
0xe: {  	_ =	strace s3  }
0xf: {  	_ =	strace $0x8FFFFFFF  }
0x10: {  	s20 =	sld [smem:$0x3FDB];
	_ =	sdelay $0x1  }
0x11: {  	s4 =	simm.s32 $_scs_section_size  }
0x12: {  	s5 =	simm.s32 $_size__tile_overlayer_lowered;
	s6 =	simm.s32 $_tile_overlayer_lowered  }
0x13: {  	s23 =	simm.s32 $0x1BFF;
	s22 =	sshll.u32 s6, $0x1;
	s3 =	sadd.s32 s4, s20  }
0x14: {  	s7 =	simm.s32 $0x0;
	s21 =	sshll.u32 s5, $0x1;
	s5 =	sadd.s32 s22, s3  }
0x15: {  	[timem:s7], [sflag:s23] =	dma.local [hbm:s5], s21  }
0x16: {  	_ =	swait.ge [sflag:s23], s21  }
0x17: {  	s4 =	ssub.s32 $0x0, s21;
	[sflag:s23] =	ssyncset.done $0x0  }
0x18: {  	[sflag:s23] =	ssyncadd.s32 s4;
	_ =	sdelay $0x1  }
0x19: {  	s24 =	simm.s32 $0x1B8B  }
0x1a: {  	_ =	swait.ge [sflag:s24], $0x1  }
0x1b: {  	[sflag:s24] =	ssyncset.done $0x0  }
0x1c: {  	s26 =	simm.s32 $0x1B8E;
	s25 =	sld [smem:$0x3FFE];
	[sflag:s24] =	ssyncadd.s32 $0xFFFFFFFF  }
0x1d: {  	s27 =	simm.s32 $execute0_lowered;
	[smem:$0x3FD2] =	sst s26  }
0x1e: {  	s5 =	sshll.u32 s27, $0x1;
	_ =	strace $0x80000046;
	[dreg:$0x1] =	wrdreg $0xFFFFFFFF  }
0x1f: {  	s28 =	simm.s32 $_size_execute0_lowered;
	s3 =	sadd.s32 s3, s5;
	[dreg:$0x0] =	wrdreg $0x0  }
0x20: {  	s5 =	sshll.u32 s28, $0x1;
	[dreg:$0x2] =	wrdreg s3  }
0x21: {  	[dreg:$0x3] =	wrdreg s5  }
0x22: {  	[dreg:$0x4] =	wrdreg $0xC0  }
0x23: {  	_ =	task [dreg:s7], $0x5FFFF  }
0x24: {  	[dreg:$0x1] =	wrdreg $0xFFFFFFFF  }
0x25: {  	[dreg:$0x0] =	wrdreg $0x60  }
0x26: {  	[dreg:$0x2] =	wrdreg s2  }
0x27: {  	[dreg:$0x3] =	wrdreg s25  }
0x28: {  	[dreg:$0x4] =	wrdreg $0x9  }
0x29: {  	_ =	task.clear_ibuf [dreg:s7], $0x5FFFF;
	_ =	strace $0x90000046  }
0x2a: {  	s29 =	simm.s32 $0x9;
	_ =	strace $0x80000048  }
0x2b: {  	_ =	swait.ge [sflag:s29], $0x1  }
0x2c: {  	[sflag:s29] =	ssyncadd.s32 $0xFFFFFFFF  }
0x2d: {  	_ =	strace $0x90000048  }
0x2e: {  	_ =	sfence  }
0x2f: {  	s30 =	sld [smem:$0x0];
	_ =	sdelay $0x2  }
0x30: {  	s31 =	sshll.u32 s1, $0xD;
	s1 =	sshrl.u32 s1, $0x2  }
0x31: {  	s3 =	sand.u32 $0x4000, s31;
	s1 =	sadd.s32 s1, s30  }
0x32: {  	s0 =	sor.u32 s3, s0;
	s1 =	sshll.u32 s1, $0x11  }
0x33: {  	s0 =	sor.u32 s1, s0  }
0x34: {  	s0 =	sadd.s32 $0x8F2B, s0  }
0x35: {  	[sflag:s0] =	ssyncadd.remote.s32 $0x1  }
0x36: {  	_ =	sfence.sel $0xFFFF  }
0x37: {  	[dreg:$0x0] =	wrdreg $0xFFFFFFFF;
	(pc) =	sbr.abs _section_cstart, $3  }
0x38: {  	[dreg:$0x1] =	wrdreg $0xFFFFFFFF  }
0x39: {  	_ =	task.clear_ibuf [dreg:s7], $0x2FFFF;
	_ =	strace $0x9FFFFFFF  }
0x3a: {  	(tm) =	ssettm $0x7FFFFFFF  }
0x3b: {  	_ =	shalt  }
tec
execute0_lowered:
.L_overlay_start_1:
0x0: {  	(tag) =	ssettag $0x1  }
0x1: {  	s0 =	srdreg.scid;
	s2 =	rddreg [dreg:$0x0]  }
0x2: {  	s5 =	rddreg [dreg:$0x1];
	s1 =	stileid.u32  }
0x3: {  	s4 =	simm.s32 $0x1;
	s6 =	simm.s32 $0x2;
	s15 =	simm.s32 $0x0  }
0x4: {  	p0 =	por $0x0, $0x0;
	s8 =	simm.s32 $0x80;
	s0 =	sshll.u32 s0, $0x4  }
0x5: {  	s14 =	simm.s32 $0x0;
	s9 =	simm.s32 $0x0;
	s3 =	sand.u32 $0x10, s0  }
.Ltmp0:
0x6: {  	s10 =	simm.s32 $0x0;
	s3 =	sor.u32 s1, s3;
	(pc) =	sbr.rel .LBB1_1-.Ltmp0, $4  }
0x7: {  	s0 =	rddreg [dreg:$0x2];
	_ =	strace $0x80000047;
	s3 =	sshll.u32 s3, $0x7  }
0x8: {  	s12 =	simm.s32 $0x0;
	[sflag:s4] =	ssyncpa.u1 $0x0;
	s7 =	ssub.s32 $0xF4200, s3  }
0x9: {  	s13 =	simm.s32 $0x0;
	[sflag:s6] =	ssyncpa.u1 $0x0;
	s6 =	sshrl.u32 s7, $0xC  }
0xa: {  	s5 =	sadd.s32 $0xA00, s5;
	s11 =	smov.u32 s3;
	s7 =	sadd.s32 $0x2, s6  }
.LBB1_5:
0xb: {  	p1 =	slt.u32 s13, $0x2  }
0xc: {  	s17 =	smov.u32 s15;
	p2 =	sgt.s32 @!p1 s15, $0xF41C0;
	s16 =	sshra.s32 @!p1 s15, $0x1F  }
0xd: {  	p3 =	sgt.s32 @!p1 s14, $0x40;
	s18 =	sshra.s32 @!p1 s14, $0x1F;
	p2 =	por !p2, p1  }
0xe: {  	s15 =	sand.u32 @!p1 s16, s15;
	p3 =	por !p3, p1;
	s16 =	smov.u32 s14  }
0xf: {  	s14 =	sand.u32 @!p1 s18, s14;
	s17 =	simm.s32 @p2 $0xF41C0;
	s16 =	simm.s32 @p3 $0x40  }
0x10: {  	s15 =	ssub.s32 @!p1 s17, s15;
	s14 =	ssub.s32 @!p1 s16, s14  }
0x11: {  	s18 =	smov.u32 s12;
	s16 =	sadd.s32 @!p1 $0xFFF0BE40, s15;
	s17 =	sadd.s32 @!p1 $0xFFFFFFC0, s14  }
0x12: {  	s15 =	ssub.s32 @!p1 $0xF4240, s15;
	p2 =	sgt.s32 @!p1 s16, $0x7F;
	p3 =	sgt.s32 @!p1 s17, $0x3F  }
0x13: {  	s14 =	ssub.s32 @!p1 $0x80, s14;
	p2 =	por !p2, p1;
	p3 =	por !p3, p1  }
0x14: {  	s16 =	sadd.s32 $0x1000, s11;
	s15 =	simm.s32 @!p2 $0x0;
	s14 =	simm.s32 @!p3 $0x0  }
0x15: {  	p2 =	sgt.s32 s16, $0xF423F;
	s14 =	smul.u32 @!p1 s14, s15;
	s15 =	sadd.s32 $0x40, s12  }
0x16: {  	s18 =	smov.u32 @p2 s15  }
0x17: {  	s16 =	smov.u32 @p2 s3;
	p2 =	sgt.s32 s18, $0x3F  }
0x18: {  	s18 =	simm.s32 @p2 $0x0;
	p2 =	sne.s32 s13, s7  }
.Ltmp1:
0x19: {  	p0 =	por !p0, !p0;
	s17 =	simm.s32 @!p1 $0x2;
	(pc) =	sbr.rel @!p2 .LBB1_6-.Ltmp1, $4  }
0x1a: {  	s15 =	smov.u32 s9;
	s9 =	smov.u32 s11;
	s14 =	sand.u32 @!p1 $0x3FFFFFFF, s14  }
0x1b: {  	s11 =	smov.u32 s16;
	_ =	swait.ge @!p1 [sflag:s17], s14;
	s19 =	ssub.s32 @!p1 $0x0, s14  }
0x1c: {  	s14 =	smov.u32 s10;
	s13 =	sadd.s32 $0x1, s13;
	[sflag:s17] =	ssyncset.done @!p1 $0x0  }
0x1d: {  	s10 =	smov.u32 s12;
	s12 =	smov.u32 s18;
	[sflag:s17] =	ssyncadd.s32 @!p1 s19  }
.LBB1_1:
0x1e: {  	p1 =	sgt.u32 s13, s6  }
0x1f: {  	s16 =	sshrl.u32 @!p1 s12, $0x3  }
0x20: {  	s17 =	sshll.u32 @!p1 s11, $0x3;
	s16 =	smul.u32 @!p1 $0x7A1400, s16  }
0x21: {  	s18 =	sshll.u32 @!p1 s12, $0x7;
	s17 =	sand.u32 @!p1 $0xFFFFFC00, s17  }
0x22: {  	s16 =	sadd.s32 @!p1 s16, s17;
	s17 =	sand.u32 @!p1 $0x380, s18  }
0x23: {  	s18 =	sand.u32 @!p1 $0x7F, s11;
	s16 =	sor.u32 @!p1 s17, s16  }
0x24: {  	s17 =	sor.u32 @!p1 s18, s16  }
0x25: {  	s18 =	smulhi.u32 @!p1 $0x218D6287, s17;
	_ =	sdelay $0x1  }
0x26: {  	s16 =	smulhi.u32 @!p1 $0x218D6287, s16;
	s18 =	sshrl.u32 @!p1 s18, $0x11  }
0x27: {  	s18 =	smul.u32 @!p1 $0xF4280, s18  }
0x28: {  	s19 =	sxor.u32 @!p1 $0xFFFFFFFF, s13;
	s16 =	sshrl.u32 @!p1 s16, $0x11  }
0x29: {  	s19 =	sshll.u32 @!p1 s19, $0xD;
	s16 =	sand.u32 @!p1 $0x3F, s16;
	s17 =	ssub.s32 @!p1 s17, s18  }
0x2a: {  	s16 =	smul.u32 @!p1 $0x1E850, s16;
	s18 =	sshrl.u32 @!p1 s17, $0x3;
	s17 =	sand.u32 @!p1 $0x7, s17  }
0x2b: {  	s19 =	sand.u32 @!p1 $0x2000, s19;
	s18 =	sadd.s32 @!p1 s2, s18;
	s17 =	sshll.u32 @!p1 s17, $0x12  }
0x2c: {  	s16 =	sadd.s32 @!p1 s16, s18;
	s17 =	sor.u32 @!p1 $0x400, s17;
	s18 =	simm.s32 @!p1 $0x7A1400  }
0x2d: {  	[tilespmem:s19], [sflag:$0x1] =	stream.strided.gather @!p1 [hbm4b:s16+s17], $0x2000, s18, s17, $0x38;
	[tilespmem:$0x8100] =	vst v63  }
0x2e: {  	p1 =	seq.s32 s13, $0x0  }
0x2f: {  	p2 =	sge.u32 @!p1 s13, s7  }
0x30: {  	p1 =	por p1, p2  }
.Ltmp2:
0x31: {  	_ = 	snop;
	(pc) =	sbr.rel @p1 .LBB1_5-.Ltmp2, $1  }
0x32: {  	_ =	sdelay $0x3  }
0x33: {  	s16 =	simm.s32 $0x1  }
0x34: {  	_ =	swait.ge [sflag:s4], $0x2000;
	s16 =	simm.s32 @!p0 $0x0  }
0x35: {  	[sflag:s4] =	ssyncset.done $0x0;
	s17 =	sshll.u32 s16, $0xD  }
0x36: {  	[sflag:s4] =	ssyncadd.s32 $0xFFFFE000;
	s17 =	sor.u32 $0x40, s17  }
0x37: {  	s16 =	smul.u32 $0x8200, s16;
	v0 =	vld [tilespmem:s17+$0x30]  }
0x38: {  	v1 =	vld [tilespmem:s17+$0xFFFFFFD0]  }
0x39: {  	s16 =	sshrl.u32 s16, $0x2;
	v5 =	vld [tilespmem:s17+$0xFFFFFFE0]  }
0x3a: {  	v6 =	vld [tilespmem:s17+$0xFFFFFFF0];
	s19 =	sor.u32 $0x4000, s16  }
0x3b: {  	s31 =	sand.u32 $0x1, s13;
	v4 =	vld [tilespmem:s17+$0x0];
	s18 =	sadd.s32 $0x0, s19  }
0x3c: {  	v3 =	vld [tilespmem:s17+$0x10];
	s16 =	smul.u32 $0x8200, s31;
	[tilespmem:s18+$0x1C70 ss:$0x41] =	vst.msk $0xffff, v0  }
0x3d: {  	v2 =	vld [tilespmem:s17+$0x20];
	[tilespmem:s18+$0x410 ss:$0x41] =	vst.msk $0xffff, v1  }
0x3e: {  	s16 =	sshrl.u32 s16, $0x2;
	v1 =	vld [tilespmem:s17+$0xFFFFFFC0];
	[tilespmem:s18+$0x820 ss:$0x41] =	vst.msk $0xffff, v5;
	s17 =	sadd.s32 $0x80, s17  }
0x3f: {  	s20 =	simm.s32 $0x4;
	s21 =	simm.s32 $0x8;
	s16 =	sor.u32 $0x4000, s16;
	[tilespmem:s18+$0xC30 ss:$0x41] =	vst.msk $0xffff, v6;
	v0 =	vld [tilespmem:s17+$0x30]  }
.LBB1_3:
0x40: {  	p1 =	sne.s32 s21, $0xFC;
	v5 =	vld [tilespmem:s17+$0xFFFFFFD0];
	[tilespmem:s18+$0x1040 ss:$0x41] =	vst.msk $0xffff, v4  }
0x41: {  	v6 =	vld [tilespmem:s17+$0xFFFFFFE0];
	[tilespmem:s18+$0x1450 ss:$0x41] =	vst.msk $0xffff, v3  }
0x42: {  	s22 =	sshra.s32 s20, $0x2;
	s20 =	smov.u32 s21;
	v7 =	vld [tilespmem:s17+$0xFFFFFFF0];
	[tilespmem:s18+$0x1860 ss:$0x41] =	vst.msk $0xffff, v2  }
.Ltmp3:
0x43: {  	v4 =	vld [tilespmem:s17+$0x0];
	[tilespmem:s18+$0x0 ss:$0x41] =	vst.msk $0xffff, v1;
	s18 =	sadd.s32 s22, s19;
	(pc) =	sbr.rel @p1 .LBB1_3-.Ltmp3, $4  }
0x44: {  	v3 =	vld [tilespmem:s17+$0x10];
	[tilespmem:s18+$0x1C70 ss:$0x41] =	vst.msk $0xffff, v0  }
0x45: {  	[tilespmem:s18+$0x410 ss:$0x41] =	vst.msk $0xffff, v5;
	v2 =	vld [tilespmem:s17+$0x20]  }
0x46: {  	v1 =	vld [tilespmem:s17+$0xFFFFFFC0];
	[tilespmem:s18+$0x820 ss:$0x41] =	vst.msk $0xffff, v6;
	s17 =	sadd.s32 $0x80, s17  }
0x47: {  	s21 =	sadd.s32 $0x4, s21;
	v0 =	vld [tilespmem:s17+$0x30];
	[tilespmem:s18+$0xC30 ss:$0x41] =	vst.msk $0xffff, v7  }
0x48: {  	s21 =	sshll.u32 s9, $0x7;
	s22 =	sshll.u32 s10, $0x3;
	s20 =	sshra.s32 s20, $0x2  }
0x49: {  	p1 =	sgt.s32 s9, $0xF41C0;
	s30 =	sshra.s32 s9, $0x1F;
	s25 =	sshra.s32 s10, $0x1F  }
0x4a: {  	v5 =	vld [tilespmem:s17+$0xFFFFFFD0];
	s28 =	sshrl.u32 s10, $0x3;
	s23 =	sand.u32 $0xFFFFFC00, s21;
	s22 =	sand.u32 $0xFFFFFC00, s22  }
0x4b: {  	[tilespmem:s18+$0x1040 ss:$0x41] =	vst.msk $0xffff, v4;
	v58 =	vld [tilespmem:s17+$0xFFFFFFE0];
	s21 =	sand.u32 $0x380, s21;
	s19 =	sadd.s32 s20, s19;
	s22 =	sadd.s32 s22, s23  }
0x4c: {  	v59 =	vld [tilespmem:s17+$0xFFFFFFF0];
	[tilespmem:s18+$0x1450 ss:$0x41] =	vst.msk $0xffff, v3;
	s29 =	sor.u32 s21, s22;
	s21 =	smov.u32 s9;
	s22 =	sand.u32 s30, s9  }
0x4d: {  	v60 =	vld [tilespmem:s17+$0x0];
	[tilespmem:s18+$0x1860 ss:$0x41] =	vst.msk $0xffff, v2;
	s30 =	sand.u32 $0x7, s10;
	s20 =	sshrl.u32 s29, $0x7;
	s21 =	simm.s32 @!p1 $0xF41C0  }
0x4e: {  	v61 =	vld [tilespmem:s17+$0x10];
	[tilespmem:s18+$0x0 ss:$0x41] =	vst.msk $0xffff, v1;
	p1 =	sgt.s32 s10, $0x40;
	s24 =	ssub.s32 s21, s22;
	s21 =	smov.u32 s10  }
0x4f: {  	v62 =	vld [tilespmem:s17+$0x20];
	[tilespmem:s19+$0x1C70 ss:$0x41] =	vst.msk $0xffff, v0;
	s31 =	smulhi.u32 $0x218DEF5, s20;
	s22 =	sand.u32 s25, s10;
	s21 =	simm.s32 @!p1 $0x40  }
0x50: {  	v63 =	vld [tilespmem:s17+$0xFFFFFFC0];
	[tilespmem:s19+$0x410 ss:$0x41] =	vst.msk $0xffff, v5;
	s26 =	sadd.s32 $0xFFF0BE40, s24;
	s17 =	ssub.s32 $0xF4240, s24;
	s21 =	ssub.s32 s21, s22  }
0x51: {  	[tilespmem:s19+$0x820 ss:$0x41] =	vst.msk $0xffff, v58;
	s23 =	sshrl.u32 s31, $0xD;
	p1 =	sgt.s32 s26, $0x7F;
	s27 =	sadd.s32 $0xFFFFFFC0, s21  }
0x52: {  	[tilespmem:s19+$0xC30 ss:$0x41] =	vst.msk $0xffff, v59;
	s23 =	smul.u32 $0xF4240, s23;
	s18 =	ssub.s32 $0x80, s21;
	p2 =	sgt.s32 s27, $0x3F  }
.Ltmp4:
0x53: {  	[tilespmem:s19+$0x1040 ss:$0x41] =	vst.msk $0xffff, v60;
	s17 =	simm.s32 @p1 $0x0;
	s18 =	simm.s32 @p2 $0x0;
	(pc) =	sbr.rel .LBB1_5-.Ltmp4, $4  }
0x54: {  	s29 =	sand.u32 $0xF, s28;
	[tilespmem:s19+$0x1450 ss:$0x41] =	vst.msk $0xffff, v61;
	s20 =	ssub.s32 s20, s23;
	s17 =	smul.u32 s18, s17  }
0x55: {  	[tilespmem:s19+$0x1860 ss:$0x41] =	vst.msk $0xffff, v62;
	s21 =	sshll.u32 s30, $0x12;
	s20 =	sshll.u32 s20, $0x4;
	s18 =	sadd.s32 s5, s29  }
0x56: {  	[tilespmem:s19+$0x0 ss:$0x41] =	vst.msk $0xffff, v63;
	s31 =	sor.u32 $0x40, s21;
	s18 =	sadd.s32 s20, s18;
	s17 =	sand.u32 $0x3FFFFFFF, s17  }
0x57: {  	[hbm4b:s18+s31] =	stream.strided.scatter [tilespmem:s16], [sflag:$0x2], s17, s8, s31, $0x18;
	[tilespmem:$0x8100] =	vst v63  }
.LBB1_6:
0x58: {  	_ =	sfence.sel $0x180000  }
0x59: {  	s2 =	simm.s32 $0x1;
	[bflag:$0x0] =	sbarrier.arrive $0xFFFF  }
0x5a: {  	s31 =	simm.s32 $0x2;
	[sflag:s2] =	ssyncpa.u1 $0x1  }
0x5b: {  	[sflag:s31] =	ssyncpa.u1 $0x1  }
0x5c: {  	p0 =	sne.s32 s1, $0x0;
	_ =	strace $0x90000047  }
0x5d: {  	s0 =	sadd.s32 @!p0 $0x100000, s0;
	[bflag:$0x2] =	sbarrier.arrive $0xFFFF  }
0x5e: {  	[sflag:s0] =	ssyncadd.tile.s32 @!p0 $0x1;
	_ =	shalt  }
.Lfunc_end1:
_tile_overlayer_lowered:
.L_overlay_start_2:
0x5f: {  	(tag) =	ssettag $0x2  }
0x60: {  	s0 =	rddreg [dreg:$0x0];
	s2 =	stileid.u32  }
0x61: {  	s1 =	rddreg [dreg:$0x1];
	p0 =	sne.s32 s2, $0x0  }
0x62: {  	s3 =	rddreg [dreg:$0x2];
	[bflag:$0x3] =	sbarrier.arrive $0xFFFF;
	s2 =	simm.s32 @!p0 $0x1C01  }
0x63: {  	[timem:s3], [sflag:s2] =	dma.local @!p0 [hbm:s0], s1  }
0x64: {  	s0 =	simm.s32 @!p0 $0x1  }
0x65: {  	_ =	swait.ge @!p0 [sflag:s0], s1  }
0x66: {  	s1 =	ssub.s32 @!p0 $0x0, s1;
	[sflag:s0] =	ssyncset.done @!p0 $0x0  }
0x67: {  	[sflag:s0] =	ssyncadd.s32 @!p0 s1  }
0x68: {  	[bflag:$0x3] =	sbarrier.arrive $0xFFFF  }
0x69: {  	_ =	shalt  }

</sc_bundles>
